<compile_context>
chip_gen: v7x
topology: tpu7x:2x2x1
jax: 0.10.2.dev20260603
libtpu: 0.0.44.dev20260713+nightly
codegen_flags: <defaults>
</compile_context>

<pallas_src>
import jax
import jax.numpy as jnp
from jax import lax
from jax.experimental import pallas as pl
from jax.experimental.pallas import tpu as pltpu
from jax.experimental.pallas import tpu_sc as plsc

N_NODES = 10000
D = 256
HD = 128
E = 160000

NC, NS, L = 2, 16, 16
NW = NC * NS
HALF = N_NODES // NC
E_TILE = 10240
E_PAD = NS * E_TILE
E_W = E_PAD // NW
ROWS_T = 320
R_PAD = ROWS_T * NS
DUMMY = HALF
XPAD = 10240
HB = 10240
HCOL = HB // NS

CH_H = 128
NCH_H = E_TILE // CH_H
BAT_H = 8

CH_S = 64
NCH_S = E_TILE // CH_S
BAT_S = 16

_MESH = plsc.VectorSubcoreMesh(
    core_axis_name="c", subcore_axis_name="s", num_cores=NC, num_subcores=NS)


def _hist_body(dst_hbm, hbuf, raw_d, dd0, dd1, ones_v, z_v, sems0, sems1,
               hist_sh):
    c = lax.axis_index("c")
    s = lax.axis_index("s")
    base = c * HALF
    zvec = jnp.zeros((L,), jnp.float32)
    def zloop(i, carry):
        z_v[i, :] = zvec
        return carry
    lax.fori_loop(0, ROWS_T, zloop, 0)
    pltpu.sync_copy(z_v, hist_sh.at[pl.ds(s * ROWS_T, ROWS_T)])
    onerow = jnp.where(lax.iota(jnp.int32, L) == 0, 1.0, 0.0)
    def oloop(i, carry):
        ones_v[i, :] = onerow
        return carry
    lax.fori_loop(0, CH_H, oloop, 0)
    plsc.subcore_barrier()

    def batch_body(b, carry):
        pltpu.sync_copy(dst_hbm.at[s, pl.ds(b * BAT_H, BAT_H)], raw_d)
        for u in range(BAT_H):
            for v in range(CH_H // L):
                sl = pl.ds(v * L, L)
                loc = raw_d[u, sl] - base
                ok = (loc >= 0) & (loc < HALF)
                dd0[sl] = jnp.where(ok, loc, DUMMY)
            pltpu.sync_copy(ones_v, hist_sh.at[dd0], add=True)
        return carry
    lax.fori_loop(0, NCH_H // BAT_H, batch_body, 0)
    plsc.subcore_barrier()
    pltpu.sync_copy(hist_sh.at[pl.ds(s * ROWS_T, ROWS_T)],
                    hbuf.at[c, pl.ds(s * ROWS_T, ROWS_T)])


_hist_call = pl.kernel(
    _hist_body,
    out_type=jax.ShapeDtypeStruct((NC, R_PAD, L), jnp.float32),
    mesh=_MESH,
    scratch_types=[
        pltpu.VMEM((BAT_H, CH_H), jnp.int32),
        pltpu.VMEM((CH_H,), jnp.int32),
        pltpu.VMEM((CH_H,), jnp.int32),
        pltpu.VMEM((CH_H, L), jnp.float32),
        pltpu.VMEM((ROWS_T, L), jnp.float32),
        pltpu.SemaphoreType.DMA,
        pltpu.SemaphoreType.DMA,
        pltpu.VMEM_SHARED((R_PAD, L), jnp.float32),
    ],
)


def _scat_body(y2_hbm, src_hbm, dst_hbm, out2_hbm,
               raw_s, raw_d,
               si0, di0, si1, di1, rh0, rh1,
               semg0, semg1, sems0, sems1,
               acc2_sh):
    c = lax.axis_index("c")
    s = lax.axis_index("s")
    base = c * HALF
    pltpu.sync_copy(y2_hbm.at[pl.ds((base + s * ROWS_T) * 2, ROWS_T * 2)],
                    acc2_sh.at[pl.ds(s * ROWS_T * 2, ROWS_T * 2)])
    plsc.subcore_barrier()

    sets = ((si0, di0, rh0, semg0, sems0), (si1, di1, rh1, semg1, sems1))

    def build(u, S):
        si, di = S[0], S[1]
        for v in range(CH_S // L):
            lo = pl.ds(v * L, L)
            hi = pl.ds(CH_S + v * L, L)
            s2 = raw_s[u, lo] * 2
            si[lo] = s2
            si[hi] = s2 + 1
            loc = raw_d[u, lo] - base
            ok = (loc >= 0) & (loc < HALF)
            l2 = jnp.where(ok, loc, DUMMY) * 2
            di[lo] = l2
            di[hi] = l2 + 1

    def batch_body(b, carry):
        pltpu.sync_copy(src_hbm.at[s, pl.ds(b * BAT_S, BAT_S)], raw_s)
        pltpu.sync_copy(dst_hbm.at[s, pl.ds(b * BAT_S, BAT_S)], raw_d)
        gprev = None
        for u in range(BAT_S):
            S = sets[u % 2]
            T = sets[1 - u % 2]
            build(u, S)
            g = pltpu.async_copy(y2_hbm.at[S[0]], S[2], S[3])
            if gprev is not None:
                gprev.wait()
                pltpu.sync_copy(T[2], acc2_sh.at[T[1]], add=True)
            gprev = g
        gprev.wait()
        last = sets[(BAT_S - 1) % 2]
        pltpu.sync_copy(last[2], acc2_sh.at[last[1]], add=True)
        return carry
    lax.fori_loop(0, NCH_S // BAT_S, batch_body, 0)
    plsc.subcore_barrier()
    pltpu.sync_copy(acc2_sh.at[pl.ds(s * ROWS_T * 2, ROWS_T * 2)],
                    out2_hbm.at[c, pl.ds(s * ROWS_T * 2, ROWS_T * 2)])


_scat_call = pl.kernel(
    _scat_body,
    out_type=jax.ShapeDtypeStruct((NC, R_PAD * 2, HD), jnp.float32),
    mesh=_MESH,
    scratch_types=[
        pltpu.VMEM((BAT_S, CH_S), jnp.int32),
        pltpu.VMEM((BAT_S, CH_S), jnp.int32),
        pltpu.VMEM((2 * CH_S,), jnp.int32),
        pltpu.VMEM((2 * CH_S,), jnp.int32),
        pltpu.VMEM((2 * CH_S,), jnp.int32),
        pltpu.VMEM((2 * CH_S,), jnp.int32),
        pltpu.VMEM((2 * CH_S, HD), jnp.float32),
        pltpu.VMEM((2 * CH_S, HD), jnp.float32),
        pltpu.SemaphoreType.DMA,
        pltpu.SemaphoreType.DMA,
        pltpu.SemaphoreType.DMA,
        pltpu.SemaphoreType.DMA,
        pltpu.VMEM_SHARED((R_PAD * 2, HD), jnp.float32),
    ],
)


def _ac_body(x_ref, w_ref, h_ref, y_ref, dis_ref):
    xw = jnp.dot(x_ref[...], w_ref[...], preferred_element_type=jnp.float32)
    dis = lax.rsqrt(1.0 + h_ref[...])
    y_ref[...] = xw * dis
    dis_ref[...] = dis


_ac_call = pl.pallas_call(
    _ac_body,
    grid=(XPAD // 1024,),
    in_specs=[
        pl.BlockSpec((1024, D), lambda i: (i, 0)),
        pl.BlockSpec((D, D), lambda i: (0, 0)),
        pl.BlockSpec((1024, 1), lambda i: (i, 0)),
    ],
    out_specs=[
        pl.BlockSpec((1024, D), lambda i: (i, 0)),
        pl.BlockSpec((1024, 1), lambda i: (i, 0)),
    ],
    out_shape=[
        jax.ShapeDtypeStruct((XPAD, D), jnp.float32),
        jax.ShapeDtypeStruct((XPAD, 1), jnp.float32),
    ],
)


def _fin_body(a_ref, dis_ref, b_ref, o_ref):
    o_ref[...] = jnp.maximum(a_ref[...] * dis_ref[...] + b_ref[...], 0.0)


_fin_call = pl.pallas_call(
    _fin_body,
    grid=(N_NODES // 1000,),
    in_specs=[
        pl.BlockSpec((1000, D), lambda i: (i, 0)),
        pl.BlockSpec((1000, 1), lambda i: (i, 0)),
        pl.BlockSpec((1, D), lambda i: (0, 0)),
    ],
    out_specs=pl.BlockSpec((1000, D), lambda i: (i, 0)),
    out_shape=jax.ShapeDtypeStruct((N_NODES, D), jnp.float32),
)


def kernel(x, edge_index, W, b):
    src = edge_index[0].astype(jnp.int32)
    dst = edge_index[1].astype(jnp.int32)
    npad = E_PAD - E
    src_flat = jnp.concatenate([src, jnp.zeros((npad,), jnp.int32)])
    dst_flat = jnp.concatenate([dst, jnp.full((npad,), N_NODES, jnp.int32)])
    src_s = src_flat.reshape(NS, NCH_S, CH_S)
    dst_s = dst_flat.reshape(NS, NCH_S, CH_S)
    dst_h = dst_flat.reshape(NS, NCH_H, CH_H)
    x_p = jnp.pad(x, ((0, XPAD - N_NODES), (0, 0)))

    hbuf = _hist_call(dst_h)
    hcol = jnp.concatenate(
        [hbuf[0, :HALF, 0], hbuf[1, :HALF, 0],
         jnp.zeros((XPAD - N_NODES,), jnp.float32)]).reshape(XPAD, 1)
    y, dis = _ac_call(x_p, W, hcol)
    y2 = y.reshape(XPAD * 2, HD)
    out2 = _scat_call(y2, src_s, dst_s)
    accbuf = out2.reshape(NC, R_PAD, D)
    acc = jnp.concatenate([accbuf[0, :HALF], accbuf[1, :HALF]], axis=0)
    return _fin_call(acc, dis[:N_NODES], b.reshape(1, D))

# --- scband reference (transcript-rebuilt; emitter-appended) ---
"""Pipeline reference for scband-gcnlayer-74414603370580 (READ-ONLY COPY).

The authoritative reference and input builder live on the scoring server;
editing this copy changes nothing except your own understanding.
"""

import jax, jax.numpy as jnp
import numpy as np

N_NODES = 10000
N_EDGES = 160000
D_IN = 256
D_OUT = 256

def setup_inputs(seed: int = 0) -> dict:
    key = jax.random.key(seed)
    k1, k2, k3, k4 = jax.random.split(key, 4)
    x = jax.random.normal(k1, (N_NODES, D_IN), dtype=jnp.float32)
    edge_index = jax.random.randint(k2, (2, N_EDGES), 0, N_NODES, dtype=jnp.int64)
    # GCNConv linear weight (glorot) and zero bias, per PyG defaults
    limit = np.sqrt(6.0 / (D_IN + D_OUT))
    W = jax.random.uniform(k3, (D_IN, D_OUT), minval=-limit, maxval=limit, dtype=jnp.float32)
    b = jnp.zeros((D_OUT,), dtype=jnp.float32)
    return {"x": x, "edge_index": edge_index, "W": W, "b": b}

def reference(x, edge_index, W, b):
    N = x.shape[0]
    src = edge_index[0]
    dst = edge_index[1]
    # add self-loops (PyG GCNConv default add_self_loops=True)
    loop = jnp.arange(N, dtype=src.dtype)
    src = jnp.concatenate([src, loop], axis=0)
    dst = jnp.concatenate([dst, loop], axis=0)
    # linear transform first (standard GCNConv order)
    xw = x @ W
    # symmetric degree normalization: D^{-1/2} A_hat D^{-1/2}
    ones = jnp.ones(src.shape[0], dtype=xw.dtype)
    deg = jnp.zeros((N,), dtype=xw.dtype).at[dst].add(ones)
    deg_inv_sqrt = jnp.where(deg > 0, 1.0 / jnp.sqrt(deg), 0.0)
    norm = deg_inv_sqrt[src] * deg_inv_sqrt[dst]
    # gather-message-scatter
    msg = xw[src] * norm[:, None]
    out = jax.ops.segment_sum(msg, dst, num_segments=N)
    out = out + b
    return jax.nn.relu(out)

if __name__ == "__main__":
    import jax
    _d = setup_inputs()
    print(jax.jit(kernel)(*tuple(_d.values())))

</pallas_src>

<mosaic_0001>
#map = affine_map<(d0, d1) -> (0, 0, 0)>
module attributes {stable_mosaic.version = 14 : i64} {
  func.func @_hist_body(%arg0: i32, %arg1: i32, %arg2: memref<16x80x128xi32, #tpu.memory_space<hbm>>, %arg3: memref<2x5120x16xf32, #tpu.memory_space<hbm>>, %arg4: memref<8x128xi32, #tpu.memory_space<vmem>>, %arg5: memref<128xi32, #tpu.memory_space<vmem>>, %arg6: memref<128xi32, #tpu.memory_space<vmem>>, %arg7: memref<128x16xf32, #tpu.memory_space<vmem>>, %arg8: memref<320x16xf32, #tpu.memory_space<vmem>>, %arg9: memref<!tpu.dma_semaphore, #tpu.memory_space<semaphore_mem>>, %arg10: memref<!tpu.dma_semaphore, #tpu.memory_space<semaphore_mem>>, %arg11: memref<5120x16xf32, #tpu.memory_space<vmem_shared>>) attributes {dimension_semantics = [#tpu.dimension_semantics<core_parallel>, #tpu.dimension_semantics<subcore_parallel>], iteration_bounds = array<i64: 2, 16>, scalar_prefetch = 0 : i64, scratch_operands = 8 : i64, tpu.core_type = #tpu.core_type<sc_vector_subcore>, window_params = [{transform_indices = #map}, {transform_indices = #map}]} {
    %mul3A = arith.constant 5000 : i32
    %mul3A_0 = arith.muli %arg0, %mul3A : i32
    %broadcast_in_dim3A = arith.constant 0.000000e+00 : f32
    %broadcast_in_dim3A_1 = vector.broadcast %broadcast_in_dim3A : f32 to vector<16xf32>
    %scan3A = arith.constant 0 : i32
    %scan3A_2 = arith.constant 0 : i32
    %scan3A_3 = arith.constant 320 : i32
    %scan3A_4 = arith.addi %scan3A_2, %scan3A_3 : i32
    %scan3A_5 = arith.constant 1 : i32
    scf.for %scan3A_31 = %scan3A_2 to %scan3A_4 step %scan3A_5  : i32 {
      %swap3A = arith.index_cast %scan3A_31 : i32 to index
      %swap3A_32 = arith.constant 0 : index
      %swap3A_33 = tpu.vector_load %arg8[%swap3A, %swap3A_32] {strides = array<i32>} : memref<320x16xf32, #tpu.memory_space<vmem>>, vector<1x16xf32>,
      %swap3A_34 = vector.shape_cast %swap3A_33 : vector<1x16xf32> to vector<16xf32>
      %swap3A_35 = vector.shape_cast %broadcast_in_dim3A_1 : vector<16xf32> to vector<1x16xf32>
      tpu.vector_store %arg8[%swap3A, %swap3A_32], %swap3A_35 {strides = array<i32>} : memref<320x16xf32, #tpu.memory_space<vmem>>, vector<1x16xf32>,
    }
    %scan3A_6 = arith.constant 320 : i32
    %mul3A_7 = arith.constant 320 : i32
    %mul3A_8 = arith.muli %arg1, %mul3A_7 : i32
    "tpu.region"() ({
      %run_scoped3A = tpu.sem_alloc : memref<!tpu.dma_semaphore, #tpu.memory_space<semaphore_mem>>
      %dma_start3A = arith.constant 0 : i32
      %dma_start3A_31 = tpu.memref_slice %arg11[%mul3A_8, %dma_start3A] : memref<5120x16xf32, #tpu.memory_space<vmem_shared>> -> memref<320x16xf32, #tpu.memory_space<vmem_shared>>
      %dma_start3A_32 = arith.constant 0 : i32
      %dma_start3A_33 = tpu.memref_slice %arg11[%mul3A_8, %dma_start3A_32] : memref<5120x16xf32, #tpu.memory_space<vmem_shared>> -> memref<320x16xf32, #tpu.memory_space<vmem_shared>>
      tpu.enqueue_dma source(%arg8 : memref<320x16xf32, #tpu.memory_space<vmem>>) target(%dma_start3A_33 : memref<320x16xf32, #tpu.memory_space<vmem_shared>>) target_semaphore(%run_scoped3A : memref<!tpu.dma_semaphore, #tpu.memory_space<semaphore_mem>>)
      %dma_wait3A = arith.constant 0 : i32
      %dma_wait3A_34 = tpu.memref_slice %arg11[%mul3A_8, %dma_wait3A] : memref<5120x16xf32, #tpu.memory_space<vmem_shared>> -> memref<320x16xf32, #tpu.memory_space<vmem_shared>>
      %dma_wait3A_35 = arith.constant 0 : i32
      %dma_wait3A_36 = tpu.memref_slice %arg11[%mul3A_8, %dma_wait3A_35] : memref<5120x16xf32, #tpu.memory_space<vmem_shared>> -> memref<320x16xf32, #tpu.memory_space<vmem_shared>>
      tpu.wait_dma2 semaphore(%run_scoped3A : memref<!tpu.dma_semaphore, #tpu.memory_space<semaphore_mem>>) src(%arg8 : memref<320x16xf32, #tpu.memory_space<vmem>>) dst(%dma_wait3A_36 : memref<320x16xf32, #tpu.memory_space<vmem_shared>>)
      tpu.yield
    }) : () -> ()
    %iota3A = tpu.iota {dimensions = array<i32: 0>} : vector<16xi32>
    %eq3A = arith.constant 0 : i32
    %eq3A_9 = vector.broadcast %eq3A : i32 to vector<16xi32>
    %eq3A_10 = arith.cmpi eq, %iota3A, %eq3A_9 : vector<16xi32>
    %jit3A = arith.constant 1.000000e+00 : f32
    %jit3A_11 = arith.constant 0.000000e+00 : f32
    %broadcast_in_dim3A_12 = vector.broadcast %jit3A : f32 to vector<16xf32>
    %broadcast_in_dim3A_13 = vector.broadcast %jit3A_11 : f32 to vector<16xf32>
    %select_n3A = arith.select %eq3A_10, %broadcast_in_dim3A_12, %broadcast_in_dim3A_13 : vector<16xi1>, vector<16xf32>
    %scan3A_14 = arith.constant 0 : i32
    %scan3A_15 = arith.constant 0 : i32
    %scan3A_16 = arith.constant 128 : i32
    %scan3A_17 = arith.addi %scan3A_15, %scan3A_16 : i32
    %scan3A_18 = arith.constant 1 : i32
    scf.for %scan3A_31 = %scan3A_15 to %scan3A_17 step %scan3A_18  : i32 {
      %swap3A = arith.index_cast %scan3A_31 : i32 to index
      %swap3A_32 = arith.constant 0 : index
      %swap3A_33 = tpu.vector_load %arg7[%swap3A, %swap3A_32] {strides = array<i32>} : memref<128x16xf32, #tpu.memory_space<vmem>>, vector<1x16xf32>,
      %swap3A_34 = vector.shape_cast %swap3A_33 : vector<1x16xf32> to vector<16xf32>
      %swap3A_35 = vector.shape_cast %select_n3A : vector<16xf32> to vector<1x16xf32>
      tpu.vector_store %arg7[%swap3A, %swap3A_32], %swap3A_35 {strides = array<i32>} : memref<128x16xf32, #tpu.memory_space<vmem>>, vector<1x16xf32>,
    }
    %scan3A_19 = arith.constant 128 : i32
    %barrier3A = arith.constant 0 : index
    tpu.barrier barrier_id(%barrier3A)
    %scan3A_20 = arith.constant 0 : i32
    %scan3A_21 = arith.constant 0 : i32
    %scan3A_22 = arith.constant 10 : i32
    %scan3A_23 = arith.addi %scan3A_21, %scan3A_22 : i32
    %scan3A_24 = arith.constant 1 : i32
    scf.for %scan3A_31 = %scan3A_21 to %scan3A_23 step %scan3A_24  : i32 {
      %mul3A_32 = arith.constant 8 : i32
      %mul3A_33 = arith.muli %scan3A_31, %mul3A_32 : i32
      "tpu.region"() ({
        %run_scoped3A = tpu.sem_alloc : memref<!tpu.dma_semaphore, #tpu.memory_space<semaphore_mem>>
        %dma_start3A = arith.constant 0 : i32
        %dma_start3A_1372 = tpu.memref_slice %arg2[%arg1, %mul3A_33, %dma_start3A] : memref<16x80x128xi32, #tpu.memory_space<hbm>> -> memref<1x8x128xi32, #tpu.memory_space<hbm>>
        %dma_start3A_1373 = tpu.memref_squeeze %dma_start3A_1372 : memref<1x8x128xi32, #tpu.memory_space<hbm>> -> memref<8x128xi32, #tpu.memory_space<hbm>>
        %dma_start3A_1374 = arith.constant 0 : i32
        %dma_start3A_1375 = tpu.memref_slice %arg2[%arg1, %mul3A_33, %dma_start3A_1374] : memref<16x80x128xi32, #tpu.memory_space<hbm>> -> memref<1x8x128xi32, #tpu.memory_space<hbm>>
        %dma_start3A_1376 = tpu.memref_squeeze %dma_start3A_1375 : memref<1x8x128xi32, #tpu.memory_space<hbm>> -> memref<8x128xi32, #tpu.memory_space<hbm>>
        tpu.enqueue_dma source(%dma_start3A_1376 : memref<8x128xi32, #tpu.memory_space<hbm>>) target(%arg4 : memref<8x128xi32, #tpu.memory_space<vmem>>) target_semaphore(%run_scoped3A : memref<!tpu.dma_semaphore, #tpu.memory_space<semaphore_mem>>)
        %dma_wait3A = arith.constant 0 : i32
        %dma_wait3A_1377 = tpu.memref_slice %arg2[%arg1, %mul3A_33, %dma_wait3A] : memref<16x80x128xi32, #tpu.memory_space<hbm>> -> memref<1x8x128xi32, #tpu.memory_space<hbm>>
        %dma_wait3A_1378 = tpu.memref_squeeze %dma_wait3A_1377 : memref<1x8x128xi32, #tpu.memory_space<hbm>> -> memref<8x128xi32, #tpu.memory_space<hbm>>
        %dma_wait3A_1379 = arith.constant 0 : i32
        %dma_wait3A_1380 = tpu.memref_slice %arg2[%arg1, %mul3A_33, %dma_wait3A_1379] : memref<16x80x128xi32, #tpu.memory_space<hbm>> -> memref<1x8x128xi32, #tpu.memory_space<hbm>>
        %dma_wait3A_1381 = tpu.memref_squeeze %dma_wait3A_1380 : memref<1x8x128xi32, #tpu.memory_space<hbm>> -> memref<8x128xi32, #tpu.memory_space<hbm>>
        tpu.wait_dma2 semaphore(%run_scoped3A : memref<!tpu.dma_semaphore, #tpu.memory_space<semaphore_mem>>) src(%dma_wait3A_1381 : memref<8x128xi32, #tpu.memory_space<hbm>>) dst(%arg4 : memref<8x128xi32, #tpu.memory_space<vmem>>)
        tpu.yield
      }) : () -> ()
      %get3A = arith.constant 0 : i32
      %get3A_34 = arith.index_cast %get3A : i32 to index
      %get3A_35 = arith.constant 0 : index
      %get3A_36 = tpu.vector_load %arg4[%get3A_34, %get3A_35] {strides = array<i32>} : memref<8x128xi32, #tpu.memory_space<vmem>>, vector<1x16xi32>,
      %get3A_37 = vector.shape_cast %get3A_36 : vector<1x16xi32> to vector<16xi32>
      %sub3A = vector.broadcast %mul3A_0 : i32 to vector<16xi32>
      %sub3A_38 = arith.subi %get3A_37, %sub3A : vector<16xi32>
      %ge3A = arith.constant 0 : i32
      %ge3A_39 = vector.broadcast %ge3A : i32 to vector<16xi32>
      %ge3A_40 = arith.cmpi sge, %sub3A_38, %ge3A_39 : vector<16xi32>
      %lt3A = arith.constant 5000 : i32
      %lt3A_41 = vector.broadcast %lt3A : i32 to vector<16xi32>
      %lt3A_42 = arith.cmpi slt, %sub3A_38, %lt3A_41 : vector<16xi32>
      %and3A = arith.andi %ge3A_40, %lt3A_42 : vector<16xi1>
      %jit3A_43 = arith.constant 5000 : i32
      %broadcast_in_dim3A_44 = vector.broadcast %jit3A_43 : i32 to vector<16xi32>
      %select_n3A_45 = arith.select %and3A, %sub3A_38, %broadcast_in_dim3A_44 : vector<16xi1>, vector<16xi32>
      %swap3A = arith.constant 0 : index
      %swap3A_46 = tpu.vector_load %arg5[%swap3A] {strides = array<i32>} : memref<128xi32, #tpu.memory_space<vmem>>, vector<16xi32>,
      %swap3A_47 = vector.shape_cast %swap3A_46 : vector<16xi32> to vector<16xi32>
      %swap3A_48 = vector.shape_cast %select_n3A_45 : vector<16xi32> to vector<16xi32>
      tpu.vector_store %arg5[%swap3A], %swap3A_48 {strides = array<i32>} : memref<128xi32, #tpu.memory_space<vmem>>, vector<16xi32>,
      %get3A_49 = arith.constant 0 : i32
      %get3A_50 = arith.index_cast %get3A_49 : i32 to index
      %get3A_51 = arith.constant 16 : index
      %get3A_52 = tpu.vector_load %arg4[%get3A_50, %get3A_51] {strides = array<i32>} : memref<8x128xi32, #tpu.memory_space<vmem>>, vector<1x16xi32>,
      %get3A_53 = vector.shape_cast %get3A_52 : vector<1x16xi32> to vector<16xi32>
      %sub3A_54 = vector.broadcast %mul3A_0 : i32 to vector<16xi32>
      %sub3A_55 = arith.subi %get3A_53, %sub3A_54 : vector<16xi32>
      %ge3A_56 = arith.constant 0 : i32
      %ge3A_57 = vector.broadcast %ge3A_56 : i32 to vector<16xi32>
      %ge3A_58 = arith.cmpi sge, %sub3A_55, %ge3A_57 : vector<16xi32>
      %lt3A_59 = arith.constant 5000 : i32
      %lt3A_60 = vector.broadcast %lt3A_59 : i32 to vector<16xi32>
      %lt3A_61 = arith.cmpi slt, %sub3A_55, %lt3A_60 : vector<16xi32>
      %and3A_62 = arith.andi %ge3A_58, %lt3A_61 : vector<16xi1>
      %jit3A_63 = arith.constant 5000 : i32
      %broadcast_in_dim3A_64 = vector.broadcast %jit3A_63 : i32 to vector<16xi32>
      %select_n3A_65 = arith.select %and3A_62, %sub3A_55, %broadcast_in_dim3A_64 : vector<16xi1>, vector<16xi32>
      %swap3A_66 = arith.constant 16 : index
      %swap3A_67 = tpu.vector_load %arg5[%swap3A_66] {strides = array<i32>} : memref<128xi32, #tpu.memory_space<vmem>>, vector<16xi32>,
      %swap3A_68 = vector.shape_cast %swap3A_67 : vector<16xi32> to vector<16xi32>
      %swap3A_69 = vector.shape_cast %select_n3A_65 : vector<16xi32> to vector<16xi32>
      tpu.vector_store %arg5[%swap3A_66], %swap3A_69 {strides = array<i32>} : memref<128xi32, #tpu.memory_space<vmem>>, vector<16xi32>,
      %get3A_70 = arith.constant 0 : i32
      %get3A_71 = arith.index_cast %get3A_70 : i32 to index
      %get3A_72 = arith.constant 32 : index
      %get3A_73 = tpu.vector_load %arg4[%get3A_71, %get3A_72] {strides = array<i32>} : memref<8x128xi32, #tpu.memory_space<vmem>>, vector<1x16xi32>,
      %get3A_74 = vector.shape_cast %get3A_73 : vector<1x16xi32> to vector<16xi32>
      %sub3A_75 = vector.broadcast %mul3A_0 : i32 to vector<16xi32>
      %sub3A_76 = arith.subi %get3A_74, %sub3A_75 : vector<16xi32>
      %ge3A_77 = arith.constant 0 : i32
      %ge3A_78 = vector.broadcast %ge3A_77 : i32 to vector<16xi32>
      %ge3A_79 = arith.cmpi sge, %sub3A_76, %ge3A_78 : vector<16xi32>
      %lt3A_80 = arith.constant 5000 : i32
      %lt3A_81 = vector.broadcast %lt3A_80 : i32 to vector<16xi32>
      %lt3A_82 = arith.cmpi slt, %sub3A_76, %lt3A_81 : vector<16xi32>
      %and3A_83 = arith.andi %ge3A_79, %lt3A_82 : vector<16xi1>
      %jit3A_84 = arith.constant 5000 : i32
      %broadcast_in_dim3A_85 = vector.broadcast %jit3A_84 : i32 to vector<16xi32>
      %select_n3A_86 = arith.select %and3A_83, %sub3A_76, %broadcast_in_dim3A_85 : vector<16xi1>, vector<16xi32>
      %swap3A_87 = arith.constant 32 : index
      %swap3A_88 = tpu.vector_load %arg5[%swap3A_87] {strides = array<i32>} : memref<128xi32, #tpu.memory_space<vmem>>, vector<16xi32>,
      %swap3A_89 = vector.shape_cast %swap3A_88 : vector<16xi32> to vector<16xi32>
      %swap3A_90 = vector.shape_cast %select_n3A_86 : vector<16xi32> to vector<16xi32>
      tpu.vector_store %arg5[%swap3A_87], %swap3A_90 {strides = array<i32>} : memref<128xi32, #tpu.memory_space<vmem>>, vector<16xi32>,
      %get3A_91 = arith.constant 0 : i32
      %get3A_92 = arith.index_cast %get3A_91 : i32 to index
      %get3A_93 = arith.constant 48 : index
      %get3A_94 = tpu.vector_load %arg4[%get3A_92, %get3A_93] {strides = array<i32>} : memref<8x128xi32, #tpu.memory_space<vmem>>, vector<1x16xi32>,
      %get3A_95 = vector.shape_cast %get3A_94 : vector<1x16xi32> to vector<16xi32>
      %sub3A_96 = vector.broadcast %mul3A_0 : i32 to vector<16xi32>
      %sub3A_97 = arith.subi %get3A_95, %sub3A_96 : vector<16xi32>
      %ge3A_98 = arith.constant 0 : i32
      %ge3A_99 = vector.broadcast %ge3A_98 : i32 to vector<16xi32>
      %ge3A_100 = arith.cmpi sge, %sub3A_97, %ge3A_99 : vector<16xi32>
      %lt3A_101 = arith.constant 5000 : i32
      %lt3A_102 = vector.broadcast %lt3A_101 : i32 to vector<16xi32>
      %lt3A_103 = arith.cmpi slt, %sub3A_97, %lt3A_102 : vector<16xi32>
      %and3A_104 = arith.andi %ge3A_100, %lt3A_103 : vector<16xi1>
      %jit3A_105 = arith.constant 5000 : i32
      %broadcast_in_dim3A_106 = vector.broadcast %jit3A_105 : i32 to vector<16xi32>
      %select_n3A_107 = arith.select %and3A_104, %sub3A_97, %broadcast_in_dim3A_106 : vector<16xi1>, vector<16xi32>
      %swap3A_108 = arith.constant 48 : index
      %swap3A_109 = tpu.vector_load %arg5[%swap3A_108] {strides = array<i32>} : memref<128xi32, #tpu.memory_space<vmem>>, vector<16xi32>,
      %swap3A_110 = vector.shape_cast %swap3A_109 : vector<16xi32> to vector<16xi32>
      %swap3A_111 = vector.shape_cast %select_n3A_107 : vector<16xi32> to vector<16xi32>
      tpu.vector_store %arg5[%swap3A_108], %swap3A_111 {strides = array<i32>} : memref<128xi32, #tpu.memory_space<vmem>>, vector<16xi32>,
      %get3A_112 = arith.constant 0 : i32
      %get3A_113 = arith.index_cast %get3A_112 : i32 to index
      %get3A_114 = arith.constant 64 : index
      %get3A_115 = tpu.vector_load %arg4[%get3A_113, %get3A_114] {strides = array<i32>} : memref<8x128xi32, #tpu.memory_space<vmem>>, vector<1x16xi32>,
      %get3A_116 = vector.shape_cast %get3A_115 : vector<1x16xi32> to vector<16xi32>
      %sub3A_117 = vector.broadcast %mul3A_0 : i32 to vector<16xi32>
      %sub3A_118 = arith.subi %get3A_116, %sub3A_117 : vector<16xi32>
      %ge3A_119 = arith.constant 0 : i32
      %ge3A_120 = vector.broadcast %ge3A_119 : i32 to vector<16xi32>
      %ge3A_121 = arith.cmpi sge, %sub3A_118, %ge3A_120 : vector<16xi32>
      %lt3A_122 = arith.constant 5000 : i32
      %lt3A_123 = vector.broadcast %lt3A_122 : i32 to vector<16xi32>
      %lt3A_124 = arith.cmpi slt, %sub3A_118, %lt3A_123 : vector<16xi32>
      %and3A_125 = arith.andi %ge3A_121, %lt3A_124 : vector<16xi1>
      %jit3A_126 = arith.constant 5000 : i32
      %broadcast_in_dim3A_127 = vector.broadcast %jit3A_126 : i32 to vector<16xi32>
      %select_n3A_128 = arith.select %and3A_125, %sub3A_118, %broadcast_in_dim3A_127 : vector<16xi1>, vector<16xi32>
      %swap3A_129 = arith.constant 64 : index
      %swap3A_130 = tpu.vector_load %arg5[%swap3A_129] {strides = array<i32>} : memref<128xi32, #tpu.memory_space<vmem>>, vector<16xi32>,
      %swap3A_131 = vector.shape_cast %swap3A_130 : vector<16xi32> to vector<16xi32>
      %swap3A_132 = vector.shape_cast %select_n3A_128 : vector<16xi32> to vector<16xi32>
      tpu.vector_store %arg5[%swap3A_129], %swap3A_132 {strides = array<i32>} : memref<128xi32, #tpu.memory_space<vmem>>, vector<16xi32>,
      %get3A_133 = arith.constant 0 : i32
      %get3A_134 = arith.index_cast %get3A_133 : i32 to index
      %get3A_135 = arith.constant 80 : index
      %get3A_136 = tpu.vector_load %arg4[%get3A_134, %get3A_135] {strides = array<i32>} : memref<8x128xi32, #tpu.memory_space<vmem>>, vector<1x16xi32>,
      %get3A_137 = vector.shape_cast %get3A_136 : vector<1x16xi32> to vector<16xi32>
      %sub3A_138 = vector.broadcast %mul3A_0 : i32 to vector<16xi32>
      %sub3A_139 = arith.subi %get3A_137, %sub3A_138 : vector<16xi32>
      %ge3A_140 = arith.constant 0 : i32
      %ge3A_141 = vector.broadcast %ge3A_140 : i32 to vector<16xi32>
      %ge3A_142 = arith.cmpi sge, %sub3A_139, %ge3A_141 : vector<16xi32>
      %lt3A_143 = arith.constant 5000 : i32
      %lt3A_144 = vector.broadcast %lt3A_143 : i32 to vector<16xi32>
      %lt3A_145 = arith.cmpi slt, %sub3A_139, %lt3A_144 : vector<16xi32>
      %and3A_146 = arith.andi %ge3A_142, %lt3A_145 : vector<16xi1>
      %jit3A_147 = arith.constant 5000 : i32
      %broadcast_in_dim3A_148 = vector.broadcast %jit3A_147 : i32 to vector<16xi32>
      %select_n3A_149 = arith.select %and3A_146, %sub3A_139, %broadcast_in_dim3A_148 : vector<16xi1>, vector<16xi32>
      %swap3A_150 = arith.constant 80 : index
      %swap3A_151 = tpu.vector_load %arg5[%swap3A_150] {strides = array<i32>} : memref<128xi32, #tpu.memory_space<vmem>>, vector<16xi32>,
      %swap3A_152 = vector.shape_cast %swap3A_151 : vector<16xi32> to vector<16xi32>
      %swap3A_153 = vector.shape_cast %select_n3A_149 : vector<16xi32> to vector<16xi32>
      tpu.vector_store %arg5[%swap3A_150], %swap3A_153 {strides = array<i32>} : memref<128xi32, #tpu.memory_space<vmem>>, vector<16xi32>,
      %get3A_154 = arith.constant 0 : i32
      %get3A_155 = arith.index_cast %get3A_154 : i32 to index
      %get3A_156 = arith.constant 96 : index
      %get3A_157 = tpu.vector_load %arg4[%get3A_155, %get3A_156] {strides = array<i32>} : memref<8x128xi32, #tpu.memory_space<vmem>>, vector<1x16xi32>,
      %get3A_158 = vector.shape_cast %get3A_157 : vector<1x16xi32> to vector<16xi32>
      %sub3A_159 = vector.broadcast %mul3A_0 : i32 to vector<16xi32>
      %sub3A_160 = arith.subi %get3A_158, %sub3A_159 : vector<16xi32>
      %ge3A_161 = arith.constant 0 : i32
      %ge3A_162 = vector.broadcast %ge3A_161 : i32 to vector<16xi32>
      %ge3A_163 = arith.cmpi sge, %sub3A_160, %ge3A_162 : vector<16xi32>
      %lt3A_164 = arith.constant 5000 : i32
      %lt3A_165 = vector.broadcast %lt3A_164 : i32 to vector<16xi32>
      %lt3A_166 = arith.cmpi slt, %sub3A_160, %lt3A_165 : vector<16xi32>
      %and3A_167 = arith.andi %ge3A_163, %lt3A_166 : vector<16xi1>
      %jit3A_168 = arith.constant 5000 : i32
      %broadcast_in_dim3A_169 = vector.broadcast %jit3A_168 : i32 to vector<16xi32>
      %select_n3A_170 = arith.select %and3A_167, %sub3A_160, %broadcast_in_dim3A_169 : vector<16xi1>, vector<16xi32>
      %swap3A_171 = arith.constant 96 : index
      %swap3A_172 = tpu.vector_load %arg5[%swap3A_171] {strides = array<i32>} : memref<128xi32, #tpu.memory_space<vmem>>, vector<16xi32>,
      %swap3A_173 = vector.shape_cast %swap3A_172 : vector<16xi32> to vector<16xi32>
      %swap3A_174 = vector.shape_cast %select_n3A_170 : vector<16xi32> to vector<16xi32>
      tpu.vector_store %arg5[%swap3A_171], %swap3A_174 {strides = array<i32>} : memref<128xi32, #tpu.memory_space<vmem>>, vector<16xi32>,
      %get3A_175 = arith.constant 0 : i32
      %get3A_176 = arith.index_cast %get3A_175 : i32 to index
      %get3A_177 = arith.constant 112 : index
      %get3A_178 = tpu.vector_load %arg4[%get3A_176, %get3A_177] {strides = array<i32>} : memref<8x128xi32, #tpu.memory_space<vmem>>, vector<1x16xi32>,
      %get3A_179 = vector.shape_cast %get3A_178 : vector<1x16xi32> to vector<16xi32>
      %sub3A_180 = vector.broadcast %mul3A_0 : i32 to vector<16xi32>
      %sub3A_181 = arith.subi %get3A_179, %sub3A_180 : vector<16xi32>
      %ge3A_182 = arith.constant 0 : i32
      %ge3A_183 = vector.broadcast %ge3A_182 : i32 to vector<16xi32>
      %ge3A_184 = arith.cmpi sge, %sub3A_181, %ge3A_183 : vector<16xi32>
      %lt3A_185 = arith.constant 5000 : i32
      %lt3A_186 = vector.broadcast %lt3A_185 : i32 to vector<16xi32>
      %lt3A_187 = arith.cmpi slt, %sub3A_181, %lt3A_186 : vector<16xi32>
      %and3A_188 = arith.andi %ge3A_184, %lt3A_187 : vector<16xi1>
      %jit3A_189 = arith.constant 5000 : i32
      %broadcast_in_dim3A_190 = vector.broadcast %jit3A_189 : i32 to vector<16xi32>
      %select_n3A_191 = arith.select %and3A_188, %sub3A_181, %broadcast_in_dim3A_190 : vector<16xi1>, vector<16xi32>
      %swap3A_192 = arith.constant 112 : index
      %swap3A_193 = tpu.vector_load %arg5[%swap3A_192] {strides = array<i32>} : memref<128xi32, #tpu.memory_space<vmem>>, vector<16xi32>,
      %swap3A_194 = vector.shape_cast %swap3A_193 : vector<16xi32> to vector<16xi32>
      %swap3A_195 = vector.shape_cast %select_n3A_191 : vector<16xi32> to vector<16xi32>
      tpu.vector_store %arg5[%swap3A_192], %swap3A_195 {strides = array<i32>} : memref<128xi32, #tpu.memory_space<vmem>>, vector<16xi32>,
      "tpu.region"() ({
        %run_scoped3A = tpu.sem_alloc : memref<!tpu.dma_semaphore, #tpu.memory_space<semaphore_mem>>
        %dma_start3A = arith.constant 0 : i32
        %dma_start3A_1372 = arith.constant 0 : i32
        %dma_start3A_1373 = tpu.memref_slice %arg11[%dma_start3A, %dma_start3A_1372] : memref<5120x16xf32, #tpu.memory_space<vmem_shared>> -> memref<5120x16xf32, #tpu.memory_space<vmem_shared>>
        tpu.enqueue_indirect_dma source(%arg7 : memref<128x16xf32, #tpu.memory_space<vmem>>) target(%dma_start3A_1373 : memref<5120x16xf32, #tpu.memory_space<vmem_shared>>) offsets(%arg5 : memref<128xi32, #tpu.memory_space<vmem>>) semaphore(%run_scoped3A : memref<!tpu.dma_semaphore, #tpu.memory_space<semaphore_mem>>) {add = true}
        %dma_wait3A = arith.constant 0 : i32
        %dma_wait3A_1374 = arith.constant 0 : i32
        %dma_wait3A_1375 = tpu.memref_slice %arg11[%dma_wait3A, %dma_wait3A_1374] : memref<5120x16xf32, #tpu.memory_space<vmem_shared>> -> memref<5120x16xf32, #tpu.memory_space<vmem_shared>>
        tpu.wait_indirect_dma semaphore(%run_scoped3A : memref<!tpu.dma_semaphore, #tpu.memory_space<semaphore_mem>>) src(%arg7 : memref<128x16xf32, #tpu.memory_space<vmem>>) dst(%dma_wait3A_1375 : memref<5120x16xf32, #tpu.memory_space<vmem_shared>>)
        tpu.yield
      }) : () -> ()
      %get3A_196 = arith.constant 1 : i32
      %get3A_197 = arith.index_cast %get3A_196 : i32 to index
      %get3A_198 = arith.constant 0 : index
      %get3A_199 = tpu.vector_load %arg4[%get3A_197, %get3A_198] {strides = array<i32>} : memref<8x128xi32, #tpu.memory_space<vmem>>, vector<1x16xi32>,
      %get3A_200 = vector.shape_cast %get3A_199 : vector<1x16xi32> to vector<16xi32>
      %sub3A_201 = vector.broadcast %mul3A_0 : i32 to vector<16xi32>
      %sub3A_202 = arith.subi %get3A_200, %sub3A_201 : vector<16xi32>
      %ge3A_203 = arith.constant 0 : i32
      %ge3A_204 = vector.broadcast %ge3A_203 : i32 to vector<16xi32>
      %ge3A_205 = arith.cmpi sge, %sub3A_202, %ge3A_204 : vector<16xi32>
      %lt3A_206 = arith.constant 5000 : i32
      %lt3A_207 = vector.broadcast %lt3A_206 : i32 to vector<16xi32>
      %lt3A_208 = arith.cmpi slt, %sub3A_202, %lt3A_207 : vector<16xi32>
      %and3A_209 = arith.andi %ge3A_205, %lt3A_208 : vector<16xi1>
      %jit3A_210 = arith.constant 5000 : i32
      %broadcast_in_dim3A_211 = vector.broadcast %jit3A_210 : i32 to vector<16xi32>
      %select_n3A_212 = arith.select %and3A_209, %sub3A_202, %broadcast_in_dim3A_211 : vector<16xi1>, vector<16xi32>
      %swap3A_213 = arith.constant 0 : index
      %swap3A_214 = tpu.vector_load %arg5[%swap3A_213] {strides = array<i32>} : memref<128xi32, #tpu.memory_space<vmem>>, vector<16xi32>,
      %swap3A_215 = vector.shape_cast %swap3A_214 : vector<16xi32> to vector<16xi32>
      %swap3A_216 = vector.shape_cast %select_n3A_212 : vector<16xi32> to vector<16xi32>
      tpu.vector_store %arg5[%swap3A_213], %swap3A_216 {strides = array<i32>} : memref<128xi32, #tpu.memory_space<vmem>>, vector<16xi32>,
      %get3A_217 = arith.constant 1 : i32
      %get3A_218 = arith.index_cast %get3A_217 : i32 to index
      %get3A_219 = arith.constant 16 : index
      %get3A_220 = tpu.vector_load %arg4[%get3A_218, %get3A_219] {strides = array<i32>} : memref<8x128xi32, #tpu.memory_space<vmem>>, vector<1x16xi32>,
      %get3A_221 = vector.shape_cast %get3A_220 : vector<1x16xi32> to vector<16xi32>
      %sub3A_222 = vector.broadcast %mul3A_0 : i32 to vector<16xi32>
      %sub3A_223 = arith.subi %get3A_221, %sub3A_222 : vector<16xi32>
      %ge3A_224 = arith.constant 0 : i32
      %ge3A_225 = vector.broadcast %ge3A_224 : i32 to vector<16xi32>
      %ge3A_226 = arith.cmpi sge, %sub3A_223, %ge3A_225 : vector<16xi32>
      %lt3A_227 = arith.constant 5000 : i32
      %lt3A_228 = vector.broadcast %lt3A_227 : i32 to vector<16xi32>
      %lt3A_229 = arith.cmpi slt, %sub3A_223, %lt3A_228 : vector<16xi32>
      %and3A_230 = arith.andi %ge3A_226, %lt3A_229 : vector<16xi1>
      %jit3A_231 = arith.constant 5000 : i32
      %broadcast_in_dim3A_232 = vector.broadcast %jit3A_231 : i32 to vector<16xi32>
      %select_n3A_233 = arith.select %and3A_230, %sub3A_223, %broadcast_in_dim3A_232 : vector<16xi1>, vector<16xi32>
      %swap3A_234 = arith.constant 16 : index
      %swap3A_235 = tpu.vector_load %arg5[%swap3A_234] {strides = array<i32>} : memref<128xi32, #tpu.memory_space<vmem>>, vector<16xi32>,
      %swap3A_236 = vector.shape_cast %swap3A_235 : vector<16xi32> to vector<16xi32>
      %swap3A_237 = vector.shape_cast %select_n3A_233 : vector<16xi32> to vector<16xi32>
      tpu.vector_store %arg5[%swap3A_234], %swap3A_237 {strides = array<i32>} : memref<128xi32, #tpu.memory_space<vmem>>, vector<16xi32>,
      %get3A_238 = arith.constant 1 : i32
      %get3A_239 = arith.index_cast %get3A_238 : i32 to index
      %get3A_240 = arith.constant 32 : index
      %get3A_241 = tpu.vector_load %arg4[%get3A_239, %get3A_240] {strides = array<i32>} : memref<8x128xi32, #tpu.memory_space<vmem>>, vector<1x16xi32>,
      %get3A_242 = vector.shape_cast %get3A_241 : vector<1x16xi32> to vector<16xi32>
      %sub3A_243 = vector.broadcast %mul3A_0 : i32 to vector<16xi32>
      %sub3A_244 = arith.subi %get3A_242, %sub3A_243 : vector<16xi32>
      %ge3A_245 = arith.constant 0 : i32
      %ge3A_246 = vector.broadcast %ge3A_245 : i32 to vector<16xi32>
      %ge3A_247 = arith.cmpi sge, %sub3A_244, %ge3A_246 : vector<16xi32>
      %lt3A_248 = arith.constant 5000 : i32
      %lt3A_249 = vector.broadcast %lt3A_248 : i32 to vector<16xi32>
      %lt3A_250 = arith.cmpi slt, %sub3A_244, %lt3A_249 : vector<16xi32>
      %and3A_251 = arith.andi %ge3A_247, %lt3A_250 : vector<16xi1>
      %jit3A_252 = arith.constant 5000 : i32
      %broadcast_in_dim3A_253 = vector.broadcast %jit3A_252 : i32 to vector<16xi32>
      %select_n3A_254 = arith.select %and3A_251, %sub3A_244, %broadcast_in_dim3A_253 : vector<16xi1>, vector<16xi32>
      %swap3A_255 = arith.constant 32 : index
      %swap3A_256 = tpu.vector_load %arg5[%swap3A_255] {strides = array<i32>} : memref<128xi32, #tpu.memory_space<vmem>>, vector<16xi32>,
      %swap3A_257 = vector.shape_cast %swap3A_256 : vector<16xi32> to vector<16xi32>
      %swap3A_258 = vector.shape_cast %select_n3A_254 : vector<16xi32> to vector<16xi32>
      tpu.vector_store %arg5[%swap3A_255], %swap3A_258 {strides = array<i32>} : memref<128xi32, #tpu.memory_space<vmem>>, vector<16xi32>,
      %get3A_259 = arith.constant 1 : i32
      %get3A_260 = arith.index_cast %get3A_259 : i32 to index
      %get3A_261 = arith.constant 48 : index
      %get3A_262 = tpu.vector_load %arg4[%get3A_260, %get3A_261] {strides = array<i32>} : memref<8x128xi32, #tpu.memory_space<vmem>>, vector<1x16xi32>,
      %get3A_263 = vector.shape_cast %get3A_262 : vector<1x16xi32> to vector<16xi32>
      %sub3A_264 = vector.broadcast %mul3A_0 : i32 to vector<16xi32>
      %sub3A_265 = arith.subi %get3A_263, %sub3A_264 : vector<16xi32>
      %ge3A_266 = arith.constant 0 : i32
      %ge3A_267 = vector.broadcast %ge3A_266 : i32 to vector<16xi32>
      %ge3A_268 = arith.cmpi sge, %sub3A_265, %ge3A_267 : vector<16xi32>
      %lt3A_269 = arith.constant 5000 : i32
      %lt3A_270 = vector.broadcast %lt3A_269 : i32 to vector<16xi32>
      %lt3A_271 = arith.cmpi slt, %sub3A_265, %lt3A_270 : vector<16xi32>
      %and3A_272 = arith.andi %ge3A_268, %lt3A_271 : vector<16xi1>
      %jit3A_273 = arith.constant 5000 : i32
      %broadcast_in_dim3A_274 = vector.broadcast %jit3A_273 : i32 to vector<16xi32>
      %select_n3A_275 = arith.select %and3A_272, %sub3A_265, %broadcast_in_dim3A_274 : vector<16xi1>, vector<16xi32>
      %swap3A_276 = arith.constant 48 : index
      %swap3A_277 = tpu.vector_load %arg5[%swap3A_276] {strides = array<i32>} : memref<128xi32, #tpu.memory_space<vmem>>, vector<16xi32>,
      %swap3A_278 = vector.shape_cast %swap3A_277 : vector<16xi32> to vector<16xi32>
      %swap3A_279 = vector.shape_cast %select_n3A_275 : vector<16xi32> to vector<16xi32>
      tpu.vector_store %arg5[%swap3A_276], %swap3A_279 {strides = array<i32>} : memref<128xi32, #tpu.memory_space<vmem>>, vector<16xi32>,
      %get3A_280 = arith.constant 1 : i32
      %get3A_281 = arith.index_cast %get3A_280 : i32 to index
      %get3A_282 = arith.constant 64 : index
      %get3A_283 = tpu.vector_load %arg4[%get3A_281, %get3A_282] {strides = array<i32>} : memref<8x128xi32, #tpu.memory_space<vmem>>, vector<1x16xi32>,
      %get3A_284 = vector.shape_cast %get3A_283 : vector<1x16xi32> to vector<16xi32>
      %sub3A_285 = vector.broadcast %mul3A_0 : i32 to vector<16xi32>
      %sub3A_286 = arith.subi %get3A_284, %sub3A_285 : vector<16xi32>
      %ge3A_287 = arith.constant 0 : i32
      %ge3A_288 = vector.broadcast %ge3A_287 : i32 to vector<16xi32>
      %ge3A_289 = arith.cmpi sge, %sub3A_286, %ge3A_288 : vector<16xi32>
      %lt3A_290 = arith.constant 5000 : i32
      %lt3A_291 = vector.broadcast %lt3A_290 : i32 to vector<16xi32>
      %lt3A_292 = arith.cmpi slt, %sub3A_286, %lt3A_291 : vector<16xi32>
      %and3A_293 = arith.andi %ge3A_289, %lt3A_292 : vector<16xi1>
      %jit3A_294 = arith.constant 5000 : i32
      %broadcast_in_dim3A_295 = vector.broadcast %jit3A_294 : i32 to vector<16xi32>
      %select_n3A_296 = arith.select %and3A_293, %sub3A_286, %broadcast_in_dim3A_295 : vector<16xi1>, vector<16xi32>
      %swap3A_297 = arith.constant 64 : index
      %swap3A_298 = tpu.vector_load %arg5[%swap3A_297] {strides = array<i32>} : memref<128xi32, #tpu.memory_space<vmem>>, vector<16xi32>,
      %swap3A_299 = vector.shape_cast %swap3A_298 : vector<16xi32> to vector<16xi32>
      %swap3A_300 = vector.shape_cast %select_n3A_296 : vector<16xi32> to vector<16xi32>
      tpu.vector_store %arg5[%swap3A_297], %swap3A_300 {strides = array<i32>} : memref<128xi32, #tpu.memory_space<vmem>>, vector<16xi32>,
      %get3A_301 = arith.constant 1 : i32
      %get3A_302 = arith.index_cast %get3A_301 : i32 to index
      %get3A_303 = arith.constant 80 : index
      %get3A_304 = tpu.vector_load %arg4[%get3A_302, %get3A_303] {strides = array<i32>} : memref<8x128xi32, #tpu.memory_space<vmem>>, vector<1x16xi32>,
      %get3A_305 = vector.shape_cast %get3A_304 : vector<1x16xi32> to vector<16xi32>
      %sub3A_306 = vector.broadcast %mul3A_0 : i32 to vector<16xi32>
      %sub3A_307 = arith.subi %get3A_305, %sub3A_306 : vector<16xi32>
      %ge3A_308 = arith.constant 0 : i32
      %ge3A_309 = vector.broadcast %ge3A_308 : i32 to vector<16xi32>
      %ge3A_310 = arith.cmpi sge, %sub3A_307, %ge3A_309 : vector<16xi32>
      %lt3A_311 = arith.constant 5000 : i32
      %lt3A_312 = vector.broadcast %lt3A_311 : i32 to vector<16xi32>
      %lt3A_313 = arith.cmpi slt, %sub3A_307, %lt3A_312 : vector<16xi32>
      %and3A_314 = arith.andi %ge3A_310, %lt3A_313 : vector<16xi1>
      %jit3A_315 = arith.constant 5000 : i32
      %broadcast_in_dim3A_316 = vector.broadcast %jit3A_315 : i32 to vector<16xi32>
      %select_n3A_317 = arith.select %and3A_314, %sub3A_307, %broadcast_in_dim3A_316 : vector<16xi1>, vector<16xi32>
      %swap3A_318 = arith.constant 80 : index
      %swap3A_319 = tpu.vector_load %arg5[%swap3A_318] {strides = array<i32>} : memref<128xi32, #tpu.memory_space<vmem>>, vector<16xi32>,
      %swap3A_320 = vector.shape_cast %swap3A_319 : vector<16xi32> to vector<16xi32>
      %swap3A_321 = vector.shape_cast %select_n3A_317 : vector<16xi32> to vector<16xi32>
      tpu.vector_store %arg5[%swap3A_318], %swap3A_321 {strides = array<i32>} : memref<128xi32, #tpu.memory_space<vmem>>, vector<16xi32>,
      %get3A_322 = arith.constant 1 : i32
      %get3A_323 = arith.index_cast %get3A_322 : i32 to index
      %get3A_324 = arith.constant 96 : index
      %get3A_325 = tpu.vector_load %arg4[%get3A_323, %get3A_324] {strides = array<i32>} : memref<8x128xi32, #tpu.memory_space<vmem>>, vector<1x16xi32>,
      %get3A_326 = vector.shape_cast %get3A_325 : vector<1x16xi32> to vector<16xi32>
      %sub3A_327 = vector.broadcast %mul3A_0 : i32 to vector<16xi32>
      %sub3A_328 = arith.subi %get3A_326, %sub3A_327 : vector<16xi32>
      %ge3A_329 = arith.constant 0 : i32
      %ge3A_330 = vector.broadcast %ge3A_329 : i32 to vector<16xi32>
      %ge3A_331 = arith.cmpi sge, %sub3A_328, %ge3A_330 : vector<16xi32>
      %lt3A_332 = arith.constant 5000 : i32
      %lt3A_333 = vector.broadcast %lt3A_332 : i32 to vector<16xi32>
      %lt3A_334 = arith.cmpi slt, %sub3A_328, %lt3A_333 : vector<16xi32>
      %and3A_335 = arith.andi %ge3A_331, %lt3A_334 : vector<16xi1>
      %jit3A_336 = arith.constant 5000 : i32
      %broadcast_in_dim3A_337 = vector.broadcast %jit3A_336 : i32 to vector<16xi32>
      %select_n3A_338 = arith.select %and3A_335, %sub3A_328, %broadcast_in_dim3A_337 : vector<16xi1>, vector<16xi32>
      %swap3A_339 = arith.constant 96 : index
      %swap3A_340 = tpu.vector_load %arg5[%swap3A_339] {strides = array<i32>} : memref<128xi32, #tpu.memory_space<vmem>>, vector<16xi32>,
      %swap3A_341 = vector.shape_cast %swap3A_340 : vector<16xi32> to vector<16xi32>
      %swap3A_342 = vector.shape_cast %select_n3A_338 : vector<16xi32> to vector<16xi32>
      tpu.vector_store %arg5[%swap3A_339], %swap3A_342 {strides = array<i32>} : memref<128xi32, #tpu.memory_space<vmem>>, vector<16xi32>,
      %get3A_343 = arith.constant 1 : i32
      %get3A_344 = arith.index_cast %get3A_343 : i32 to index
      %get3A_345 = arith.constant 112 : index
      %get3A_346 = tpu.vector_load %arg4[%get3A_344, %get3A_345] {strides = array<i32>} : memref<8x128xi32, #tpu.memory_space<vmem>>, vector<1x16xi32>,
      %get3A_347 = vector.shape_cast %get3A_346 : vector<1x16xi32> to vector<16xi32>
      %sub3A_348 = vector.broadcast %mul3A_0 : i32 to vector<16xi32>
      %sub3A_349 = arith.subi %get3A_347, %sub3A_348 : vector<16xi32>
      %ge3A_350 = arith.constant 0 : i32
      %ge3A_351 = vector.broadcast %ge3A_350 : i32 to vector<16xi32>
      %ge3A_352 = arith.cmpi sge, %sub3A_349, %ge3A_351 : vector<16xi32>
      %lt3A_353 = arith.constant 5000 : i32
      %lt3A_354 = vector.broadcast %lt3A_353 : i32 to vector<16xi32>
      %lt3A_355 = arith.cmpi slt, %sub3A_349, %lt3A_354 : vector<16xi32>
      %and3A_356 = arith.andi %ge3A_352, %lt3A_355 : vector<16xi1>
      %jit3A_357 = arith.constant 5000 : i32
      %broadcast_in_dim3A_358 = vector.broadcast %jit3A_357 : i32 to vector<16xi32>
      %select_n3A_359 = arith.select %and3A_356, %sub3A_349, %broadcast_in_dim3A_358 : vector<16xi1>, vector<16xi32>
      %swap3A_360 = arith.constant 112 : index
      %swap3A_361 = tpu.vector_load %arg5[%swap3A_360] {strides = array<i32>} : memref<128xi32, #tpu.memory_space<vmem>>, vector<16xi32>,
      %swap3A_362 = vector.shape_cast %swap3A_361 : vector<16xi32> to vector<16xi32>
      %swap3A_363 = vector.shape_cast %select_n3A_359 : vector<16xi32> to vector<16xi32>
      tpu.vector_store %arg5[%swap3A_360], %swap3A_363 {strides = array<i32>} : memref<128xi32, #tpu.memory_space<vmem>>, vector<16xi32>,
      "tpu.region"() ({
        %run_scoped3A = tpu.sem_alloc : memref<!tpu.dma_semaphore, #tpu.memory_space<semaphore_mem>>
        %dma_start3A = arith.constant 0 : i32
        %dma_start3A_1372 = arith.constant 0 : i32
        %dma_start3A_1373 = tpu.memref_slice %arg11[%dma_start3A, %dma_start3A_1372] : memref<5120x16xf32, #tpu.memory_space<vmem_shared>> -> memref<5120x16xf32, #tpu.memory_space<vmem_shared>>
        tpu.enqueue_indirect_dma source(%arg7 : memref<128x16xf32, #tpu.memory_space<vmem>>) target(%dma_start3A_1373 : memref<5120x16xf32, #tpu.memory_space<vmem_shared>>) offsets(%arg5 : memref<128xi32, #tpu.memory_space<vmem>>) semaphore(%run_scoped3A : memref<!tpu.dma_semaphore, #tpu.memory_space<semaphore_mem>>) {add = true}
        %dma_wait3A = arith.constant 0 : i32
        %dma_wait3A_1374 = arith.constant 0 : i32
        %dma_wait3A_1375 = tpu.memref_slice %arg11[%dma_wait3A, %dma_wait3A_1374] : memref<5120x16xf32, #tpu.memory_space<vmem_shared>> -> memref<5120x16xf32, #tpu.memory_space<vmem_shared>>
        tpu.wait_indirect_dma semaphore(%run_scoped3A : memref<!tpu.dma_semaphore, #tpu.memory_space<semaphore_mem>>) src(%arg7 : memref<128x16xf32, #tpu.memory_space<vmem>>) dst(%dma_wait3A_1375 : memref<5120x16xf32, #tpu.memory_space<vmem_shared>>)
        tpu.yield
      }) : () -> ()
      %get3A_364 = arith.constant 2 : i32
      %get3A_365 = arith.index_cast %get3A_364 : i32 to index
      %get3A_366 = arith.constant 0 : index
      %get3A_367 = tpu.vector_load %arg4[%get3A_365, %get3A_366] {strides = array<i32>} : memref<8x128xi32, #tpu.memory_space<vmem>>, vector<1x16xi32>,
      %get3A_368 = vector.shape_cast %get3A_367 : vector<1x16xi32> to vector<16xi32>
      %sub3A_369 = vector.broadcast %mul3A_0 : i32 to vector<16xi32>
      %sub3A_370 = arith.subi %get3A_368, %sub3A_369 : vector<16xi32>
      %ge3A_371 = arith.constant 0 : i32
      %ge3A_372 = vector.broadcast %ge3A_371 : i32 to vector<16xi32>
      %ge3A_373 = arith.cmpi sge, %sub3A_370, %ge3A_372 : vector<16xi32>
      %lt3A_374 = arith.constant 5000 : i32
      %lt3A_375 = vector.broadcast %lt3A_374 : i32 to vector<16xi32>
      %lt3A_376 = arith.cmpi slt, %sub3A_370, %lt3A_375 : vector<16xi32>
      %and3A_377 = arith.andi %ge3A_373, %lt3A_376 : vector<16xi1>
      %jit3A_378 = arith.constant 5000 : i32
      %broadcast_in_dim3A_379 = vector.broadcast %jit3A_378 : i32 to vector<16xi32>
      %select_n3A_380 = arith.select %and3A_377, %sub3A_370, %broadcast_in_dim3A_379 : vector<16xi1>, vector<16xi32>
      %swap3A_381 = arith.constant 0 : index
      %swap3A_382 = tpu.vector_load %arg5[%swap3A_381] {strides = array<i32>} : memref<128xi32, #tpu.memory_space<vmem>>, vector<16xi32>,
      %swap3A_383 = vector.shape_cast %swap3A_382 : vector<16xi32> to vector<16xi32>
      %swap3A_384 = vector.shape_cast %select_n3A_380 : vector<16xi32> to vector<16xi32>
      tpu.vector_store %arg5[%swap3A_381], %swap3A_384 {strides = array<i32>} : memref<128xi32, #tpu.memory_space<vmem>>, vector<16xi32>,
      %get3A_385 = arith.constant 2 : i32
      %get3A_386 = arith.index_cast %get3A_385 : i32 to index
      %get3A_387 = arith.constant 16 : index
      %get3A_388 = tpu.vector_load %arg4[%get3A_386, %get3A_387] {strides = array<i32>} : memref<8x128xi32, #tpu.memory_space<vmem>>, vector<1x16xi32>,
      %get3A_389 = vector.shape_cast %get3A_388 : vector<1x16xi32> to vector<16xi32>
      %sub3A_390 = vector.broadcast %mul3A_0 : i32 to vector<16xi32>
      %sub3A_391 = arith.subi %get3A_389, %sub3A_390 : vector<16xi32>
      %ge3A_392 = arith.constant 0 : i32
      %ge3A_393 = vector.broadcast %ge3A_392 : i32 to vector<16xi32>
      %ge3A_394 = arith.cmpi sge, %sub3A_391, %ge3A_393 : vector<16xi32>
      %lt3A_395 = arith.constant 5000 : i32
      %lt3A_396 = vector.broadcast %lt3A_395 : i32 to vector<16xi32>
      %lt3A_397 = arith.cmpi slt, %sub3A_391, %lt3A_396 : vector<16xi32>
      %and3A_398 = arith.andi %ge3A_394, %lt3A_397 : vector<16xi1>
      %jit3A_399 = arith.constant 5000 : i32
      %broadcast_in_dim3A_400 = vector.broadcast %jit3A_399 : i32 to vector<16xi32>
      %select_n3A_401 = arith.select %and3A_398, %sub3A_391, %broadcast_in_dim3A_400 : vector<16xi1>, vector<16xi32>
      %swap3A_402 = arith.constant 16 : index
      %swap3A_403 = tpu.vector_load %arg5[%swap3A_402] {strides = array<i32>} : memref<128xi32, #tpu.memory_space<vmem>>, vector<16xi32>,
      %swap3A_404 = vector.shape_cast %swap3A_403 : vector<16xi32> to vector<16xi32>
      %swap3A_405 = vector.shape_cast %select_n3A_401 : vector<16xi32> to vector<16xi32>
      tpu.vector_store %arg5[%swap3A_402], %swap3A_405 {strides = array<i32>} : memref<128xi32, #tpu.memory_space<vmem>>, vector<16xi32>,
      %get3A_406 = arith.constant 2 : i32
      %get3A_407 = arith.index_cast %get3A_406 : i32 to index
      %get3A_408 = arith.constant 32 : index
      %get3A_409 = tpu.vector_load %arg4[%get3A_407, %get3A_408] {strides = array<i32>} : memref<8x128xi32, #tpu.memory_space<vmem>>, vector<1x16xi32>,
      %get3A_410 = vector.shape_cast %get3A_409 : vector<1x16xi32> to vector<16xi32>
      %sub3A_411 = vector.broadcast %mul3A_0 : i32 to vector<16xi32>
      %sub3A_412 = arith.subi %get3A_410, %sub3A_411 : vector<16xi32>
      %ge3A_413 = arith.constant 0 : i32
      %ge3A_414 = vector.broadcast %ge3A_413 : i32 to vector<16xi32>
      %ge3A_415 = arith.cmpi sge, %sub3A_412, %ge3A_414 : vector<16xi32>
      %lt3A_416 = arith.constant 5000 : i32
      %lt3A_417 = vector.broadcast %lt3A_416 : i32 to vector<16xi32>
      %lt3A_418 = arith.cmpi slt, %sub3A_412, %lt3A_417 : vector<16xi32>
      %and3A_419 = arith.andi %ge3A_415, %lt3A_418 : vector<16xi1>
      %jit3A_420 = arith.constant 5000 : i32
      %broadcast_in_dim3A_421 = vector.broadcast %jit3A_420 : i32 to vector<16xi32>
      %select_n3A_422 = arith.select %and3A_419, %sub3A_412, %broadcast_in_dim3A_421 : vector<16xi1>, vector<16xi32>
      %swap3A_423 = arith.constant 32 : index
      %swap3A_424 = tpu.vector_load %arg5[%swap3A_423] {strides = array<i32>} : memref<128xi32, #tpu.memory_space<vmem>>, vector<16xi32>,
      %swap3A_425 = vector.shape_cast %swap3A_424 : vector<16xi32> to vector<16xi32>
      %swap3A_426 = vector.shape_cast %select_n3A_422 : vector<16xi32> to vector<16xi32>
      tpu.vector_store %arg5[%swap3A_423], %swap3A_426 {strides = array<i32>} : memref<128xi32, #tpu.memory_space<vmem>>, vector<16xi32>,
      %get3A_427 = arith.constant 2 : i32
      %get3A_428 = arith.index_cast %get3A_427 : i32 to index
      %get3A_429 = arith.constant 48 : index
      %get3A_430 = tpu.vector_load %arg4[%get3A_428, %get3A_429] {strides = array<i32>} : memref<8x128xi32, #tpu.memory_space<vmem>>, vector<1x16xi32>,
      %get3A_431 = vector.shape_cast %get3A_430 : vector<1x16xi32> to vector<16xi32>
      %sub3A_432 = vector.broadcast %mul3A_0 : i32 to vector<16xi32>
      %sub3A_433 = arith.subi %get3A_431, %sub3A_432 : vector<16xi32>
      %ge3A_434 = arith.constant 0 : i32
      %ge3A_435 = vector.broadcast %ge3A_434 : i32 to vector<16xi32>
      %ge3A_436 = arith.cmpi sge, %sub3A_433, %ge3A_435 : vector<16xi32>
      %lt3A_437 = arith.constant 5000 : i32
      %lt3A_438 = vector.broadcast %lt3A_437 : i32 to vector<16xi32>
      %lt3A_439 = arith.cmpi slt, %sub3A_433, %lt3A_438 : vector<16xi32>
      %and3A_440 = arith.andi %ge3A_436, %lt3A_439 : vector<16xi1>
      %jit3A_441 = arith.constant 5000 : i32
      %broadcast_in_dim3A_442 = vector.broadcast %jit3A_441 : i32 to vector<16xi32>
      %select_n3A_443 = arith.select %and3A_440, %sub3A_433, %broadcast_in_dim3A_442 : vector<16xi1>, vector<16xi32>
      %swap3A_444 = arith.constant 48 : index
      %swap3A_445 = tpu.vector_load %arg5[%swap3A_444] {strides = array<i32>} : memref<128xi32, #tpu.memory_space<vmem>>, vector<16xi32>,
      %swap3A_446 = vector.shape_cast %swap3A_445 : vector<16xi32> to vector<16xi32>
      %swap3A_447 = vector.shape_cast %select_n3A_443 : vector<16xi32> to vector<16xi32>
      tpu.vector_store %arg5[%swap3A_444], %swap3A_447 {strides = array<i32>} : memref<128xi32, #tpu.memory_space<vmem>>, vector<16xi32>,
      %get3A_448 = arith.constant 2 : i32
      %get3A_449 = arith.index_cast %get3A_448 : i32 to index
      %get3A_450 = arith.constant 64 : index
      %get3A_451 = tpu.vector_load %arg4[%get3A_449, %get3A_450] {strides = array<i32>} : memref<8x128xi32, #tpu.memory_space<vmem>>, vector<1x16xi32>,
      %get3A_452 = vector.shape_cast %get3A_451 : vector<1x16xi32> to vector<16xi32>
      %sub3A_453 = vector.broadcast %mul3A_0 : i32 to vector<16xi32>
      %sub3A_454 = arith.subi %get3A_452, %sub3A_453 : vector<16xi32>
      %ge3A_455 = arith.constant 0 : i32
      %ge3A_456 = vector.broadcast %ge3A_455 : i32 to vector<16xi32>
      %ge3A_457 = arith.cmpi sge, %sub3A_454, %ge3A_456 : vector<16xi32>
      %lt3A_458 = arith.constant 5000 : i32
      %lt3A_459 = vector.broadcast %lt3A_458 : i32 to vector<16xi32>
      %lt3A_460 = arith.cmpi slt, %sub3A_454, %lt3A_459 : vector<16xi32>
      %and3A_461 = arith.andi %ge3A_457, %lt3A_460 : vector<16xi1>
      %jit3A_462 = arith.constant 5000 : i32
      %broadcast_in_dim3A_463 = vector.broadcast %jit3A_462 : i32 to vector<16xi32>
      %select_n3A_464 = arith.select %and3A_461, %sub3A_454, %broadcast_in_dim3A_463 : vector<16xi1>, vector<16xi32>
      %swap3A_465 = arith.constant 64 : index
      %swap3A_466 = tpu.vector_load %arg5[%swap3A_465] {strides = array<i32>} : memref<128xi32, #tpu.memory_space<vmem>>, vector<16xi32>,
      %swap3A_467 = vector.shape_cast %swap3A_466 : vector<16xi32> to vector<16xi32>
      %swap3A_468 = vector.shape_cast %select_n3A_464 : vector<16xi32> to vector<16xi32>
      tpu.vector_store %arg5[%swap3A_465], %swap3A_468 {strides = array<i32>} : memref<128xi32, #tpu.memory_space<vmem>>, vector<16xi32>,
      %get3A_469 = arith.constant 2 : i32
      %get3A_470 = arith.index_cast %get3A_469 : i32 to index
      %get3A_471 = arith.constant 80 : index
      %get3A_472 = tpu.vector_load %arg4[%get3A_470, %get3A_471] {strides = array<i32>} : memref<8x128xi32, #tpu.memory_space<vmem>>, vector<1x16xi32>,
      %get3A_473 = vector.shape_cast %get3A_472 : vector<1x16xi32> to vector<16xi32>
      %sub3A_474 = vector.broadcast %mul3A_0 : i32 to vector<16xi32>
      %sub3A_475 = arith.subi %get3A_473, %sub3A_474 : vector<16xi32>
      %ge3A_476 = arith.constant 0 : i32
      %ge3A_477 = vector.broadcast %ge3A_476 : i32 to vector<16xi32>
      %ge3A_478 = arith.cmpi sge, %sub3A_475, %ge3A_477 : vector<16xi32>
      %lt3A_479 = arith.constant 5000 : i32
      %lt3A_480 = vector.broadcast %lt3A_479 : i32 to vector<16xi32>
      %lt3A_481 = arith.cmpi slt, %sub3A_475, %lt3A_480 : vector<16xi32>
      %and3A_482 = arith.andi %ge3A_478, %lt3A_481 : vector<16xi1>
      %jit3A_483 = arith.constant 5000 : i32
      %broadcast_in_dim3A_484 = vector.broadcast %jit3A_483 : i32 to vector<16xi32>
      %select_n3A_485 = arith.select %and3A_482, %sub3A_475, %broadcast_in_dim3A_484 : vector<16xi1>, vector<16xi32>
      %swap3A_486 = arith.constant 80 : index
      %swap3A_487 = tpu.vector_load %arg5[%swap3A_486] {strides = array<i32>} : memref<128xi32, #tpu.memory_space<vmem>>, vector<16xi32>,
      %swap3A_488 = vector.shape_cast %swap3A_487 : vector<16xi32> to vector<16xi32>
      %swap3A_489 = vector.shape_cast %select_n3A_485 : vector<16xi32> to vector<16xi32>
      tpu.vector_store %arg5[%swap3A_486], %swap3A_489 {strides = array<i32>} : memref<128xi32, #tpu.memory_space<vmem>>, vector<16xi32>,
      %get3A_490 = arith.constant 2 : i32
      %get3A_491 = arith.index_cast %get3A_490 : i32 to index
      %get3A_492 = arith.constant 96 : index
      %get3A_493 = tpu.vector_load %arg4[%get3A_491, %get3A_492] {strides = array<i32>} : memref<8x128xi32, #tpu.memory_space<vmem>>, vector<1x16xi32>,
      %get3A_494 = vector.shape_cast %get3A_493 : vector<1x16xi32> to vector<16xi32>
      %sub3A_495 = vector.broadcast %mul3A_0 : i32 to vector<16xi32>
      %sub3A_496 = arith.subi %get3A_494, %sub3A_495 : vector<16xi32>
      %ge3A_497 = arith.constant 0 : i32
      %ge3A_498 = vector.broadcast %ge3A_497 : i32 to vector<16xi32>
      %ge3A_499 = arith.cmpi sge, %sub3A_496, %ge3A_498 : vector<16xi32>
      %lt3A_500 = arith.constant 5000 : i32
      %lt3A_501 = vector.broadcast %lt3A_500 : i32 to vector<16xi32>
      %lt3A_502 = arith.cmpi slt, %sub3A_496, %lt3A_501 : vector<16xi32>
      %and3A_503 = arith.andi %ge3A_499, %lt3A_502 : vector<16xi1>
      %jit3A_504 = arith.constant 5000 : i32
      %broadcast_in_dim3A_505 = vector.broadcast %jit3A_504 : i32 to vector<16xi32>
      %select_n3A_506 = arith.select %and3A_503, %sub3A_496, %broadcast_in_dim3A_505 : vector<16xi1>, vector<16xi32>
      %swap3A_507 = arith.constant 96 : index
      %swap3A_508 = tpu.vector_load %arg5[%swap3A_507] {strides = array<i32>} : memref<128xi32, #tpu.memory_space<vmem>>, vector<16xi32>,
      %swap3A_509 = vector.shape_cast %swap3A_508 : vector<16xi32> to vector<16xi32>
      %swap3A_510 = vector.shape_cast %select_n3A_506 : vector<16xi32> to vector<16xi32>
      tpu.vector_store %arg5[%swap3A_507], %swap3A_510 {strides = array<i32>} : memref<128xi32, #tpu.memory_space<vmem>>, vector<16xi32>,
      %get3A_511 = arith.constant 2 : i32
      %get3A_512 = arith.index_cast %get3A_511 : i32 to index
      %get3A_513 = arith.constant 112 : index
      %get3A_514 = tpu.vector_load %arg4[%get3A_512, %get3A_513] {strides = array<i32>} : memref<8x128xi32, #tpu.memory_space<vmem>>, vector<1x16xi32>,
      %get3A_515 = vector.shape_cast %get3A_514 : vector<1x16xi32> to vector<16xi32>
      %sub3A_516 = vector.broadcast %mul3A_0 : i32 to vector<16xi32>
      %sub3A_517 = arith.subi %get3A_515, %sub3A_516 : vector<16xi32>
      %ge3A_518 = arith.constant 0 : i32
      %ge3A_519 = vector.broadcast %ge3A_518 : i32 to vector<16xi32>
      %ge3A_520 = arith.cmpi sge, %sub3A_517, %ge3A_519 : vector<16xi32>
      %lt3A_521 = arith.constant 5000 : i32
      %lt3A_522 = vector.broadcast %lt3A_521 : i32 to vector<16xi32>
      %lt3A_523 = arith.cmpi slt, %sub3A_517, %lt3A_522 : vector<16xi32>
      %and3A_524 = arith.andi %ge3A_520, %lt3A_523 : vector<16xi1>
      %jit3A_525 = arith.constant 5000 : i32
      %broadcast_in_dim3A_526 = vector.broadcast %jit3A_525 : i32 to vector<16xi32>
      %select_n3A_527 = arith.select %and3A_524, %sub3A_517, %broadcast_in_dim3A_526 : vector<16xi1>, vector<16xi32>
      %swap3A_528 = arith.constant 112 : index
      %swap3A_529 = tpu.vector_load %arg5[%swap3A_528] {strides = array<i32>} : memref<128xi32, #tpu.memory_space<vmem>>, vector<16xi32>,
      %swap3A_530 = vector.shape_cast %swap3A_529 : vector<16xi32> to vector<16xi32>
      %swap3A_531 = vector.shape_cast %select_n3A_527 : vector<16xi32> to vector<16xi32>
      tpu.vector_store %arg5[%swap3A_528], %swap3A_531 {strides = array<i32>} : memref<128xi32, #tpu.memory_space<vmem>>, vector<16xi32>,
      "tpu.region"() ({
        %run_scoped3A = tpu.sem_alloc : memref<!tpu.dma_semaphore, #tpu.memory_space<semaphore_mem>>
        %dma_start3A = arith.constant 0 : i32
        %dma_start3A_1372 = arith.constant 0 : i32
        %dma_start3A_1373 = tpu.memref_slice %arg11[%dma_start3A, %dma_start3A_1372] : memref<5120x16xf32, #tpu.memory_space<vmem_shared>> -> memref<5120x16xf32, #tpu.memory_space<vmem_shared>>
        tpu.enqueue_indirect_dma source(%arg7 : memref<128x16xf32, #tpu.memory_space<vmem>>) target(%dma_start3A_1373 : memref<5120x16xf32, #tpu.memory_space<vmem_shared>>) offsets(%arg5 : memref<128xi32, #tpu.memory_space<vmem>>) semaphore(%run_scoped3A : memref<!tpu.dma_semaphore, #tpu.memory_space<semaphore_mem>>) {add = true}
        %dma_wait3A = arith.constant 0 : i32
        %dma_wait3A_1374 = arith.constant 0 : i32
        %dma_wait3A_1375 = tpu.memref_slice %arg11[%dma_wait3A, %dma_wait3A_1374] : memref<5120x16xf32, #tpu.memory_space<vmem_shared>> -> memref<5120x16xf32, #tpu.memory_space<vmem_shared>>
        tpu.wait_indirect_dma semaphore(%run_scoped3A : memref<!tpu.dma_semaphore, #tpu.memory_space<semaphore_mem>>) src(%arg7 : memref<128x16xf32, #tpu.memory_space<vmem>>) dst(%dma_wait3A_1375 : memref<5120x16xf32, #tpu.memory_space<vmem_shared>>)
        tpu.yield
      }) : () -> ()
      %get3A_532 = arith.constant 3 : i32
      %get3A_533 = arith.index_cast %get3A_532 : i32 to index
      %get3A_534 = arith.constant 0 : index
      %get3A_535 = tpu.vector_load %arg4[%get3A_533, %get3A_534] {strides = array<i32>} : memref<8x128xi32, #tpu.memory_space<vmem>>, vector<1x16xi32>,
      %get3A_536 = vector.shape_cast %get3A_535 : vector<1x16xi32> to vector<16xi32>
      %sub3A_537 = vector.broadcast %mul3A_0 : i32 to vector<16xi32>
      %sub3A_538 = arith.subi %get3A_536, %sub3A_537 : vector<16xi32>
      %ge3A_539 = arith.constant 0 : i32
      %ge3A_540 = vector.broadcast %ge3A_539 : i32 to vector<16xi32>
      %ge3A_541 = arith.cmpi sge, %sub3A_538, %ge3A_540 : vector<16xi32>
      %lt3A_542 = arith.constant 5000 : i32
      %lt3A_543 = vector.broadcast %lt3A_542 : i32 to vector<16xi32>
      %lt3A_544 = arith.cmpi slt, %sub3A_538, %lt3A_543 : vector<16xi32>
      %and3A_545 = arith.andi %ge3A_541, %lt3A_544 : vector<16xi1>
      %jit3A_546 = arith.constant 5000 : i32
      %broadcast_in_dim3A_547 = vector.broadcast %jit3A_546 : i32 to vector<16xi32>
      %select_n3A_548 = arith.select %and3A_545, %sub3A_538, %broadcast_in_dim3A_547 : vector<16xi1>, vector<16xi32>
      %swap3A_549 = arith.constant 0 : index
      %swap3A_550 = tpu.vector_load %arg5[%swap3A_549] {strides = array<i32>} : memref<128xi32, #tpu.memory_space<vmem>>, vector<16xi32>,
      %swap3A_551 = vector.shape_cast %swap3A_550 : vector<16xi32> to vector<16xi32>
      %swap3A_552 = vector.shape_cast %select_n3A_548 : vector<16xi32> to vector<16xi32>
      tpu.vector_store %arg5[%swap3A_549], %swap3A_552 {strides = array<i32>} : memref<128xi32, #tpu.memory_space<vmem>>, vector<16xi32>,
      %get3A_553 = arith.constant 3 : i32
      %get3A_554 = arith.index_cast %get3A_553 : i32 to index
      %get3A_555 = arith.constant 16 : index
      %get3A_556 = tpu.vector_load %arg4[%get3A_554, %get3A_555] {strides = array<i32>} : memref<8x128xi32, #tpu.memory_space<vmem>>, vector<1x16xi32>,
      %get3A_557 = vector.shape_cast %get3A_556 : vector<1x16xi32> to vector<16xi32>
      %sub3A_558 = vector.broadcast %mul3A_0 : i32 to vector<16xi32>
      %sub3A_559 = arith.subi %get3A_557, %sub3A_558 : vector<16xi32>
      %ge3A_560 = arith.constant 0 : i32
      %ge3A_561 = vector.broadcast %ge3A_560 : i32 to vector<16xi32>
      %ge3A_562 = arith.cmpi sge, %sub3A_559, %ge3A_561 : vector<16xi32>
      %lt3A_563 = arith.constant 5000 : i32
      %lt3A_564 = vector.broadcast %lt3A_563 : i32 to vector<16xi32>
      %lt3A_565 = arith.cmpi slt, %sub3A_559, %lt3A_564 : vector<16xi32>
      %and3A_566 = arith.andi %ge3A_562, %lt3A_565 : vector<16xi1>
      %jit3A_567 = arith.constant 5000 : i32
      %broadcast_in_dim3A_568 = vector.broadcast %jit3A_567 : i32 to vector<16xi32>
      %select_n3A_569 = arith.select %and3A_566, %sub3A_559, %broadcast_in_dim3A_568 : vector<16xi1>, vector<16xi32>
      %swap3A_570 = arith.constant 16 : index
      %swap3A_571 = tpu.vector_load %arg5[%swap3A_570] {strides = array<i32>} : memref<128xi32, #tpu.memory_space<vmem>>, vector<16xi32>,
      %swap3A_572 = vector.shape_cast %swap3A_571 : vector<16xi32> to vector<16xi32>
      %swap3A_573 = vector.shape_cast %select_n3A_569 : vector<16xi32> to vector<16xi32>
      tpu.vector_store %arg5[%swap3A_570], %swap3A_573 {strides = array<i32>} : memref<128xi32, #tpu.memory_space<vmem>>, vector<16xi32>,
      %get3A_574 = arith.constant 3 : i32
      %get3A_575 = arith.index_cast %get3A_574 : i32 to index
      %get3A_576 = arith.constant 32 : index
      %get3A_577 = tpu.vector_load %arg4[%get3A_575, %get3A_576] {strides = array<i32>} : memref<8x128xi32, #tpu.memory_space<vmem>>, vector<1x16xi32>,
      %get3A_578 = vector.shape_cast %get3A_577 : vector<1x16xi32> to vector<16xi32>
      %sub3A_579 = vector.broadcast %mul3A_0 : i32 to vector<16xi32>
      %sub3A_580 = arith.subi %get3A_578, %sub3A_579 : vector<16xi32>
      %ge3A_581 = arith.constant 0 : i32
      %ge3A_582 = vector.broadcast %ge3A_581 : i32 to vector<16xi32>
      %ge3A_583 = arith.cmpi sge, %sub3A_580, %ge3A_582 : vector<16xi32>
      %lt3A_584 = arith.constant 5000 : i32
      %lt3A_585 = vector.broadcast %lt3A_584 : i32 to vector<16xi32>
      %lt3A_586 = arith.cmpi slt, %sub3A_580, %lt3A_585 : vector<16xi32>
      %and3A_587 = arith.andi %ge3A_583, %lt3A_586 : vector<16xi1>
      %jit3A_588 = arith.constant 5000 : i32
      %broadcast_in_dim3A_589 = vector.broadcast %jit3A_588 : i32 to vector<16xi32>
      %select_n3A_590 = arith.select %and3A_587, %sub3A_580, %broadcast_in_dim3A_589 : vector<16xi1>, vector<16xi32>
      %swap3A_591 = arith.constant 32 : index
      %swap3A_592 = tpu.vector_load %arg5[%swap3A_591] {strides = array<i32>} : memref<128xi32, #tpu.memory_space<vmem>>, vector<16xi32>,
      %swap3A_593 = vector.shape_cast %swap3A_592 : vector<16xi32> to vector<16xi32>
      %swap3A_594 = vector.shape_cast %select_n3A_590 : vector<16xi32> to vector<16xi32>
      tpu.vector_store %arg5[%swap3A_591], %swap3A_594 {strides = array<i32>} : memref<128xi32, #tpu.memory_space<vmem>>, vector<16xi32>,
      %get3A_595 = arith.constant 3 : i32
      %get3A_596 = arith.index_cast %get3A_595 : i32 to index
      %get3A_597 = arith.constant 48 : index
      %get3A_598 = tpu.vector_load %arg4[%get3A_596, %get3A_597] {strides = array<i32>} : memref<8x128xi32, #tpu.memory_space<vmem>>, vector<1x16xi32>,
      %get3A_599 = vector.shape_cast %get3A_598 : vector<1x16xi32> to vector<16xi32>
      %sub3A_600 = vector.broadcast %mul3A_0 : i32 to vector<16xi32>
      %sub3A_601 = arith.subi %get3A_599, %sub3A_600 : vector<16xi32>
      %ge3A_602 = arith.constant 0 : i32
      %ge3A_603 = vector.broadcast %ge3A_602 : i32 to vector<16xi32>
      %ge3A_604 = arith.cmpi sge, %sub3A_601, %ge3A_603 : vector<16xi32>
      %lt3A_605 = arith.constant 5000 : i32
      %lt3A_606 = vector.broadcast %lt3A_605 : i32 to vector<16xi32>
      %lt3A_607 = arith.cmpi slt, %sub3A_601, %lt3A_606 : vector<16xi32>
      %and3A_608 = arith.andi %ge3A_604, %lt3A_607 : vector<16xi1>
      %jit3A_609 = arith.constant 5000 : i32
      %broadcast_in_dim3A_610 = vector.broadcast %jit3A_609 : i32 to vector<16xi32>
      %select_n3A_611 = arith.select %and3A_608, %sub3A_601, %broadcast_in_dim3A_610 : vector<16xi1>, vector<16xi32>
      %swap3A_612 = arith.constant 48 : index
      %swap3A_613 = tpu.vector_load %arg5[%swap3A_612] {strides = array<i32>} : memref<128xi32, #tpu.memory_space<vmem>>, vector<16xi32>,
      %swap3A_614 = vector.shape_cast %swap3A_613 : vector<16xi32> to vector<16xi32>
      %swap3A_615 = vector.shape_cast %select_n3A_611 : vector<16xi32> to vector<16xi32>
      tpu.vector_store %arg5[%swap3A_612], %swap3A_615 {strides = array<i32>} : memref<128xi32, #tpu.memory_space<vmem>>, vector<16xi32>,
      %get3A_616 = arith.constant 3 : i32
      %get3A_617 = arith.index_cast %get3A_616 : i32 to index
      %get3A_618 = arith.constant 64 : index
      %get3A_619 = tpu.vector_load %arg4[%get3A_617, %get3A_618] {strides = array<i32>} : memref<8x128xi32, #tpu.memory_space<vmem>>, vector<1x16xi32>,
      %get3A_620 = vector.shape_cast %get3A_619 : vector<1x16xi32> to vector<16xi32>
      %sub3A_621 = vector.broadcast %mul3A_0 : i32 to vector<16xi32>
      %sub3A_622 = arith.subi %get3A_620, %sub3A_621 : vector<16xi32>
      %ge3A_623 = arith.constant 0 : i32
      %ge3A_624 = vector.broadcast %ge3A_623 : i32 to vector<16xi32>
      %ge3A_625 = arith.cmpi sge, %sub3A_622, %ge3A_624 : vector<16xi32>
      %lt3A_626 = arith.constant 5000 : i32
      %lt3A_627 = vector.broadcast %lt3A_626 : i32 to vector<16xi32>
      %lt3A_628 = arith.cmpi slt, %sub3A_622, %lt3A_627 : vector<16xi32>
      %and3A_629 = arith.andi %ge3A_625, %lt3A_628 : vector<16xi1>
      %jit3A_630 = arith.constant 5000 : i32
      %broadcast_in_dim3A_631 = vector.broadcast %jit3A_630 : i32 to vector<16xi32>
      %select_n3A_632 = arith.select %and3A_629, %sub3A_622, %broadcast_in_dim3A_631 : vector<16xi1>, vector<16xi32>
      %swap3A_633 = arith.constant 64 : index
      %swap3A_634 = tpu.vector_load %arg5[%swap3A_633] {strides = array<i32>} : memref<128xi32, #tpu.memory_space<vmem>>, vector<16xi32>,
      %swap3A_635 = vector.shape_cast %swap3A_634 : vector<16xi32> to vector<16xi32>
      %swap3A_636 = vector.shape_cast %select_n3A_632 : vector<16xi32> to vector<16xi32>
      tpu.vector_store %arg5[%swap3A_633], %swap3A_636 {strides = array<i32>} : memref<128xi32, #tpu.memory_space<vmem>>, vector<16xi32>,
      %get3A_637 = arith.constant 3 : i32
      %get3A_638 = arith.index_cast %get3A_637 : i32 to index
      %get3A_639 = arith.constant 80 : index
      %get3A_640 = tpu.vector_load %arg4[%get3A_638, %get3A_639] {strides = array<i32>} : memref<8x128xi32, #tpu.memory_space<vmem>>, vector<1x16xi32>,
      %get3A_641 = vector.shape_cast %get3A_640 : vector<1x16xi32> to vector<16xi32>
      %sub3A_642 = vector.broadcast %mul3A_0 : i32 to vector<16xi32>
      %sub3A_643 = arith.subi %get3A_641, %sub3A_642 : vector<16xi32>
      %ge3A_644 = arith.constant 0 : i32
      %ge3A_645 = vector.broadcast %ge3A_644 : i32 to vector<16xi32>
      %ge3A_646 = arith.cmpi sge, %sub3A_643, %ge3A_645 : vector<16xi32>
      %lt3A_647 = arith.constant 5000 : i32
      %lt3A_648 = vector.broadcast %lt3A_647 : i32 to vector<16xi32>
      %lt3A_649 = arith.cmpi slt, %sub3A_643, %lt3A_648 : vector<16xi32>
      %and3A_650 = arith.andi %ge3A_646, %lt3A_649 : vector<16xi1>
      %jit3A_651 = arith.constant 5000 : i32
      %broadcast_in_dim3A_652 = vector.broadcast %jit3A_651 : i32 to vector<16xi32>
      %select_n3A_653 = arith.select %and3A_650, %sub3A_643, %broadcast_in_dim3A_652 : vector<16xi1>, vector<16xi32>
      %swap3A_654 = arith.constant 80 : index
      %swap3A_655 = tpu.vector_load %arg5[%swap3A_654] {strides = array<i32>} : memref<128xi32, #tpu.memory_space<vmem>>, vector<16xi32>,
      %swap3A_656 = vector.shape_cast %swap3A_655 : vector<16xi32> to vector<16xi32>
      %swap3A_657 = vector.shape_cast %select_n3A_653 : vector<16xi32> to vector<16xi32>
      tpu.vector_store %arg5[%swap3A_654], %swap3A_657 {strides = array<i32>} : memref<128xi32, #tpu.memory_space<vmem>>, vector<16xi32>,
      %get3A_658 = arith.constant 3 : i32
      %get3A_659 = arith.index_cast %get3A_658 : i32 to index
      %get3A_660 = arith.constant 96 : index
      %get3A_661 = tpu.vector_load %arg4[%get3A_659, %get3A_660] {strides = array<i32>} : memref<8x128xi32, #tpu.memory_space<vmem>>, vector<1x16xi32>,
      %get3A_662 = vector.shape_cast %get3A_661 : vector<1x16xi32> to vector<16xi32>
      %sub3A_663 = vector.broadcast %mul3A_0 : i32 to vector<16xi32>
      %sub3A_664 = arith.subi %get3A_662, %sub3A_663 : vector<16xi32>
      %ge3A_665 = arith.constant 0 : i32
      %ge3A_666 = vector.broadcast %ge3A_665 : i32 to vector<16xi32>
      %ge3A_667 = arith.cmpi sge, %sub3A_664, %ge3A_666 : vector<16xi32>
      %lt3A_668 = arith.constant 5000 : i32
      %lt3A_669 = vector.broadcast %lt3A_668 : i32 to vector<16xi32>
      %lt3A_670 = arith.cmpi slt, %sub3A_664, %lt3A_669 : vector<16xi32>
      %and3A_671 = arith.andi %ge3A_667, %lt3A_670 : vector<16xi1>
      %jit3A_672 = arith.constant 5000 : i32
      %broadcast_in_dim3A_673 = vector.broadcast %jit3A_672 : i32 to vector<16xi32>
      %select_n3A_674 = arith.select %and3A_671, %sub3A_664, %broadcast_in_dim3A_673 : vector<16xi1>, vector<16xi32>
      %swap3A_675 = arith.constant 96 : index
      %swap3A_676 = tpu.vector_load %arg5[%swap3A_675] {strides = array<i32>} : memref<128xi32, #tpu.memory_space<vmem>>, vector<16xi32>,
      %swap3A_677 = vector.shape_cast %swap3A_676 : vector<16xi32> to vector<16xi32>
      %swap3A_678 = vector.shape_cast %select_n3A_674 : vector<16xi32> to vector<16xi32>
      tpu.vector_store %arg5[%swap3A_675], %swap3A_678 {strides = array<i32>} : memref<128xi32, #tpu.memory_space<vmem>>, vector<16xi32>,
      %get3A_679 = arith.constant 3 : i32
      %get3A_680 = arith.index_cast %get3A_679 : i32 to index
      %get3A_681 = arith.constant 112 : index
      %get3A_682 = tpu.vector_load %arg4[%get3A_680, %get3A_681] {strides = array<i32>} : memref<8x128xi32, #tpu.memory_space<vmem>>, vector<1x16xi32>,
      %get3A_683 = vector.shape_cast %get3A_682 : vector<1x16xi32> to vector<16xi32>
      %sub3A_684 = vector.broadcast %mul3A_0 : i32 to vector<16xi32>
      %sub3A_685 = arith.subi %get3A_683, %sub3A_684 : vector<16xi32>
      %ge3A_686 = arith.constant 0 : i32
      %ge3A_687 = vector.broadcast %ge3A_686 : i32 to vector<16xi32>
      %ge3A_688 = arith.cmpi sge, %sub3A_685, %ge3A_687 : vector<16xi32>
      %lt3A_689 = arith.constant 5000 : i32
      %lt3A_690 = vector.broadcast %lt3A_689 : i32 to vector<16xi32>
      %lt3A_691 = arith.cmpi slt, %sub3A_685, %lt3A_690 : vector<16xi32>
      %and3A_692 = arith.andi %ge3A_688, %lt3A_691 : vector<16xi1>
      %jit3A_693 = arith.constant 5000 : i32
      %broadcast_in_dim3A_694 = vector.broadcast %jit3A_693 : i32 to vector<16xi32>
      %select_n3A_695 = arith.select %and3A_692, %sub3A_685, %broadcast_in_dim3A_694 : vector<16xi1>, vector<16xi32>
      %swap3A_696 = arith.constant 112 : index
      %swap3A_697 = tpu.vector_load %arg5[%swap3A_696] {strides = array<i32>} : memref<128xi32, #tpu.memory_space<vmem>>, vector<16xi32>,
      %swap3A_698 = vector.shape_cast %swap3A_697 : vector<16xi32> to vector<16xi32>
      %swap3A_699 = vector.shape_cast %select_n3A_695 : vector<16xi32> to vector<16xi32>
      tpu.vector_store %arg5[%swap3A_696], %swap3A_699 {strides = array<i32>} : memref<128xi32, #tpu.memory_space<vmem>>, vector<16xi32>,
      "tpu.region"() ({
        %run_scoped3A = tpu.sem_alloc : memref<!tpu.dma_semaphore, #tpu.memory_space<semaphore_mem>>
        %dma_start3A = arith.constant 0 : i32
        %dma_start3A_1372 = arith.constant 0 : i32
        %dma_start3A_1373 = tpu.memref_slice %arg11[%dma_start3A, %dma_start3A_1372] : memref<5120x16xf32, #tpu.memory_space<vmem_shared>> -> memref<5120x16xf32, #tpu.memory_space<vmem_shared>>
        tpu.enqueue_indirect_dma source(%arg7 : memref<128x16xf32, #tpu.memory_space<vmem>>) target(%dma_start3A_1373 : memref<5120x16xf32, #tpu.memory_space<vmem_shared>>) offsets(%arg5 : memref<128xi32, #tpu.memory_space<vmem>>) semaphore(%run_scoped3A : memref<!tpu.dma_semaphore, #tpu.memory_space<semaphore_mem>>) {add = true}
        %dma_wait3A = arith.constant 0 : i32
        %dma_wait3A_1374 = arith.constant 0 : i32
        %dma_wait3A_1375 = tpu.memref_slice %arg11[%dma_wait3A, %dma_wait3A_1374] : memref<5120x16xf32, #tpu.memory_space<vmem_shared>> -> memref<5120x16xf32, #tpu.memory_space<vmem_shared>>
        tpu.wait_indirect_dma semaphore(%run_scoped3A : memref<!tpu.dma_semaphore, #tpu.memory_space<semaphore_mem>>) src(%arg7 : memref<128x16xf32, #tpu.memory_space<vmem>>) dst(%dma_wait3A_1375 : memref<5120x16xf32, #tpu.memory_space<vmem_shared>>)
        tpu.yield
      }) : () -> ()
      %get3A_700 = arith.constant 4 : i32
      %get3A_701 = arith.index_cast %get3A_700 : i32 to index
      %get3A_702 = arith.constant 0 : index
      %get3A_703 = tpu.vector_load %arg4[%get3A_701, %get3A_702] {strides = array<i32>} : memref<8x128xi32, #tpu.memory_space<vmem>>, vector<1x16xi32>,
      %get3A_704 = vector.shape_cast %get3A_703 : vector<1x16xi32> to vector<16xi32>
      %sub3A_705 = vector.broadcast %mul3A_0 : i32 to vector<16xi32>
      %sub3A_706 = arith.subi %get3A_704, %sub3A_705 : vector<16xi32>
      %ge3A_707 = arith.constant 0 : i32
      %ge3A_708 = vector.broadcast %ge3A_707 : i32 to vector<16xi32>
      %ge3A_709 = arith.cmpi sge, %sub3A_706, %ge3A_708 : vector<16xi32>
      %lt3A_710 = arith.constant 5000 : i32
      %lt3A_711 = vector.broadcast %lt3A_710 : i32 to vector<16xi32>
      %lt3A_712 = arith.cmpi slt, %sub3A_706, %lt3A_711 : vector<16xi32>
      %and3A_713 = arith.andi %ge3A_709, %lt3A_712 : vector<16xi1>
      %jit3A_714 = arith.constant 5000 : i32
      %broadcast_in_dim3A_715 = vector.broadcast %jit3A_714 : i32 to vector<16xi32>
      %select_n3A_716 = arith.select %and3A_713, %sub3A_706, %broadcast_in_dim3A_715 : vector<16xi1>, vector<16xi32>
      %swap3A_717 = arith.constant 0 : index
      %swap3A_718 = tpu.vector_load %arg5[%swap3A_717] {strides = array<i32>} : memref<128xi32, #tpu.memory_space<vmem>>, vector<16xi32>,
      %swap3A_719 = vector.shape_cast %swap3A_718 : vector<16xi32> to vector<16xi32>
      %swap3A_720 = vector.shape_cast %select_n3A_716 : vector<16xi32> to vector<16xi32>
      tpu.vector_store %arg5[%swap3A_717], %swap3A_720 {strides = array<i32>} : memref<128xi32, #tpu.memory_space<vmem>>, vector<16xi32>,
      %get3A_721 = arith.constant 4 : i32
      %get3A_722 = arith.index_cast %get3A_721 : i32 to index
      %get3A_723 = arith.constant 16 : index
      %get3A_724 = tpu.vector_load %arg4[%get3A_722, %get3A_723] {strides = array<i32>} : memref<8x128xi32, #tpu.memory_space<vmem>>, vector<1x16xi32>,
      %get3A_725 = vector.shape_cast %get3A_724 : vector<1x16xi32> to vector<16xi32>
      %sub3A_726 = vector.broadcast %mul3A_0 : i32 to vector<16xi32>
      %sub3A_727 = arith.subi %get3A_725, %sub3A_726 : vector<16xi32>
      %ge3A_728 = arith.constant 0 : i32
      %ge3A_729 = vector.broadcast %ge3A_728 : i32 to vector<16xi32>
      %ge3A_730 = arith.cmpi sge, %sub3A_727, %ge3A_729 : vector<16xi32>
      %lt3A_731 = arith.constant 5000 : i32
      %lt3A_732 = vector.broadcast %lt3A_731 : i32 to vector<16xi32>
      %lt3A_733 = arith.cmpi slt, %sub3A_727, %lt3A_732 : vector<16xi32>
      %and3A_734 = arith.andi %ge3A_730, %lt3A_733 : vector<16xi1>
      %jit3A_735 = arith.constant 5000 : i32
      %broadcast_in_dim3A_736 = vector.broadcast %jit3A_735 : i32 to vector<16xi32>
      %select_n3A_737 = arith.select %and3A_734, %sub3A_727, %broadcast_in_dim3A_736 : vector<16xi1>, vector<16xi32>
      %swap3A_738 = arith.constant 16 : index
      %swap3A_739 = tpu.vector_load %arg5[%swap3A_738] {strides = array<i32>} : memref<128xi32, #tpu.memory_space<vmem>>, vector<16xi32>,
      %swap3A_740 = vector.shape_cast %swap3A_739 : vector<16xi32> to vector<16xi32>
      %swap3A_741 = vector.shape_cast %select_n3A_737 : vector<16xi32> to vector<16xi32>
      tpu.vector_store %arg5[%swap3A_738], %swap3A_741 {strides = array<i32>} : memref<128xi32, #tpu.memory_space<vmem>>, vector<16xi32>,
      %get3A_742 = arith.constant 4 : i32
      %get3A_743 = arith.index_cast %get3A_742 : i32 to index
      %get3A_744 = arith.constant 32 : index
      %get3A_745 = tpu.vector_load %arg4[%get3A_743, %get3A_744] {strides = array<i32>} : memref<8x128xi32, #tpu.memory_space<vmem>>, vector<1x16xi32>,
      %get3A_746 = vector.shape_cast %get3A_745 : vector<1x16xi32> to vector<16xi32>
      %sub3A_747 = vector.broadcast %mul3A_0 : i32 to vector<16xi32>
      %sub3A_748 = arith.subi %get3A_746, %sub3A_747 : vector<16xi32>
      %ge3A_749 = arith.constant 0 : i32
      %ge3A_750 = vector.broadcast %ge3A_749 : i32 to vector<16xi32>
      %ge3A_751 = arith.cmpi sge, %sub3A_748, %ge3A_750 : vector<16xi32>
      %lt3A_752 = arith.constant 5000 : i32
      %lt3A_753 = vector.broadcast %lt3A_752 : i32 to vector<16xi32>
      %lt3A_754 = arith.cmpi slt, %sub3A_748, %lt3A_753 : vector<16xi32>
      %and3A_755 = arith.andi %ge3A_751, %lt3A_754 : vector<16xi1>
      %jit3A_756 = arith.constant 5000 : i32
      %broadcast_in_dim3A_757 = vector.broadcast %jit3A_756 : i32 to vector<16xi32>
      %select_n3A_758 = arith.select %and3A_755, %sub3A_748, %broadcast_in_dim3A_757 : vector<16xi1>, vector<16xi32>
      %swap3A_759 = arith.constant 32 : index
      %swap3A_760 = tpu.vector_load %arg5[%swap3A_759] {strides = array<i32>} : memref<128xi32, #tpu.memory_space<vmem>>, vector<16xi32>,
      %swap3A_761 = vector.shape_cast %swap3A_760 : vector<16xi32> to vector<16xi32>
      %swap3A_762 = vector.shape_cast %select_n3A_758 : vector<16xi32> to vector<16xi32>
      tpu.vector_store %arg5[%swap3A_759], %swap3A_762 {strides = array<i32>} : memref<128xi32, #tpu.memory_space<vmem>>, vector<16xi32>,
      %get3A_763 = arith.constant 4 : i32
      %get3A_764 = arith.index_cast %get3A_763 : i32 to index
      %get3A_765 = arith.constant 48 : index
      %get3A_766 = tpu.vector_load %arg4[%get3A_764, %get3A_765] {strides = array<i32>} : memref<8x128xi32, #tpu.memory_space<vmem>>, vector<1x16xi32>,
      %get3A_767 = vector.shape_cast %get3A_766 : vector<1x16xi32> to vector<16xi32>
      %sub3A_768 = vector.broadcast %mul3A_0 : i32 to vector<16xi32>
      %sub3A_769 = arith.subi %get3A_767, %sub3A_768 : vector<16xi32>
      %ge3A_770 = arith.constant 0 : i32
      %ge3A_771 = vector.broadcast %ge3A_770 : i32 to vector<16xi32>
      %ge3A_772 = arith.cmpi sge, %sub3A_769, %ge3A_771 : vector<16xi32>
      %lt3A_773 = arith.constant 5000 : i32
      %lt3A_774 = vector.broadcast %lt3A_773 : i32 to vector<16xi32>
      %lt3A_775 = arith.cmpi slt, %sub3A_769, %lt3A_774 : vector<16xi32>
      %and3A_776 = arith.andi %ge3A_772, %lt3A_775 : vector<16xi1>
      %jit3A_777 = arith.constant 5000 : i32
      %broadcast_in_dim3A_778 = vector.broadcast %jit3A_777 : i32 to vector<16xi32>
      %select_n3A_779 = arith.select %and3A_776, %sub3A_769, %broadcast_in_dim3A_778 : vector<16xi1>, vector<16xi32>
      %swap3A_780 = arith.constant 48 : index
      %swap3A_781 = tpu.vector_load %arg5[%swap3A_780] {strides = array<i32>} : memref<128xi32, #tpu.memory_space<vmem>>, vector<16xi32>,
      %swap3A_782 = vector.shape_cast %swap3A_781 : vector<16xi32> to vector<16xi32>
      %swap3A_783 = vector.shape_cast %select_n3A_779 : vector<16xi32> to vector<16xi32>
      tpu.vector_store %arg5[%swap3A_780], %swap3A_783 {strides = array<i32>} : memref<128xi32, #tpu.memory_space<vmem>>, vector<16xi32>,
      %get3A_784 = arith.constant 4 : i32
      %get3A_785 = arith.index_cast %get3A_784 : i32 to index
      %get3A_786 = arith.constant 64 : index
      %get3A_787 = tpu.vector_load %arg4[%get3A_785, %get3A_786] {strides = array<i32>} : memref<8x128xi32, #tpu.memory_space<vmem>>, vector<1x16xi32>,
      %get3A_788 = vector.shape_cast %get3A_787 : vector<1x16xi32> to vector<16xi32>
      %sub3A_789 = vector.broadcast %mul3A_0 : i32 to vector<16xi32>
      %sub3A_790 = arith.subi %get3A_788, %sub3A_789 : vector<16xi32>
      %ge3A_791 = arith.constant 0 : i32
      %ge3A_792 = vector.broadcast %ge3A_791 : i32 to vector<16xi32>
      %ge3A_793 = arith.cmpi sge, %sub3A_790, %ge3A_792 : vector<16xi32>
      %lt3A_794 = arith.constant 5000 : i32
      %lt3A_795 = vector.broadcast %lt3A_794 : i32 to vector<16xi32>
      %lt3A_796 = arith.cmpi slt, %sub3A_790, %lt3A_795 : vector<16xi32>
      %and3A_797 = arith.andi %ge3A_793, %lt3A_796 : vector<16xi1>
      %jit3A_798 = arith.constant 5000 : i32
      %broadcast_in_dim3A_799 = vector.broadcast %jit3A_798 : i32 to vector<16xi32>
      %select_n3A_800 = arith.select %and3A_797, %sub3A_790, %broadcast_in_dim3A_799 : vector<16xi1>, vector<16xi32>
      %swap3A_801 = arith.constant 64 : index
      %swap3A_802 = tpu.vector_load %arg5[%swap3A_801] {strides = array<i32>} : memref<128xi32, #tpu.memory_space<vmem>>, vector<16xi32>,
      %swap3A_803 = vector.shape_cast %swap3A_802 : vector<16xi32> to vector<16xi32>
      %swap3A_804 = vector.shape_cast %select_n3A_800 : vector<16xi32> to vector<16xi32>
      tpu.vector_store %arg5[%swap3A_801], %swap3A_804 {strides = array<i32>} : memref<128xi32, #tpu.memory_space<vmem>>, vector<16xi32>,
      %get3A_805 = arith.constant 4 : i32
      %get3A_806 = arith.index_cast %get3A_805 : i32 to index
      %get3A_807 = arith.constant 80 : index
      %get3A_808 = tpu.vector_load %arg4[%get3A_806, %get3A_807] {strides = array<i32>} : memref<8x128xi32, #tpu.memory_space<vmem>>, vector<1x16xi32>,
      %get3A_809 = vector.shape_cast %get3A_808 : vector<1x16xi32> to vector<16xi32>
      %sub3A_810 = vector.broadcast %mul3A_0 : i32 to vector<16xi32>
      %sub3A_811 = arith.subi %get3A_809, %sub3A_810 : vector<16xi32>
      %ge3A_812 = arith.constant 0 : i32
      %ge3A_813 = vector.broadcast %ge3A_812 : i32 to vector<16xi32>
      %ge3A_814 = arith.cmpi sge, %sub3A_811, %ge3A_813 : vector<16xi32>
      %lt3A_815 = arith.constant 5000 : i32
      %lt3A_816 = vector.broadcast %lt3A_815 : i32 to vector<16xi32>
      %lt3A_817 = arith.cmpi slt, %sub3A_811, %lt3A_816 : vector<16xi32>
      %and3A_818 = arith.andi %ge3A_814, %lt3A_817 : vector<16xi1>
      %jit3A_819 = arith.constant 5000 : i32
      %broadcast_in_dim3A_820 = vector.broadcast %jit3A_819 : i32 to vector<16xi32>
      %select_n3A_821 = arith.select %and3A_818, %sub3A_811, %broadcast_in_dim3A_820 : vector<16xi1>, vector<16xi32>
      %swap3A_822 = arith.constant 80 : index
      %swap3A_823 = tpu.vector_load %arg5[%swap3A_822] {strides = array<i32>} : memref<128xi32, #tpu.memory_space<vmem>>, vector<16xi32>,
      %swap3A_824 = vector.shape_cast %swap3A_823 : vector<16xi32> to vector<16xi32>
      %swap3A_825 = vector.shape_cast %select_n3A_821 : vector<16xi32> to vector<16xi32>
      tpu.vector_store %arg5[%swap3A_822], %swap3A_825 {strides = array<i32>} : memref<128xi32, #tpu.memory_space<vmem>>, vector<16xi32>,
      %get3A_826 = arith.constant 4 : i32
      %get3A_827 = arith.index_cast %get3A_826 : i32 to index
      %get3A_828 = arith.constant 96 : index
      %get3A_829 = tpu.vector_load %arg4[%get3A_827, %get3A_828] {strides = array<i32>} : memref<8x128xi32, #tpu.memory_space<vmem>>, vector<1x16xi32>,
      %get3A_830 = vector.shape_cast %get3A_829 : vector<1x16xi32> to vector<16xi32>
      %sub3A_831 = vector.broadcast %mul3A_0 : i32 to vector<16xi32>
      %sub3A_832 = arith.subi %get3A_830, %sub3A_831 : vector<16xi32>
      %ge3A_833 = arith.constant 0 : i32
      %ge3A_834 = vector.broadcast %ge3A_833 : i32 to vector<16xi32>
      %ge3A_835 = arith.cmpi sge, %sub3A_832, %ge3A_834 : vector<16xi32>
      %lt3A_836 = arith.constant 5000 : i32
      %lt3A_837 = vector.broadcast %lt3A_836 : i32 to vector<16xi32>
      %lt3A_838 = arith.cmpi slt, %sub3A_832, %lt3A_837 : vector<16xi32>
      %and3A_839 = arith.andi %ge3A_835, %lt3A_838 : vector<16xi1>
      %jit3A_840 = arith.constant 5000 : i32
      %broadcast_in_dim3A_841 = vector.broadcast %jit3A_840 : i32 to vector<16xi32>
      %select_n3A_842 = arith.select %and3A_839, %sub3A_832, %broadcast_in_dim3A_841 : vector<16xi1>, vector<16xi32>
      %swap3A_843 = arith.constant 96 : index
      %swap3A_844 = tpu.vector_load %arg5[%swap3A_843] {strides = array<i32>} : memref<128xi32, #tpu.memory_space<vmem>>, vector<16xi32>,
      %swap3A_845 = vector.shape_cast %swap3A_844 : vector<16xi32> to vector<16xi32>
      %swap3A_846 = vector.shape_cast %select_n3A_842 : vector<16xi32> to vector<16xi32>
      tpu.vector_store %arg5[%swap3A_843], %swap3A_846 {strides = array<i32>} : memref<128xi32, #tpu.memory_space<vmem>>, vector<16xi32>,
      %get3A_847 = arith.constant 4 : i32
      %get3A_848 = arith.index_cast %get3A_847 : i32 to index
      %get3A_849 = arith.constant 112 : index
      %get3A_850 = tpu.vector_load %arg4[%get3A_848, %get3A_849] {strides = array<i32>} : memref<8x128xi32, #tpu.memory_space<vmem>>, vector<1x16xi32>,
      %get3A_851 = vector.shape_cast %get3A_850 : vector<1x16xi32> to vector<16xi32>
      %sub3A_852 = vector.broadcast %mul3A_0 : i32 to vector<16xi32>
      %sub3A_853 = arith.subi %get3A_851, %sub3A_852 : vector<16xi32>
      %ge3A_854 = arith.constant 0 : i32
      %ge3A_855 = vector.broadcast %ge3A_854 : i32 to vector<16xi32>
      %ge3A_856 = arith.cmpi sge, %sub3A_853, %ge3A_855 : vector<16xi32>
      %lt3A_857 = arith.constant 5000 : i32
      %lt3A_858 = vector.broadcast %lt3A_857 : i32 to vector<16xi32>
      %lt3A_859 = arith.cmpi slt, %sub3A_853, %lt3A_858 : vector<16xi32>
      %and3A_860 = arith.andi %ge3A_856, %lt3A_859 : vector<16xi1>
      %jit3A_861 = arith.constant 5000 : i32
      %broadcast_in_dim3A_862 = vector.broadcast %jit3A_861 : i32 to vector<16xi32>
      %select_n3A_863 = arith.select %and3A_860, %sub3A_853, %broadcast_in_dim3A_862 : vector<16xi1>, vector<16xi32>
      %swap3A_864 = arith.constant 112 : index
      %swap3A_865 = tpu.vector_load %arg5[%swap3A_864] {strides = array<i32>} : memref<128xi32, #tpu.memory_space<vmem>>, vector<16xi32>,
      %swap3A_866 = vector.shape_cast %swap3A_865 : vector<16xi32> to vector<16xi32>
      %swap3A_867 = vector.shape_cast %select_n3A_863 : vector<16xi32> to vector<16xi32>
      tpu.vector_store %arg5[%swap3A_864], %swap3A_867 {strides = array<i32>} : memref<128xi32, #tpu.memory_space<vmem>>, vector<16xi32>,
      "tpu.region"() ({
        %run_scoped3A = tpu.sem_alloc : memref<!tpu.dma_semaphore, #tpu.memory_space<semaphore_mem>>
        %dma_start3A = arith.constant 0 : i32
        %dma_start3A_1372 = arith.constant 0 : i32
        %dma_start3A_1373 = tpu.memref_slice %arg11[%dma_start3A, %dma_start3A_1372] : memref<5120x16xf32, #tpu.memory_space<vmem_shared>> -> memref<5120x16xf32, #tpu.memory_space<vmem_shared>>
        tpu.enqueue_indirect_dma source(%arg7 : memref<128x16xf32, #tpu.memory_space<vmem>>) target(%dma_start3A_1373 : memref<5120x16xf32, #tpu.memory_space<vmem_shared>>) offsets(%arg5 : memref<128xi32, #tpu.memory_space<vmem>>) semaphore(%run_scoped3A : memref<!tpu.dma_semaphore, #tpu.memory_space<semaphore_mem>>) {add = true}
        %dma_wait3A = arith.constant 0 : i32
        %dma_wait3A_1374 = arith.constant 0 : i32
        %dma_wait3A_1375 = tpu.memref_slice %arg11[%dma_wait3A, %dma_wait3A_1374] : memref<5120x16xf32, #tpu.memory_space<vmem_shared>> -> memref<5120x16xf32, #tpu.memory_space<vmem_shared>>
        tpu.wait_indirect_dma semaphore(%run_scoped3A : memref<!tpu.dma_semaphore, #tpu.memory_space<semaphore_mem>>) src(%arg7 : memref<128x16xf32, #tpu.memory_space<vmem>>) dst(%dma_wait3A_1375 : memref<5120x16xf32, #tpu.memory_space<vmem_shared>>)
        tpu.yield
      }) : () -> ()
      %get3A_868 = arith.constant 5 : i32
      %get3A_869 = arith.index_cast %get3A_868 : i32 to index
      %get3A_870 = arith.constant 0 : index
      %get3A_871 = tpu.vector_load %arg4[%get3A_869, %get3A_870] {strides = array<i32>} : memref<8x128xi32, #tpu.memory_space<vmem>>, vector<1x16xi32>,
      %get3A_872 = vector.shape_cast %get3A_871 : vector<1x16xi32> to vector<16xi32>
      %sub3A_873 = vector.broadcast %mul3A_0 : i32 to vector<16xi32>
      %sub3A_874 = arith.subi %get3A_872, %sub3A_873 : vector<16xi32>
      %ge3A_875 = arith.constant 0 : i32
      %ge3A_876 = vector.broadcast %ge3A_875 : i32 to vector<16xi32>
      %ge3A_877 = arith.cmpi sge, %sub3A_874, %ge3A_876 : vector<16xi32>
      %lt3A_878 = arith.constant 5000 : i32
      %lt3A_879 = vector.broadcast %lt3A_878 : i32 to vector<16xi32>
      %lt3A_880 = arith.cmpi slt, %sub3A_874, %lt3A_879 : vector<16xi32>
      %and3A_881 = arith.andi %ge3A_877, %lt3A_880 : vector<16xi1>
      %jit3A_882 = arith.constant 5000 : i32
      %broadcast_in_dim3A_883 = vector.broadcast %jit3A_882 : i32 to vector<16xi32>
      %select_n3A_884 = arith.select %and3A_881, %sub3A_874, %broadcast_in_dim3A_883 : vector<16xi1>, vector<16xi32>
      %swap3A_885 = arith.constant 0 : index
      %swap3A_886 = tpu.vector_load %arg5[%swap3A_885] {strides = array<i32>} : memref<128xi32, #tpu.memory_space<vmem>>, vector<16xi32>,
      %swap3A_887 = vector.shape_cast %swap3A_886 : vector<16xi32> to vector<16xi32>
      %swap3A_888 = vector.shape_cast %select_n3A_884 : vector<16xi32> to vector<16xi32>
      tpu.vector_store %arg5[%swap3A_885], %swap3A_888 {strides = array<i32>} : memref<128xi32, #tpu.memory_space<vmem>>, vector<16xi32>,
      %get3A_889 = arith.constant 5 : i32
      %get3A_890 = arith.index_cast %get3A_889 : i32 to index
      %get3A_891 = arith.constant 16 : index
      %get3A_892 = tpu.vector_load %arg4[%get3A_890, %get3A_891] {strides = array<i32>} : memref<8x128xi32, #tpu.memory_space<vmem>>, vector<1x16xi32>,
      %get3A_893 = vector.shape_cast %get3A_892 : vector<1x16xi32> to vector<16xi32>
      %sub3A_894 = vector.broadcast %mul3A_0 : i32 to vector<16xi32>
      %sub3A_895 = arith.subi %get3A_893, %sub3A_894 : vector<16xi32>
      %ge3A_896 = arith.constant 0 : i32
      %ge3A_897 = vector.broadcast %ge3A_896 : i32 to vector<16xi32>
      %ge3A_898 = arith.cmpi sge, %sub3A_895, %ge3A_897 : vector<16xi32>
      %lt3A_899 = arith.constant 5000 : i32
      %lt3A_900 = vector.broadcast %lt3A_899 : i32 to vector<16xi32>
      %lt3A_901 = arith.cmpi slt, %sub3A_895, %lt3A_900 : vector<16xi32>
      %and3A_902 = arith.andi %ge3A_898, %lt3A_901 : vector<16xi1>
      %jit3A_903 = arith.constant 5000 : i32
      %broadcast_in_dim3A_904 = vector.broadcast %jit3A_903 : i32 to vector<16xi32>
      %select_n3A_905 = arith.select %and3A_902, %sub3A_895, %broadcast_in_dim3A_904 : vector<16xi1>, vector<16xi32>
      %swap3A_906 = arith.constant 16 : index
      %swap3A_907 = tpu.vector_load %arg5[%swap3A_906] {strides = array<i32>} : memref<128xi32, #tpu.memory_space<vmem>>, vector<16xi32>,
      %swap3A_908 = vector.shape_cast %swap3A_907 : vector<16xi32> to vector<16xi32>
      %swap3A_909 = vector.shape_cast %select_n3A_905 : vector<16xi32> to vector<16xi32>
      tpu.vector_store %arg5[%swap3A_906], %swap3A_909 {strides = array<i32>} : memref<128xi32, #tpu.memory_space<vmem>>, vector<16xi32>,
      %get3A_910 = arith.constant 5 : i32
      %get3A_911 = arith.index_cast %get3A_910 : i32 to index
      %get3A_912 = arith.constant 32 : index
      %get3A_913 = tpu.vector_load %arg4[%get3A_911, %get3A_912] {strides = array<i32>} : memref<8x128xi32, #tpu.memory_space<vmem>>, vector<1x16xi32>,
      %get3A_914 = vector.shape_cast %get3A_913 : vector<1x16xi32> to vector<16xi32>
      %sub3A_915 = vector.broadcast %mul3A_0 : i32 to vector<16xi32>
      %sub3A_916 = arith.subi %get3A_914, %sub3A_915 : vector<16xi32>
      %ge3A_917 = arith.constant 0 : i32
      %ge3A_918 = vector.broadcast %ge3A_917 : i32 to vector<16xi32>
      %ge3A_919 = arith.cmpi sge, %sub3A_916, %ge3A_918 : vector<16xi32>
      %lt3A_920 = arith.constant 5000 : i32
      %lt3A_921 = vector.broadcast %lt3A_920 : i32 to vector<16xi32>
      %lt3A_922 = arith.cmpi slt, %sub3A_916, %lt3A_921 : vector<16xi32>
      %and3A_923 = arith.andi %ge3A_919, %lt3A_922 : vector<16xi1>
      %jit3A_924 = arith.constant 5000 : i32
      %broadcast_in_dim3A_925 = vector.broadcast %jit3A_924 : i32 to vector<16xi32>
      %select_n3A_926 = arith.select %and3A_923, %sub3A_916, %broadcast_in_dim3A_925 : vector<16xi1>, vector<16xi32>
      %swap3A_927 = arith.constant 32 : index
      %swap3A_928 = tpu.vector_load %arg5[%swap3A_927] {strides = array<i32>} : memref<128xi32, #tpu.memory_space<vmem>>, vector<16xi32>,
      %swap3A_929 = vector.shape_cast %swap3A_928 : vector<16xi32> to vector<16xi32>
      %swap3A_930 = vector.shape_cast %select_n3A_926 : vector<16xi32> to vector<16xi32>
      tpu.vector_store %arg5[%swap3A_927], %swap3A_930 {strides = array<i32>} : memref<128xi32, #tpu.memory_space<vmem>>, vector<16xi32>,
      %get3A_931 = arith.constant 5 : i32
      %get3A_932 = arith.index_cast %get3A_931 : i32 to index
      %get3A_933 = arith.constant 48 : index
      %get3A_934 = tpu.vector_load %arg4[%get3A_932, %get3A_933] {strides = array<i32>} : memref<8x128xi32, #tpu.memory_space<vmem>>, vector<1x16xi32>,
      %get3A_935 = vector.shape_cast %get3A_934 : vector<1x16xi32> to vector<16xi32>
      %sub3A_936 = vector.broadcast %mul3A_0 : i32 to vector<16xi32>
      %sub3A_937 = arith.subi %get3A_935, %sub3A_936 : vector<16xi32>
      %ge3A_938 = arith.constant 0 : i32
      %ge3A_939 = vector.broadcast %ge3A_938 : i32 to vector<16xi32>
      %ge3A_940 = arith.cmpi sge, %sub3A_937, %ge3A_939 : vector<16xi32>
      %lt3A_941 = arith.constant 5000 : i32
      %lt3A_942 = vector.broadcast %lt3A_941 : i32 to vector<16xi32>
      %lt3A_943 = arith.cmpi slt, %sub3A_937, %lt3A_942 : vector<16xi32>
      %and3A_944 = arith.andi %ge3A_940, %lt3A_943 : vector<16xi1>
      %jit3A_945 = arith.constant 5000 : i32
      %broadcast_in_dim3A_946 = vector.broadcast %jit3A_945 : i32 to vector<16xi32>
      %select_n3A_947 = arith.select %and3A_944, %sub3A_937, %broadcast_in_dim3A_946 : vector<16xi1>, vector<16xi32>
      %swap3A_948 = arith.constant 48 : index
      %swap3A_949 = tpu.vector_load %arg5[%swap3A_948] {strides = array<i32>} : memref<128xi32, #tpu.memory_space<vmem>>, vector<16xi32>,
      %swap3A_950 = vector.shape_cast %swap3A_949 : vector<16xi32> to vector<16xi32>
      %swap3A_951 = vector.shape_cast %select_n3A_947 : vector<16xi32> to vector<16xi32>
      tpu.vector_store %arg5[%swap3A_948], %swap3A_951 {strides = array<i32>} : memref<128xi32, #tpu.memory_space<vmem>>, vector<16xi32>,
      %get3A_952 = arith.constant 5 : i32
      %get3A_953 = arith.index_cast %get3A_952 : i32 to index
      %get3A_954 = arith.constant 64 : index
      %get3A_955 = tpu.vector_load %arg4[%get3A_953, %get3A_954] {strides = array<i32>} : memref<8x128xi32, #tpu.memory_space<vmem>>, vector<1x16xi32>,
      %get3A_956 = vector.shape_cast %get3A_955 : vector<1x16xi32> to vector<16xi32>
      %sub3A_957 = vector.broadcast %mul3A_0 : i32 to vector<16xi32>
      %sub3A_958 = arith.subi %get3A_956, %sub3A_957 : vector<16xi32>
      %ge3A_959 = arith.constant 0 : i32
      %ge3A_960 = vector.broadcast %ge3A_959 : i32 to vector<16xi32>
      %ge3A_961 = arith.cmpi sge, %sub3A_958, %ge3A_960 : vector<16xi32>
      %lt3A_962 = arith.constant 5000 : i32
      %lt3A_963 = vector.broadcast %lt3A_962 : i32 to vector<16xi32>
      %lt3A_964 = arith.cmpi slt, %sub3A_958, %lt3A_963 : vector<16xi32>
      %and3A_965 = arith.andi %ge3A_961, %lt3A_964 : vector<16xi1>
      %jit3A_966 = arith.constant 5000 : i32
      %broadcast_in_dim3A_967 = vector.broadcast %jit3A_966 : i32 to vector<16xi32>
      %select_n3A_968 = arith.select %and3A_965, %sub3A_958, %broadcast_in_dim3A_967 : vector<16xi1>, vector<16xi32>
      %swap3A_969 = arith.constant 64 : index
      %swap3A_970 = tpu.vector_load %arg5[%swap3A_969] {strides = array<i32>} : memref<128xi32, #tpu.memory_space<vmem>>, vector<16xi32>,
      %swap3A_971 = vector.shape_cast %swap3A_970 : vector<16xi32> to vector<16xi32>
      %swap3A_972 = vector.shape_cast %select_n3A_968 : vector<16xi32> to vector<16xi32>
      tpu.vector_store %arg5[%swap3A_969], %swap3A_972 {strides = array<i32>} : memref<128xi32, #tpu.memory_space<vmem>>, vector<16xi32>,
      %get3A_973 = arith.constant 5 : i32
      %get3A_974 = arith.index_cast %get3A_973 : i32 to index
      %get3A_975 = arith.constant 80 : index
      %get3A_976 = tpu.vector_load %arg4[%get3A_974, %get3A_975] {strides = array<i32>} : memref<8x128xi32, #tpu.memory_space<vmem>>, vector<1x16xi32>,
      %get3A_977 = vector.shape_cast %get3A_976 : vector<1x16xi32> to vector<16xi32>
      %sub3A_978 = vector.broadcast %mul3A_0 : i32 to vector<16xi32>
      %sub3A_979 = arith.subi %get3A_977, %sub3A_978 : vector<16xi32>
      %ge3A_980 = arith.constant 0 : i32
      %ge3A_981 = vector.broadcast %ge3A_980 : i32 to vector<16xi32>
      %ge3A_982 = arith.cmpi sge, %sub3A_979, %ge3A_981 : vector<16xi32>
      %lt3A_983 = arith.constant 5000 : i32
      %lt3A_984 = vector.broadcast %lt3A_983 : i32 to vector<16xi32>
      %lt3A_985 = arith.cmpi slt, %sub3A_979, %lt3A_984 : vector<16xi32>
      %and3A_986 = arith.andi %ge3A_982, %lt3A_985 : vector<16xi1>
      %jit3A_987 = arith.constant 5000 : i32
      %broadcast_in_dim3A_988 = vector.broadcast %jit3A_987 : i32 to vector<16xi32>
      %select_n3A_989 = arith.select %and3A_986, %sub3A_979, %broadcast_in_dim3A_988 : vector<16xi1>, vector<16xi32>
      %swap3A_990 = arith.constant 80 : index
      %swap3A_991 = tpu.vector_load %arg5[%swap3A_990] {strides = array<i32>} : memref<128xi32, #tpu.memory_space<vmem>>, vector<16xi32>,
      %swap3A_992 = vector.shape_cast %swap3A_991 : vector<16xi32> to vector<16xi32>
      %swap3A_993 = vector.shape_cast %select_n3A_989 : vector<16xi32> to vector<16xi32>
      tpu.vector_store %arg5[%swap3A_990], %swap3A_993 {strides = array<i32>} : memref<128xi32, #tpu.memory_space<vmem>>, vector<16xi32>,
      %get3A_994 = arith.constant 5 : i32
      %get3A_995 = arith.index_cast %get3A_994 : i32 to index
      %get3A_996 = arith.constant 96 : index
      %get3A_997 = tpu.vector_load %arg4[%get3A_995, %get3A_996] {strides = array<i32>} : memref<8x128xi32, #tpu.memory_space<vmem>>, vector<1x16xi32>,
      %get3A_998 = vector.shape_cast %get3A_997 : vector<1x16xi32> to vector<16xi32>
      %sub3A_999 = vector.broadcast %mul3A_0 : i32 to vector<16xi32>
      %sub3A_1000 = arith.subi %get3A_998, %sub3A_999 : vector<16xi32>
      %ge3A_1001 = arith.constant 0 : i32
      %ge3A_1002 = vector.broadcast %ge3A_1001 : i32 to vector<16xi32>
      %ge3A_1003 = arith.cmpi sge, %sub3A_1000, %ge3A_1002 : vector<16xi32>
      %lt3A_1004 = arith.constant 5000 : i32
      %lt3A_1005 = vector.broadcast %lt3A_1004 : i32 to vector<16xi32>
      %lt3A_1006 = arith.cmpi slt, %sub3A_1000, %lt3A_1005 : vector<16xi32>
      %and3A_1007 = arith.andi %ge3A_1003, %lt3A_1006 : vector<16xi1>
      %jit3A_1008 = arith.constant 5000 : i32
      %broadcast_in_dim3A_1009 = vector.broadcast %jit3A_1008 : i32 to vector<16xi32>
      %select_n3A_1010 = arith.select %and3A_1007, %sub3A_1000, %broadcast_in_dim3A_1009 : vector<16xi1>, vector<16xi32>
      %swap3A_1011 = arith.constant 96 : index
      %swap3A_1012 = tpu.vector_load %arg5[%swap3A_1011] {strides = array<i32>} : memref<128xi32, #tpu.memory_space<vmem>>, vector<16xi32>,
      %swap3A_1013 = vector.shape_cast %swap3A_1012 : vector<16xi32> to vector<16xi32>
      %swap3A_1014 = vector.shape_cast %select_n3A_1010 : vector<16xi32> to vector<16xi32>
      tpu.vector_store %arg5[%swap3A_1011], %swap3A_1014 {strides = array<i32>} : memref<128xi32, #tpu.memory_space<vmem>>, vector<16xi32>,
      %get3A_1015 = arith.constant 5 : i32
      %get3A_1016 = arith.index_cast %get3A_1015 : i32 to index
      %get3A_1017 = arith.constant 112 : index
      %get3A_1018 = tpu.vector_load %arg4[%get3A_1016, %get3A_1017] {strides = array<i32>} : memref<8x128xi32, #tpu.memory_space<vmem>>, vector<1x16xi32>,
      %get3A_1019 = vector.shape_cast %get3A_1018 : vector<1x16xi32> to vector<16xi32>
      %sub3A_1020 = vector.broadcast %mul3A_0 : i32 to vector<16xi32>
      %sub3A_1021 = arith.subi %get3A_1019, %sub3A_1020 : vector<16xi32>
      %ge3A_1022 = arith.constant 0 : i32
      %ge3A_1023 = vector.broadcast %ge3A_1022 : i32 to vector<16xi32>
      %ge3A_1024 = arith.cmpi sge, %sub3A_1021, %ge3A_1023 : vector<16xi32>
      %lt3A_1025 = arith.constant 5000 : i32
      %lt3A_1026 = vector.broadcast %lt3A_1025 : i32 to vector<16xi32>
      %lt3A_1027 = arith.cmpi slt, %sub3A_1021, %lt3A_1026 : vector<16xi32>
      %and3A_1028 = arith.andi %ge3A_1024, %lt3A_1027 : vector<16xi1>
      %jit3A_1029 = arith.constant 5000 : i32
      %broadcast_in_dim3A_1030 = vector.broadcast %jit3A_1029 : i32 to vector<16xi32>
      %select_n3A_1031 = arith.select %and3A_1028, %sub3A_1021, %broadcast_in_dim3A_1030 : vector<16xi1>, vector<16xi32>
      %swap3A_1032 = arith.constant 112 : index
      %swap3A_1033 = tpu.vector_load %arg5[%swap3A_1032] {strides = array<i32>} : memref<128xi32, #tpu.memory_space<vmem>>, vector<16xi32>,
      %swap3A_1034 = vector.shape_cast %swap3A_1033 : vector<16xi32> to vector<16xi32>
      %swap3A_1035 = vector.shape_cast %select_n3A_1031 : vector<16xi32> to vector<16xi32>
      tpu.vector_store %arg5[%swap3A_1032], %swap3A_1035 {strides = array<i32>} : memref<128xi32, #tpu.memory_space<vmem>>, vector<16xi32>,
      "tpu.region"() ({
        %run_scoped3A = tpu.sem_alloc : memref<!tpu.dma_semaphore, #tpu.memory_space<semaphore_mem>>
        %dma_start3A = arith.constant 0 : i32
        %dma_start3A_1372 = arith.constant 0 : i32
        %dma_start3A_1373 = tpu.memref_slice %arg11[%dma_start3A, %dma_start3A_1372] : memref<5120x16xf32, #tpu.memory_space<vmem_shared>> -> memref<5120x16xf32, #tpu.memory_space<vmem_shared>>
        tpu.enqueue_indirect_dma source(%arg7 : memref<128x16xf32, #tpu.memory_space<vmem>>) target(%dma_start3A_1373 : memref<5120x16xf32, #tpu.memory_space<vmem_shared>>) offsets(%arg5 : memref<128xi32, #tpu.memory_space<vmem>>) semaphore(%run_scoped3A : memref<!tpu.dma_semaphore, #tpu.memory_space<semaphore_mem>>) {add = true}
        %dma_wait3A = arith.constant 0 : i32
        %dma_wait3A_1374 = arith.constant 0 : i32
        %dma_wait3A_1375 = tpu.memref_slice %arg11[%dma_wait3A, %dma_wait3A_1374] : memref<5120x16xf32, #tpu.memory_space<vmem_shared>> -> memref<5120x16xf32, #tpu.memory_space<vmem_shared>>
        tpu.wait_indirect_dma semaphore(%run_scoped3A : memref<!tpu.dma_semaphore, #tpu.memory_space<semaphore_mem>>) src(%arg7 : memref<128x16xf32, #tpu.memory_space<vmem>>) dst(%dma_wait3A_1375 : memref<5120x16xf32, #tpu.memory_space<vmem_shared>>)
        tpu.yield
      }) : () -> ()
      %get3A_1036 = arith.constant 6 : i32
      %get3A_1037 = arith.index_cast %get3A_1036 : i32 to index
      %get3A_1038 = arith.constant 0 : index
      %get3A_1039 = tpu.vector_load %arg4[%get3A_1037, %get3A_1038] {strides = array<i32>} : memref<8x128xi32, #tpu.memory_space<vmem>>, vector<1x16xi32>,
      %get3A_1040 = vector.shape_cast %get3A_1039 : vector<1x16xi32> to vector<16xi32>
      %sub3A_1041 = vector.broadcast %mul3A_0 : i32 to vector<16xi32>
      %sub3A_1042 = arith.subi %get3A_1040, %sub3A_1041 : vector<16xi32>
      %ge3A_1043 = arith.constant 0 : i32
      %ge3A_1044 = vector.broadcast %ge3A_1043 : i32 to vector<16xi32>
      %ge3A_1045 = arith.cmpi sge, %sub3A_1042, %ge3A_1044 : vector<16xi32>
      %lt3A_1046 = arith.constant 5000 : i32
      %lt3A_1047 = vector.broadcast %lt3A_1046 : i32 to vector<16xi32>
      %lt3A_1048 = arith.cmpi slt, %sub3A_1042, %lt3A_1047 : vector<16xi32>
      %and3A_1049 = arith.andi %ge3A_1045, %lt3A_1048 : vector<16xi1>
      %jit3A_1050 = arith.constant 5000 : i32
      %broadcast_in_dim3A_1051 = vector.broadcast %jit3A_1050 : i32 to vector<16xi32>
      %select_n3A_1052 = arith.select %and3A_1049, %sub3A_1042, %broadcast_in_dim3A_1051 : vector<16xi1>, vector<16xi32>
      %swap3A_1053 = arith.constant 0 : index
      %swap3A_1054 = tpu.vector_load %arg5[%swap3A_1053] {strides = array<i32>} : memref<128xi32, #tpu.memory_space<vmem>>, vector<16xi32>,
      %swap3A_1055 = vector.shape_cast %swap3A_1054 : vector<16xi32> to vector<16xi32>
      %swap3A_1056 = vector.shape_cast %select_n3A_1052 : vector<16xi32> to vector<16xi32>
      tpu.vector_store %arg5[%swap3A_1053], %swap3A_1056 {strides = array<i32>} : memref<128xi32, #tpu.memory_space<vmem>>, vector<16xi32>,
      %get3A_1057 = arith.constant 6 : i32
      %get3A_1058 = arith.index_cast %get3A_1057 : i32 to index
      %get3A_1059 = arith.constant 16 : index
      %get3A_1060 = tpu.vector_load %arg4[%get3A_1058, %get3A_1059] {strides = array<i32>} : memref<8x128xi32, #tpu.memory_space<vmem>>, vector<1x16xi32>,
      %get3A_1061 = vector.shape_cast %get3A_1060 : vector<1x16xi32> to vector<16xi32>
      %sub3A_1062 = vector.broadcast %mul3A_0 : i32 to vector<16xi32>
      %sub3A_1063 = arith.subi %get3A_1061, %sub3A_1062 : vector<16xi32>
      %ge3A_1064 = arith.constant 0 : i32
      %ge3A_1065 = vector.broadcast %ge3A_1064 : i32 to vector<16xi32>
      %ge3A_1066 = arith.cmpi sge, %sub3A_1063, %ge3A_1065 : vector<16xi32>
      %lt3A_1067 = arith.constant 5000 : i32
      %lt3A_1068 = vector.broadcast %lt3A_1067 : i32 to vector<16xi32>
      %lt3A_1069 = arith.cmpi slt, %sub3A_1063, %lt3A_1068 : vector<16xi32>
      %and3A_1070 = arith.andi %ge3A_1066, %lt3A_1069 : vector<16xi1>
      %jit3A_1071 = arith.constant 5000 : i32
      %broadcast_in_dim3A_1072 = vector.broadcast %jit3A_1071 : i32 to vector<16xi32>
      %select_n3A_1073 = arith.select %and3A_1070, %sub3A_1063, %broadcast_in_dim3A_1072 : vector<16xi1>, vector<16xi32>
      %swap3A_1074 = arith.constant 16 : index
      %swap3A_1075 = tpu.vector_load %arg5[%swap3A_1074] {strides = array<i32>} : memref<128xi32, #tpu.memory_space<vmem>>, vector<16xi32>,
      %swap3A_1076 = vector.shape_cast %swap3A_1075 : vector<16xi32> to vector<16xi32>
      %swap3A_1077 = vector.shape_cast %select_n3A_1073 : vector<16xi32> to vector<16xi32>
      tpu.vector_store %arg5[%swap3A_1074], %swap3A_1077 {strides = array<i32>} : memref<128xi32, #tpu.memory_space<vmem>>, vector<16xi32>,
      %get3A_1078 = arith.constant 6 : i32
      %get3A_1079 = arith.index_cast %get3A_1078 : i32 to index
      %get3A_1080 = arith.constant 32 : index
      %get3A_1081 = tpu.vector_load %arg4[%get3A_1079, %get3A_1080] {strides = array<i32>} : memref<8x128xi32, #tpu.memory_space<vmem>>, vector<1x16xi32>,
      %get3A_1082 = vector.shape_cast %get3A_1081 : vector<1x16xi32> to vector<16xi32>
      %sub3A_1083 = vector.broadcast %mul3A_0 : i32 to vector<16xi32>
      %sub3A_1084 = arith.subi %get3A_1082, %sub3A_1083 : vector<16xi32>
      %ge3A_1085 = arith.constant 0 : i32
      %ge3A_1086 = vector.broadcast %ge3A_1085 : i32 to vector<16xi32>
      %ge3A_1087 = arith.cmpi sge, %sub3A_1084, %ge3A_1086 : vector<16xi32>
      %lt3A_1088 = arith.constant 5000 : i32
      %lt3A_1089 = vector.broadcast %lt3A_1088 : i32 to vector<16xi32>
      %lt3A_1090 = arith.cmpi slt, %sub3A_1084, %lt3A_1089 : vector<16xi32>
      %and3A_1091 = arith.andi %ge3A_1087, %lt3A_1090 : vector<16xi1>
      %jit3A_1092 = arith.constant 5000 : i32
      %broadcast_in_dim3A_1093 = vector.broadcast %jit3A_1092 : i32 to vector<16xi32>
      %select_n3A_1094 = arith.select %and3A_1091, %sub3A_1084, %broadcast_in_dim3A_1093 : vector<16xi1>, vector<16xi32>
      %swap3A_1095 = arith.constant 32 : index
      %swap3A_1096 = tpu.vector_load %arg5[%swap3A_1095] {strides = array<i32>} : memref<128xi32, #tpu.memory_space<vmem>>, vector<16xi32>,
      %swap3A_1097 = vector.shape_cast %swap3A_1096 : vector<16xi32> to vector<16xi32>
      %swap3A_1098 = vector.shape_cast %select_n3A_1094 : vector<16xi32> to vector<16xi32>
      tpu.vector_store %arg5[%swap3A_1095], %swap3A_1098 {strides = array<i32>} : memref<128xi32, #tpu.memory_space<vmem>>, vector<16xi32>,
      %get3A_1099 = arith.constant 6 : i32
      %get3A_1100 = arith.index_cast %get3A_1099 : i32 to index
      %get3A_1101 = arith.constant 48 : index
      %get3A_1102 = tpu.vector_load %arg4[%get3A_1100, %get3A_1101] {strides = array<i32>} : memref<8x128xi32, #tpu.memory_space<vmem>>, vector<1x16xi32>,
      %get3A_1103 = vector.shape_cast %get3A_1102 : vector<1x16xi32> to vector<16xi32>
      %sub3A_1104 = vector.broadcast %mul3A_0 : i32 to vector<16xi32>
      %sub3A_1105 = arith.subi %get3A_1103, %sub3A_1104 : vector<16xi32>
      %ge3A_1106 = arith.constant 0 : i32
      %ge3A_1107 = vector.broadcast %ge3A_1106 : i32 to vector<16xi32>
      %ge3A_1108 = arith.cmpi sge, %sub3A_1105, %ge3A_1107 : vector<16xi32>
      %lt3A_1109 = arith.constant 5000 : i32
      %lt3A_1110 = vector.broadcast %lt3A_1109 : i32 to vector<16xi32>
      %lt3A_1111 = arith.cmpi slt, %sub3A_1105, %lt3A_1110 : vector<16xi32>
      %and3A_1112 = arith.andi %ge3A_1108, %lt3A_1111 : vector<16xi1>
      %jit3A_1113 = arith.constant 5000 : i32
      %broadcast_in_dim3A_1114 = vector.broadcast %jit3A_1113 : i32 to vector<16xi32>
      %select_n3A_1115 = arith.select %and3A_1112, %sub3A_1105, %broadcast_in_dim3A_1114 : vector<16xi1>, vector<16xi32>
      %swap3A_1116 = arith.constant 48 : index
      %swap3A_1117 = tpu.vector_load %arg5[%swap3A_1116] {strides = array<i32>} : memref<128xi32, #tpu.memory_space<vmem>>, vector<16xi32>,
      %swap3A_1118 = vector.shape_cast %swap3A_1117 : vector<16xi32> to vector<16xi32>
      %swap3A_1119 = vector.shape_cast %select_n3A_1115 : vector<16xi32> to vector<16xi32>
      tpu.vector_store %arg5[%swap3A_1116], %swap3A_1119 {strides = array<i32>} : memref<128xi32, #tpu.memory_space<vmem>>, vector<16xi32>,
      %get3A_1120 = arith.constant 6 : i32
      %get3A_1121 = arith.index_cast %get3A_1120 : i32 to index
      %get3A_1122 = arith.constant 64 : index
      %get3A_1123 = tpu.vector_load %arg4[%get3A_1121, %get3A_1122] {strides = array<i32>} : memref<8x128xi32, #tpu.memory_space<vmem>>, vector<1x16xi32>,
      %get3A_1124 = vector.shape_cast %get3A_1123 : vector<1x16xi32> to vector<16xi32>
      %sub3A_1125 = vector.broadcast %mul3A_0 : i32 to vector<16xi32>
      %sub3A_1126 = arith.subi %get3A_1124, %sub3A_1125 : vector<16xi32>
      %ge3A_1127 = arith.constant 0 : i32
      %ge3A_1128 = vector.broadcast %ge3A_1127 : i32 to vector<16xi32>
      %ge3A_1129 = arith.cmpi sge, %sub3A_1126, %ge3A_1128 : vector<16xi32>
      %lt3A_1130 = arith.constant 5000 : i32
      %lt3A_1131 = vector.broadcast %lt3A_1130 : i32 to vector<16xi32>
      %lt3A_1132 = arith.cmpi slt, %sub3A_1126, %lt3A_1131 : vector<16xi32>
      %and3A_1133 = arith.andi %ge3A_1129, %lt3A_1132 : vector<16xi1>
      %jit3A_1134 = arith.constant 5000 : i32
      %broadcast_in_dim3A_1135 = vector.broadcast %jit3A_1134 : i32 to vector<16xi32>
      %select_n3A_1136 = arith.select %and3A_1133, %sub3A_1126, %broadcast_in_dim3A_1135 : vector<16xi1>, vector<16xi32>
      %swap3A_1137 = arith.constant 64 : index
      %swap3A_1138 = tpu.vector_load %arg5[%swap3A_1137] {strides = array<i32>} : memref<128xi32, #tpu.memory_space<vmem>>, vector<16xi32>,
      %swap3A_1139 = vector.shape_cast %swap3A_1138 : vector<16xi32> to vector<16xi32>
      %swap3A_1140 = vector.shape_cast %select_n3A_1136 : vector<16xi32> to vector<16xi32>
      tpu.vector_store %arg5[%swap3A_1137], %swap3A_1140 {strides = array<i32>} : memref<128xi32, #tpu.memory_space<vmem>>, vector<16xi32>,
      %get3A_1141 = arith.constant 6 : i32
      %get3A_1142 = arith.index_cast %get3A_1141 : i32 to index
      %get3A_1143 = arith.constant 80 : index
      %get3A_1144 = tpu.vector_load %arg4[%get3A_1142, %get3A_1143] {strides = array<i32>} : memref<8x128xi32, #tpu.memory_space<vmem>>, vector<1x16xi32>,
      %get3A_1145 = vector.shape_cast %get3A_1144 : vector<1x16xi32> to vector<16xi32>
      %sub3A_1146 = vector.broadcast %mul3A_0 : i32 to vector<16xi32>
      %sub3A_1147 = arith.subi %get3A_1145, %sub3A_1146 : vector<16xi32>
      %ge3A_1148 = arith.constant 0 : i32
      %ge3A_1149 = vector.broadcast %ge3A_1148 : i32 to vector<16xi32>
      %ge3A_1150 = arith.cmpi sge, %sub3A_1147, %ge3A_1149 : vector<16xi32>
      %lt3A_1151 = arith.constant 5000 : i32
      %lt3A_1152 = vector.broadcast %lt3A_1151 : i32 to vector<16xi32>
      %lt3A_1153 = arith.cmpi slt, %sub3A_1147, %lt3A_1152 : vector<16xi32>
      %and3A_1154 = arith.andi %ge3A_1150, %lt3A_1153 : vector<16xi1>
      %jit3A_1155 = arith.constant 5000 : i32
      %broadcast_in_dim3A_1156 = vector.broadcast %jit3A_1155 : i32 to vector<16xi32>
      %select_n3A_1157 = arith.select %and3A_1154, %sub3A_1147, %broadcast_in_dim3A_1156 : vector<16xi1>, vector<16xi32>
      %swap3A_1158 = arith.constant 80 : index
      %swap3A_1159 = tpu.vector_load %arg5[%swap3A_1158] {strides = array<i32>} : memref<128xi32, #tpu.memory_space<vmem>>, vector<16xi32>,
      %swap3A_1160 = vector.shape_cast %swap3A_1159 : vector<16xi32> to vector<16xi32>
      %swap3A_1161 = vector.shape_cast %select_n3A_1157 : vector<16xi32> to vector<16xi32>
      tpu.vector_store %arg5[%swap3A_1158], %swap3A_1161 {strides = array<i32>} : memref<128xi32, #tpu.memory_space<vmem>>, vector<16xi32>,
      %get3A_1162 = arith.constant 6 : i32
      %get3A_1163 = arith.index_cast %get3A_1162 : i32 to index
      %get3A_1164 = arith.constant 96 : index
      %get3A_1165 = tpu.vector_load %arg4[%get3A_1163, %get3A_1164] {strides = array<i32>} : memref<8x128xi32, #tpu.memory_space<vmem>>, vector<1x16xi32>,
      %get3A_1166 = vector.shape_cast %get3A_1165 : vector<1x16xi32> to vector<16xi32>
      %sub3A_1167 = vector.broadcast %mul3A_0 : i32 to vector<16xi32>
      %sub3A_1168 = arith.subi %get3A_1166, %sub3A_1167 : vector<16xi32>
      %ge3A_1169 = arith.constant 0 : i32
      %ge3A_1170 = vector.broadcast %ge3A_1169 : i32 to vector<16xi32>
      %ge3A_1171 = arith.cmpi sge, %sub3A_1168, %ge3A_1170 : vector<16xi32>
      %lt3A_1172 = arith.constant 5000 : i32
      %lt3A_1173 = vector.broadcast %lt3A_1172 : i32 to vector<16xi32>
      %lt3A_1174 = arith.cmpi slt, %sub3A_1168, %lt3A_1173 : vector<16xi32>
      %and3A_1175 = arith.andi %ge3A_1171, %lt3A_1174 : vector<16xi1>
      %jit3A_1176 = arith.constant 5000 : i32
      %broadcast_in_dim3A_1177 = vector.broadcast %jit3A_1176 : i32 to vector<16xi32>
      %select_n3A_1178 = arith.select %and3A_1175, %sub3A_1168, %broadcast_in_dim3A_1177 : vector<16xi1>, vector<16xi32>
      %swap3A_1179 = arith.constant 96 : index
      %swap3A_1180 = tpu.vector_load %arg5[%swap3A_1179] {strides = array<i32>} : memref<128xi32, #tpu.memory_space<vmem>>, vector<16xi32>,
      %swap3A_1181 = vector.shape_cast %swap3A_1180 : vector<16xi32> to vector<16xi32>
      %swap3A_1182 = vector.shape_cast %select_n3A_1178 : vector<16xi32> to vector<16xi32>
      tpu.vector_store %arg5[%swap3A_1179], %swap3A_1182 {strides = array<i32>} : memref<128xi32, #tpu.memory_space<vmem>>, vector<16xi32>,
      %get3A_1183 = arith.constant 6 : i32
      %get3A_1184 = arith.index_cast %get3A_1183 : i32 to index
      %get3A_1185 = arith.constant 112 : index
      %get3A_1186 = tpu.vector_load %arg4[%get3A_1184, %get3A_1185] {strides = array<i32>} : memref<8x128xi32, #tpu.memory_space<vmem>>, vector<1x16xi32>,
      %get3A_1187 = vector.shape_cast %get3A_1186 : vector<1x16xi32> to vector<16xi32>
      %sub3A_1188 = vector.broadcast %mul3A_0 : i32 to vector<16xi32>
      %sub3A_1189 = arith.subi %get3A_1187, %sub3A_1188 : vector<16xi32>
      %ge3A_1190 = arith.constant 0 : i32
      %ge3A_1191 = vector.broadcast %ge3A_1190 : i32 to vector<16xi32>
      %ge3A_1192 = arith.cmpi sge, %sub3A_1189, %ge3A_1191 : vector<16xi32>
      %lt3A_1193 = arith.constant 5000 : i32
      %lt3A_1194 = vector.broadcast %lt3A_1193 : i32 to vector<16xi32>
      %lt3A_1195 = arith.cmpi slt, %sub3A_1189, %lt3A_1194 : vector<16xi32>
      %and3A_1196 = arith.andi %ge3A_1192, %lt3A_1195 : vector<16xi1>
      %jit3A_1197 = arith.constant 5000 : i32
      %broadcast_in_dim3A_1198 = vector.broadcast %jit3A_1197 : i32 to vector<16xi32>
      %select_n3A_1199 = arith.select %and3A_1196, %sub3A_1189, %broadcast_in_dim3A_1198 : vector<16xi1>, vector<16xi32>
      %swap3A_1200 = arith.constant 112 : index
      %swap3A_1201 = tpu.vector_load %arg5[%swap3A_1200] {strides = array<i32>} : memref<128xi32, #tpu.memory_space<vmem>>, vector<16xi32>,
      %swap3A_1202 = vector.shape_cast %swap3A_1201 : vector<16xi32> to vector<16xi32>
      %swap3A_1203 = vector.shape_cast %select_n3A_1199 : vector<16xi32> to vector<16xi32>
      tpu.vector_store %arg5[%swap3A_1200], %swap3A_1203 {strides = array<i32>} : memref<128xi32, #tpu.memory_space<vmem>>, vector<16xi32>,
      "tpu.region"() ({
        %run_scoped3A = tpu.sem_alloc : memref<!tpu.dma_semaphore, #tpu.memory_space<semaphore_mem>>
        %dma_start3A = arith.constant 0 : i32
        %dma_start3A_1372 = arith.constant 0 : i32
        %dma_start3A_1373 = tpu.memref_slice %arg11[%dma_start3A, %dma_start3A_1372] : memref<5120x16xf32, #tpu.memory_space<vmem_shared>> -> memref<5120x16xf32, #tpu.memory_space<vmem_shared>>
        tpu.enqueue_indirect_dma source(%arg7 : memref<128x16xf32, #tpu.memory_space<vmem>>) target(%dma_start3A_1373 : memref<5120x16xf32, #tpu.memory_space<vmem_shared>>) offsets(%arg5 : memref<128xi32, #tpu.memory_space<vmem>>) semaphore(%run_scoped3A : memref<!tpu.dma_semaphore, #tpu.memory_space<semaphore_mem>>) {add = true}
        %dma_wait3A = arith.constant 0 : i32
        %dma_wait3A_1374 = arith.constant 0 : i32
        %dma_wait3A_1375 = tpu.memref_slice %arg11[%dma_wait3A, %dma_wait3A_1374] : memref<5120x16xf32, #tpu.memory_space<vmem_shared>> -> memref<5120x16xf32, #tpu.memory_space<vmem_shared>>
        tpu.wait_indirect_dma semaphore(%run_scoped3A : memref<!tpu.dma_semaphore, #tpu.memory_space<semaphore_mem>>) src(%arg7 : memref<128x16xf32, #tpu.memory_space<vmem>>) dst(%dma_wait3A_1375 : memref<5120x16xf32, #tpu.memory_space<vmem_shared>>)
        tpu.yield
      }) : () -> ()
      %get3A_1204 = arith.constant 7 : i32
      %get3A_1205 = arith.index_cast %get3A_1204 : i32 to index
      %get3A_1206 = arith.constant 0 : index
      %get3A_1207 = tpu.vector_load %arg4[%get3A_1205, %get3A_1206] {strides = array<i32>} : memref<8x128xi32, #tpu.memory_space<vmem>>, vector<1x16xi32>,
      %get3A_1208 = vector.shape_cast %get3A_1207 : vector<1x16xi32> to vector<16xi32>
      %sub3A_1209 = vector.broadcast %mul3A_0 : i32 to vector<16xi32>
      %sub3A_1210 = arith.subi %get3A_1208, %sub3A_1209 : vector<16xi32>
      %ge3A_1211 = arith.constant 0 : i32
      %ge3A_1212 = vector.broadcast %ge3A_1211 : i32 to vector<16xi32>
      %ge3A_1213 = arith.cmpi sge, %sub3A_1210, %ge3A_1212 : vector<16xi32>
      %lt3A_1214 = arith.constant 5000 : i32
      %lt3A_1215 = vector.broadcast %lt3A_1214 : i32 to vector<16xi32>
      %lt3A_1216 = arith.cmpi slt, %sub3A_1210, %lt3A_1215 : vector<16xi32>
      %and3A_1217 = arith.andi %ge3A_1213, %lt3A_1216 : vector<16xi1>
      %jit3A_1218 = arith.constant 5000 : i32
      %broadcast_in_dim3A_1219 = vector.broadcast %jit3A_1218 : i32 to vector<16xi32>
      %select_n3A_1220 = arith.select %and3A_1217, %sub3A_1210, %broadcast_in_dim3A_1219 : vector<16xi1>, vector<16xi32>
      %swap3A_1221 = arith.constant 0 : index
      %swap3A_1222 = tpu.vector_load %arg5[%swap3A_1221] {strides = array<i32>} : memref<128xi32, #tpu.memory_space<vmem>>, vector<16xi32>,
      %swap3A_1223 = vector.shape_cast %swap3A_1222 : vector<16xi32> to vector<16xi32>
      %swap3A_1224 = vector.shape_cast %select_n3A_1220 : vector<16xi32> to vector<16xi32>
      tpu.vector_store %arg5[%swap3A_1221], %swap3A_1224 {strides = array<i32>} : memref<128xi32, #tpu.memory_space<vmem>>, vector<16xi32>,
      %get3A_1225 = arith.constant 7 : i32
      %get3A_1226 = arith.index_cast %get3A_1225 : i32 to index
      %get3A_1227 = arith.constant 16 : index
      %get3A_1228 = tpu.vector_load %arg4[%get3A_1226, %get3A_1227] {strides = array<i32>} : memref<8x128xi32, #tpu.memory_space<vmem>>, vector<1x16xi32>,
      %get3A_1229 = vector.shape_cast %get3A_1228 : vector<1x16xi32> to vector<16xi32>
      %sub3A_1230 = vector.broadcast %mul3A_0 : i32 to vector<16xi32>
      %sub3A_1231 = arith.subi %get3A_1229, %sub3A_1230 : vector<16xi32>
      %ge3A_1232 = arith.constant 0 : i32
      %ge3A_1233 = vector.broadcast %ge3A_1232 : i32 to vector<16xi32>
      %ge3A_1234 = arith.cmpi sge, %sub3A_1231, %ge3A_1233 : vector<16xi32>
      %lt3A_1235 = arith.constant 5000 : i32
      %lt3A_1236 = vector.broadcast %lt3A_1235 : i32 to vector<16xi32>
      %lt3A_1237 = arith.cmpi slt, %sub3A_1231, %lt3A_1236 : vector<16xi32>
      %and3A_1238 = arith.andi %ge3A_1234, %lt3A_1237 : vector<16xi1>
      %jit3A_1239 = arith.constant 5000 : i32
      %broadcast_in_dim3A_1240 = vector.broadcast %jit3A_1239 : i32 to vector<16xi32>
      %select_n3A_1241 = arith.select %and3A_1238, %sub3A_1231, %broadcast_in_dim3A_1240 : vector<16xi1>, vector<16xi32>
      %swap3A_1242 = arith.constant 16 : index
      %swap3A_1243 = tpu.vector_load %arg5[%swap3A_1242] {strides = array<i32>} : memref<128xi32, #tpu.memory_space<vmem>>, vector<16xi32>,
      %swap3A_1244 = vector.shape_cast %swap3A_1243 : vector<16xi32> to vector<16xi32>
      %swap3A_1245 = vector.shape_cast %select_n3A_1241 : vector<16xi32> to vector<16xi32>
      tpu.vector_store %arg5[%swap3A_1242], %swap3A_1245 {strides = array<i32>} : memref<128xi32, #tpu.memory_space<vmem>>, vector<16xi32>,
      %get3A_1246 = arith.constant 7 : i32
      %get3A_1247 = arith.index_cast %get3A_1246 : i32 to index
      %get3A_1248 = arith.constant 32 : index
      %get3A_1249 = tpu.vector_load %arg4[%get3A_1247, %get3A_1248] {strides = array<i32>} : memref<8x128xi32, #tpu.memory_space<vmem>>, vector<1x16xi32>,
      %get3A_1250 = vector.shape_cast %get3A_1249 : vector<1x16xi32> to vector<16xi32>
      %sub3A_1251 = vector.broadcast %mul3A_0 : i32 to vector<16xi32>
      %sub3A_1252 = arith.subi %get3A_1250, %sub3A_1251 : vector<16xi32>
      %ge3A_1253 = arith.constant 0 : i32
      %ge3A_1254 = vector.broadcast %ge3A_1253 : i32 to vector<16xi32>
      %ge3A_1255 = arith.cmpi sge, %sub3A_1252, %ge3A_1254 : vector<16xi32>
      %lt3A_1256 = arith.constant 5000 : i32
      %lt3A_1257 = vector.broadcast %lt3A_1256 : i32 to vector<16xi32>
      %lt3A_1258 = arith.cmpi slt, %sub3A_1252, %lt3A_1257 : vector<16xi32>
      %and3A_1259 = arith.andi %ge3A_1255, %lt3A_1258 : vector<16xi1>
      %jit3A_1260 = arith.constant 5000 : i32
      %broadcast_in_dim3A_1261 = vector.broadcast %jit3A_1260 : i32 to vector<16xi32>
      %select_n3A_1262 = arith.select %and3A_1259, %sub3A_1252, %broadcast_in_dim3A_1261 : vector<16xi1>, vector<16xi32>
      %swap3A_1263 = arith.constant 32 : index
      %swap3A_1264 = tpu.vector_load %arg5[%swap3A_1263] {strides = array<i32>} : memref<128xi32, #tpu.memory_space<vmem>>, vector<16xi32>,
      %swap3A_1265 = vector.shape_cast %swap3A_1264 : vector<16xi32> to vector<16xi32>
      %swap3A_1266 = vector.shape_cast %select_n3A_1262 : vector<16xi32> to vector<16xi32>
      tpu.vector_store %arg5[%swap3A_1263], %swap3A_1266 {strides = array<i32>} : memref<128xi32, #tpu.memory_space<vmem>>, vector<16xi32>,
      %get3A_1267 = arith.constant 7 : i32
      %get3A_1268 = arith.index_cast %get3A_1267 : i32 to index
      %get3A_1269 = arith.constant 48 : index
      %get3A_1270 = tpu.vector_load %arg4[%get3A_1268, %get3A_1269] {strides = array<i32>} : memref<8x128xi32, #tpu.memory_space<vmem>>, vector<1x16xi32>,
      %get3A_1271 = vector.shape_cast %get3A_1270 : vector<1x16xi32> to vector<16xi32>
      %sub3A_1272 = vector.broadcast %mul3A_0 : i32 to vector<16xi32>
      %sub3A_1273 = arith.subi %get3A_1271, %sub3A_1272 : vector<16xi32>
      %ge3A_1274 = arith.constant 0 : i32
      %ge3A_1275 = vector.broadcast %ge3A_1274 : i32 to vector<16xi32>
      %ge3A_1276 = arith.cmpi sge, %sub3A_1273, %ge3A_1275 : vector<16xi32>
      %lt3A_1277 = arith.constant 5000 : i32
      %lt3A_1278 = vector.broadcast %lt3A_1277 : i32 to vector<16xi32>
      %lt3A_1279 = arith.cmpi slt, %sub3A_1273, %lt3A_1278 : vector<16xi32>
      %and3A_1280 = arith.andi %ge3A_1276, %lt3A_1279 : vector<16xi1>
      %jit3A_1281 = arith.constant 5000 : i32
      %broadcast_in_dim3A_1282 = vector.broadcast %jit3A_1281 : i32 to vector<16xi32>
      %select_n3A_1283 = arith.select %and3A_1280, %sub3A_1273, %broadcast_in_dim3A_1282 : vector<16xi1>, vector<16xi32>
      %swap3A_1284 = arith.constant 48 : index
      %swap3A_1285 = tpu.vector_load %arg5[%swap3A_1284] {strides = array<i32>} : memref<128xi32, #tpu.memory_space<vmem>>, vector<16xi32>,
      %swap3A_1286 = vector.shape_cast %swap3A_1285 : vector<16xi32> to vector<16xi32>
      %swap3A_1287 = vector.shape_cast %select_n3A_1283 : vector<16xi32> to vector<16xi32>
      tpu.vector_store %arg5[%swap3A_1284], %swap3A_1287 {strides = array<i32>} : memref<128xi32, #tpu.memory_space<vmem>>, vector<16xi32>,
      %get3A_1288 = arith.constant 7 : i32
      %get3A_1289 = arith.index_cast %get3A_1288 : i32 to index
      %get3A_1290 = arith.constant 64 : index
      %get3A_1291 = tpu.vector_load %arg4[%get3A_1289, %get3A_1290] {strides = array<i32>} : memref<8x128xi32, #tpu.memory_space<vmem>>, vector<1x16xi32>,
      %get3A_1292 = vector.shape_cast %get3A_1291 : vector<1x16xi32> to vector<16xi32>
      %sub3A_1293 = vector.broadcast %mul3A_0 : i32 to vector<16xi32>
      %sub3A_1294 = arith.subi %get3A_1292, %sub3A_1293 : vector<16xi32>
      %ge3A_1295 = arith.constant 0 : i32
      %ge3A_1296 = vector.broadcast %ge3A_1295 : i32 to vector<16xi32>
      %ge3A_1297 = arith.cmpi sge, %sub3A_1294, %ge3A_1296 : vector<16xi32>
      %lt3A_1298 = arith.constant 5000 : i32
      %lt3A_1299 = vector.broadcast %lt3A_1298 : i32 to vector<16xi32>
      %lt3A_1300 = arith.cmpi slt, %sub3A_1294, %lt3A_1299 : vector<16xi32>
      %and3A_1301 = arith.andi %ge3A_1297, %lt3A_1300 : vector<16xi1>
      %jit3A_1302 = arith.constant 5000 : i32
      %broadcast_in_dim3A_1303 = vector.broadcast %jit3A_1302 : i32 to vector<16xi32>
      %select_n3A_1304 = arith.select %and3A_1301, %sub3A_1294, %broadcast_in_dim3A_1303 : vector<16xi1>, vector<16xi32>
      %swap3A_1305 = arith.constant 64 : index
      %swap3A_1306 = tpu.vector_load %arg5[%swap3A_1305] {strides = array<i32>} : memref<128xi32, #tpu.memory_space<vmem>>, vector<16xi32>,
      %swap3A_1307 = vector.shape_cast %swap3A_1306 : vector<16xi32> to vector<16xi32>
      %swap3A_1308 = vector.shape_cast %select_n3A_1304 : vector<16xi32> to vector<16xi32>
      tpu.vector_store %arg5[%swap3A_1305], %swap3A_1308 {strides = array<i32>} : memref<128xi32, #tpu.memory_space<vmem>>, vector<16xi32>,
      %get3A_1309 = arith.constant 7 : i32
      %get3A_1310 = arith.index_cast %get3A_1309 : i32 to index
      %get3A_1311 = arith.constant 80 : index
      %get3A_1312 = tpu.vector_load %arg4[%get3A_1310, %get3A_1311] {strides = array<i32>} : memref<8x128xi32, #tpu.memory_space<vmem>>, vector<1x16xi32>,
      %get3A_1313 = vector.shape_cast %get3A_1312 : vector<1x16xi32> to vector<16xi32>
      %sub3A_1314 = vector.broadcast %mul3A_0 : i32 to vector<16xi32>
      %sub3A_1315 = arith.subi %get3A_1313, %sub3A_1314 : vector<16xi32>
      %ge3A_1316 = arith.constant 0 : i32
      %ge3A_1317 = vector.broadcast %ge3A_1316 : i32 to vector<16xi32>
      %ge3A_1318 = arith.cmpi sge, %sub3A_1315, %ge3A_1317 : vector<16xi32>
      %lt3A_1319 = arith.constant 5000 : i32
      %lt3A_1320 = vector.broadcast %lt3A_1319 : i32 to vector<16xi32>
      %lt3A_1321 = arith.cmpi slt, %sub3A_1315, %lt3A_1320 : vector<16xi32>
      %and3A_1322 = arith.andi %ge3A_1318, %lt3A_1321 : vector<16xi1>
      %jit3A_1323 = arith.constant 5000 : i32
      %broadcast_in_dim3A_1324 = vector.broadcast %jit3A_1323 : i32 to vector<16xi32>
      %select_n3A_1325 = arith.select %and3A_1322, %sub3A_1315, %broadcast_in_dim3A_1324 : vector<16xi1>, vector<16xi32>
      %swap3A_1326 = arith.constant 80 : index
      %swap3A_1327 = tpu.vector_load %arg5[%swap3A_1326] {strides = array<i32>} : memref<128xi32, #tpu.memory_space<vmem>>, vector<16xi32>,
      %swap3A_1328 = vector.shape_cast %swap3A_1327 : vector<16xi32> to vector<16xi32>
      %swap3A_1329 = vector.shape_cast %select_n3A_1325 : vector<16xi32> to vector<16xi32>
      tpu.vector_store %arg5[%swap3A_1326], %swap3A_1329 {strides = array<i32>} : memref<128xi32, #tpu.memory_space<vmem>>, vector<16xi32>,
      %get3A_1330 = arith.constant 7 : i32
      %get3A_1331 = arith.index_cast %get3A_1330 : i32 to index
      %get3A_1332 = arith.constant 96 : index
      %get3A_1333 = tpu.vector_load %arg4[%get3A_1331, %get3A_1332] {strides = array<i32>} : memref<8x128xi32, #tpu.memory_space<vmem>>, vector<1x16xi32>,
      %get3A_1334 = vector.shape_cast %get3A_1333 : vector<1x16xi32> to vector<16xi32>
      %sub3A_1335 = vector.broadcast %mul3A_0 : i32 to vector<16xi32>
      %sub3A_1336 = arith.subi %get3A_1334, %sub3A_1335 : vector<16xi32>
      %ge3A_1337 = arith.constant 0 : i32
      %ge3A_1338 = vector.broadcast %ge3A_1337 : i32 to vector<16xi32>
      %ge3A_1339 = arith.cmpi sge, %sub3A_1336, %ge3A_1338 : vector<16xi32>
      %lt3A_1340 = arith.constant 5000 : i32
      %lt3A_1341 = vector.broadcast %lt3A_1340 : i32 to vector<16xi32>
      %lt3A_1342 = arith.cmpi slt, %sub3A_1336, %lt3A_1341 : vector<16xi32>
      %and3A_1343 = arith.andi %ge3A_1339, %lt3A_1342 : vector<16xi1>
      %jit3A_1344 = arith.constant 5000 : i32
      %broadcast_in_dim3A_1345 = vector.broadcast %jit3A_1344 : i32 to vector<16xi32>
      %select_n3A_1346 = arith.select %and3A_1343, %sub3A_1336, %broadcast_in_dim3A_1345 : vector<16xi1>, vector<16xi32>
      %swap3A_1347 = arith.constant 96 : index
      %swap3A_1348 = tpu.vector_load %arg5[%swap3A_1347] {strides = array<i32>} : memref<128xi32, #tpu.memory_space<vmem>>, vector<16xi32>,
      %swap3A_1349 = vector.shape_cast %swap3A_1348 : vector<16xi32> to vector<16xi32>
      %swap3A_1350 = vector.shape_cast %select_n3A_1346 : vector<16xi32> to vector<16xi32>
      tpu.vector_store %arg5[%swap3A_1347], %swap3A_1350 {strides = array<i32>} : memref<128xi32, #tpu.memory_space<vmem>>, vector<16xi32>,
      %get3A_1351 = arith.constant 7 : i32
      %get3A_1352 = arith.index_cast %get3A_1351 : i32 to index
      %get3A_1353 = arith.constant 112 : index
      %get3A_1354 = tpu.vector_load %arg4[%get3A_1352, %get3A_1353] {strides = array<i32>} : memref<8x128xi32, #tpu.memory_space<vmem>>, vector<1x16xi32>,
      %get3A_1355 = vector.shape_cast %get3A_1354 : vector<1x16xi32> to vector<16xi32>
      %sub3A_1356 = vector.broadcast %mul3A_0 : i32 to vector<16xi32>
      %sub3A_1357 = arith.subi %get3A_1355, %sub3A_1356 : vector<16xi32>
      %ge3A_1358 = arith.constant 0 : i32
      %ge3A_1359 = vector.broadcast %ge3A_1358 : i32 to vector<16xi32>
      %ge3A_1360 = arith.cmpi sge, %sub3A_1357, %ge3A_1359 : vector<16xi32>
      %lt3A_1361 = arith.constant 5000 : i32
      %lt3A_1362 = vector.broadcast %lt3A_1361 : i32 to vector<16xi32>
      %lt3A_1363 = arith.cmpi slt, %sub3A_1357, %lt3A_1362 : vector<16xi32>
      %and3A_1364 = arith.andi %ge3A_1360, %lt3A_1363 : vector<16xi1>
      %jit3A_1365 = arith.constant 5000 : i32
      %broadcast_in_dim3A_1366 = vector.broadcast %jit3A_1365 : i32 to vector<16xi32>
      %select_n3A_1367 = arith.select %and3A_1364, %sub3A_1357, %broadcast_in_dim3A_1366 : vector<16xi1>, vector<16xi32>
      %swap3A_1368 = arith.constant 112 : index
      %swap3A_1369 = tpu.vector_load %arg5[%swap3A_1368] {strides = array<i32>} : memref<128xi32, #tpu.memory_space<vmem>>, vector<16xi32>,
      %swap3A_1370 = vector.shape_cast %swap3A_1369 : vector<16xi32> to vector<16xi32>
      %swap3A_1371 = vector.shape_cast %select_n3A_1367 : vector<16xi32> to vector<16xi32>
      tpu.vector_store %arg5[%swap3A_1368], %swap3A_1371 {strides = array<i32>} : memref<128xi32, #tpu.memory_space<vmem>>, vector<16xi32>,
      "tpu.region"() ({
        %run_scoped3A = tpu.sem_alloc : memref<!tpu.dma_semaphore, #tpu.memory_space<semaphore_mem>>
        %dma_start3A = arith.constant 0 : i32
        %dma_start3A_1372 = arith.constant 0 : i32
        %dma_start3A_1373 = tpu.memref_slice %arg11[%dma_start3A, %dma_start3A_1372] : memref<5120x16xf32, #tpu.memory_space<vmem_shared>> -> memref<5120x16xf32, #tpu.memory_space<vmem_shared>>
        tpu.enqueue_indirect_dma source(%arg7 : memref<128x16xf32, #tpu.memory_space<vmem>>) target(%dma_start3A_1373 : memref<5120x16xf32, #tpu.memory_space<vmem_shared>>) offsets(%arg5 : memref<128xi32, #tpu.memory_space<vmem>>) semaphore(%run_scoped3A : memref<!tpu.dma_semaphore, #tpu.memory_space<semaphore_mem>>) {add = true}
        %dma_wait3A = arith.constant 0 : i32
        %dma_wait3A_1374 = arith.constant 0 : i32
        %dma_wait3A_1375 = tpu.memref_slice %arg11[%dma_wait3A, %dma_wait3A_1374] : memref<5120x16xf32, #tpu.memory_space<vmem_shared>> -> memref<5120x16xf32, #tpu.memory_space<vmem_shared>>
        tpu.wait_indirect_dma semaphore(%run_scoped3A : memref<!tpu.dma_semaphore, #tpu.memory_space<semaphore_mem>>) src(%arg7 : memref<128x16xf32, #tpu.memory_space<vmem>>) dst(%dma_wait3A_1375 : memref<5120x16xf32, #tpu.memory_space<vmem_shared>>)
        tpu.yield
      }) : () -> ()
    }
    %scan3A_25 = arith.constant 10 : i32
    %barrier3A_26 = arith.constant 0 : index
    tpu.barrier barrier_id(%barrier3A_26)
    %mul3A_27 = arith.constant 320 : i32
    %mul3A_28 = arith.muli %arg1, %mul3A_27 : i32
    %mul3A_29 = arith.constant 320 : i32
    %mul3A_30 = arith.muli %arg1, %mul3A_29 : i32
    "tpu.region"() ({
      %run_scoped3A = tpu.sem_alloc : memref<!tpu.dma_semaphore, #tpu.memory_space<semaphore_mem>>
      %dma_start3A = arith.constant 0 : i32
      %dma_start3A_31 = tpu.memref_slice %arg3[%arg0, %mul3A_30, %dma_start3A] : memref<2x5120x16xf32, #tpu.memory_space<hbm>> -> memref<1x320x16xf32, #tpu.memory_space<hbm>>
      %dma_start3A_32 = tpu.memref_squeeze %dma_start3A_31 : memref<1x320x16xf32, #tpu.memory_space<hbm>> -> memref<320x16xf32, #tpu.memory_space<hbm>>
      %dma_start3A_33 = arith.constant 0 : i32
      %dma_start3A_34 = tpu.memref_slice %arg11[%mul3A_28, %dma_start3A_33] : memref<5120x16xf32, #tpu.memory_space<vmem_shared>> -> memref<320x16xf32, #tpu.memory_space<vmem_shared>>
      tpu.enqueue_dma source(%dma_start3A_34 : memref<320x16xf32, #tpu.memory_space<vmem_shared>>) target(%dma_start3A_32 : memref<320x16xf32, #tpu.memory_space<hbm>>) target_semaphore(%run_scoped3A : memref<!tpu.dma_semaphore, #tpu.memory_space<semaphore_mem>>)
      %dma_wait3A = arith.constant 0 : i32
      %dma_wait3A_35 = tpu.memref_slice %arg3[%arg0, %mul3A_30, %dma_wait3A] : memref<2x5120x16xf32, #tpu.memory_space<hbm>> -> memref<1x320x16xf32, #tpu.memory_space<hbm>>
      %dma_wait3A_36 = tpu.memref_squeeze %dma_wait3A_35 : memref<1x320x16xf32, #tpu.memory_space<hbm>> -> memref<320x16xf32, #tpu.memory_space<hbm>>
      %dma_wait3A_37 = arith.constant 0 : i32
      %dma_wait3A_38 = tpu.memref_slice %arg11[%mul3A_28, %dma_wait3A_37] : memref<5120x16xf32, #tpu.memory_space<vmem_shared>> -> memref<320x16xf32, #tpu.memory_space<vmem_shared>>
      tpu.wait_dma2 semaphore(%run_scoped3A : memref<!tpu.dma_semaphore, #tpu.memory_space<semaphore_mem>>) src(%dma_wait3A_38 : memref<320x16xf32, #tpu.memory_space<vmem_shared>>) dst(%dma_wait3A_36 : memref<320x16xf32, #tpu.memory_space<hbm>>)
      tpu.yield
    }) : () -> ()
    return
  }
}

#map = affine_map<(d0, d1) -> (0, 0)>
#map1 = affine_map<(d0, d1) -> (0, 0, 0)>
module attributes {stable_mosaic.version = 14 : i64} {
  func.func @_scat_body(%arg0: i32, %arg1: i32, %arg2: memref<20480x128xf32, #tpu.memory_space<hbm>>, %arg3: memref<16x160x64xi32, #tpu.memory_space<hbm>>, %arg4: memref<16x160x64xi32, #tpu.memory_space<hbm>>, %arg5: memref<2x10240x128xf32, #tpu.memory_space<hbm>>, %arg6: memref<16x64xi32, #tpu.memory_space<vmem>>, %arg7: memref<16x64xi32, #tpu.memory_space<vmem>>, %arg8: memref<128xi32, #tpu.memory_space<vmem>>, %arg9: memref<128xi32, #tpu.memory_space<vmem>>, %arg10: memref<128xi32, #tpu.memory_space<vmem>>, %arg11: memref<128xi32, #tpu.memory_space<vmem>>, %arg12: memref<128x128xf32, #tpu.memory_space<vmem>>, %arg13: memref<128x128xf32, #tpu.memory_space<vmem>>, %arg14: memref<!tpu.dma_semaphore, #tpu.memory_space<semaphore_mem>>, %arg15: memref<!tpu.dma_semaphore, #tpu.memory_space<semaphore_mem>>, %arg16: memref<!tpu.dma_semaphore, #tpu.memory_space<semaphore_mem>>, %arg17: memref<!tpu.dma_semaphore, #tpu.memory_space<semaphore_mem>>, %arg18: memref<10240x128xf32, #tpu.memory_space<vmem_shared>>) attributes {dimension_semantics = [#tpu.dimension_semantics<core_parallel>, #tpu.dimension_semantics<subcore_parallel>], iteration_bounds = array<i64: 2, 16>, scalar_prefetch = 0 : i64, scratch_operands = 13 : i64, tpu.core_type = #tpu.core_type<sc_vector_subcore>, window_params = [{transform_indices = #map}, {transform_indices = #map1}, {transform_indices = #map1}, {transform_indices = #map1}]} {
    %mul3A = arith.constant 5000 : i32
    %mul3A_0 = arith.muli %arg0, %mul3A : i32
    %mul3A_1 = arith.constant 320 : i32
    %mul3A_2 = arith.muli %arg1, %mul3A_1 : i32
    %add3A = arith.addi %mul3A_0, %mul3A_2 : i32
    %mul3A_3 = arith.constant 2 : i32
    %mul3A_4 = arith.muli %add3A, %mul3A_3 : i32
    %mul3A_5 = arith.constant 320 : i32
    %mul3A_6 = arith.muli %arg1, %mul3A_5 : i32
    %mul3A_7 = arith.constant 2 : i32
    %mul3A_8 = arith.muli %mul3A_6, %mul3A_7 : i32
    "tpu.region"() ({
      %run_scoped3A = tpu.sem_alloc : memref<!tpu.dma_semaphore, #tpu.memory_space<semaphore_mem>>
      %dma_start3A = arith.constant 0 : i32
      %dma_start3A_23 = tpu.memref_slice %arg18[%mul3A_8, %dma_start3A] : memref<10240x128xf32, #tpu.memory_space<vmem_shared>> -> memref<640x128xf32, #tpu.memory_space<vmem_shared>>
      %dma_start3A_24 = arith.constant 0 : i32
      %dma_start3A_25 = tpu.memref_slice %arg2[%mul3A_4, %dma_start3A_24] : memref<20480x128xf32, #tpu.memory_space<hbm>> -> memref<640x128xf32, #tpu.memory_space<hbm>>
      tpu.enqueue_dma source(%dma_start3A_25 : memref<640x128xf32, #tpu.memory_space<hbm>>) target(%dma_start3A_23 : memref<640x128xf32, #tpu.memory_space<vmem_shared>>) target_semaphore(%run_scoped3A : memref<!tpu.dma_semaphore, #tpu.memory_space<semaphore_mem>>)
      %dma_wait3A = arith.constant 0 : i32
      %dma_wait3A_26 = tpu.memref_slice %arg18[%mul3A_8, %dma_wait3A] : memref<10240x128xf32, #tpu.memory_space<vmem_shared>> -> memref<640x128xf32, #tpu.memory_space<vmem_shared>>
      %dma_wait3A_27 = arith.constant 0 : i32
      %dma_wait3A_28 = tpu.memref_slice %arg2[%mul3A_4, %dma_wait3A_27] : memref<20480x128xf32, #tpu.memory_space<hbm>> -> memref<640x128xf32, #tpu.memory_space<hbm>>
      tpu.wait_dma2 semaphore(%run_scoped3A : memref<!tpu.dma_semaphore, #tpu.memory_space<semaphore_mem>>) src(%dma_wait3A_28 : memref<640x128xf32, #tpu.memory_space<hbm>>) dst(%dma_wait3A_26 : memref<640x128xf32, #tpu.memory_space<vmem_shared>>)
      tpu.yield
    }) : () -> ()
    %barrier3A = arith.constant 0 : index
    tpu.barrier barrier_id(%barrier3A)
    %scan3A = arith.constant 0 : i32
    %scan3A_9 = arith.constant 0 : i32
    %scan3A_10 = arith.constant 10 : i32
    %scan3A_11 = arith.addi %scan3A_9, %scan3A_10 : i32
    %scan3A_12 = arith.constant 1 : i32
    scf.for %scan3A_23 = %scan3A_9 to %scan3A_11 step %scan3A_12  : i32 {
      %mul3A_24 = arith.constant 16 : i32
      %mul3A_25 = arith.muli %scan3A_23, %mul3A_24 : i32
      "tpu.region"() ({
        %run_scoped3A = tpu.sem_alloc : memref<!tpu.dma_semaphore, #tpu.memory_space<semaphore_mem>>
        %dma_start3A_3313 = arith.constant 0 : i32
        %dma_start3A_3314 = tpu.memref_slice %arg3[%arg1, %mul3A_25, %dma_start3A_3313] : memref<16x160x64xi32, #tpu.memory_space<hbm>> -> memref<1x16x64xi32, #tpu.memory_space<hbm>>
        %dma_start3A_3315 = tpu.memref_squeeze %dma_start3A_3314 : memref<1x16x64xi32, #tpu.memory_space<hbm>> -> memref<16x64xi32, #tpu.memory_space<hbm>>
        %dma_start3A_3316 = arith.constant 0 : i32
        %dma_start3A_3317 = tpu.memref_slice %arg3[%arg1, %mul3A_25, %dma_start3A_3316] : memref<16x160x64xi32, #tpu.memory_space<hbm>> -> memref<1x16x64xi32, #tpu.memory_space<hbm>>
        %dma_start3A_3318 = tpu.memref_squeeze %dma_start3A_3317 : memref<1x16x64xi32, #tpu.memory_space<hbm>> -> memref<16x64xi32, #tpu.memory_space<hbm>>
        tpu.enqueue_dma source(%dma_start3A_3318 : memref<16x64xi32, #tpu.memory_space<hbm>>) target(%arg6 : memref<16x64xi32, #tpu.memory_space<vmem>>) target_semaphore(%run_scoped3A : memref<!tpu.dma_semaphore, #tpu.memory_space<semaphore_mem>>)
        %dma_wait3A_3319 = arith.constant 0 : i32
        %dma_wait3A_3320 = tpu.memref_slice %arg3[%arg1, %mul3A_25, %dma_wait3A_3319] : memref<16x160x64xi32, #tpu.memory_space<hbm>> -> memref<1x16x64xi32, #tpu.memory_space<hbm>>
        %dma_wait3A_3321 = tpu.memref_squeeze %dma_wait3A_3320 : memref<1x16x64xi32, #tpu.memory_space<hbm>> -> memref<16x64xi32, #tpu.memory_space<hbm>>
        %dma_wait3A_3322 = arith.constant 0 : i32
        %dma_wait3A_3323 = tpu.memref_slice %arg3[%arg1, %mul3A_25, %dma_wait3A_3322] : memref<16x160x64xi32, #tpu.memory_space<hbm>> -> memref<1x16x64xi32, #tpu.memory_space<hbm>>
        %dma_wait3A_3324 = tpu.memref_squeeze %dma_wait3A_3323 : memref<1x16x64xi32, #tpu.memory_space<hbm>> -> memref<16x64xi32, #tpu.memory_space<hbm>>
        tpu.wait_dma2 semaphore(%run_scoped3A : memref<!tpu.dma_semaphore, #tpu.memory_space<semaphore_mem>>) src(%dma_wait3A_3324 : memref<16x64xi32, #tpu.memory_space<hbm>>) dst(%arg6 : memref<16x64xi32, #tpu.memory_space<vmem>>)
        tpu.yield
      }) : () -> ()
      %mul3A_26 = arith.constant 16 : i32
      %mul3A_27 = arith.muli %scan3A_23, %mul3A_26 : i32
      "tpu.region"() ({
        %run_scoped3A = tpu.sem_alloc : memref<!tpu.dma_semaphore, #tpu.memory_space<semaphore_mem>>
        %dma_start3A_3313 = arith.constant 0 : i32
        %dma_start3A_3314 = tpu.memref_slice %arg4[%arg1, %mul3A_27, %dma_start3A_3313] : memref<16x160x64xi32, #tpu.memory_space<hbm>> -> memref<1x16x64xi32, #tpu.memory_space<hbm>>
        %dma_start3A_3315 = tpu.memref_squeeze %dma_start3A_3314 : memref<1x16x64xi32, #tpu.memory_space<hbm>> -> memref<16x64xi32, #tpu.memory_space<hbm>>
        %dma_start3A_3316 = arith.constant 0 : i32
        %dma_start3A_3317 = tpu.memref_slice %arg4[%arg1, %mul3A_27, %dma_start3A_3316] : memref<16x160x64xi32, #tpu.memory_space<hbm>> -> memref<1x16x64xi32, #tpu.memory_space<hbm>>
        %dma_start3A_3318 = tpu.memref_squeeze %dma_start3A_3317 : memref<1x16x64xi32, #tpu.memory_space<hbm>> -> memref<16x64xi32, #tpu.memory_space<hbm>>
        tpu.enqueue_dma source(%dma_start3A_3318 : memref<16x64xi32, #tpu.memory_space<hbm>>) target(%arg7 : memref<16x64xi32, #tpu.memory_space<vmem>>) target_semaphore(%run_scoped3A : memref<!tpu.dma_semaphore, #tpu.memory_space<semaphore_mem>>)
        %dma_wait3A_3319 = arith.constant 0 : i32
        %dma_wait3A_3320 = tpu.memref_slice %arg4[%arg1, %mul3A_27, %dma_wait3A_3319] : memref<16x160x64xi32, #tpu.memory_space<hbm>> -> memref<1x16x64xi32, #tpu.memory_space<hbm>>
        %dma_wait3A_3321 = tpu.memref_squeeze %dma_wait3A_3320 : memref<1x16x64xi32, #tpu.memory_space<hbm>> -> memref<16x64xi32, #tpu.memory_space<hbm>>
        %dma_wait3A_3322 = arith.constant 0 : i32
        %dma_wait3A_3323 = tpu.memref_slice %arg4[%arg1, %mul3A_27, %dma_wait3A_3322] : memref<16x160x64xi32, #tpu.memory_space<hbm>> -> memref<1x16x64xi32, #tpu.memory_space<hbm>>
        %dma_wait3A_3324 = tpu.memref_squeeze %dma_wait3A_3323 : memref<1x16x64xi32, #tpu.memory_space<hbm>> -> memref<16x64xi32, #tpu.memory_space<hbm>>
        tpu.wait_dma2 semaphore(%run_scoped3A : memref<!tpu.dma_semaphore, #tpu.memory_space<semaphore_mem>>) src(%dma_wait3A_3324 : memref<16x64xi32, #tpu.memory_space<hbm>>) dst(%arg7 : memref<16x64xi32, #tpu.memory_space<vmem>>)
        tpu.yield
      }) : () -> ()
      %get3A = arith.constant 0 : i32
      %get3A_28 = arith.index_cast %get3A : i32 to index
      %get3A_29 = arith.constant 0 : index
      %get3A_30 = tpu.vector_load %arg6[%get3A_28, %get3A_29] {strides = array<i32>} : memref<16x64xi32, #tpu.memory_space<vmem>>, vector<1x16xi32>,
      %get3A_31 = vector.shape_cast %get3A_30 : vector<1x16xi32> to vector<16xi32>
      %mul3A_32 = arith.constant 2 : i32
      %mul3A_33 = vector.broadcast %mul3A_32 : i32 to vector<16xi32>
      %mul3A_34 = arith.muli %get3A_31, %mul3A_33 : vector<16xi32>
      %swap3A = arith.constant 0 : index
      %swap3A_35 = tpu.vector_load %arg8[%swap3A] {strides = array<i32>} : memref<128xi32, #tpu.memory_space<vmem>>, vector<16xi32>,
      %swap3A_36 = vector.shape_cast %swap3A_35 : vector<16xi32> to vector<16xi32>
      %swap3A_37 = vector.shape_cast %mul3A_34 : vector<16xi32> to vector<16xi32>
      tpu.vector_store %arg8[%swap3A], %swap3A_37 {strides = array<i32>} : memref<128xi32, #tpu.memory_space<vmem>>, vector<16xi32>,
      %add3A_38 = arith.constant 1 : i32
      %add3A_39 = vector.broadcast %add3A_38 : i32 to vector<16xi32>
      %add3A_40 = arith.addi %mul3A_34, %add3A_39 : vector<16xi32>
      %swap3A_41 = arith.constant 64 : index
      %swap3A_42 = tpu.vector_load %arg8[%swap3A_41] {strides = array<i32>} : memref<128xi32, #tpu.memory_space<vmem>>, vector<16xi32>,
      %swap3A_43 = vector.shape_cast %swap3A_42 : vector<16xi32> to vector<16xi32>
      %swap3A_44 = vector.shape_cast %add3A_40 : vector<16xi32> to vector<16xi32>
      tpu.vector_store %arg8[%swap3A_41], %swap3A_44 {strides = array<i32>} : memref<128xi32, #tpu.memory_space<vmem>>, vector<16xi32>,
      %get3A_45 = arith.constant 0 : i32
      %get3A_46 = arith.index_cast %get3A_45 : i32 to index
      %get3A_47 = arith.constant 0 : index
      %get3A_48 = tpu.vector_load %arg7[%get3A_46, %get3A_47] {strides = array<i32>} : memref<16x64xi32, #tpu.memory_space<vmem>>, vector<1x16xi32>,
      %get3A_49 = vector.shape_cast %get3A_48 : vector<1x16xi32> to vector<16xi32>
      %sub3A = vector.broadcast %mul3A_0 : i32 to vector<16xi32>
      %sub3A_50 = arith.subi %get3A_49, %sub3A : vector<16xi32>
      %ge3A = arith.constant 0 : i32
      %ge3A_51 = vector.broadcast %ge3A : i32 to vector<16xi32>
      %ge3A_52 = arith.cmpi sge, %sub3A_50, %ge3A_51 : vector<16xi32>
      %lt3A = arith.constant 5000 : i32
      %lt3A_53 = vector.broadcast %lt3A : i32 to vector<16xi32>
      %lt3A_54 = arith.cmpi slt, %sub3A_50, %lt3A_53 : vector<16xi32>
      %and3A = arith.andi %ge3A_52, %lt3A_54 : vector<16xi1>
      %jit3A = arith.constant 5000 : i32
      %broadcast_in_dim3A = vector.broadcast %jit3A : i32 to vector<16xi32>
      %select_n3A = arith.select %and3A, %sub3A_50, %broadcast_in_dim3A : vector<16xi1>, vector<16xi32>
      %mul3A_55 = arith.constant 2 : i32
      %mul3A_56 = vector.broadcast %mul3A_55 : i32 to vector<16xi32>
      %mul3A_57 = arith.muli %select_n3A, %mul3A_56 : vector<16xi32>
      %swap3A_58 = arith.constant 0 : index
      %swap3A_59 = tpu.vector_load %arg9[%swap3A_58] {strides = array<i32>} : memref<128xi32, #tpu.memory_space<vmem>>, vector<16xi32>,
      %swap3A_60 = vector.shape_cast %swap3A_59 : vector<16xi32> to vector<16xi32>
      %swap3A_61 = vector.shape_cast %mul3A_57 : vector<16xi32> to vector<16xi32>
      tpu.vector_store %arg9[%swap3A_58], %swap3A_61 {strides = array<i32>} : memref<128xi32, #tpu.memory_space<vmem>>, vector<16xi32>,
      %add3A_62 = arith.constant 1 : i32
      %add3A_63 = vector.broadcast %add3A_62 : i32 to vector<16xi32>
      %add3A_64 = arith.addi %mul3A_57, %add3A_63 : vector<16xi32>
      %swap3A_65 = arith.constant 64 : index
      %swap3A_66 = tpu.vector_load %arg9[%swap3A_65] {strides = array<i32>} : memref<128xi32, #tpu.memory_space<vmem>>, vector<16xi32>,
      %swap3A_67 = vector.shape_cast %swap3A_66 : vector<16xi32> to vector<16xi32>
      %swap3A_68 = vector.shape_cast %add3A_64 : vector<16xi32> to vector<16xi32>
      tpu.vector_store %arg9[%swap3A_65], %swap3A_68 {strides = array<i32>} : memref<128xi32, #tpu.memory_space<vmem>>, vector<16xi32>,
      %get3A_69 = arith.constant 0 : i32
      %get3A_70 = arith.index_cast %get3A_69 : i32 to index
      %get3A_71 = arith.constant 16 : index
      %get3A_72 = tpu.vector_load %arg6[%get3A_70, %get3A_71] {strides = array<i32>} : memref<16x64xi32, #tpu.memory_space<vmem>>, vector<1x16xi32>,
      %get3A_73 = vector.shape_cast %get3A_72 : vector<1x16xi32> to vector<16xi32>
      %mul3A_74 = arith.constant 2 : i32
      %mul3A_75 = vector.broadcast %mul3A_74 : i32 to vector<16xi32>
      %mul3A_76 = arith.muli %get3A_73, %mul3A_75 : vector<16xi32>
      %swap3A_77 = arith.constant 16 : index
      %swap3A_78 = tpu.vector_load %arg8[%swap3A_77] {strides = array<i32>} : memref<128xi32, #tpu.memory_space<vmem>>, vector<16xi32>,
      %swap3A_79 = vector.shape_cast %swap3A_78 : vector<16xi32> to vector<16xi32>
      %swap3A_80 = vector.shape_cast %mul3A_76 : vector<16xi32> to vector<16xi32>
      tpu.vector_store %arg8[%swap3A_77], %swap3A_80 {strides = array<i32>} : memref<128xi32, #tpu.memory_space<vmem>>, vector<16xi32>,
      %add3A_81 = arith.constant 1 : i32
      %add3A_82 = vector.broadcast %add3A_81 : i32 to vector<16xi32>
      %add3A_83 = arith.addi %mul3A_76, %add3A_82 : vector<16xi32>
      %swap3A_84 = arith.constant 80 : index
      %swap3A_85 = tpu.vector_load %arg8[%swap3A_84] {strides = array<i32>} : memref<128xi32, #tpu.memory_space<vmem>>, vector<16xi32>,
      %swap3A_86 = vector.shape_cast %swap3A_85 : vector<16xi32> to vector<16xi32>
      %swap3A_87 = vector.shape_cast %add3A_83 : vector<16xi32> to vector<16xi32>
      tpu.vector_store %arg8[%swap3A_84], %swap3A_87 {strides = array<i32>} : memref<128xi32, #tpu.memory_space<vmem>>, vector<16xi32>,
      %get3A_88 = arith.constant 0 : i32
      %get3A_89 = arith.index_cast %get3A_88 : i32 to index
      %get3A_90 = arith.constant 16 : index
      %get3A_91 = tpu.vector_load %arg7[%get3A_89, %get3A_90] {strides = array<i32>} : memref<16x64xi32, #tpu.memory_space<vmem>>, vector<1x16xi32>,
      %get3A_92 = vector.shape_cast %get3A_91 : vector<1x16xi32> to vector<16xi32>
      %sub3A_93 = vector.broadcast %mul3A_0 : i32 to vector<16xi32>
      %sub3A_94 = arith.subi %get3A_92, %sub3A_93 : vector<16xi32>
      %ge3A_95 = arith.constant 0 : i32
      %ge3A_96 = vector.broadcast %ge3A_95 : i32 to vector<16xi32>
      %ge3A_97 = arith.cmpi sge, %sub3A_94, %ge3A_96 : vector<16xi32>
      %lt3A_98 = arith.constant 5000 : i32
      %lt3A_99 = vector.broadcast %lt3A_98 : i32 to vector<16xi32>
      %lt3A_100 = arith.cmpi slt, %sub3A_94, %lt3A_99 : vector<16xi32>
      %and3A_101 = arith.andi %ge3A_97, %lt3A_100 : vector<16xi1>
      %jit3A_102 = arith.constant 5000 : i32
      %broadcast_in_dim3A_103 = vector.broadcast %jit3A_102 : i32 to vector<16xi32>
      %select_n3A_104 = arith.select %and3A_101, %sub3A_94, %broadcast_in_dim3A_103 : vector<16xi1>, vector<16xi32>
      %mul3A_105 = arith.constant 2 : i32
      %mul3A_106 = vector.broadcast %mul3A_105 : i32 to vector<16xi32>
      %mul3A_107 = arith.muli %select_n3A_104, %mul3A_106 : vector<16xi32>
      %swap3A_108 = arith.constant 16 : index
      %swap3A_109 = tpu.vector_load %arg9[%swap3A_108] {strides = array<i32>} : memref<128xi32, #tpu.memory_space<vmem>>, vector<16xi32>,
      %swap3A_110 = vector.shape_cast %swap3A_109 : vector<16xi32> to vector<16xi32>
      %swap3A_111 = vector.shape_cast %mul3A_107 : vector<16xi32> to vector<16xi32>
      tpu.vector_store %arg9[%swap3A_108], %swap3A_111 {strides = array<i32>} : memref<128xi32, #tpu.memory_space<vmem>>, vector<16xi32>,
      %add3A_112 = arith.constant 1 : i32
      %add3A_113 = vector.broadcast %add3A_112 : i32 to vector<16xi32>
      %add3A_114 = arith.addi %mul3A_107, %add3A_113 : vector<16xi32>
      %swap3A_115 = arith.constant 80 : index
      %swap3A_116 = tpu.vector_load %arg9[%swap3A_115] {strides = array<i32>} : memref<128xi32, #tpu.memory_space<vmem>>, vector<16xi32>,
      %swap3A_117 = vector.shape_cast %swap3A_116 : vector<16xi32> to vector<16xi32>
      %swap3A_118 = vector.shape_cast %add3A_114 : vector<16xi32> to vector<16xi32>
      tpu.vector_store %arg9[%swap3A_115], %swap3A_118 {strides = array<i32>} : memref<128xi32, #tpu.memory_space<vmem>>, vector<16xi32>,
      %get3A_119 = arith.constant 0 : i32
      %get3A_120 = arith.index_cast %get3A_119 : i32 to index
      %get3A_121 = arith.constant 32 : index
      %get3A_122 = tpu.vector_load %arg6[%get3A_120, %get3A_121] {strides = array<i32>} : memref<16x64xi32, #tpu.memory_space<vmem>>, vector<1x16xi32>,
      %get3A_123 = vector.shape_cast %get3A_122 : vector<1x16xi32> to vector<16xi32>
      %mul3A_124 = arith.constant 2 : i32
      %mul3A_125 = vector.broadcast %mul3A_124 : i32 to vector<16xi32>
      %mul3A_126 = arith.muli %get3A_123, %mul3A_125 : vector<16xi32>
      %swap3A_127 = arith.constant 32 : index
      %swap3A_128 = tpu.vector_load %arg8[%swap3A_127] {strides = array<i32>} : memref<128xi32, #tpu.memory_space<vmem>>, vector<16xi32>,
      %swap3A_129 = vector.shape_cast %swap3A_128 : vector<16xi32> to vector<16xi32>
      %swap3A_130 = vector.shape_cast %mul3A_126 : vector<16xi32> to vector<16xi32>
      tpu.vector_store %arg8[%swap3A_127], %swap3A_130 {strides = array<i32>} : memref<128xi32, #tpu.memory_space<vmem>>, vector<16xi32>,
      %add3A_131 = arith.constant 1 : i32
      %add3A_132 = vector.broadcast %add3A_131 : i32 to vector<16xi32>
      %add3A_133 = arith.addi %mul3A_126, %add3A_132 : vector<16xi32>
      %swap3A_134 = arith.constant 96 : index
      %swap3A_135 = tpu.vector_load %arg8[%swap3A_134] {strides = array<i32>} : memref<128xi32, #tpu.memory_space<vmem>>, vector<16xi32>,
      %swap3A_136 = vector.shape_cast %swap3A_135 : vector<16xi32> to vector<16xi32>
      %swap3A_137 = vector.shape_cast %add3A_133 : vector<16xi32> to vector<16xi32>
      tpu.vector_store %arg8[%swap3A_134], %swap3A_137 {strides = array<i32>} : memref<128xi32, #tpu.memory_space<vmem>>, vector<16xi32>,
      %get3A_138 = arith.constant 0 : i32
      %get3A_139 = arith.index_cast %get3A_138 : i32 to index
      %get3A_140 = arith.constant 32 : index
      %get3A_141 = tpu.vector_load %arg7[%get3A_139, %get3A_140] {strides = array<i32>} : memref<16x64xi32, #tpu.memory_space<vmem>>, vector<1x16xi32>,
      %get3A_142 = vector.shape_cast %get3A_141 : vector<1x16xi32> to vector<16xi32>
      %sub3A_143 = vector.broadcast %mul3A_0 : i32 to vector<16xi32>
      %sub3A_144 = arith.subi %get3A_142, %sub3A_143 : vector<16xi32>
      %ge3A_145 = arith.constant 0 : i32
      %ge3A_146 = vector.broadcast %ge3A_145 : i32 to vector<16xi32>
      %ge3A_147 = arith.cmpi sge, %sub3A_144, %ge3A_146 : vector<16xi32>
      %lt3A_148 = arith.constant 5000 : i32
      %lt3A_149 = vector.broadcast %lt3A_148 : i32 to vector<16xi32>
      %lt3A_150 = arith.cmpi slt, %sub3A_144, %lt3A_149 : vector<16xi32>
      %and3A_151 = arith.andi %ge3A_147, %lt3A_150 : vector<16xi1>
      %jit3A_152 = arith.constant 5000 : i32
      %broadcast_in_dim3A_153 = vector.broadcast %jit3A_152 : i32 to vector<16xi32>
      %select_n3A_154 = arith.select %and3A_151, %sub3A_144, %broadcast_in_dim3A_153 : vector<16xi1>, vector<16xi32>
      %mul3A_155 = arith.constant 2 : i32
      %mul3A_156 = vector.broadcast %mul3A_155 : i32 to vector<16xi32>
      %mul3A_157 = arith.muli %select_n3A_154, %mul3A_156 : vector<16xi32>
      %swap3A_158 = arith.constant 32 : index
      %swap3A_159 = tpu.vector_load %arg9[%swap3A_158] {strides = array<i32>} : memref<128xi32, #tpu.memory_space<vmem>>, vector<16xi32>,
      %swap3A_160 = vector.shape_cast %swap3A_159 : vector<16xi32> to vector<16xi32>
      %swap3A_161 = vector.shape_cast %mul3A_157 : vector<16xi32> to vector<16xi32>
      tpu.vector_store %arg9[%swap3A_158], %swap3A_161 {strides = array<i32>} : memref<128xi32, #tpu.memory_space<vmem>>, vector<16xi32>,
      %add3A_162 = arith.constant 1 : i32
      %add3A_163 = vector.broadcast %add3A_162 : i32 to vector<16xi32>
      %add3A_164 = arith.addi %mul3A_157, %add3A_163 : vector<16xi32>
      %swap3A_165 = arith.constant 96 : index
      %swap3A_166 = tpu.vector_load %arg9[%swap3A_165] {strides = array<i32>} : memref<128xi32, #tpu.memory_space<vmem>>, vector<16xi32>,
      %swap3A_167 = vector.shape_cast %swap3A_166 : vector<16xi32> to vector<16xi32>
      %swap3A_168 = vector.shape_cast %add3A_164 : vector<16xi32> to vector<16xi32>
      tpu.vector_store %arg9[%swap3A_165], %swap3A_168 {strides = array<i32>} : memref<128xi32, #tpu.memory_space<vmem>>, vector<16xi32>,
      %get3A_169 = arith.constant 0 : i32
      %get3A_170 = arith.index_cast %get3A_169 : i32 to index
      %get3A_171 = arith.constant 48 : index
      %get3A_172 = tpu.vector_load %arg6[%get3A_170, %get3A_171] {strides = array<i32>} : memref<16x64xi32, #tpu.memory_space<vmem>>, vector<1x16xi32>,
      %get3A_173 = vector.shape_cast %get3A_172 : vector<1x16xi32> to vector<16xi32>
      %mul3A_174 = arith.constant 2 : i32
      %mul3A_175 = vector.broadcast %mul3A_174 : i32 to vector<16xi32>
      %mul3A_176 = arith.muli %get3A_173, %mul3A_175 : vector<16xi32>
      %swap3A_177 = arith.constant 48 : index
      %swap3A_178 = tpu.vector_load %arg8[%swap3A_177] {strides = array<i32>} : memref<128xi32, #tpu.memory_space<vmem>>, vector<16xi32>,
      %swap3A_179 = vector.shape_cast %swap3A_178 : vector<16xi32> to vector<16xi32>
      %swap3A_180 = vector.shape_cast %mul3A_176 : vector<16xi32> to vector<16xi32>
      tpu.vector_store %arg8[%swap3A_177], %swap3A_180 {strides = array<i32>} : memref<128xi32, #tpu.memory_space<vmem>>, vector<16xi32>,
      %add3A_181 = arith.constant 1 : i32
      %add3A_182 = vector.broadcast %add3A_181 : i32 to vector<16xi32>
      %add3A_183 = arith.addi %mul3A_176, %add3A_182 : vector<16xi32>
      %swap3A_184 = arith.constant 112 : index
      %swap3A_185 = tpu.vector_load %arg8[%swap3A_184] {strides = array<i32>} : memref<128xi32, #tpu.memory_space<vmem>>, vector<16xi32>,
      %swap3A_186 = vector.shape_cast %swap3A_185 : vector<16xi32> to vector<16xi32>
      %swap3A_187 = vector.shape_cast %add3A_183 : vector<16xi32> to vector<16xi32>
      tpu.vector_store %arg8[%swap3A_184], %swap3A_187 {strides = array<i32>} : memref<128xi32, #tpu.memory_space<vmem>>, vector<16xi32>,
      %get3A_188 = arith.constant 0 : i32
      %get3A_189 = arith.index_cast %get3A_188 : i32 to index
      %get3A_190 = arith.constant 48 : index
      %get3A_191 = tpu.vector_load %arg7[%get3A_189, %get3A_190] {strides = array<i32>} : memref<16x64xi32, #tpu.memory_space<vmem>>, vector<1x16xi32>,
      %get3A_192 = vector.shape_cast %get3A_191 : vector<1x16xi32> to vector<16xi32>
      %sub3A_193 = vector.broadcast %mul3A_0 : i32 to vector<16xi32>
      %sub3A_194 = arith.subi %get3A_192, %sub3A_193 : vector<16xi32>
      %ge3A_195 = arith.constant 0 : i32
      %ge3A_196 = vector.broadcast %ge3A_195 : i32 to vector<16xi32>
      %ge3A_197 = arith.cmpi sge, %sub3A_194, %ge3A_196 : vector<16xi32>
      %lt3A_198 = arith.constant 5000 : i32
      %lt3A_199 = vector.broadcast %lt3A_198 : i32 to vector<16xi32>
      %lt3A_200 = arith.cmpi slt, %sub3A_194, %lt3A_199 : vector<16xi32>
      %and3A_201 = arith.andi %ge3A_197, %lt3A_200 : vector<16xi1>
      %jit3A_202 = arith.constant 5000 : i32
      %broadcast_in_dim3A_203 = vector.broadcast %jit3A_202 : i32 to vector<16xi32>
      %select_n3A_204 = arith.select %and3A_201, %sub3A_194, %broadcast_in_dim3A_203 : vector<16xi1>, vector<16xi32>
      %mul3A_205 = arith.constant 2 : i32
      %mul3A_206 = vector.broadcast %mul3A_205 : i32 to vector<16xi32>
      %mul3A_207 = arith.muli %select_n3A_204, %mul3A_206 : vector<16xi32>
      %swap3A_208 = arith.constant 48 : index
      %swap3A_209 = tpu.vector_load %arg9[%swap3A_208] {strides = array<i32>} : memref<128xi32, #tpu.memory_space<vmem>>, vector<16xi32>,
      %swap3A_210 = vector.shape_cast %swap3A_209 : vector<16xi32> to vector<16xi32>
      %swap3A_211 = vector.shape_cast %mul3A_207 : vector<16xi32> to vector<16xi32>
      tpu.vector_store %arg9[%swap3A_208], %swap3A_211 {strides = array<i32>} : memref<128xi32, #tpu.memory_space<vmem>>, vector<16xi32>,
      %add3A_212 = arith.constant 1 : i32
      %add3A_213 = vector.broadcast %add3A_212 : i32 to vector<16xi32>
      %add3A_214 = arith.addi %mul3A_207, %add3A_213 : vector<16xi32>
      %swap3A_215 = arith.constant 112 : index
      %swap3A_216 = tpu.vector_load %arg9[%swap3A_215] {strides = array<i32>} : memref<128xi32, #tpu.memory_space<vmem>>, vector<16xi32>,
      %swap3A_217 = vector.shape_cast %swap3A_216 : vector<16xi32> to vector<16xi32>
      %swap3A_218 = vector.shape_cast %add3A_214 : vector<16xi32> to vector<16xi32>
      tpu.vector_store %arg9[%swap3A_215], %swap3A_218 {strides = array<i32>} : memref<128xi32, #tpu.memory_space<vmem>>, vector<16xi32>,
      %dma_start3A = arith.constant 0 : i32
      %dma_start3A_219 = arith.constant 0 : i32
      %dma_start3A_220 = tpu.memref_slice %arg2[%dma_start3A, %dma_start3A_219] : memref<20480x128xf32, #tpu.memory_space<hbm>> -> memref<20480x128xf32, #tpu.memory_space<hbm>>
      tpu.enqueue_indirect_dma source(%dma_start3A_220 : memref<20480x128xf32, #tpu.memory_space<hbm>>) target(%arg12 : memref<128x128xf32, #tpu.memory_space<vmem>>) offsets(%arg8 : memref<128xi32, #tpu.memory_space<vmem>>) semaphore(%arg14 : memref<!tpu.dma_semaphore, #tpu.memory_space<semaphore_mem>>)
      %get3A_221 = arith.constant 1 : i32
      %get3A_222 = arith.index_cast %get3A_221 : i32 to index
      %get3A_223 = arith.constant 0 : index
      %get3A_224 = tpu.vector_load %arg6[%get3A_222, %get3A_223] {strides = array<i32>} : memref<16x64xi32, #tpu.memory_space<vmem>>, vector<1x16xi32>,
      %get3A_225 = vector.shape_cast %get3A_224 : vector<1x16xi32> to vector<16xi32>
      %mul3A_226 = arith.constant 2 : i32
      %mul3A_227 = vector.broadcast %mul3A_226 : i32 to vector<16xi32>
      %mul3A_228 = arith.muli %get3A_225, %mul3A_227 : vector<16xi32>
      %swap3A_229 = arith.constant 0 : index
      %swap3A_230 = tpu.vector_load %arg10[%swap3A_229] {strides = array<i32>} : memref<128xi32, #tpu.memory_space<vmem>>, vector<16xi32>,
      %swap3A_231 = vector.shape_cast %swap3A_230 : vector<16xi32> to vector<16xi32>
      %swap3A_232 = vector.shape_cast %mul3A_228 : vector<16xi32> to vector<16xi32>
      tpu.vector_store %arg10[%swap3A_229], %swap3A_232 {strides = array<i32>} : memref<128xi32, #tpu.memory_space<vmem>>, vector<16xi32>,
      %add3A_233 = arith.constant 1 : i32
      %add3A_234 = vector.broadcast %add3A_233 : i32 to vector<16xi32>
      %add3A_235 = arith.addi %mul3A_228, %add3A_234 : vector<16xi32>
      %swap3A_236 = arith.constant 64 : index
      %swap3A_237 = tpu.vector_load %arg10[%swap3A_236] {strides = array<i32>} : memref<128xi32, #tpu.memory_space<vmem>>, vector<16xi32>,
      %swap3A_238 = vector.shape_cast %swap3A_237 : vector<16xi32> to vector<16xi32>
      %swap3A_239 = vector.shape_cast %add3A_235 : vector<16xi32> to vector<16xi32>
      tpu.vector_store %arg10[%swap3A_236], %swap3A_239 {strides = array<i32>} : memref<128xi32, #tpu.memory_space<vmem>>, vector<16xi32>,
      %get3A_240 = arith.constant 1 : i32
      %get3A_241 = arith.index_cast %get3A_240 : i32 to index
      %get3A_242 = arith.constant 0 : index
      %get3A_243 = tpu.vector_load %arg7[%get3A_241, %get3A_242] {strides = array<i32>} : memref<16x64xi32, #tpu.memory_space<vmem>>, vector<1x16xi32>,
      %get3A_244 = vector.shape_cast %get3A_243 : vector<1x16xi32> to vector<16xi32>
      %sub3A_245 = vector.broadcast %mul3A_0 : i32 to vector<16xi32>
      %sub3A_246 = arith.subi %get3A_244, %sub3A_245 : vector<16xi32>
      %ge3A_247 = arith.constant 0 : i32
      %ge3A_248 = vector.broadcast %ge3A_247 : i32 to vector<16xi32>
      %ge3A_249 = arith.cmpi sge, %sub3A_246, %ge3A_248 : vector<16xi32>
      %lt3A_250 = arith.constant 5000 : i32
      %lt3A_251 = vector.broadcast %lt3A_250 : i32 to vector<16xi32>
      %lt3A_252 = arith.cmpi slt, %sub3A_246, %lt3A_251 : vector<16xi32>
      %and3A_253 = arith.andi %ge3A_249, %lt3A_252 : vector<16xi1>
      %jit3A_254 = arith.constant 5000 : i32
      %broadcast_in_dim3A_255 = vector.broadcast %jit3A_254 : i32 to vector<16xi32>
      %select_n3A_256 = arith.select %and3A_253, %sub3A_246, %broadcast_in_dim3A_255 : vector<16xi1>, vector<16xi32>
      %mul3A_257 = arith.constant 2 : i32
      %mul3A_258 = vector.broadcast %mul3A_257 : i32 to vector<16xi32>
      %mul3A_259 = arith.muli %select_n3A_256, %mul3A_258 : vector<16xi32>
      %swap3A_260 = arith.constant 0 : index
      %swap3A_261 = tpu.vector_load %arg11[%swap3A_260] {strides = array<i32>} : memref<128xi32, #tpu.memory_space<vmem>>, vector<16xi32>,
      %swap3A_262 = vector.shape_cast %swap3A_261 : vector<16xi32> to vector<16xi32>
      %swap3A_263 = vector.shape_cast %mul3A_259 : vector<16xi32> to vector<16xi32>
      tpu.vector_store %arg11[%swap3A_260], %swap3A_263 {strides = array<i32>} : memref<128xi32, #tpu.memory_space<vmem>>, vector<16xi32>,
      %add3A_264 = arith.constant 1 : i32
      %add3A_265 = vector.broadcast %add3A_264 : i32 to vector<16xi32>
      %add3A_266 = arith.addi %mul3A_259, %add3A_265 : vector<16xi32>
      %swap3A_267 = arith.constant 64 : index
      %swap3A_268 = tpu.vector_load %arg11[%swap3A_267] {strides = array<i32>} : memref<128xi32, #tpu.memory_space<vmem>>, vector<16xi32>,
      %swap3A_269 = vector.shape_cast %swap3A_268 : vector<16xi32> to vector<16xi32>
      %swap3A_270 = vector.shape_cast %add3A_266 : vector<16xi32> to vector<16xi32>
      tpu.vector_store %arg11[%swap3A_267], %swap3A_270 {strides = array<i32>} : memref<128xi32, #tpu.memory_space<vmem>>, vector<16xi32>,
      %get3A_271 = arith.constant 1 : i32
      %get3A_272 = arith.index_cast %get3A_271 : i32 to index
      %get3A_273 = arith.constant 16 : index
      %get3A_274 = tpu.vector_load %arg6[%get3A_272, %get3A_273] {strides = array<i32>} : memref<16x64xi32, #tpu.memory_space<vmem>>, vector<1x16xi32>,
      %get3A_275 = vector.shape_cast %get3A_274 : vector<1x16xi32> to vector<16xi32>
      %mul3A_276 = arith.constant 2 : i32
      %mul3A_277 = vector.broadcast %mul3A_276 : i32 to vector<16xi32>
      %mul3A_278 = arith.muli %get3A_275, %mul3A_277 : vector<16xi32>
      %swap3A_279 = arith.constant 16 : index
      %swap3A_280 = tpu.vector_load %arg10[%swap3A_279] {strides = array<i32>} : memref<128xi32, #tpu.memory_space<vmem>>, vector<16xi32>,
      %swap3A_281 = vector.shape_cast %swap3A_280 : vector<16xi32> to vector<16xi32>
      %swap3A_282 = vector.shape_cast %mul3A_278 : vector<16xi32> to vector<16xi32>
      tpu.vector_store %arg10[%swap3A_279], %swap3A_282 {strides = array<i32>} : memref<128xi32, #tpu.memory_space<vmem>>, vector<16xi32>,
      %add3A_283 = arith.constant 1 : i32
      %add3A_284 = vector.broadcast %add3A_283 : i32 to vector<16xi32>
      %add3A_285 = arith.addi %mul3A_278, %add3A_284 : vector<16xi32>
      %swap3A_286 = arith.constant 80 : index
      %swap3A_287 = tpu.vector_load %arg10[%swap3A_286] {strides = array<i32>} : memref<128xi32, #tpu.memory_space<vmem>>, vector<16xi32>,
      %swap3A_288 = vector.shape_cast %swap3A_287 : vector<16xi32> to vector<16xi32>
      %swap3A_289 = vector.shape_cast %add3A_285 : vector<16xi32> to vector<16xi32>
      tpu.vector_store %arg10[%swap3A_286], %swap3A_289 {strides = array<i32>} : memref<128xi32, #tpu.memory_space<vmem>>, vector<16xi32>,
      %get3A_290 = arith.constant 1 : i32
      %get3A_291 = arith.index_cast %get3A_290 : i32 to index
      %get3A_292 = arith.constant 16 : index
      %get3A_293 = tpu.vector_load %arg7[%get3A_291, %get3A_292] {strides = array<i32>} : memref<16x64xi32, #tpu.memory_space<vmem>>, vector<1x16xi32>,
      %get3A_294 = vector.shape_cast %get3A_293 : vector<1x16xi32> to vector<16xi32>
      %sub3A_295 = vector.broadcast %mul3A_0 : i32 to vector<16xi32>
      %sub3A_296 = arith.subi %get3A_294, %sub3A_295 : vector<16xi32>
      %ge3A_297 = arith.constant 0 : i32
      %ge3A_298 = vector.broadcast %ge3A_297 : i32 to vector<16xi32>
      %ge3A_299 = arith.cmpi sge, %sub3A_296, %ge3A_298 : vector<16xi32>
      %lt3A_300 = arith.constant 5000 : i32
      %lt3A_301 = vector.broadcast %lt3A_300 : i32 to vector<16xi32>
      %lt3A_302 = arith.cmpi slt, %sub3A_296, %lt3A_301 : vector<16xi32>
      %and3A_303 = arith.andi %ge3A_299, %lt3A_302 : vector<16xi1>
      %jit3A_304 = arith.constant 5000 : i32
      %broadcast_in_dim3A_305 = vector.broadcast %jit3A_304 : i32 to vector<16xi32>
      %select_n3A_306 = arith.select %and3A_303, %sub3A_296, %broadcast_in_dim3A_305 : vector<16xi1>, vector<16xi32>
      %mul3A_307 = arith.constant 2 : i32
      %mul3A_308 = vector.broadcast %mul3A_307 : i32 to vector<16xi32>
      %mul3A_309 = arith.muli %select_n3A_306, %mul3A_308 : vector<16xi32>
      %swap3A_310 = arith.constant 16 : index
      %swap3A_311 = tpu.vector_load %arg11[%swap3A_310] {strides = array<i32>} : memref<128xi32, #tpu.memory_space<vmem>>, vector<16xi32>,
      %swap3A_312 = vector.shape_cast %swap3A_311 : vector<16xi32> to vector<16xi32>
      %swap3A_313 = vector.shape_cast %mul3A_309 : vector<16xi32> to vector<16xi32>
      tpu.vector_store %arg11[%swap3A_310], %swap3A_313 {strides = array<i32>} : memref<128xi32, #tpu.memory_space<vmem>>, vector<16xi32>,
      %add3A_314 = arith.constant 1 : i32
      %add3A_315 = vector.broadcast %add3A_314 : i32 to vector<16xi32>
      %add3A_316 = arith.addi %mul3A_309, %add3A_315 : vector<16xi32>
      %swap3A_317 = arith.constant 80 : index
      %swap3A_318 = tpu.vector_load %arg11[%swap3A_317] {strides = array<i32>} : memref<128xi32, #tpu.memory_space<vmem>>, vector<16xi32>,
      %swap3A_319 = vector.shape_cast %swap3A_318 : vector<16xi32> to vector<16xi32>
      %swap3A_320 = vector.shape_cast %add3A_316 : vector<16xi32> to vector<16xi32>
      tpu.vector_store %arg11[%swap3A_317], %swap3A_320 {strides = array<i32>} : memref<128xi32, #tpu.memory_space<vmem>>, vector<16xi32>,
      %get3A_321 = arith.constant 1 : i32
      %get3A_322 = arith.index_cast %get3A_321 : i32 to index
      %get3A_323 = arith.constant 32 : index
      %get3A_324 = tpu.vector_load %arg6[%get3A_322, %get3A_323] {strides = array<i32>} : memref<16x64xi32, #tpu.memory_space<vmem>>, vector<1x16xi32>,
      %get3A_325 = vector.shape_cast %get3A_324 : vector<1x16xi32> to vector<16xi32>
      %mul3A_326 = arith.constant 2 : i32
      %mul3A_327 = vector.broadcast %mul3A_326 : i32 to vector<16xi32>
      %mul3A_328 = arith.muli %get3A_325, %mul3A_327 : vector<16xi32>
      %swap3A_329 = arith.constant 32 : index
      %swap3A_330 = tpu.vector_load %arg10[%swap3A_329] {strides = array<i32>} : memref<128xi32, #tpu.memory_space<vmem>>, vector<16xi32>,
      %swap3A_331 = vector.shape_cast %swap3A_330 : vector<16xi32> to vector<16xi32>
      %swap3A_332 = vector.shape_cast %mul3A_328 : vector<16xi32> to vector<16xi32>
      tpu.vector_store %arg10[%swap3A_329], %swap3A_332 {strides = array<i32>} : memref<128xi32, #tpu.memory_space<vmem>>, vector<16xi32>,
      %add3A_333 = arith.constant 1 : i32
      %add3A_334 = vector.broadcast %add3A_333 : i32 to vector<16xi32>
      %add3A_335 = arith.addi %mul3A_328, %add3A_334 : vector<16xi32>
      %swap3A_336 = arith.constant 96 : index
      %swap3A_337 = tpu.vector_load %arg10[%swap3A_336] {strides = array<i32>} : memref<128xi32, #tpu.memory_space<vmem>>, vector<16xi32>,
      %swap3A_338 = vector.shape_cast %swap3A_337 : vector<16xi32> to vector<16xi32>
      %swap3A_339 = vector.shape_cast %add3A_335 : vector<16xi32> to vector<16xi32>
      tpu.vector_store %arg10[%swap3A_336], %swap3A_339 {strides = array<i32>} : memref<128xi32, #tpu.memory_space<vmem>>, vector<16xi32>,
      %get3A_340 = arith.constant 1 : i32
      %get3A_341 = arith.index_cast %get3A_340 : i32 to index
      %get3A_342 = arith.constant 32 : index
      %get3A_343 = tpu.vector_load %arg7[%get3A_341, %get3A_342] {strides = array<i32>} : memref<16x64xi32, #tpu.memory_space<vmem>>, vector<1x16xi32>,
      %get3A_344 = vector.shape_cast %get3A_343 : vector<1x16xi32> to vector<16xi32>
      %sub3A_345 = vector.broadcast %mul3A_0 : i32 to vector<16xi32>
      %sub3A_346 = arith.subi %get3A_344, %sub3A_345 : vector<16xi32>
      %ge3A_347 = arith.constant 0 : i32
      %ge3A_348 = vector.broadcast %ge3A_347 : i32 to vector<16xi32>
      %ge3A_349 = arith.cmpi sge, %sub3A_346, %ge3A_348 : vector<16xi32>
      %lt3A_350 = arith.constant 5000 : i32
      %lt3A_351 = vector.broadcast %lt3A_350 : i32 to vector<16xi32>
      %lt3A_352 = arith.cmpi slt, %sub3A_346, %lt3A_351 : vector<16xi32>
      %and3A_353 = arith.andi %ge3A_349, %lt3A_352 : vector<16xi1>
      %jit3A_354 = arith.constant 5000 : i32
      %broadcast_in_dim3A_355 = vector.broadcast %jit3A_354 : i32 to vector<16xi32>
      %select_n3A_356 = arith.select %and3A_353, %sub3A_346, %broadcast_in_dim3A_355 : vector<16xi1>, vector<16xi32>
      %mul3A_357 = arith.constant 2 : i32
      %mul3A_358 = vector.broadcast %mul3A_357 : i32 to vector<16xi32>
      %mul3A_359 = arith.muli %select_n3A_356, %mul3A_358 : vector<16xi32>
      %swap3A_360 = arith.constant 32 : index
      %swap3A_361 = tpu.vector_load %arg11[%swap3A_360] {strides = array<i32>} : memref<128xi32, #tpu.memory_space<vmem>>, vector<16xi32>,
      %swap3A_362 = vector.shape_cast %swap3A_361 : vector<16xi32> to vector<16xi32>
      %swap3A_363 = vector.shape_cast %mul3A_359 : vector<16xi32> to vector<16xi32>
      tpu.vector_store %arg11[%swap3A_360], %swap3A_363 {strides = array<i32>} : memref<128xi32, #tpu.memory_space<vmem>>, vector<16xi32>,
      %add3A_364 = arith.constant 1 : i32
      %add3A_365 = vector.broadcast %add3A_364 : i32 to vector<16xi32>
      %add3A_366 = arith.addi %mul3A_359, %add3A_365 : vector<16xi32>
      %swap3A_367 = arith.constant 96 : index
      %swap3A_368 = tpu.vector_load %arg11[%swap3A_367] {strides = array<i32>} : memref<128xi32, #tpu.memory_space<vmem>>, vector<16xi32>,
      %swap3A_369 = vector.shape_cast %swap3A_368 : vector<16xi32> to vector<16xi32>
      %swap3A_370 = vector.shape_cast %add3A_366 : vector<16xi32> to vector<16xi32>
      tpu.vector_store %arg11[%swap3A_367], %swap3A_370 {strides = array<i32>} : memref<128xi32, #tpu.memory_space<vmem>>, vector<16xi32>,
      %get3A_371 = arith.constant 1 : i32
      %get3A_372 = arith.index_cast %get3A_371 : i32 to index
      %get3A_373 = arith.constant 48 : index
      %get3A_374 = tpu.vector_load %arg6[%get3A_372, %get3A_373] {strides = array<i32>} : memref<16x64xi32, #tpu.memory_space<vmem>>, vector<1x16xi32>,
      %get3A_375 = vector.shape_cast %get3A_374 : vector<1x16xi32> to vector<16xi32>
      %mul3A_376 = arith.constant 2 : i32
      %mul3A_377 = vector.broadcast %mul3A_376 : i32 to vector<16xi32>
      %mul3A_378 = arith.muli %get3A_375, %mul3A_377 : vector<16xi32>
      %swap3A_379 = arith.constant 48 : index
      %swap3A_380 = tpu.vector_load %arg10[%swap3A_379] {strides = array<i32>} : memref<128xi32, #tpu.memory_space<vmem>>, vector<16xi32>,
      %swap3A_381 = vector.shape_cast %swap3A_380 : vector<16xi32> to vector<16xi32>
      %swap3A_382 = vector.shape_cast %mul3A_378 : vector<16xi32> to vector<16xi32>
      tpu.vector_store %arg10[%swap3A_379], %swap3A_382 {strides = array<i32>} : memref<128xi32, #tpu.memory_space<vmem>>, vector<16xi32>,
      %add3A_383 = arith.constant 1 : i32
      %add3A_384 = vector.broadcast %add3A_383 : i32 to vector<16xi32>
      %add3A_385 = arith.addi %mul3A_378, %add3A_384 : vector<16xi32>
      %swap3A_386 = arith.constant 112 : index
      %swap3A_387 = tpu.vector_load %arg10[%swap3A_386] {strides = array<i32>} : memref<128xi32, #tpu.memory_space<vmem>>, vector<16xi32>,
      %swap3A_388 = vector.shape_cast %swap3A_387 : vector<16xi32> to vector<16xi32>
      %swap3A_389 = vector.shape_cast %add3A_385 : vector<16xi32> to vector<16xi32>
      tpu.vector_store %arg10[%swap3A_386], %swap3A_389 {strides = array<i32>} : memref<128xi32, #tpu.memory_space<vmem>>, vector<16xi32>,
      %get3A_390 = arith.constant 1 : i32
      %get3A_391 = arith.index_cast %get3A_390 : i32 to index
      %get3A_392 = arith.constant 48 : index
      %get3A_393 = tpu.vector_load %arg7[%get3A_391, %get3A_392] {strides = array<i32>} : memref<16x64xi32, #tpu.memory_space<vmem>>, vector<1x16xi32>,
      %get3A_394 = vector.shape_cast %get3A_393 : vector<1x16xi32> to vector<16xi32>
      %sub3A_395 = vector.broadcast %mul3A_0 : i32 to vector<16xi32>
      %sub3A_396 = arith.subi %get3A_394, %sub3A_395 : vector<16xi32>
      %ge3A_397 = arith.constant 0 : i32
      %ge3A_398 = vector.broadcast %ge3A_397 : i32 to vector<16xi32>
      %ge3A_399 = arith.cmpi sge, %sub3A_396, %ge3A_398 : vector<16xi32>
      %lt3A_400 = arith.constant 5000 : i32
      %lt3A_401 = vector.broadcast %lt3A_400 : i32 to vector<16xi32>
      %lt3A_402 = arith.cmpi slt, %sub3A_396, %lt3A_401 : vector<16xi32>
      %and3A_403 = arith.andi %ge3A_399, %lt3A_402 : vector<16xi1>
      %jit3A_404 = arith.constant 5000 : i32
      %broadcast_in_dim3A_405 = vector.broadcast %jit3A_404 : i32 to vector<16xi32>
      %select_n3A_406 = arith.select %and3A_403, %sub3A_396, %broadcast_in_dim3A_405 : vector<16xi1>, vector<16xi32>
      %mul3A_407 = arith.constant 2 : i32
      %mul3A_408 = vector.broadcast %mul3A_407 : i32 to vector<16xi32>
      %mul3A_409 = arith.muli %select_n3A_406, %mul3A_408 : vector<16xi32>
      %swap3A_410 = arith.constant 48 : index
      %swap3A_411 = tpu.vector_load %arg11[%swap3A_410] {strides = array<i32>} : memref<128xi32, #tpu.memory_space<vmem>>, vector<16xi32>,
      %swap3A_412 = vector.shape_cast %swap3A_411 : vector<16xi32> to vector<16xi32>
      %swap3A_413 = vector.shape_cast %mul3A_409 : vector<16xi32> to vector<16xi32>
      tpu.vector_store %arg11[%swap3A_410], %swap3A_413 {strides = array<i32>} : memref<128xi32, #tpu.memory_space<vmem>>, vector<16xi32>,
      %add3A_414 = arith.constant 1 : i32
      %add3A_415 = vector.broadcast %add3A_414 : i32 to vector<16xi32>
      %add3A_416 = arith.addi %mul3A_409, %add3A_415 : vector<16xi32>
      %swap3A_417 = arith.constant 112 : index
      %swap3A_418 = tpu.vector_load %arg11[%swap3A_417] {strides = array<i32>} : memref<128xi32, #tpu.memory_space<vmem>>, vector<16xi32>,
      %swap3A_419 = vector.shape_cast %swap3A_418 : vector<16xi32> to vector<16xi32>
      %swap3A_420 = vector.shape_cast %add3A_416 : vector<16xi32> to vector<16xi32>
      tpu.vector_store %arg11[%swap3A_417], %swap3A_420 {strides = array<i32>} : memref<128xi32, #tpu.memory_space<vmem>>, vector<16xi32>,
      %dma_start3A_421 = arith.constant 0 : i32
      %dma_start3A_422 = arith.constant 0 : i32
      %dma_start3A_423 = tpu.memref_slice %arg2[%dma_start3A_421, %dma_start3A_422] : memref<20480x128xf32, #tpu.memory_space<hbm>> -> memref<20480x128xf32, #tpu.memory_space<hbm>>
      tpu.enqueue_indirect_dma source(%dma_start3A_423 : memref<20480x128xf32, #tpu.memory_space<hbm>>) target(%arg13 : memref<128x128xf32, #tpu.memory_space<vmem>>) offsets(%arg10 : memref<128xi32, #tpu.memory_space<vmem>>) semaphore(%arg15 : memref<!tpu.dma_semaphore, #tpu.memory_space<semaphore_mem>>)
      %dma_wait3A = arith.constant 0 : i32
      %dma_wait3A_424 = arith.constant 0 : i32
      %dma_wait3A_425 = tpu.memref_slice %arg2[%dma_wait3A, %dma_wait3A_424] : memref<20480x128xf32, #tpu.memory_space<hbm>> -> memref<20480x128xf32, #tpu.memory_space<hbm>>
      tpu.wait_indirect_dma semaphore(%arg14 : memref<!tpu.dma_semaphore, #tpu.memory_space<semaphore_mem>>) src(%dma_wait3A_425 : memref<20480x128xf32, #tpu.memory_space<hbm>>) dst(%arg12 : memref<128x128xf32, #tpu.memory_space<vmem>>)
      "tpu.region"() ({
        %run_scoped3A = tpu.sem_alloc : memref<!tpu.dma_semaphore, #tpu.memory_space<semaphore_mem>>
        %dma_start3A_3313 = arith.constant 0 : i32
        %dma_start3A_3314 = arith.constant 0 : i32
        %dma_start3A_3315 = tpu.memref_slice %arg18[%dma_start3A_3313, %dma_start3A_3314] : memref<10240x128xf32, #tpu.memory_space<vmem_shared>> -> memref<10240x128xf32, #tpu.memory_space<vmem_shared>>
        tpu.enqueue_indirect_dma source(%arg12 : memref<128x128xf32, #tpu.memory_space<vmem>>) target(%dma_start3A_3315 : memref<10240x128xf32, #tpu.memory_space<vmem_shared>>) offsets(%arg9 : memref<128xi32, #tpu.memory_space<vmem>>) semaphore(%run_scoped3A : memref<!tpu.dma_semaphore, #tpu.memory_space<semaphore_mem>>) {add = true}
        %dma_wait3A_3316 = arith.constant 0 : i32
        %dma_wait3A_3317 = arith.constant 0 : i32
        %dma_wait3A_3318 = tpu.memref_slice %arg18[%dma_wait3A_3316, %dma_wait3A_3317] : memref<10240x128xf32, #tpu.memory_space<vmem_shared>> -> memref<10240x128xf32, #tpu.memory_space<vmem_shared>>
        tpu.wait_indirect_dma semaphore(%run_scoped3A : memref<!tpu.dma_semaphore, #tpu.memory_space<semaphore_mem>>) src(%arg12 : memref<128x128xf32, #tpu.memory_space<vmem>>) dst(%dma_wait3A_3318 : memref<10240x128xf32, #tpu.memory_space<vmem_shared>>)
        tpu.yield
      }) : () -> ()
      %get3A_426 = arith.constant 2 : i32
      %get3A_427 = arith.index_cast %get3A_426 : i32 to index
      %get3A_428 = arith.constant 0 : index
      %get3A_429 = tpu.vector_load %arg6[%get3A_427, %get3A_428] {strides = array<i32>} : memref<16x64xi32, #tpu.memory_space<vmem>>, vector<1x16xi32>,
      %get3A_430 = vector.shape_cast %get3A_429 : vector<1x16xi32> to vector<16xi32>
      %mul3A_431 = arith.constant 2 : i32
      %mul3A_432 = vector.broadcast %mul3A_431 : i32 to vector<16xi32>
      %mul3A_433 = arith.muli %get3A_430, %mul3A_432 : vector<16xi32>
      %swap3A_434 = arith.constant 0 : index
      %swap3A_435 = tpu.vector_load %arg8[%swap3A_434] {strides = array<i32>} : memref<128xi32, #tpu.memory_space<vmem>>, vector<16xi32>,
      %swap3A_436 = vector.shape_cast %swap3A_435 : vector<16xi32> to vector<16xi32>
      %swap3A_437 = vector.shape_cast %mul3A_433 : vector<16xi32> to vector<16xi32>
      tpu.vector_store %arg8[%swap3A_434], %swap3A_437 {strides = array<i32>} : memref<128xi32, #tpu.memory_space<vmem>>, vector<16xi32>,
      %add3A_438 = arith.constant 1 : i32
      %add3A_439 = vector.broadcast %add3A_438 : i32 to vector<16xi32>
      %add3A_440 = arith.addi %mul3A_433, %add3A_439 : vector<16xi32>
      %swap3A_441 = arith.constant 64 : index
      %swap3A_442 = tpu.vector_load %arg8[%swap3A_441] {strides = array<i32>} : memref<128xi32, #tpu.memory_space<vmem>>, vector<16xi32>,
      %swap3A_443 = vector.shape_cast %swap3A_442 : vector<16xi32> to vector<16xi32>
      %swap3A_444 = vector.shape_cast %add3A_440 : vector<16xi32> to vector<16xi32>
      tpu.vector_store %arg8[%swap3A_441], %swap3A_444 {strides = array<i32>} : memref<128xi32, #tpu.memory_space<vmem>>, vector<16xi32>,
      %get3A_445 = arith.constant 2 : i32
      %get3A_446 = arith.index_cast %get3A_445 : i32 to index
      %get3A_447 = arith.constant 0 : index
      %get3A_448 = tpu.vector_load %arg7[%get3A_446, %get3A_447] {strides = array<i32>} : memref<16x64xi32, #tpu.memory_space<vmem>>, vector<1x16xi32>,
      %get3A_449 = vector.shape_cast %get3A_448 : vector<1x16xi32> to vector<16xi32>
      %sub3A_450 = vector.broadcast %mul3A_0 : i32 to vector<16xi32>
      %sub3A_451 = arith.subi %get3A_449, %sub3A_450 : vector<16xi32>
      %ge3A_452 = arith.constant 0 : i32
      %ge3A_453 = vector.broadcast %ge3A_452 : i32 to vector<16xi32>
      %ge3A_454 = arith.cmpi sge, %sub3A_451, %ge3A_453 : vector<16xi32>
      %lt3A_455 = arith.constant 5000 : i32
      %lt3A_456 = vector.broadcast %lt3A_455 : i32 to vector<16xi32>
      %lt3A_457 = arith.cmpi slt, %sub3A_451, %lt3A_456 : vector<16xi32>
      %and3A_458 = arith.andi %ge3A_454, %lt3A_457 : vector<16xi1>
      %jit3A_459 = arith.constant 5000 : i32
      %broadcast_in_dim3A_460 = vector.broadcast %jit3A_459 : i32 to vector<16xi32>
      %select_n3A_461 = arith.select %and3A_458, %sub3A_451, %broadcast_in_dim3A_460 : vector<16xi1>, vector<16xi32>
      %mul3A_462 = arith.constant 2 : i32
      %mul3A_463 = vector.broadcast %mul3A_462 : i32 to vector<16xi32>
      %mul3A_464 = arith.muli %select_n3A_461, %mul3A_463 : vector<16xi32>
      %swap3A_465 = arith.constant 0 : index
      %swap3A_466 = tpu.vector_load %arg9[%swap3A_465] {strides = array<i32>} : memref<128xi32, #tpu.memory_space<vmem>>, vector<16xi32>,
      %swap3A_467 = vector.shape_cast %swap3A_466 : vector<16xi32> to vector<16xi32>
      %swap3A_468 = vector.shape_cast %mul3A_464 : vector<16xi32> to vector<16xi32>
      tpu.vector_store %arg9[%swap3A_465], %swap3A_468 {strides = array<i32>} : memref<128xi32, #tpu.memory_space<vmem>>, vector<16xi32>,
      %add3A_469 = arith.constant 1 : i32
      %add3A_470 = vector.broadcast %add3A_469 : i32 to vector<16xi32>
      %add3A_471 = arith.addi %mul3A_464, %add3A_470 : vector<16xi32>
      %swap3A_472 = arith.constant 64 : index
      %swap3A_473 = tpu.vector_load %arg9[%swap3A_472] {strides = array<i32>} : memref<128xi32, #tpu.memory_space<vmem>>, vector<16xi32>,
      %swap3A_474 = vector.shape_cast %swap3A_473 : vector<16xi32> to vector<16xi32>
      %swap3A_475 = vector.shape_cast %add3A_471 : vector<16xi32> to vector<16xi32>
      tpu.vector_store %arg9[%swap3A_472], %swap3A_475 {strides = array<i32>} : memref<128xi32, #tpu.memory_space<vmem>>, vector<16xi32>,
      %get3A_476 = arith.constant 2 : i32
      %get3A_477 = arith.index_cast %get3A_476 : i32 to index
      %get3A_478 = arith.constant 16 : index
      %get3A_479 = tpu.vector_load %arg6[%get3A_477, %get3A_478] {strides = array<i32>} : memref<16x64xi32, #tpu.memory_space<vmem>>, vector<1x16xi32>,
      %get3A_480 = vector.shape_cast %get3A_479 : vector<1x16xi32> to vector<16xi32>
      %mul3A_481 = arith.constant 2 : i32
      %mul3A_482 = vector.broadcast %mul3A_481 : i32 to vector<16xi32>
      %mul3A_483 = arith.muli %get3A_480, %mul3A_482 : vector<16xi32>
      %swap3A_484 = arith.constant 16 : index
      %swap3A_485 = tpu.vector_load %arg8[%swap3A_484] {strides = array<i32>} : memref<128xi32, #tpu.memory_space<vmem>>, vector<16xi32>,
      %swap3A_486 = vector.shape_cast %swap3A_485 : vector<16xi32> to vector<16xi32>
      %swap3A_487 = vector.shape_cast %mul3A_483 : vector<16xi32> to vector<16xi32>
      tpu.vector_store %arg8[%swap3A_484], %swap3A_487 {strides = array<i32>} : memref<128xi32, #tpu.memory_space<vmem>>, vector<16xi32>,
      %add3A_488 = arith.constant 1 : i32
      %add3A_489 = vector.broadcast %add3A_488 : i32 to vector<16xi32>
      %add3A_490 = arith.addi %mul3A_483, %add3A_489 : vector<16xi32>
      %swap3A_491 = arith.constant 80 : index
      %swap3A_492 = tpu.vector_load %arg8[%swap3A_491] {strides = array<i32>} : memref<128xi32, #tpu.memory_space<vmem>>, vector<16xi32>,
      %swap3A_493 = vector.shape_cast %swap3A_492 : vector<16xi32> to vector<16xi32>
      %swap3A_494 = vector.shape_cast %add3A_490 : vector<16xi32> to vector<16xi32>
      tpu.vector_store %arg8[%swap3A_491], %swap3A_494 {strides = array<i32>} : memref<128xi32, #tpu.memory_space<vmem>>, vector<16xi32>,
      %get3A_495 = arith.constant 2 : i32
      %get3A_496 = arith.index_cast %get3A_495 : i32 to index
      %get3A_497 = arith.constant 16 : index
      %get3A_498 = tpu.vector_load %arg7[%get3A_496, %get3A_497] {strides = array<i32>} : memref<16x64xi32, #tpu.memory_space<vmem>>, vector<1x16xi32>,
      %get3A_499 = vector.shape_cast %get3A_498 : vector<1x16xi32> to vector<16xi32>
      %sub3A_500 = vector.broadcast %mul3A_0 : i32 to vector<16xi32>
      %sub3A_501 = arith.subi %get3A_499, %sub3A_500 : vector<16xi32>
      %ge3A_502 = arith.constant 0 : i32
      %ge3A_503 = vector.broadcast %ge3A_502 : i32 to vector<16xi32>
      %ge3A_504 = arith.cmpi sge, %sub3A_501, %ge3A_503 : vector<16xi32>
      %lt3A_505 = arith.constant 5000 : i32
      %lt3A_506 = vector.broadcast %lt3A_505 : i32 to vector<16xi32>
      %lt3A_507 = arith.cmpi slt, %sub3A_501, %lt3A_506 : vector<16xi32>
      %and3A_508 = arith.andi %ge3A_504, %lt3A_507 : vector<16xi1>
      %jit3A_509 = arith.constant 5000 : i32
      %broadcast_in_dim3A_510 = vector.broadcast %jit3A_509 : i32 to vector<16xi32>
      %select_n3A_511 = arith.select %and3A_508, %sub3A_501, %broadcast_in_dim3A_510 : vector<16xi1>, vector<16xi32>
      %mul3A_512 = arith.constant 2 : i32
      %mul3A_513 = vector.broadcast %mul3A_512 : i32 to vector<16xi32>
      %mul3A_514 = arith.muli %select_n3A_511, %mul3A_513 : vector<16xi32>
      %swap3A_515 = arith.constant 16 : index
      %swap3A_516 = tpu.vector_load %arg9[%swap3A_515] {strides = array<i32>} : memref<128xi32, #tpu.memory_space<vmem>>, vector<16xi32>,
      %swap3A_517 = vector.shape_cast %swap3A_516 : vector<16xi32> to vector<16xi32>
      %swap3A_518 = vector.shape_cast %mul3A_514 : vector<16xi32> to vector<16xi32>
      tpu.vector_store %arg9[%swap3A_515], %swap3A_518 {strides = array<i32>} : memref<128xi32, #tpu.memory_space<vmem>>, vector<16xi32>,
      %add3A_519 = arith.constant 1 : i32
      %add3A_520 = vector.broadcast %add3A_519 : i32 to vector<16xi32>
      %add3A_521 = arith.addi %mul3A_514, %add3A_520 : vector<16xi32>
      %swap3A_522 = arith.constant 80 : index
      %swap3A_523 = tpu.vector_load %arg9[%swap3A_522] {strides = array<i32>} : memref<128xi32, #tpu.memory_space<vmem>>, vector<16xi32>,
      %swap3A_524 = vector.shape_cast %swap3A_523 : vector<16xi32> to vector<16xi32>
      %swap3A_525 = vector.shape_cast %add3A_521 : vector<16xi32> to vector<16xi32>
      tpu.vector_store %arg9[%swap3A_522], %swap3A_525 {strides = array<i32>} : memref<128xi32, #tpu.memory_space<vmem>>, vector<16xi32>,
      %get3A_526 = arith.constant 2 : i32
      %get3A_527 = arith.index_cast %get3A_526 : i32 to index
      %get3A_528 = arith.constant 32 : index
      %get3A_529 = tpu.vector_load %arg6[%get3A_527, %get3A_528] {strides = array<i32>} : memref<16x64xi32, #tpu.memory_space<vmem>>, vector<1x16xi32>,
      %get3A_530 = vector.shape_cast %get3A_529 : vector<1x16xi32> to vector<16xi32>
      %mul3A_531 = arith.constant 2 : i32
      %mul3A_532 = vector.broadcast %mul3A_531 : i32 to vector<16xi32>
      %mul3A_533 = arith.muli %get3A_530, %mul3A_532 : vector<16xi32>
      %swap3A_534 = arith.constant 32 : index
      %swap3A_535 = tpu.vector_load %arg8[%swap3A_534] {strides = array<i32>} : memref<128xi32, #tpu.memory_space<vmem>>, vector<16xi32>,
      %swap3A_536 = vector.shape_cast %swap3A_535 : vector<16xi32> to vector<16xi32>
      %swap3A_537 = vector.shape_cast %mul3A_533 : vector<16xi32> to vector<16xi32>
      tpu.vector_store %arg8[%swap3A_534], %swap3A_537 {strides = array<i32>} : memref<128xi32, #tpu.memory_space<vmem>>, vector<16xi32>,
      %add3A_538 = arith.constant 1 : i32
      %add3A_539 = vector.broadcast %add3A_538 : i32 to vector<16xi32>
      %add3A_540 = arith.addi %mul3A_533, %add3A_539 : vector<16xi32>
      %swap3A_541 = arith.constant 96 : index
      %swap3A_542 = tpu.vector_load %arg8[%swap3A_541] {strides = array<i32>} : memref<128xi32, #tpu.memory_space<vmem>>, vector<16xi32>,
      %swap3A_543 = vector.shape_cast %swap3A_542 : vector<16xi32> to vector<16xi32>
      %swap3A_544 = vector.shape_cast %add3A_540 : vector<16xi32> to vector<16xi32>
      tpu.vector_store %arg8[%swap3A_541], %swap3A_544 {strides = array<i32>} : memref<128xi32, #tpu.memory_space<vmem>>, vector<16xi32>,
      %get3A_545 = arith.constant 2 : i32
      %get3A_546 = arith.index_cast %get3A_545 : i32 to index
      %get3A_547 = arith.constant 32 : index
      %get3A_548 = tpu.vector_load %arg7[%get3A_546, %get3A_547] {strides = array<i32>} : memref<16x64xi32, #tpu.memory_space<vmem>>, vector<1x16xi32>,
      %get3A_549 = vector.shape_cast %get3A_548 : vector<1x16xi32> to vector<16xi32>
      %sub3A_550 = vector.broadcast %mul3A_0 : i32 to vector<16xi32>
      %sub3A_551 = arith.subi %get3A_549, %sub3A_550 : vector<16xi32>
      %ge3A_552 = arith.constant 0 : i32
      %ge3A_553 = vector.broadcast %ge3A_552 : i32 to vector<16xi32>
      %ge3A_554 = arith.cmpi sge, %sub3A_551, %ge3A_553 : vector<16xi32>
      %lt3A_555 = arith.constant 5000 : i32
      %lt3A_556 = vector.broadcast %lt3A_555 : i32 to vector<16xi32>
      %lt3A_557 = arith.cmpi slt, %sub3A_551, %lt3A_556 : vector<16xi32>
      %and3A_558 = arith.andi %ge3A_554, %lt3A_557 : vector<16xi1>
      %jit3A_559 = arith.constant 5000 : i32
      %broadcast_in_dim3A_560 = vector.broadcast %jit3A_559 : i32 to vector<16xi32>
      %select_n3A_561 = arith.select %and3A_558, %sub3A_551, %broadcast_in_dim3A_560 : vector<16xi1>, vector<16xi32>
      %mul3A_562 = arith.constant 2 : i32
      %mul3A_563 = vector.broadcast %mul3A_562 : i32 to vector<16xi32>
      %mul3A_564 = arith.muli %select_n3A_561, %mul3A_563 : vector<16xi32>
      %swap3A_565 = arith.constant 32 : index
      %swap3A_566 = tpu.vector_load %arg9[%swap3A_565] {strides = array<i32>} : memref<128xi32, #tpu.memory_space<vmem>>, vector<16xi32>,
      %swap3A_567 = vector.shape_cast %swap3A_566 : vector<16xi32> to vector<16xi32>
      %swap3A_568 = vector.shape_cast %mul3A_564 : vector<16xi32> to vector<16xi32>
      tpu.vector_store %arg9[%swap3A_565], %swap3A_568 {strides = array<i32>} : memref<128xi32, #tpu.memory_space<vmem>>, vector<16xi32>,
      %add3A_569 = arith.constant 1 : i32
      %add3A_570 = vector.broadcast %add3A_569 : i32 to vector<16xi32>
      %add3A_571 = arith.addi %mul3A_564, %add3A_570 : vector<16xi32>
      %swap3A_572 = arith.constant 96 : index
      %swap3A_573 = tpu.vector_load %arg9[%swap3A_572] {strides = array<i32>} : memref<128xi32, #tpu.memory_space<vmem>>, vector<16xi32>,
      %swap3A_574 = vector.shape_cast %swap3A_573 : vector<16xi32> to vector<16xi32>
      %swap3A_575 = vector.shape_cast %add3A_571 : vector<16xi32> to vector<16xi32>
      tpu.vector_store %arg9[%swap3A_572], %swap3A_575 {strides = array<i32>} : memref<128xi32, #tpu.memory_space<vmem>>, vector<16xi32>,
      %get3A_576 = arith.constant 2 : i32
      %get3A_577 = arith.index_cast %get3A_576 : i32 to index
      %get3A_578 = arith.constant 48 : index
      %get3A_579 = tpu.vector_load %arg6[%get3A_577, %get3A_578] {strides = array<i32>} : memref<16x64xi32, #tpu.memory_space<vmem>>, vector<1x16xi32>,
      %get3A_580 = vector.shape_cast %get3A_579 : vector<1x16xi32> to vector<16xi32>
      %mul3A_581 = arith.constant 2 : i32
      %mul3A_582 = vector.broadcast %mul3A_581 : i32 to vector<16xi32>
      %mul3A_583 = arith.muli %get3A_580, %mul3A_582 : vector<16xi32>
      %swap3A_584 = arith.constant 48 : index
      %swap3A_585 = tpu.vector_load %arg8[%swap3A_584] {strides = array<i32>} : memref<128xi32, #tpu.memory_space<vmem>>, vector<16xi32>,
      %swap3A_586 = vector.shape_cast %swap3A_585 : vector<16xi32> to vector<16xi32>
      %swap3A_587 = vector.shape_cast %mul3A_583 : vector<16xi32> to vector<16xi32>
      tpu.vector_store %arg8[%swap3A_584], %swap3A_587 {strides = array<i32>} : memref<128xi32, #tpu.memory_space<vmem>>, vector<16xi32>,
      %add3A_588 = arith.constant 1 : i32
      %add3A_589 = vector.broadcast %add3A_588 : i32 to vector<16xi32>
      %add3A_590 = arith.addi %mul3A_583, %add3A_589 : vector<16xi32>
      %swap3A_591 = arith.constant 112 : index
      %swap3A_592 = tpu.vector_load %arg8[%swap3A_591] {strides = array<i32>} : memref<128xi32, #tpu.memory_space<vmem>>, vector<16xi32>,
      %swap3A_593 = vector.shape_cast %swap3A_592 : vector<16xi32> to vector<16xi32>
      %swap3A_594 = vector.shape_cast %add3A_590 : vector<16xi32> to vector<16xi32>
      tpu.vector_store %arg8[%swap3A_591], %swap3A_594 {strides = array<i32>} : memref<128xi32, #tpu.memory_space<vmem>>, vector<16xi32>,
      %get3A_595 = arith.constant 2 : i32
      %get3A_596 = arith.index_cast %get3A_595 : i32 to index
      %get3A_597 = arith.constant 48 : index
      %get3A_598 = tpu.vector_load %arg7[%get3A_596, %get3A_597] {strides = array<i32>} : memref<16x64xi32, #tpu.memory_space<vmem>>, vector<1x16xi32>,
      %get3A_599 = vector.shape_cast %get3A_598 : vector<1x16xi32> to vector<16xi32>
      %sub3A_600 = vector.broadcast %mul3A_0 : i32 to vector<16xi32>
      %sub3A_601 = arith.subi %get3A_599, %sub3A_600 : vector<16xi32>
      %ge3A_602 = arith.constant 0 : i32
      %ge3A_603 = vector.broadcast %ge3A_602 : i32 to vector<16xi32>
      %ge3A_604 = arith.cmpi sge, %sub3A_601, %ge3A_603 : vector<16xi32>
      %lt3A_605 = arith.constant 5000 : i32
      %lt3A_606 = vector.broadcast %lt3A_605 : i32 to vector<16xi32>
      %lt3A_607 = arith.cmpi slt, %sub3A_601, %lt3A_606 : vector<16xi32>
      %and3A_608 = arith.andi %ge3A_604, %lt3A_607 : vector<16xi1>
      %jit3A_609 = arith.constant 5000 : i32
      %broadcast_in_dim3A_610 = vector.broadcast %jit3A_609 : i32 to vector<16xi32>
      %select_n3A_611 = arith.select %and3A_608, %sub3A_601, %broadcast_in_dim3A_610 : vector<16xi1>, vector<16xi32>
      %mul3A_612 = arith.constant 2 : i32
      %mul3A_613 = vector.broadcast %mul3A_612 : i32 to vector<16xi32>
      %mul3A_614 = arith.muli %select_n3A_611, %mul3A_613 : vector<16xi32>
      %swap3A_615 = arith.constant 48 : index
      %swap3A_616 = tpu.vector_load %arg9[%swap3A_615] {strides = array<i32>} : memref<128xi32, #tpu.memory_space<vmem>>, vector<16xi32>,
      %swap3A_617 = vector.shape_cast %swap3A_616 : vector<16xi32> to vector<16xi32>
      %swap3A_618 = vector.shape_cast %mul3A_614 : vector<16xi32> to vector<16xi32>
      tpu.vector_store %arg9[%swap3A_615], %swap3A_618 {strides = array<i32>} : memref<128xi32, #tpu.memory_space<vmem>>, vector<16xi32>,
      %add3A_619 = arith.constant 1 : i32
      %add3A_620 = vector.broadcast %add3A_619 : i32 to vector<16xi32>
      %add3A_621 = arith.addi %mul3A_614, %add3A_620 : vector<16xi32>
      %swap3A_622 = arith.constant 112 : index
      %swap3A_623 = tpu.vector_load %arg9[%swap3A_622] {strides = array<i32>} : memref<128xi32, #tpu.memory_space<vmem>>, vector<16xi32>,
      %swap3A_624 = vector.shape_cast %swap3A_623 : vector<16xi32> to vector<16xi32>
      %swap3A_625 = vector.shape_cast %add3A_621 : vector<16xi32> to vector<16xi32>
      tpu.vector_store %arg9[%swap3A_622], %swap3A_625 {strides = array<i32>} : memref<128xi32, #tpu.memory_space<vmem>>, vector<16xi32>,
      %dma_start3A_626 = arith.constant 0 : i32
      %dma_start3A_627 = arith.constant 0 : i32
      %dma_start3A_628 = tpu.memref_slice %arg2[%dma_start3A_626, %dma_start3A_627] : memref<20480x128xf32, #tpu.memory_space<hbm>> -> memref<20480x128xf32, #tpu.memory_space<hbm>>
      tpu.enqueue_indirect_dma source(%dma_start3A_628 : memref<20480x128xf32, #tpu.memory_space<hbm>>) target(%arg12 : memref<128x128xf32, #tpu.memory_space<vmem>>) offsets(%arg8 : memref<128xi32, #tpu.memory_space<vmem>>) semaphore(%arg14 : memref<!tpu.dma_semaphore, #tpu.memory_space<semaphore_mem>>)
      %dma_wait3A_629 = arith.constant 0 : i32
      %dma_wait3A_630 = arith.constant 0 : i32
      %dma_wait3A_631 = tpu.memref_slice %arg2[%dma_wait3A_629, %dma_wait3A_630] : memref<20480x128xf32, #tpu.memory_space<hbm>> -> memref<20480x128xf32, #tpu.memory_space<hbm>>
      tpu.wait_indirect_dma semaphore(%arg15 : memref<!tpu.dma_semaphore, #tpu.memory_space<semaphore_mem>>) src(%dma_wait3A_631 : memref<20480x128xf32, #tpu.memory_space<hbm>>) dst(%arg13 : memref<128x128xf32, #tpu.memory_space<vmem>>)
      "tpu.region"() ({
        %run_scoped3A = tpu.sem_alloc : memref<!tpu.dma_semaphore, #tpu.memory_space<semaphore_mem>>
        %dma_start3A_3313 = arith.constant 0 : i32
        %dma_start3A_3314 = arith.constant 0 : i32
        %dma_start3A_3315 = tpu.memref_slice %arg18[%dma_start3A_3313, %dma_start3A_3314] : memref<10240x128xf32, #tpu.memory_space<vmem_shared>> -> memref<10240x128xf32, #tpu.memory_space<vmem_shared>>
        tpu.enqueue_indirect_dma source(%arg13 : memref<128x128xf32, #tpu.memory_space<vmem>>) target(%dma_start3A_3315 : memref<10240x128xf32, #tpu.memory_space<vmem_shared>>) offsets(%arg11 : memref<128xi32, #tpu.memory_space<vmem>>) semaphore(%run_scoped3A : memref<!tpu.dma_semaphore, #tpu.memory_space<semaphore_mem>>) {add = true}
        %dma_wait3A_3316 = arith.constant 0 : i32
        %dma_wait3A_3317 = arith.constant 0 : i32
        %dma_wait3A_3318 = tpu.memref_slice %arg18[%dma_wait3A_3316, %dma_wait3A_3317] : memref<10240x128xf32, #tpu.memory_space<vmem_shared>> -> memref<10240x128xf32, #tpu.memory_space<vmem_shared>>
        tpu.wait_indirect_dma semaphore(%run_scoped3A : memref<!tpu.dma_semaphore, #tpu.memory_space<semaphore_mem>>) src(%arg13 : memref<128x128xf32, #tpu.memory_space<vmem>>) dst(%dma_wait3A_3318 : memref<10240x128xf32, #tpu.memory_space<vmem_shared>>)
        tpu.yield
      }) : () -> ()
      %get3A_632 = arith.constant 3 : i32
      %get3A_633 = arith.index_cast %get3A_632 : i32 to index
      %get3A_634 = arith.constant 0 : index
      %get3A_635 = tpu.vector_load %arg6[%get3A_633, %get3A_634] {strides = array<i32>} : memref<16x64xi32, #tpu.memory_space<vmem>>, vector<1x16xi32>,
      %get3A_636 = vector.shape_cast %get3A_635 : vector<1x16xi32> to vector<16xi32>
      %mul3A_637 = arith.constant 2 : i32
      %mul3A_638 = vector.broadcast %mul3A_637 : i32 to vector<16xi32>
      %mul3A_639 = arith.muli %get3A_636, %mul3A_638 : vector<16xi32>
      %swap3A_640 = arith.constant 0 : index
      %swap3A_641 = tpu.vector_load %arg10[%swap3A_640] {strides = array<i32>} : memref<128xi32, #tpu.memory_space<vmem>>, vector<16xi32>,
      %swap3A_642 = vector.shape_cast %swap3A_641 : vector<16xi32> to vector<16xi32>
      %swap3A_643 = vector.shape_cast %mul3A_639 : vector<16xi32> to vector<16xi32>
      tpu.vector_store %arg10[%swap3A_640], %swap3A_643 {strides = array<i32>} : memref<128xi32, #tpu.memory_space<vmem>>, vector<16xi32>,
      %add3A_644 = arith.constant 1 : i32
      %add3A_645 = vector.broadcast %add3A_644 : i32 to vector<16xi32>
      %add3A_646 = arith.addi %mul3A_639, %add3A_645 : vector<16xi32>
      %swap3A_647 = arith.constant 64 : index
      %swap3A_648 = tpu.vector_load %arg10[%swap3A_647] {strides = array<i32>} : memref<128xi32, #tpu.memory_space<vmem>>, vector<16xi32>,
      %swap3A_649 = vector.shape_cast %swap3A_648 : vector<16xi32> to vector<16xi32>
      %swap3A_650 = vector.shape_cast %add3A_646 : vector<16xi32> to vector<16xi32>
      tpu.vector_store %arg10[%swap3A_647], %swap3A_650 {strides = array<i32>} : memref<128xi32, #tpu.memory_space<vmem>>, vector<16xi32>,
      %get3A_651 = arith.constant 3 : i32
      %get3A_652 = arith.index_cast %get3A_651 : i32 to index
      %get3A_653 = arith.constant 0 : index
      %get3A_654 = tpu.vector_load %arg7[%get3A_652, %get3A_653] {strides = array<i32>} : memref<16x64xi32, #tpu.memory_space<vmem>>, vector<1x16xi32>,
      %get3A_655 = vector.shape_cast %get3A_654 : vector<1x16xi32> to vector<16xi32>
      %sub3A_656 = vector.broadcast %mul3A_0 : i32 to vector<16xi32>
      %sub3A_657 = arith.subi %get3A_655, %sub3A_656 : vector<16xi32>
      %ge3A_658 = arith.constant 0 : i32
      %ge3A_659 = vector.broadcast %ge3A_658 : i32 to vector<16xi32>
      %ge3A_660 = arith.cmpi sge, %sub3A_657, %ge3A_659 : vector<16xi32>
      %lt3A_661 = arith.constant 5000 : i32
      %lt3A_662 = vector.broadcast %lt3A_661 : i32 to vector<16xi32>
      %lt3A_663 = arith.cmpi slt, %sub3A_657, %lt3A_662 : vector<16xi32>
      %and3A_664 = arith.andi %ge3A_660, %lt3A_663 : vector<16xi1>
      %jit3A_665 = arith.constant 5000 : i32
      %broadcast_in_dim3A_666 = vector.broadcast %jit3A_665 : i32 to vector<16xi32>
      %select_n3A_667 = arith.select %and3A_664, %sub3A_657, %broadcast_in_dim3A_666 : vector<16xi1>, vector<16xi32>
      %mul3A_668 = arith.constant 2 : i32
      %mul3A_669 = vector.broadcast %mul3A_668 : i32 to vector<16xi32>
      %mul3A_670 = arith.muli %select_n3A_667, %mul3A_669 : vector<16xi32>
      %swap3A_671 = arith.constant 0 : index
      %swap3A_672 = tpu.vector_load %arg11[%swap3A_671] {strides = array<i32>} : memref<128xi32, #tpu.memory_space<vmem>>, vector<16xi32>,
      %swap3A_673 = vector.shape_cast %swap3A_672 : vector<16xi32> to vector<16xi32>
      %swap3A_674 = vector.shape_cast %mul3A_670 : vector<16xi32> to vector<16xi32>
      tpu.vector_store %arg11[%swap3A_671], %swap3A_674 {strides = array<i32>} : memref<128xi32, #tpu.memory_space<vmem>>, vector<16xi32>,
      %add3A_675 = arith.constant 1 : i32
      %add3A_676 = vector.broadcast %add3A_675 : i32 to vector<16xi32>
      %add3A_677 = arith.addi %mul3A_670, %add3A_676 : vector<16xi32>
      %swap3A_678 = arith.constant 64 : index
      %swap3A_679 = tpu.vector_load %arg11[%swap3A_678] {strides = array<i32>} : memref<128xi32, #tpu.memory_space<vmem>>, vector<16xi32>,
      %swap3A_680 = vector.shape_cast %swap3A_679 : vector<16xi32> to vector<16xi32>
      %swap3A_681 = vector.shape_cast %add3A_677 : vector<16xi32> to vector<16xi32>
      tpu.vector_store %arg11[%swap3A_678], %swap3A_681 {strides = array<i32>} : memref<128xi32, #tpu.memory_space<vmem>>, vector<16xi32>,
      %get3A_682 = arith.constant 3 : i32
      %get3A_683 = arith.index_cast %get3A_682 : i32 to index
      %get3A_684 = arith.constant 16 : index
      %get3A_685 = tpu.vector_load %arg6[%get3A_683, %get3A_684] {strides = array<i32>} : memref<16x64xi32, #tpu.memory_space<vmem>>, vector<1x16xi32>,
      %get3A_686 = vector.shape_cast %get3A_685 : vector<1x16xi32> to vector<16xi32>
      %mul3A_687 = arith.constant 2 : i32
      %mul3A_688 = vector.broadcast %mul3A_687 : i32 to vector<16xi32>
      %mul3A_689 = arith.muli %get3A_686, %mul3A_688 : vector<16xi32>
      %swap3A_690 = arith.constant 16 : index
      %swap3A_691 = tpu.vector_load %arg10[%swap3A_690] {strides = array<i32>} : memref<128xi32, #tpu.memory_space<vmem>>, vector<16xi32>,
      %swap3A_692 = vector.shape_cast %swap3A_691 : vector<16xi32> to vector<16xi32>
      %swap3A_693 = vector.shape_cast %mul3A_689 : vector<16xi32> to vector<16xi32>
      tpu.vector_store %arg10[%swap3A_690], %swap3A_693 {strides = array<i32>} : memref<128xi32, #tpu.memory_space<vmem>>, vector<16xi32>,
      %add3A_694 = arith.constant 1 : i32
      %add3A_695 = vector.broadcast %add3A_694 : i32 to vector<16xi32>
      %add3A_696 = arith.addi %mul3A_689, %add3A_695 : vector<16xi32>
      %swap3A_697 = arith.constant 80 : index
      %swap3A_698 = tpu.vector_load %arg10[%swap3A_697] {strides = array<i32>} : memref<128xi32, #tpu.memory_space<vmem>>, vector<16xi32>,
      %swap3A_699 = vector.shape_cast %swap3A_698 : vector<16xi32> to vector<16xi32>
      %swap3A_700 = vector.shape_cast %add3A_696 : vector<16xi32> to vector<16xi32>
      tpu.vector_store %arg10[%swap3A_697], %swap3A_700 {strides = array<i32>} : memref<128xi32, #tpu.memory_space<vmem>>, vector<16xi32>,
      %get3A_701 = arith.constant 3 : i32
      %get3A_702 = arith.index_cast %get3A_701 : i32 to index
      %get3A_703 = arith.constant 16 : index
      %get3A_704 = tpu.vector_load %arg7[%get3A_702, %get3A_703] {strides = array<i32>} : memref<16x64xi32, #tpu.memory_space<vmem>>, vector<1x16xi32>,
      %get3A_705 = vector.shape_cast %get3A_704 : vector<1x16xi32> to vector<16xi32>
      %sub3A_706 = vector.broadcast %mul3A_0 : i32 to vector<16xi32>
      %sub3A_707 = arith.subi %get3A_705, %sub3A_706 : vector<16xi32>
      %ge3A_708 = arith.constant 0 : i32
      %ge3A_709 = vector.broadcast %ge3A_708 : i32 to vector<16xi32>
      %ge3A_710 = arith.cmpi sge, %sub3A_707, %ge3A_709 : vector<16xi32>
      %lt3A_711 = arith.constant 5000 : i32
      %lt3A_712 = vector.broadcast %lt3A_711 : i32 to vector<16xi32>
      %lt3A_713 = arith.cmpi slt, %sub3A_707, %lt3A_712 : vector<16xi32>
      %and3A_714 = arith.andi %ge3A_710, %lt3A_713 : vector<16xi1>
      %jit3A_715 = arith.constant 5000 : i32
      %broadcast_in_dim3A_716 = vector.broadcast %jit3A_715 : i32 to vector<16xi32>
      %select_n3A_717 = arith.select %and3A_714, %sub3A_707, %broadcast_in_dim3A_716 : vector<16xi1>, vector<16xi32>
      %mul3A_718 = arith.constant 2 : i32
      %mul3A_719 = vector.broadcast %mul3A_718 : i32 to vector<16xi32>
      %mul3A_720 = arith.muli %select_n3A_717, %mul3A_719 : vector<16xi32>
      %swap3A_721 = arith.constant 16 : index
      %swap3A_722 = tpu.vector_load %arg11[%swap3A_721] {strides = array<i32>} : memref<128xi32, #tpu.memory_space<vmem>>, vector<16xi32>,
      %swap3A_723 = vector.shape_cast %swap3A_722 : vector<16xi32> to vector<16xi32>
      %swap3A_724 = vector.shape_cast %mul3A_720 : vector<16xi32> to vector<16xi32>
      tpu.vector_store %arg11[%swap3A_721], %swap3A_724 {strides = array<i32>} : memref<128xi32, #tpu.memory_space<vmem>>, vector<16xi32>,
      %add3A_725 = arith.constant 1 : i32
      %add3A_726 = vector.broadcast %add3A_725 : i32 to vector<16xi32>
      %add3A_727 = arith.addi %mul3A_720, %add3A_726 : vector<16xi32>
      %swap3A_728 = arith.constant 80 : index
      %swap3A_729 = tpu.vector_load %arg11[%swap3A_728] {strides = array<i32>} : memref<128xi32, #tpu.memory_space<vmem>>, vector<16xi32>,
      %swap3A_730 = vector.shape_cast %swap3A_729 : vector<16xi32> to vector<16xi32>
      %swap3A_731 = vector.shape_cast %add3A_727 : vector<16xi32> to vector<16xi32>
      tpu.vector_store %arg11[%swap3A_728], %swap3A_731 {strides = array<i32>} : memref<128xi32, #tpu.memory_space<vmem>>, vector<16xi32>,
      %get3A_732 = arith.constant 3 : i32
      %get3A_733 = arith.index_cast %get3A_732 : i32 to index
      %get3A_734 = arith.constant 32 : index
      %get3A_735 = tpu.vector_load %arg6[%get3A_733, %get3A_734] {strides = array<i32>} : memref<16x64xi32, #tpu.memory_space<vmem>>, vector<1x16xi32>,
      %get3A_736 = vector.shape_cast %get3A_735 : vector<1x16xi32> to vector<16xi32>
      %mul3A_737 = arith.constant 2 : i32
      %mul3A_738 = vector.broadcast %mul3A_737 : i32 to vector<16xi32>
      %mul3A_739 = arith.muli %get3A_736, %mul3A_738 : vector<16xi32>
      %swap3A_740 = arith.constant 32 : index
      %swap3A_741 = tpu.vector_load %arg10[%swap3A_740] {strides = array<i32>} : memref<128xi32, #tpu.memory_space<vmem>>, vector<16xi32>,
      %swap3A_742 = vector.shape_cast %swap3A_741 : vector<16xi32> to vector<16xi32>
      %swap3A_743 = vector.shape_cast %mul3A_739 : vector<16xi32> to vector<16xi32>
      tpu.vector_store %arg10[%swap3A_740], %swap3A_743 {strides = array<i32>} : memref<128xi32, #tpu.memory_space<vmem>>, vector<16xi32>,
      %add3A_744 = arith.constant 1 : i32
      %add3A_745 = vector.broadcast %add3A_744 : i32 to vector<16xi32>
      %add3A_746 = arith.addi %mul3A_739, %add3A_745 : vector<16xi32>
      %swap3A_747 = arith.constant 96 : index
      %swap3A_748 = tpu.vector_load %arg10[%swap3A_747] {strides = array<i32>} : memref<128xi32, #tpu.memory_space<vmem>>, vector<16xi32>,
      %swap3A_749 = vector.shape_cast %swap3A_748 : vector<16xi32> to vector<16xi32>
      %swap3A_750 = vector.shape_cast %add3A_746 : vector<16xi32> to vector<16xi32>
      tpu.vector_store %arg10[%swap3A_747], %swap3A_750 {strides = array<i32>} : memref<128xi32, #tpu.memory_space<vmem>>, vector<16xi32>,
      %get3A_751 = arith.constant 3 : i32
      %get3A_752 = arith.index_cast %get3A_751 : i32 to index
      %get3A_753 = arith.constant 32 : index
      %get3A_754 = tpu.vector_load %arg7[%get3A_752, %get3A_753] {strides = array<i32>} : memref<16x64xi32, #tpu.memory_space<vmem>>, vector<1x16xi32>,
      %get3A_755 = vector.shape_cast %get3A_754 : vector<1x16xi32> to vector<16xi32>
      %sub3A_756 = vector.broadcast %mul3A_0 : i32 to vector<16xi32>
      %sub3A_757 = arith.subi %get3A_755, %sub3A_756 : vector<16xi32>
      %ge3A_758 = arith.constant 0 : i32
      %ge3A_759 = vector.broadcast %ge3A_758 : i32 to vector<16xi32>
      %ge3A_760 = arith.cmpi sge, %sub3A_757, %ge3A_759 : vector<16xi32>
      %lt3A_761 = arith.constant 5000 : i32
      %lt3A_762 = vector.broadcast %lt3A_761 : i32 to vector<16xi32>
      %lt3A_763 = arith.cmpi slt, %sub3A_757, %lt3A_762 : vector<16xi32>
      %and3A_764 = arith.andi %ge3A_760, %lt3A_763 : vector<16xi1>
      %jit3A_765 = arith.constant 5000 : i32
      %broadcast_in_dim3A_766 = vector.broadcast %jit3A_765 : i32 to vector<16xi32>
      %select_n3A_767 = arith.select %and3A_764, %sub3A_757, %broadcast_in_dim3A_766 : vector<16xi1>, vector<16xi32>
      %mul3A_768 = arith.constant 2 : i32
      %mul3A_769 = vector.broadcast %mul3A_768 : i32 to vector<16xi32>
      %mul3A_770 = arith.muli %select_n3A_767, %mul3A_769 : vector<16xi32>
      %swap3A_771 = arith.constant 32 : index
      %swap3A_772 = tpu.vector_load %arg11[%swap3A_771] {strides = array<i32>} : memref<128xi32, #tpu.memory_space<vmem>>, vector<16xi32>,
      %swap3A_773 = vector.shape_cast %swap3A_772 : vector<16xi32> to vector<16xi32>
      %swap3A_774 = vector.shape_cast %mul3A_770 : vector<16xi32> to vector<16xi32>
      tpu.vector_store %arg11[%swap3A_771], %swap3A_774 {strides = array<i32>} : memref<128xi32, #tpu.memory_space<vmem>>, vector<16xi32>,
      %add3A_775 = arith.constant 1 : i32
      %add3A_776 = vector.broadcast %add3A_775 : i32 to vector<16xi32>
      %add3A_777 = arith.addi %mul3A_770, %add3A_776 : vector<16xi32>
      %swap3A_778 = arith.constant 96 : index
      %swap3A_779 = tpu.vector_load %arg11[%swap3A_778] {strides = array<i32>} : memref<128xi32, #tpu.memory_space<vmem>>, vector<16xi32>,
      %swap3A_780 = vector.shape_cast %swap3A_779 : vector<16xi32> to vector<16xi32>
      %swap3A_781 = vector.shape_cast %add3A_777 : vector<16xi32> to vector<16xi32>
      tpu.vector_store %arg11[%swap3A_778], %swap3A_781 {strides = array<i32>} : memref<128xi32, #tpu.memory_space<vmem>>, vector<16xi32>,
      %get3A_782 = arith.constant 3 : i32
      %get3A_783 = arith.index_cast %get3A_782 : i32 to index
      %get3A_784 = arith.constant 48 : index
      %get3A_785 = tpu.vector_load %arg6[%get3A_783, %get3A_784] {strides = array<i32>} : memref<16x64xi32, #tpu.memory_space<vmem>>, vector<1x16xi32>,
      %get3A_786 = vector.shape_cast %get3A_785 : vector<1x16xi32> to vector<16xi32>
      %mul3A_787 = arith.constant 2 : i32
      %mul3A_788 = vector.broadcast %mul3A_787 : i32 to vector<16xi32>
      %mul3A_789 = arith.muli %get3A_786, %mul3A_788 : vector<16xi32>
      %swap3A_790 = arith.constant 48 : index
      %swap3A_791 = tpu.vector_load %arg10[%swap3A_790] {strides = array<i32>} : memref<128xi32, #tpu.memory_space<vmem>>, vector<16xi32>,
      %swap3A_792 = vector.shape_cast %swap3A_791 : vector<16xi32> to vector<16xi32>
      %swap3A_793 = vector.shape_cast %mul3A_789 : vector<16xi32> to vector<16xi32>
      tpu.vector_store %arg10[%swap3A_790], %swap3A_793 {strides = array<i32>} : memref<128xi32, #tpu.memory_space<vmem>>, vector<16xi32>,
      %add3A_794 = arith.constant 1 : i32
      %add3A_795 = vector.broadcast %add3A_794 : i32 to vector<16xi32>
      %add3A_796 = arith.addi %mul3A_789, %add3A_795 : vector<16xi32>
      %swap3A_797 = arith.constant 112 : index
      %swap3A_798 = tpu.vector_load %arg10[%swap3A_797] {strides = array<i32>} : memref<128xi32, #tpu.memory_space<vmem>>, vector<16xi32>,
      %swap3A_799 = vector.shape_cast %swap3A_798 : vector<16xi32> to vector<16xi32>
      %swap3A_800 = vector.shape_cast %add3A_796 : vector<16xi32> to vector<16xi32>
      tpu.vector_store %arg10[%swap3A_797], %swap3A_800 {strides = array<i32>} : memref<128xi32, #tpu.memory_space<vmem>>, vector<16xi32>,
      %get3A_801 = arith.constant 3 : i32
      %get3A_802 = arith.index_cast %get3A_801 : i32 to index
      %get3A_803 = arith.constant 48 : index
      %get3A_804 = tpu.vector_load %arg7[%get3A_802, %get3A_803] {strides = array<i32>} : memref<16x64xi32, #tpu.memory_space<vmem>>, vector<1x16xi32>,
      %get3A_805 = vector.shape_cast %get3A_804 : vector<1x16xi32> to vector<16xi32>
      %sub3A_806 = vector.broadcast %mul3A_0 : i32 to vector<16xi32>
      %sub3A_807 = arith.subi %get3A_805, %sub3A_806 : vector<16xi32>
      %ge3A_808 = arith.constant 0 : i32
      %ge3A_809 = vector.broadcast %ge3A_808 : i32 to vector<16xi32>
      %ge3A_810 = arith.cmpi sge, %sub3A_807, %ge3A_809 : vector<16xi32>
      %lt3A_811 = arith.constant 5000 : i32
      %lt3A_812 = vector.broadcast %lt3A_811 : i32 to vector<16xi32>
      %lt3A_813 = arith.cmpi slt, %sub3A_807, %lt3A_812 : vector<16xi32>
      %and3A_814 = arith.andi %ge3A_810, %lt3A_813 : vector<16xi1>
      %jit3A_815 = arith.constant 5000 : i32
      %broadcast_in_dim3A_816 = vector.broadcast %jit3A_815 : i32 to vector<16xi32>
      %select_n3A_817 = arith.select %and3A_814, %sub3A_807, %broadcast_in_dim3A_816 : vector<16xi1>, vector<16xi32>
      %mul3A_818 = arith.constant 2 : i32
      %mul3A_819 = vector.broadcast %mul3A_818 : i32 to vector<16xi32>
      %mul3A_820 = arith.muli %select_n3A_817, %mul3A_819 : vector<16xi32>
      %swap3A_821 = arith.constant 48 : index
      %swap3A_822 = tpu.vector_load %arg11[%swap3A_821] {strides = array<i32>} : memref<128xi32, #tpu.memory_space<vmem>>, vector<16xi32>,
      %swap3A_823 = vector.shape_cast %swap3A_822 : vector<16xi32> to vector<16xi32>
      %swap3A_824 = vector.shape_cast %mul3A_820 : vector<16xi32> to vector<16xi32>
      tpu.vector_store %arg11[%swap3A_821], %swap3A_824 {strides = array<i32>} : memref<128xi32, #tpu.memory_space<vmem>>, vector<16xi32>,
      %add3A_825 = arith.constant 1 : i32
      %add3A_826 = vector.broadcast %add3A_825 : i32 to vector<16xi32>
      %add3A_827 = arith.addi %mul3A_820, %add3A_826 : vector<16xi32>
      %swap3A_828 = arith.constant 112 : index
      %swap3A_829 = tpu.vector_load %arg11[%swap3A_828] {strides = array<i32>} : memref<128xi32, #tpu.memory_space<vmem>>, vector<16xi32>,
      %swap3A_830 = vector.shape_cast %swap3A_829 : vector<16xi32> to vector<16xi32>
      %swap3A_831 = vector.shape_cast %add3A_827 : vector<16xi32> to vector<16xi32>
      tpu.vector_store %arg11[%swap3A_828], %swap3A_831 {strides = array<i32>} : memref<128xi32, #tpu.memory_space<vmem>>, vector<16xi32>,
      %dma_start3A_832 = arith.constant 0 : i32
      %dma_start3A_833 = arith.constant 0 : i32
      %dma_start3A_834 = tpu.memref_slice %arg2[%dma_start3A_832, %dma_start3A_833] : memref<20480x128xf32, #tpu.memory_space<hbm>> -> memref<20480x128xf32, #tpu.memory_space<hbm>>
      tpu.enqueue_indirect_dma source(%dma_start3A_834 : memref<20480x128xf32, #tpu.memory_space<hbm>>) target(%arg13 : memref<128x128xf32, #tpu.memory_space<vmem>>) offsets(%arg10 : memref<128xi32, #tpu.memory_space<vmem>>) semaphore(%arg15 : memref<!tpu.dma_semaphore, #tpu.memory_space<semaphore_mem>>)
      %dma_wait3A_835 = arith.constant 0 : i32
      %dma_wait3A_836 = arith.constant 0 : i32
      %dma_wait3A_837 = tpu.memref_slice %arg2[%dma_wait3A_835, %dma_wait3A_836] : memref<20480x128xf32, #tpu.memory_space<hbm>> -> memref<20480x128xf32, #tpu.memory_space<hbm>>
      tpu.wait_indirect_dma semaphore(%arg14 : memref<!tpu.dma_semaphore, #tpu.memory_space<semaphore_mem>>) src(%dma_wait3A_837 : memref<20480x128xf32, #tpu.memory_space<hbm>>) dst(%arg12 : memref<128x128xf32, #tpu.memory_space<vmem>>)
      "tpu.region"() ({
        %run_scoped3A = tpu.sem_alloc : memref<!tpu.dma_semaphore, #tpu.memory_space<semaphore_mem>>
        %dma_start3A_3313 = arith.constant 0 : i32
        %dma_start3A_3314 = arith.constant 0 : i32
        %dma_start3A_3315 = tpu.memref_slice %arg18[%dma_start3A_3313, %dma_start3A_3314] : memref<10240x128xf32, #tpu.memory_space<vmem_shared>> -> memref<10240x128xf32, #tpu.memory_space<vmem_shared>>
        tpu.enqueue_indirect_dma source(%arg12 : memref<128x128xf32, #tpu.memory_space<vmem>>) target(%dma_start3A_3315 : memref<10240x128xf32, #tpu.memory_space<vmem_shared>>) offsets(%arg9 : memref<128xi32, #tpu.memory_space<vmem>>) semaphore(%run_scoped3A : memref<!tpu.dma_semaphore, #tpu.memory_space<semaphore_mem>>) {add = true}
        %dma_wait3A_3316 = arith.constant 0 : i32
        %dma_wait3A_3317 = arith.constant 0 : i32
        %dma_wait3A_3318 = tpu.memref_slice %arg18[%dma_wait3A_3316, %dma_wait3A_3317] : memref<10240x128xf32, #tpu.memory_space<vmem_shared>> -> memref<10240x128xf32, #tpu.memory_space<vmem_shared>>
        tpu.wait_indirect_dma semaphore(%run_scoped3A : memref<!tpu.dma_semaphore, #tpu.memory_space<semaphore_mem>>) src(%arg12 : memref<128x128xf32, #tpu.memory_space<vmem>>) dst(%dma_wait3A_3318 : memref<10240x128xf32, #tpu.memory_space<vmem_shared>>)
        tpu.yield
      }) : () -> ()
      %get3A_838 = arith.constant 4 : i32
      %get3A_839 = arith.index_cast %get3A_838 : i32 to index
      %get3A_840 = arith.constant 0 : index
      %get3A_841 = tpu.vector_load %arg6[%get3A_839, %get3A_840] {strides = array<i32>} : memref<16x64xi32, #tpu.memory_space<vmem>>, vector<1x16xi32>,
      %get3A_842 = vector.shape_cast %get3A_841 : vector<1x16xi32> to vector<16xi32>
      %mul3A_843 = arith.constant 2 : i32
      %mul3A_844 = vector.broadcast %mul3A_843 : i32 to vector<16xi32>
      %mul3A_845 = arith.muli %get3A_842, %mul3A_844 : vector<16xi32>
      %swap3A_846 = arith.constant 0 : index
      %swap3A_847 = tpu.vector_load %arg8[%swap3A_846] {strides = array<i32>} : memref<128xi32, #tpu.memory_space<vmem>>, vector<16xi32>,
      %swap3A_848 = vector.shape_cast %swap3A_847 : vector<16xi32> to vector<16xi32>
      %swap3A_849 = vector.shape_cast %mul3A_845 : vector<16xi32> to vector<16xi32>
      tpu.vector_store %arg8[%swap3A_846], %swap3A_849 {strides = array<i32>} : memref<128xi32, #tpu.memory_space<vmem>>, vector<16xi32>,
      %add3A_850 = arith.constant 1 : i32
      %add3A_851 = vector.broadcast %add3A_850 : i32 to vector<16xi32>
      %add3A_852 = arith.addi %mul3A_845, %add3A_851 : vector<16xi32>
      %swap3A_853 = arith.constant 64 : index
      %swap3A_854 = tpu.vector_load %arg8[%swap3A_853] {strides = array<i32>} : memref<128xi32, #tpu.memory_space<vmem>>, vector<16xi32>,
      %swap3A_855 = vector.shape_cast %swap3A_854 : vector<16xi32> to vector<16xi32>
      %swap3A_856 = vector.shape_cast %add3A_852 : vector<16xi32> to vector<16xi32>
      tpu.vector_store %arg8[%swap3A_853], %swap3A_856 {strides = array<i32>} : memref<128xi32, #tpu.memory_space<vmem>>, vector<16xi32>,
      %get3A_857 = arith.constant 4 : i32
      %get3A_858 = arith.index_cast %get3A_857 : i32 to index
      %get3A_859 = arith.constant 0 : index
      %get3A_860 = tpu.vector_load %arg7[%get3A_858, %get3A_859] {strides = array<i32>} : memref<16x64xi32, #tpu.memory_space<vmem>>, vector<1x16xi32>,
      %get3A_861 = vector.shape_cast %get3A_860 : vector<1x16xi32> to vector<16xi32>
      %sub3A_862 = vector.broadcast %mul3A_0 : i32 to vector<16xi32>
      %sub3A_863 = arith.subi %get3A_861, %sub3A_862 : vector<16xi32>
      %ge3A_864 = arith.constant 0 : i32
      %ge3A_865 = vector.broadcast %ge3A_864 : i32 to vector<16xi32>
      %ge3A_866 = arith.cmpi sge, %sub3A_863, %ge3A_865 : vector<16xi32>
      %lt3A_867 = arith.constant 5000 : i32
      %lt3A_868 = vector.broadcast %lt3A_867 : i32 to vector<16xi32>
      %lt3A_869 = arith.cmpi slt, %sub3A_863, %lt3A_868 : vector<16xi32>
      %and3A_870 = arith.andi %ge3A_866, %lt3A_869 : vector<16xi1>
      %jit3A_871 = arith.constant 5000 : i32
      %broadcast_in_dim3A_872 = vector.broadcast %jit3A_871 : i32 to vector<16xi32>
      %select_n3A_873 = arith.select %and3A_870, %sub3A_863, %broadcast_in_dim3A_872 : vector<16xi1>, vector<16xi32>
      %mul3A_874 = arith.constant 2 : i32
      %mul3A_875 = vector.broadcast %mul3A_874 : i32 to vector<16xi32>
      %mul3A_876 = arith.muli %select_n3A_873, %mul3A_875 : vector<16xi32>
      %swap3A_877 = arith.constant 0 : index
      %swap3A_878 = tpu.vector_load %arg9[%swap3A_877] {strides = array<i32>} : memref<128xi32, #tpu.memory_space<vmem>>, vector<16xi32>,
      %swap3A_879 = vector.shape_cast %swap3A_878 : vector<16xi32> to vector<16xi32>
      %swap3A_880 = vector.shape_cast %mul3A_876 : vector<16xi32> to vector<16xi32>
      tpu.vector_store %arg9[%swap3A_877], %swap3A_880 {strides = array<i32>} : memref<128xi32, #tpu.memory_space<vmem>>, vector<16xi32>,
      %add3A_881 = arith.constant 1 : i32
      %add3A_882 = vector.broadcast %add3A_881 : i32 to vector<16xi32>
      %add3A_883 = arith.addi %mul3A_876, %add3A_882 : vector<16xi32>
      %swap3A_884 = arith.constant 64 : index
      %swap3A_885 = tpu.vector_load %arg9[%swap3A_884] {strides = array<i32>} : memref<128xi32, #tpu.memory_space<vmem>>, vector<16xi32>,
      %swap3A_886 = vector.shape_cast %swap3A_885 : vector<16xi32> to vector<16xi32>
      %swap3A_887 = vector.shape_cast %add3A_883 : vector<16xi32> to vector<16xi32>
      tpu.vector_store %arg9[%swap3A_884], %swap3A_887 {strides = array<i32>} : memref<128xi32, #tpu.memory_space<vmem>>, vector<16xi32>,
      %get3A_888 = arith.constant 4 : i32
      %get3A_889 = arith.index_cast %get3A_888 : i32 to index
      %get3A_890 = arith.constant 16 : index
      %get3A_891 = tpu.vector_load %arg6[%get3A_889, %get3A_890] {strides = array<i32>} : memref<16x64xi32, #tpu.memory_space<vmem>>, vector<1x16xi32>,
      %get3A_892 = vector.shape_cast %get3A_891 : vector<1x16xi32> to vector<16xi32>
      %mul3A_893 = arith.constant 2 : i32
      %mul3A_894 = vector.broadcast %mul3A_893 : i32 to vector<16xi32>
      %mul3A_895 = arith.muli %get3A_892, %mul3A_894 : vector<16xi32>
      %swap3A_896 = arith.constant 16 : index
      %swap3A_897 = tpu.vector_load %arg8[%swap3A_896] {strides = array<i32>} : memref<128xi32, #tpu.memory_space<vmem>>, vector<16xi32>,
      %swap3A_898 = vector.shape_cast %swap3A_897 : vector<16xi32> to vector<16xi32>
      %swap3A_899 = vector.shape_cast %mul3A_895 : vector<16xi32> to vector<16xi32>
      tpu.vector_store %arg8[%swap3A_896], %swap3A_899 {strides = array<i32>} : memref<128xi32, #tpu.memory_space<vmem>>, vector<16xi32>,
      %add3A_900 = arith.constant 1 : i32
      %add3A_901 = vector.broadcast %add3A_900 : i32 to vector<16xi32>
      %add3A_902 = arith.addi %mul3A_895, %add3A_901 : vector<16xi32>
      %swap3A_903 = arith.constant 80 : index
      %swap3A_904 = tpu.vector_load %arg8[%swap3A_903] {strides = array<i32>} : memref<128xi32, #tpu.memory_space<vmem>>, vector<16xi32>,
      %swap3A_905 = vector.shape_cast %swap3A_904 : vector<16xi32> to vector<16xi32>
      %swap3A_906 = vector.shape_cast %add3A_902 : vector<16xi32> to vector<16xi32>
      tpu.vector_store %arg8[%swap3A_903], %swap3A_906 {strides = array<i32>} : memref<128xi32, #tpu.memory_space<vmem>>, vector<16xi32>,
      %get3A_907 = arith.constant 4 : i32
      %get3A_908 = arith.index_cast %get3A_907 : i32 to index
      %get3A_909 = arith.constant 16 : index
      %get3A_910 = tpu.vector_load %arg7[%get3A_908, %get3A_909] {strides = array<i32>} : memref<16x64xi32, #tpu.memory_space<vmem>>, vector<1x16xi32>,
      %get3A_911 = vector.shape_cast %get3A_910 : vector<1x16xi32> to vector<16xi32>
      %sub3A_912 = vector.broadcast %mul3A_0 : i32 to vector<16xi32>
      %sub3A_913 = arith.subi %get3A_911, %sub3A_912 : vector<16xi32>
      %ge3A_914 = arith.constant 0 : i32
      %ge3A_915 = vector.broadcast %ge3A_914 : i32 to vector<16xi32>
      %ge3A_916 = arith.cmpi sge, %sub3A_913, %ge3A_915 : vector<16xi32>
      %lt3A_917 = arith.constant 5000 : i32
      %lt3A_918 = vector.broadcast %lt3A_917 : i32 to vector<16xi32>
      %lt3A_919 = arith.cmpi slt, %sub3A_913, %lt3A_918 : vector<16xi32>
      %and3A_920 = arith.andi %ge3A_916, %lt3A_919 : vector<16xi1>
      %jit3A_921 = arith.constant 5000 : i32
      %broadcast_in_dim3A_922 = vector.broadcast %jit3A_921 : i32 to vector<16xi32>
      %select_n3A_923 = arith.select %and3A_920, %sub3A_913, %broadcast_in_dim3A_922 : vector<16xi1>, vector<16xi32>
      %mul3A_924 = arith.constant 2 : i32
      %mul3A_925 = vector.broadcast %mul3A_924 : i32 to vector<16xi32>
      %mul3A_926 = arith.muli %select_n3A_923, %mul3A_925 : vector<16xi32>
      %swap3A_927 = arith.constant 16 : index
      %swap3A_928 = tpu.vector_load %arg9[%swap3A_927] {strides = array<i32>} : memref<128xi32, #tpu.memory_space<vmem>>, vector<16xi32>,
      %swap3A_929 = vector.shape_cast %swap3A_928 : vector<16xi32> to vector<16xi32>
      %swap3A_930 = vector.shape_cast %mul3A_926 : vector<16xi32> to vector<16xi32>
      tpu.vector_store %arg9[%swap3A_927], %swap3A_930 {strides = array<i32>} : memref<128xi32, #tpu.memory_space<vmem>>, vector<16xi32>,
      %add3A_931 = arith.constant 1 : i32
      %add3A_932 = vector.broadcast %add3A_931 : i32 to vector<16xi32>
      %add3A_933 = arith.addi %mul3A_926, %add3A_932 : vector<16xi32>
      %swap3A_934 = arith.constant 80 : index
      %swap3A_935 = tpu.vector_load %arg9[%swap3A_934] {strides = array<i32>} : memref<128xi32, #tpu.memory_space<vmem>>, vector<16xi32>,
      %swap3A_936 = vector.shape_cast %swap3A_935 : vector<16xi32> to vector<16xi32>
      %swap3A_937 = vector.shape_cast %add3A_933 : vector<16xi32> to vector<16xi32>
      tpu.vector_store %arg9[%swap3A_934], %swap3A_937 {strides = array<i32>} : memref<128xi32, #tpu.memory_space<vmem>>, vector<16xi32>,
      %get3A_938 = arith.constant 4 : i32
      %get3A_939 = arith.index_cast %get3A_938 : i32 to index
      %get3A_940 = arith.constant 32 : index
      %get3A_941 = tpu.vector_load %arg6[%get3A_939, %get3A_940] {strides = array<i32>} : memref<16x64xi32, #tpu.memory_space<vmem>>, vector<1x16xi32>,
      %get3A_942 = vector.shape_cast %get3A_941 : vector<1x16xi32> to vector<16xi32>
      %mul3A_943 = arith.constant 2 : i32
      %mul3A_944 = vector.broadcast %mul3A_943 : i32 to vector<16xi32>
      %mul3A_945 = arith.muli %get3A_942, %mul3A_944 : vector<16xi32>
      %swap3A_946 = arith.constant 32 : index
      %swap3A_947 = tpu.vector_load %arg8[%swap3A_946] {strides = array<i32>} : memref<128xi32, #tpu.memory_space<vmem>>, vector<16xi32>,
      %swap3A_948 = vector.shape_cast %swap3A_947 : vector<16xi32> to vector<16xi32>
      %swap3A_949 = vector.shape_cast %mul3A_945 : vector<16xi32> to vector<16xi32>
      tpu.vector_store %arg8[%swap3A_946], %swap3A_949 {strides = array<i32>} : memref<128xi32, #tpu.memory_space<vmem>>, vector<16xi32>,
      %add3A_950 = arith.constant 1 : i32
      %add3A_951 = vector.broadcast %add3A_950 : i32 to vector<16xi32>
      %add3A_952 = arith.addi %mul3A_945, %add3A_951 : vector<16xi32>
      %swap3A_953 = arith.constant 96 : index
      %swap3A_954 = tpu.vector_load %arg8[%swap3A_953] {strides = array<i32>} : memref<128xi32, #tpu.memory_space<vmem>>, vector<16xi32>,
      %swap3A_955 = vector.shape_cast %swap3A_954 : vector<16xi32> to vector<16xi32>
      %swap3A_956 = vector.shape_cast %add3A_952 : vector<16xi32> to vector<16xi32>
      tpu.vector_store %arg8[%swap3A_953], %swap3A_956 {strides = array<i32>} : memref<128xi32, #tpu.memory_space<vmem>>, vector<16xi32>,
      %get3A_957 = arith.constant 4 : i32
      %get3A_958 = arith.index_cast %get3A_957 : i32 to index
      %get3A_959 = arith.constant 32 : index
      %get3A_960 = tpu.vector_load %arg7[%get3A_958, %get3A_959] {strides = array<i32>} : memref<16x64xi32, #tpu.memory_space<vmem>>, vector<1x16xi32>,
      %get3A_961 = vector.shape_cast %get3A_960 : vector<1x16xi32> to vector<16xi32>
      %sub3A_962 = vector.broadcast %mul3A_0 : i32 to vector<16xi32>
      %sub3A_963 = arith.subi %get3A_961, %sub3A_962 : vector<16xi32>
      %ge3A_964 = arith.constant 0 : i32
      %ge3A_965 = vector.broadcast %ge3A_964 : i32 to vector<16xi32>
      %ge3A_966 = arith.cmpi sge, %sub3A_963, %ge3A_965 : vector<16xi32>
      %lt3A_967 = arith.constant 5000 : i32
      %lt3A_968 = vector.broadcast %lt3A_967 : i32 to vector<16xi32>
      %lt3A_969 = arith.cmpi slt, %sub3A_963, %lt3A_968 : vector<16xi32>
      %and3A_970 = arith.andi %ge3A_966, %lt3A_969 : vector<16xi1>
      %jit3A_971 = arith.constant 5000 : i32
      %broadcast_in_dim3A_972 = vector.broadcast %jit3A_971 : i32 to vector<16xi32>
      %select_n3A_973 = arith.select %and3A_970, %sub3A_963, %broadcast_in_dim3A_972 : vector<16xi1>, vector<16xi32>
      %mul3A_974 = arith.constant 2 : i32
      %mul3A_975 = vector.broadcast %mul3A_974 : i32 to vector<16xi32>
      %mul3A_976 = arith.muli %select_n3A_973, %mul3A_975 : vector<16xi32>
      %swap3A_977 = arith.constant 32 : index
      %swap3A_978 = tpu.vector_load %arg9[%swap3A_977] {strides = array<i32>} : memref<128xi32, #tpu.memory_space<vmem>>, vector<16xi32>,
      %swap3A_979 = vector.shape_cast %swap3A_978 : vector<16xi32> to vector<16xi32>
      %swap3A_980 = vector.shape_cast %mul3A_976 : vector<16xi32> to vector<16xi32>
      tpu.vector_store %arg9[%swap3A_977], %swap3A_980 {strides = array<i32>} : memref<128xi32, #tpu.memory_space<vmem>>, vector<16xi32>,
      %add3A_981 = arith.constant 1 : i32
      %add3A_982 = vector.broadcast %add3A_981 : i32 to vector<16xi32>
      %add3A_983 = arith.addi %mul3A_976, %add3A_982 : vector<16xi32>
      %swap3A_984 = arith.constant 96 : index
      %swap3A_985 = tpu.vector_load %arg9[%swap3A_984] {strides = array<i32>} : memref<128xi32, #tpu.memory_space<vmem>>, vector<16xi32>,
      %swap3A_986 = vector.shape_cast %swap3A_985 : vector<16xi32> to vector<16xi32>
      %swap3A_987 = vector.shape_cast %add3A_983 : vector<16xi32> to vector<16xi32>
      tpu.vector_store %arg9[%swap3A_984], %swap3A_987 {strides = array<i32>} : memref<128xi32, #tpu.memory_space<vmem>>, vector<16xi32>,
      %get3A_988 = arith.constant 4 : i32
      %get3A_989 = arith.index_cast %get3A_988 : i32 to index
      %get3A_990 = arith.constant 48 : index
      %get3A_991 = tpu.vector_load %arg6[%get3A_989, %get3A_990] {strides = array<i32>} : memref<16x64xi32, #tpu.memory_space<vmem>>, vector<1x16xi32>,
      %get3A_992 = vector.shape_cast %get3A_991 : vector<1x16xi32> to vector<16xi32>
      %mul3A_993 = arith.constant 2 : i32
      %mul3A_994 = vector.broadcast %mul3A_993 : i32 to vector<16xi32>
      %mul3A_995 = arith.muli %get3A_992, %mul3A_994 : vector<16xi32>
      %swap3A_996 = arith.constant 48 : index
      %swap3A_997 = tpu.vector_load %arg8[%swap3A_996] {strides = array<i32>} : memref<128xi32, #tpu.memory_space<vmem>>, vector<16xi32>,
      %swap3A_998 = vector.shape_cast %swap3A_997 : vector<16xi32> to vector<16xi32>
      %swap3A_999 = vector.shape_cast %mul3A_995 : vector<16xi32> to vector<16xi32>
      tpu.vector_store %arg8[%swap3A_996], %swap3A_999 {strides = array<i32>} : memref<128xi32, #tpu.memory_space<vmem>>, vector<16xi32>,
      %add3A_1000 = arith.constant 1 : i32
      %add3A_1001 = vector.broadcast %add3A_1000 : i32 to vector<16xi32>
      %add3A_1002 = arith.addi %mul3A_995, %add3A_1001 : vector<16xi32>
      %swap3A_1003 = arith.constant 112 : index
      %swap3A_1004 = tpu.vector_load %arg8[%swap3A_1003] {strides = array<i32>} : memref<128xi32, #tpu.memory_space<vmem>>, vector<16xi32>,
      %swap3A_1005 = vector.shape_cast %swap3A_1004 : vector<16xi32> to vector<16xi32>
      %swap3A_1006 = vector.shape_cast %add3A_1002 : vector<16xi32> to vector<16xi32>
      tpu.vector_store %arg8[%swap3A_1003], %swap3A_1006 {strides = array<i32>} : memref<128xi32, #tpu.memory_space<vmem>>, vector<16xi32>,
      %get3A_1007 = arith.constant 4 : i32
      %get3A_1008 = arith.index_cast %get3A_1007 : i32 to index
      %get3A_1009 = arith.constant 48 : index
      %get3A_1010 = tpu.vector_load %arg7[%get3A_1008, %get3A_1009] {strides = array<i32>} : memref<16x64xi32, #tpu.memory_space<vmem>>, vector<1x16xi32>,
      %get3A_1011 = vector.shape_cast %get3A_1010 : vector<1x16xi32> to vector<16xi32>
      %sub3A_1012 = vector.broadcast %mul3A_0 : i32 to vector<16xi32>
      %sub3A_1013 = arith.subi %get3A_1011, %sub3A_1012 : vector<16xi32>
      %ge3A_1014 = arith.constant 0 : i32
      %ge3A_1015 = vector.broadcast %ge3A_1014 : i32 to vector<16xi32>
      %ge3A_1016 = arith.cmpi sge, %sub3A_1013, %ge3A_1015 : vector<16xi32>
      %lt3A_1017 = arith.constant 5000 : i32
      %lt3A_1018 = vector.broadcast %lt3A_1017 : i32 to vector<16xi32>
      %lt3A_1019 = arith.cmpi slt, %sub3A_1013, %lt3A_1018 : vector<16xi32>
      %and3A_1020 = arith.andi %ge3A_1016, %lt3A_1019 : vector<16xi1>
      %jit3A_1021 = arith.constant 5000 : i32
      %broadcast_in_dim3A_1022 = vector.broadcast %jit3A_1021 : i32 to vector<16xi32>
      %select_n3A_1023 = arith.select %and3A_1020, %sub3A_1013, %broadcast_in_dim3A_1022 : vector<16xi1>, vector<16xi32>
      %mul3A_1024 = arith.constant 2 : i32
      %mul3A_1025 = vector.broadcast %mul3A_1024 : i32 to vector<16xi32>
      %mul3A_1026 = arith.muli %select_n3A_1023, %mul3A_1025 : vector<16xi32>
      %swap3A_1027 = arith.constant 48 : index
      %swap3A_1028 = tpu.vector_load %arg9[%swap3A_1027] {strides = array<i32>} : memref<128xi32, #tpu.memory_space<vmem>>, vector<16xi32>,
      %swap3A_1029 = vector.shape_cast %swap3A_1028 : vector<16xi32> to vector<16xi32>
      %swap3A_1030 = vector.shape_cast %mul3A_1026 : vector<16xi32> to vector<16xi32>
      tpu.vector_store %arg9[%swap3A_1027], %swap3A_1030 {strides = array<i32>} : memref<128xi32, #tpu.memory_space<vmem>>, vector<16xi32>,
      %add3A_1031 = arith.constant 1 : i32
      %add3A_1032 = vector.broadcast %add3A_1031 : i32 to vector<16xi32>
      %add3A_1033 = arith.addi %mul3A_1026, %add3A_1032 : vector<16xi32>
      %swap3A_1034 = arith.constant 112 : index
      %swap3A_1035 = tpu.vector_load %arg9[%swap3A_1034] {strides = array<i32>} : memref<128xi32, #tpu.memory_space<vmem>>, vector<16xi32>,
      %swap3A_1036 = vector.shape_cast %swap3A_1035 : vector<16xi32> to vector<16xi32>
      %swap3A_1037 = vector.shape_cast %add3A_1033 : vector<16xi32> to vector<16xi32>
      tpu.vector_store %arg9[%swap3A_1034], %swap3A_1037 {strides = array<i32>} : memref<128xi32, #tpu.memory_space<vmem>>, vector<16xi32>,
      %dma_start3A_1038 = arith.constant 0 : i32
      %dma_start3A_1039 = arith.constant 0 : i32
      %dma_start3A_1040 = tpu.memref_slice %arg2[%dma_start3A_1038, %dma_start3A_1039] : memref<20480x128xf32, #tpu.memory_space<hbm>> -> memref<20480x128xf32, #tpu.memory_space<hbm>>
      tpu.enqueue_indirect_dma source(%dma_start3A_1040 : memref<20480x128xf32, #tpu.memory_space<hbm>>) target(%arg12 : memref<128x128xf32, #tpu.memory_space<vmem>>) offsets(%arg8 : memref<128xi32, #tpu.memory_space<vmem>>) semaphore(%arg14 : memref<!tpu.dma_semaphore, #tpu.memory_space<semaphore_mem>>)
      %dma_wait3A_1041 = arith.constant 0 : i32
      %dma_wait3A_1042 = arith.constant 0 : i32
      %dma_wait3A_1043 = tpu.memref_slice %arg2[%dma_wait3A_1041, %dma_wait3A_1042] : memref<20480x128xf32, #tpu.memory_space<hbm>> -> memref<20480x128xf32, #tpu.memory_space<hbm>>
      tpu.wait_indirect_dma semaphore(%arg15 : memref<!tpu.dma_semaphore, #tpu.memory_space<semaphore_mem>>) src(%dma_wait3A_1043 : memref<20480x128xf32, #tpu.memory_space<hbm>>) dst(%arg13 : memref<128x128xf32, #tpu.memory_space<vmem>>)
      "tpu.region"() ({
        %run_scoped3A = tpu.sem_alloc : memref<!tpu.dma_semaphore, #tpu.memory_space<semaphore_mem>>
        %dma_start3A_3313 = arith.constant 0 : i32
        %dma_start3A_3314 = arith.constant 0 : i32
        %dma_start3A_3315 = tpu.memref_slice %arg18[%dma_start3A_3313, %dma_start3A_3314] : memref<10240x128xf32, #tpu.memory_space<vmem_shared>> -> memref<10240x128xf32, #tpu.memory_space<vmem_shared>>
        tpu.enqueue_indirect_dma source(%arg13 : memref<128x128xf32, #tpu.memory_space<vmem>>) target(%dma_start3A_3315 : memref<10240x128xf32, #tpu.memory_space<vmem_shared>>) offsets(%arg11 : memref<128xi32, #tpu.memory_space<vmem>>) semaphore(%run_scoped3A : memref<!tpu.dma_semaphore, #tpu.memory_space<semaphore_mem>>) {add = true}
        %dma_wait3A_3316 = arith.constant 0 : i32
        %dma_wait3A_3317 = arith.constant 0 : i32
        %dma_wait3A_3318 = tpu.memref_slice %arg18[%dma_wait3A_3316, %dma_wait3A_3317] : memref<10240x128xf32, #tpu.memory_space<vmem_shared>> -> memref<10240x128xf32, #tpu.memory_space<vmem_shared>>
        tpu.wait_indirect_dma semaphore(%run_scoped3A : memref<!tpu.dma_semaphore, #tpu.memory_space<semaphore_mem>>) src(%arg13 : memref<128x128xf32, #tpu.memory_space<vmem>>) dst(%dma_wait3A_3318 : memref<10240x128xf32, #tpu.memory_space<vmem_shared>>)
        tpu.yield
      }) : () -> ()
      %get3A_1044 = arith.constant 5 : i32
      %get3A_1045 = arith.index_cast %get3A_1044 : i32 to index
      %get3A_1046 = arith.constant 0 : index
      %get3A_1047 = tpu.vector_load %arg6[%get3A_1045, %get3A_1046] {strides = array<i32>} : memref<16x64xi32, #tpu.memory_space<vmem>>, vector<1x16xi32>,
      %get3A_1048 = vector.shape_cast %get3A_1047 : vector<1x16xi32> to vector<16xi32>
      %mul3A_1049 = arith.constant 2 : i32
      %mul3A_1050 = vector.broadcast %mul3A_1049 : i32 to vector<16xi32>
      %mul3A_1051 = arith.muli %get3A_1048, %mul3A_1050 : vector<16xi32>
      %swap3A_1052 = arith.constant 0 : index
      %swap3A_1053 = tpu.vector_load %arg10[%swap3A_1052] {strides = array<i32>} : memref<128xi32, #tpu.memory_space<vmem>>, vector<16xi32>,
      %swap3A_1054 = vector.shape_cast %swap3A_1053 : vector<16xi32> to vector<16xi32>
      %swap3A_1055 = vector.shape_cast %mul3A_1051 : vector<16xi32> to vector<16xi32>
      tpu.vector_store %arg10[%swap3A_1052], %swap3A_1055 {strides = array<i32>} : memref<128xi32, #tpu.memory_space<vmem>>, vector<16xi32>,
      %add3A_1056 = arith.constant 1 : i32
      %add3A_1057 = vector.broadcast %add3A_1056 : i32 to vector<16xi32>
      %add3A_1058 = arith.addi %mul3A_1051, %add3A_1057 : vector<16xi32>
      %swap3A_1059 = arith.constant 64 : index
      %swap3A_1060 = tpu.vector_load %arg10[%swap3A_1059] {strides = array<i32>} : memref<128xi32, #tpu.memory_space<vmem>>, vector<16xi32>,
      %swap3A_1061 = vector.shape_cast %swap3A_1060 : vector<16xi32> to vector<16xi32>
      %swap3A_1062 = vector.shape_cast %add3A_1058 : vector<16xi32> to vector<16xi32>
      tpu.vector_store %arg10[%swap3A_1059], %swap3A_1062 {strides = array<i32>} : memref<128xi32, #tpu.memory_space<vmem>>, vector<16xi32>,
      %get3A_1063 = arith.constant 5 : i32
      %get3A_1064 = arith.index_cast %get3A_1063 : i32 to index
      %get3A_1065 = arith.constant 0 : index
      %get3A_1066 = tpu.vector_load %arg7[%get3A_1064, %get3A_1065] {strides = array<i32>} : memref<16x64xi32, #tpu.memory_space<vmem>>, vector<1x16xi32>,
      %get3A_1067 = vector.shape_cast %get3A_1066 : vector<1x16xi32> to vector<16xi32>
      %sub3A_1068 = vector.broadcast %mul3A_0 : i32 to vector<16xi32>
      %sub3A_1069 = arith.subi %get3A_1067, %sub3A_1068 : vector<16xi32>
      %ge3A_1070 = arith.constant 0 : i32
      %ge3A_1071 = vector.broadcast %ge3A_1070 : i32 to vector<16xi32>
      %ge3A_1072 = arith.cmpi sge, %sub3A_1069, %ge3A_1071 : vector<16xi32>
      %lt3A_1073 = arith.constant 5000 : i32
      %lt3A_1074 = vector.broadcast %lt3A_1073 : i32 to vector<16xi32>
      %lt3A_1075 = arith.cmpi slt, %sub3A_1069, %lt3A_1074 : vector<16xi32>
      %and3A_1076 = arith.andi %ge3A_1072, %lt3A_1075 : vector<16xi1>
      %jit3A_1077 = arith.constant 5000 : i32
      %broadcast_in_dim3A_1078 = vector.broadcast %jit3A_1077 : i32 to vector<16xi32>
      %select_n3A_1079 = arith.select %and3A_1076, %sub3A_1069, %broadcast_in_dim3A_1078 : vector<16xi1>, vector<16xi32>
      %mul3A_1080 = arith.constant 2 : i32
      %mul3A_1081 = vector.broadcast %mul3A_1080 : i32 to vector<16xi32>
      %mul3A_1082 = arith.muli %select_n3A_1079, %mul3A_1081 : vector<16xi32>
      %swap3A_1083 = arith.constant 0 : index
      %swap3A_1084 = tpu.vector_load %arg11[%swap3A_1083] {strides = array<i32>} : memref<128xi32, #tpu.memory_space<vmem>>, vector<16xi32>,
      %swap3A_1085 = vector.shape_cast %swap3A_1084 : vector<16xi32> to vector<16xi32>
      %swap3A_1086 = vector.shape_cast %mul3A_1082 : vector<16xi32> to vector<16xi32>
      tpu.vector_store %arg11[%swap3A_1083], %swap3A_1086 {strides = array<i32>} : memref<128xi32, #tpu.memory_space<vmem>>, vector<16xi32>,
      %add3A_1087 = arith.constant 1 : i32
      %add3A_1088 = vector.broadcast %add3A_1087 : i32 to vector<16xi32>
      %add3A_1089 = arith.addi %mul3A_1082, %add3A_1088 : vector<16xi32>
      %swap3A_1090 = arith.constant 64 : index
      %swap3A_1091 = tpu.vector_load %arg11[%swap3A_1090] {strides = array<i32>} : memref<128xi32, #tpu.memory_space<vmem>>, vector<16xi32>,
      %swap3A_1092 = vector.shape_cast %swap3A_1091 : vector<16xi32> to vector<16xi32>
      %swap3A_1093 = vector.shape_cast %add3A_1089 : vector<16xi32> to vector<16xi32>
      tpu.vector_store %arg11[%swap3A_1090], %swap3A_1093 {strides = array<i32>} : memref<128xi32, #tpu.memory_space<vmem>>, vector<16xi32>,
      %get3A_1094 = arith.constant 5 : i32
      %get3A_1095 = arith.index_cast %get3A_1094 : i32 to index
      %get3A_1096 = arith.constant 16 : index
      %get3A_1097 = tpu.vector_load %arg6[%get3A_1095, %get3A_1096] {strides = array<i32>} : memref<16x64xi32, #tpu.memory_space<vmem>>, vector<1x16xi32>,
      %get3A_1098 = vector.shape_cast %get3A_1097 : vector<1x16xi32> to vector<16xi32>
      %mul3A_1099 = arith.constant 2 : i32
      %mul3A_1100 = vector.broadcast %mul3A_1099 : i32 to vector<16xi32>
      %mul3A_1101 = arith.muli %get3A_1098, %mul3A_1100 : vector<16xi32>
      %swap3A_1102 = arith.constant 16 : index
      %swap3A_1103 = tpu.vector_load %arg10[%swap3A_1102] {strides = array<i32>} : memref<128xi32, #tpu.memory_space<vmem>>, vector<16xi32>,
      %swap3A_1104 = vector.shape_cast %swap3A_1103 : vector<16xi32> to vector<16xi32>
      %swap3A_1105 = vector.shape_cast %mul3A_1101 : vector<16xi32> to vector<16xi32>
      tpu.vector_store %arg10[%swap3A_1102], %swap3A_1105 {strides = array<i32>} : memref<128xi32, #tpu.memory_space<vmem>>, vector<16xi32>,
      %add3A_1106 = arith.constant 1 : i32
      %add3A_1107 = vector.broadcast %add3A_1106 : i32 to vector<16xi32>
      %add3A_1108 = arith.addi %mul3A_1101, %add3A_1107 : vector<16xi32>
      %swap3A_1109 = arith.constant 80 : index
      %swap3A_1110 = tpu.vector_load %arg10[%swap3A_1109] {strides = array<i32>} : memref<128xi32, #tpu.memory_space<vmem>>, vector<16xi32>,
      %swap3A_1111 = vector.shape_cast %swap3A_1110 : vector<16xi32> to vector<16xi32>
      %swap3A_1112 = vector.shape_cast %add3A_1108 : vector<16xi32> to vector<16xi32>
      tpu.vector_store %arg10[%swap3A_1109], %swap3A_1112 {strides = array<i32>} : memref<128xi32, #tpu.memory_space<vmem>>, vector<16xi32>,
      %get3A_1113 = arith.constant 5 : i32
      %get3A_1114 = arith.index_cast %get3A_1113 : i32 to index
      %get3A_1115 = arith.constant 16 : index
      %get3A_1116 = tpu.vector_load %arg7[%get3A_1114, %get3A_1115] {strides = array<i32>} : memref<16x64xi32, #tpu.memory_space<vmem>>, vector<1x16xi32>,
      %get3A_1117 = vector.shape_cast %get3A_1116 : vector<1x16xi32> to vector<16xi32>
      %sub3A_1118 = vector.broadcast %mul3A_0 : i32 to vector<16xi32>
      %sub3A_1119 = arith.subi %get3A_1117, %sub3A_1118 : vector<16xi32>
      %ge3A_1120 = arith.constant 0 : i32
      %ge3A_1121 = vector.broadcast %ge3A_1120 : i32 to vector<16xi32>
      %ge3A_1122 = arith.cmpi sge, %sub3A_1119, %ge3A_1121 : vector<16xi32>
      %lt3A_1123 = arith.constant 5000 : i32
      %lt3A_1124 = vector.broadcast %lt3A_1123 : i32 to vector<16xi32>
      %lt3A_1125 = arith.cmpi slt, %sub3A_1119, %lt3A_1124 : vector<16xi32>
      %and3A_1126 = arith.andi %ge3A_1122, %lt3A_1125 : vector<16xi1>
      %jit3A_1127 = arith.constant 5000 : i32
      %broadcast_in_dim3A_1128 = vector.broadcast %jit3A_1127 : i32 to vector<16xi32>
      %select_n3A_1129 = arith.select %and3A_1126, %sub3A_1119, %broadcast_in_dim3A_1128 : vector<16xi1>, vector<16xi32>
      %mul3A_1130 = arith.constant 2 : i32
      %mul3A_1131 = vector.broadcast %mul3A_1130 : i32 to vector<16xi32>
      %mul3A_1132 = arith.muli %select_n3A_1129, %mul3A_1131 : vector<16xi32>
      %swap3A_1133 = arith.constant 16 : index
      %swap3A_1134 = tpu.vector_load %arg11[%swap3A_1133] {strides = array<i32>} : memref<128xi32, #tpu.memory_space<vmem>>, vector<16xi32>,
      %swap3A_1135 = vector.shape_cast %swap3A_1134 : vector<16xi32> to vector<16xi32>
      %swap3A_1136 = vector.shape_cast %mul3A_1132 : vector<16xi32> to vector<16xi32>
      tpu.vector_store %arg11[%swap3A_1133], %swap3A_1136 {strides = array<i32>} : memref<128xi32, #tpu.memory_space<vmem>>, vector<16xi32>,
      %add3A_1137 = arith.constant 1 : i32
      %add3A_1138 = vector.broadcast %add3A_1137 : i32 to vector<16xi32>
      %add3A_1139 = arith.addi %mul3A_1132, %add3A_1138 : vector<16xi32>
      %swap3A_1140 = arith.constant 80 : index
      %swap3A_1141 = tpu.vector_load %arg11[%swap3A_1140] {strides = array<i32>} : memref<128xi32, #tpu.memory_space<vmem>>, vector<16xi32>,
      %swap3A_1142 = vector.shape_cast %swap3A_1141 : vector<16xi32> to vector<16xi32>
      %swap3A_1143 = vector.shape_cast %add3A_1139 : vector<16xi32> to vector<16xi32>
      tpu.vector_store %arg11[%swap3A_1140], %swap3A_1143 {strides = array<i32>} : memref<128xi32, #tpu.memory_space<vmem>>, vector<16xi32>,
      %get3A_1144 = arith.constant 5 : i32
      %get3A_1145 = arith.index_cast %get3A_1144 : i32 to index
      %get3A_1146 = arith.constant 32 : index
      %get3A_1147 = tpu.vector_load %arg6[%get3A_1145, %get3A_1146] {strides = array<i32>} : memref<16x64xi32, #tpu.memory_space<vmem>>, vector<1x16xi32>,
      %get3A_1148 = vector.shape_cast %get3A_1147 : vector<1x16xi32> to vector<16xi32>
      %mul3A_1149 = arith.constant 2 : i32
      %mul3A_1150 = vector.broadcast %mul3A_1149 : i32 to vector<16xi32>
      %mul3A_1151 = arith.muli %get3A_1148, %mul3A_1150 : vector<16xi32>
      %swap3A_1152 = arith.constant 32 : index
      %swap3A_1153 = tpu.vector_load %arg10[%swap3A_1152] {strides = array<i32>} : memref<128xi32, #tpu.memory_space<vmem>>, vector<16xi32>,
      %swap3A_1154 = vector.shape_cast %swap3A_1153 : vector<16xi32> to vector<16xi32>
      %swap3A_1155 = vector.shape_cast %mul3A_1151 : vector<16xi32> to vector<16xi32>
      tpu.vector_store %arg10[%swap3A_1152], %swap3A_1155 {strides = array<i32>} : memref<128xi32, #tpu.memory_space<vmem>>, vector<16xi32>,
      %add3A_1156 = arith.constant 1 : i32
      %add3A_1157 = vector.broadcast %add3A_1156 : i32 to vector<16xi32>
      %add3A_1158 = arith.addi %mul3A_1151, %add3A_1157 : vector<16xi32>
      %swap3A_1159 = arith.constant 96 : index
      %swap3A_1160 = tpu.vector_load %arg10[%swap3A_1159] {strides = array<i32>} : memref<128xi32, #tpu.memory_space<vmem>>, vector<16xi32>,
      %swap3A_1161 = vector.shape_cast %swap3A_1160 : vector<16xi32> to vector<16xi32>
      %swap3A_1162 = vector.shape_cast %add3A_1158 : vector<16xi32> to vector<16xi32>
      tpu.vector_store %arg10[%swap3A_1159], %swap3A_1162 {strides = array<i32>} : memref<128xi32, #tpu.memory_space<vmem>>, vector<16xi32>,
      %get3A_1163 = arith.constant 5 : i32
      %get3A_1164 = arith.index_cast %get3A_1163 : i32 to index
      %get3A_1165 = arith.constant 32 : index
      %get3A_1166 = tpu.vector_load %arg7[%get3A_1164, %get3A_1165] {strides = array<i32>} : memref<16x64xi32, #tpu.memory_space<vmem>>, vector<1x16xi32>,
      %get3A_1167 = vector.shape_cast %get3A_1166 : vector<1x16xi32> to vector<16xi32>
      %sub3A_1168 = vector.broadcast %mul3A_0 : i32 to vector<16xi32>
      %sub3A_1169 = arith.subi %get3A_1167, %sub3A_1168 : vector<16xi32>
      %ge3A_1170 = arith.constant 0 : i32
      %ge3A_1171 = vector.broadcast %ge3A_1170 : i32 to vector<16xi32>
      %ge3A_1172 = arith.cmpi sge, %sub3A_1169, %ge3A_1171 : vector<16xi32>
      %lt3A_1173 = arith.constant 5000 : i32
      %lt3A_1174 = vector.broadcast %lt3A_1173 : i32 to vector<16xi32>
      %lt3A_1175 = arith.cmpi slt, %sub3A_1169, %lt3A_1174 : vector<16xi32>
      %and3A_1176 = arith.andi %ge3A_1172, %lt3A_1175 : vector<16xi1>
      %jit3A_1177 = arith.constant 5000 : i32
      %broadcast_in_dim3A_1178 = vector.broadcast %jit3A_1177 : i32 to vector<16xi32>
      %select_n3A_1179 = arith.select %and3A_1176, %sub3A_1169, %broadcast_in_dim3A_1178 : vector<16xi1>, vector<16xi32>
      %mul3A_1180 = arith.constant 2 : i32
      %mul3A_1181 = vector.broadcast %mul3A_1180 : i32 to vector<16xi32>
      %mul3A_1182 = arith.muli %select_n3A_1179, %mul3A_1181 : vector<16xi32>
      %swap3A_1183 = arith.constant 32 : index
      %swap3A_1184 = tpu.vector_load %arg11[%swap3A_1183] {strides = array<i32>} : memref<128xi32, #tpu.memory_space<vmem>>, vector<16xi32>,
      %swap3A_1185 = vector.shape_cast %swap3A_1184 : vector<16xi32> to vector<16xi32>
      %swap3A_1186 = vector.shape_cast %mul3A_1182 : vector<16xi32> to vector<16xi32>
      tpu.vector_store %arg11[%swap3A_1183], %swap3A_1186 {strides = array<i32>} : memref<128xi32, #tpu.memory_space<vmem>>, vector<16xi32>,
      %add3A_1187 = arith.constant 1 : i32
      %add3A_1188 = vector.broadcast %add3A_1187 : i32 to vector<16xi32>
      %add3A_1189 = arith.addi %mul3A_1182, %add3A_1188 : vector<16xi32>
      %swap3A_1190 = arith.constant 96 : index
      %swap3A_1191 = tpu.vector_load %arg11[%swap3A_1190] {strides = array<i32>} : memref<128xi32, #tpu.memory_space<vmem>>, vector<16xi32>,
      %swap3A_1192 = vector.shape_cast %swap3A_1191 : vector<16xi32> to vector<16xi32>
      %swap3A_1193 = vector.shape_cast %add3A_1189 : vector<16xi32> to vector<16xi32>
      tpu.vector_store %arg11[%swap3A_1190], %swap3A_1193 {strides = array<i32>} : memref<128xi32, #tpu.memory_space<vmem>>, vector<16xi32>,
      %get3A_1194 = arith.constant 5 : i32
      %get3A_1195 = arith.index_cast %get3A_1194 : i32 to index
      %get3A_1196 = arith.constant 48 : index
      %get3A_1197 = tpu.vector_load %arg6[%get3A_1195, %get3A_1196] {strides = array<i32>} : memref<16x64xi32, #tpu.memory_space<vmem>>, vector<1x16xi32>,
      %get3A_1198 = vector.shape_cast %get3A_1197 : vector<1x16xi32> to vector<16xi32>
      %mul3A_1199 = arith.constant 2 : i32
      %mul3A_1200 = vector.broadcast %mul3A_1199 : i32 to vector<16xi32>
      %mul3A_1201 = arith.muli %get3A_1198, %mul3A_1200 : vector<16xi32>
      %swap3A_1202 = arith.constant 48 : index
      %swap3A_1203 = tpu.vector_load %arg10[%swap3A_1202] {strides = array<i32>} : memref<128xi32, #tpu.memory_space<vmem>>, vector<16xi32>,
      %swap3A_1204 = vector.shape_cast %swap3A_1203 : vector<16xi32> to vector<16xi32>
      %swap3A_1205 = vector.shape_cast %mul3A_1201 : vector<16xi32> to vector<16xi32>
      tpu.vector_store %arg10[%swap3A_1202], %swap3A_1205 {strides = array<i32>} : memref<128xi32, #tpu.memory_space<vmem>>, vector<16xi32>,
      %add3A_1206 = arith.constant 1 : i32
      %add3A_1207 = vector.broadcast %add3A_1206 : i32 to vector<16xi32>
      %add3A_1208 = arith.addi %mul3A_1201, %add3A_1207 : vector<16xi32>
      %swap3A_1209 = arith.constant 112 : index
      %swap3A_1210 = tpu.vector_load %arg10[%swap3A_1209] {strides = array<i32>} : memref<128xi32, #tpu.memory_space<vmem>>, vector<16xi32>,
      %swap3A_1211 = vector.shape_cast %swap3A_1210 : vector<16xi32> to vector<16xi32>
      %swap3A_1212 = vector.shape_cast %add3A_1208 : vector<16xi32> to vector<16xi32>
      tpu.vector_store %arg10[%swap3A_1209], %swap3A_1212 {strides = array<i32>} : memref<128xi32, #tpu.memory_space<vmem>>, vector<16xi32>,
      %get3A_1213 = arith.constant 5 : i32
      %get3A_1214 = arith.index_cast %get3A_1213 : i32 to index
      %get3A_1215 = arith.constant 48 : index
      %get3A_1216 = tpu.vector_load %arg7[%get3A_1214, %get3A_1215] {strides = array<i32>} : memref<16x64xi32, #tpu.memory_space<vmem>>, vector<1x16xi32>,
      %get3A_1217 = vector.shape_cast %get3A_1216 : vector<1x16xi32> to vector<16xi32>
      %sub3A_1218 = vector.broadcast %mul3A_0 : i32 to vector<16xi32>
      %sub3A_1219 = arith.subi %get3A_1217, %sub3A_1218 : vector<16xi32>
      %ge3A_1220 = arith.constant 0 : i32
      %ge3A_1221 = vector.broadcast %ge3A_1220 : i32 to vector<16xi32>
      %ge3A_1222 = arith.cmpi sge, %sub3A_1219, %ge3A_1221 : vector<16xi32>
      %lt3A_1223 = arith.constant 5000 : i32
      %lt3A_1224 = vector.broadcast %lt3A_1223 : i32 to vector<16xi32>
      %lt3A_1225 = arith.cmpi slt, %sub3A_1219, %lt3A_1224 : vector<16xi32>
      %and3A_1226 = arith.andi %ge3A_1222, %lt3A_1225 : vector<16xi1>
      %jit3A_1227 = arith.constant 5000 : i32
      %broadcast_in_dim3A_1228 = vector.broadcast %jit3A_1227 : i32 to vector<16xi32>
      %select_n3A_1229 = arith.select %and3A_1226, %sub3A_1219, %broadcast_in_dim3A_1228 : vector<16xi1>, vector<16xi32>
      %mul3A_1230 = arith.constant 2 : i32
      %mul3A_1231 = vector.broadcast %mul3A_1230 : i32 to vector<16xi32>
      %mul3A_1232 = arith.muli %select_n3A_1229, %mul3A_1231 : vector<16xi32>
      %swap3A_1233 = arith.constant 48 : index
      %swap3A_1234 = tpu.vector_load %arg11[%swap3A_1233] {strides = array<i32>} : memref<128xi32, #tpu.memory_space<vmem>>, vector<16xi32>,
      %swap3A_1235 = vector.shape_cast %swap3A_1234 : vector<16xi32> to vector<16xi32>
      %swap3A_1236 = vector.shape_cast %mul3A_1232 : vector<16xi32> to vector<16xi32>
      tpu.vector_store %arg11[%swap3A_1233], %swap3A_1236 {strides = array<i32>} : memref<128xi32, #tpu.memory_space<vmem>>, vector<16xi32>,
      %add3A_1237 = arith.constant 1 : i32
      %add3A_1238 = vector.broadcast %add3A_1237 : i32 to vector<16xi32>
      %add3A_1239 = arith.addi %mul3A_1232, %add3A_1238 : vector<16xi32>
      %swap3A_1240 = arith.constant 112 : index
      %swap3A_1241 = tpu.vector_load %arg11[%swap3A_1240] {strides = array<i32>} : memref<128xi32, #tpu.memory_space<vmem>>, vector<16xi32>,
      %swap3A_1242 = vector.shape_cast %swap3A_1241 : vector<16xi32> to vector<16xi32>
      %swap3A_1243 = vector.shape_cast %add3A_1239 : vector<16xi32> to vector<16xi32>
      tpu.vector_store %arg11[%swap3A_1240], %swap3A_1243 {strides = array<i32>} : memref<128xi32, #tpu.memory_space<vmem>>, vector<16xi32>,
      %dma_start3A_1244 = arith.constant 0 : i32
      %dma_start3A_1245 = arith.constant 0 : i32
      %dma_start3A_1246 = tpu.memref_slice %arg2[%dma_start3A_1244, %dma_start3A_1245] : memref<20480x128xf32, #tpu.memory_space<hbm>> -> memref<20480x128xf32, #tpu.memory_space<hbm>>
      tpu.enqueue_indirect_dma source(%dma_start3A_1246 : memref<20480x128xf32, #tpu.memory_space<hbm>>) target(%arg13 : memref<128x128xf32, #tpu.memory_space<vmem>>) offsets(%arg10 : memref<128xi32, #tpu.memory_space<vmem>>) semaphore(%arg15 : memref<!tpu.dma_semaphore, #tpu.memory_space<semaphore_mem>>)
      %dma_wait3A_1247 = arith.constant 0 : i32
      %dma_wait3A_1248 = arith.constant 0 : i32
      %dma_wait3A_1249 = tpu.memref_slice %arg2[%dma_wait3A_1247, %dma_wait3A_1248] : memref<20480x128xf32, #tpu.memory_space<hbm>> -> memref<20480x128xf32, #tpu.memory_space<hbm>>
      tpu.wait_indirect_dma semaphore(%arg14 : memref<!tpu.dma_semaphore, #tpu.memory_space<semaphore_mem>>) src(%dma_wait3A_1249 : memref<20480x128xf32, #tpu.memory_space<hbm>>) dst(%arg12 : memref<128x128xf32, #tpu.memory_space<vmem>>)
      "tpu.region"() ({
        %run_scoped3A = tpu.sem_alloc : memref<!tpu.dma_semaphore, #tpu.memory_space<semaphore_mem>>
        %dma_start3A_3313 = arith.constant 0 : i32
        %dma_start3A_3314 = arith.constant 0 : i32
        %dma_start3A_3315 = tpu.memref_slice %arg18[%dma_start3A_3313, %dma_start3A_3314] : memref<10240x128xf32, #tpu.memory_space<vmem_shared>> -> memref<10240x128xf32, #tpu.memory_space<vmem_shared>>
        tpu.enqueue_indirect_dma source(%arg12 : memref<128x128xf32, #tpu.memory_space<vmem>>) target(%dma_start3A_3315 : memref<10240x128xf32, #tpu.memory_space<vmem_shared>>) offsets(%arg9 : memref<128xi32, #tpu.memory_space<vmem>>) semaphore(%run_scoped3A : memref<!tpu.dma_semaphore, #tpu.memory_space<semaphore_mem>>) {add = true}
        %dma_wait3A_3316 = arith.constant 0 : i32
        %dma_wait3A_3317 = arith.constant 0 : i32
        %dma_wait3A_3318 = tpu.memref_slice %arg18[%dma_wait3A_3316, %dma_wait3A_3317] : memref<10240x128xf32, #tpu.memory_space<vmem_shared>> -> memref<10240x128xf32, #tpu.memory_space<vmem_shared>>
        tpu.wait_indirect_dma semaphore(%run_scoped3A : memref<!tpu.dma_semaphore, #tpu.memory_space<semaphore_mem>>) src(%arg12 : memref<128x128xf32, #tpu.memory_space<vmem>>) dst(%dma_wait3A_3318 : memref<10240x128xf32, #tpu.memory_space<vmem_shared>>)
        tpu.yield
      }) : () -> ()
      %get3A_1250 = arith.constant 6 : i32
      %get3A_1251 = arith.index_cast %get3A_1250 : i32 to index
      %get3A_1252 = arith.constant 0 : index
      %get3A_1253 = tpu.vector_load %arg6[%get3A_1251, %get3A_1252] {strides = array<i32>} : memref<16x64xi32, #tpu.memory_space<vmem>>, vector<1x16xi32>,
      %get3A_1254 = vector.shape_cast %get3A_1253 : vector<1x16xi32> to vector<16xi32>
      %mul3A_1255 = arith.constant 2 : i32
      %mul3A_1256 = vector.broadcast %mul3A_1255 : i32 to vector<16xi32>
      %mul3A_1257 = arith.muli %get3A_1254, %mul3A_1256 : vector<16xi32>
      %swap3A_1258 = arith.constant 0 : index
      %swap3A_1259 = tpu.vector_load %arg8[%swap3A_1258] {strides = array<i32>} : memref<128xi32, #tpu.memory_space<vmem>>, vector<16xi32>,
      %swap3A_1260 = vector.shape_cast %swap3A_1259 : vector<16xi32> to vector<16xi32>
      %swap3A_1261 = vector.shape_cast %mul3A_1257 : vector<16xi32> to vector<16xi32>
      tpu.vector_store %arg8[%swap3A_1258], %swap3A_1261 {strides = array<i32>} : memref<128xi32, #tpu.memory_space<vmem>>, vector<16xi32>,
      %add3A_1262 = arith.constant 1 : i32
      %add3A_1263 = vector.broadcast %add3A_1262 : i32 to vector<16xi32>
      %add3A_1264 = arith.addi %mul3A_1257, %add3A_1263 : vector<16xi32>
      %swap3A_1265 = arith.constant 64 : index
      %swap3A_1266 = tpu.vector_load %arg8[%swap3A_1265] {strides = array<i32>} : memref<128xi32, #tpu.memory_space<vmem>>, vector<16xi32>,
      %swap3A_1267 = vector.shape_cast %swap3A_1266 : vector<16xi32> to vector<16xi32>
      %swap3A_1268 = vector.shape_cast %add3A_1264 : vector<16xi32> to vector<16xi32>
      tpu.vector_store %arg8[%swap3A_1265], %swap3A_1268 {strides = array<i32>} : memref<128xi32, #tpu.memory_space<vmem>>, vector<16xi32>,
      %get3A_1269 = arith.constant 6 : i32
      %get3A_1270 = arith.index_cast %get3A_1269 : i32 to index
      %get3A_1271 = arith.constant 0 : index
      %get3A_1272 = tpu.vector_load %arg7[%get3A_1270, %get3A_1271] {strides = array<i32>} : memref<16x64xi32, #tpu.memory_space<vmem>>, vector<1x16xi32>,
      %get3A_1273 = vector.shape_cast %get3A_1272 : vector<1x16xi32> to vector<16xi32>
      %sub3A_1274 = vector.broadcast %mul3A_0 : i32 to vector<16xi32>
      %sub3A_1275 = arith.subi %get3A_1273, %sub3A_1274 : vector<16xi32>
      %ge3A_1276 = arith.constant 0 : i32
      %ge3A_1277 = vector.broadcast %ge3A_1276 : i32 to vector<16xi32>
      %ge3A_1278 = arith.cmpi sge, %sub3A_1275, %ge3A_1277 : vector<16xi32>
      %lt3A_1279 = arith.constant 5000 : i32
      %lt3A_1280 = vector.broadcast %lt3A_1279 : i32 to vector<16xi32>
      %lt3A_1281 = arith.cmpi slt, %sub3A_1275, %lt3A_1280 : vector<16xi32>
      %and3A_1282 = arith.andi %ge3A_1278, %lt3A_1281 : vector<16xi1>
      %jit3A_1283 = arith.constant 5000 : i32
      %broadcast_in_dim3A_1284 = vector.broadcast %jit3A_1283 : i32 to vector<16xi32>
      %select_n3A_1285 = arith.select %and3A_1282, %sub3A_1275, %broadcast_in_dim3A_1284 : vector<16xi1>, vector<16xi32>
      %mul3A_1286 = arith.constant 2 : i32
      %mul3A_1287 = vector.broadcast %mul3A_1286 : i32 to vector<16xi32>
      %mul3A_1288 = arith.muli %select_n3A_1285, %mul3A_1287 : vector<16xi32>
      %swap3A_1289 = arith.constant 0 : index
      %swap3A_1290 = tpu.vector_load %arg9[%swap3A_1289] {strides = array<i32>} : memref<128xi32, #tpu.memory_space<vmem>>, vector<16xi32>,
      %swap3A_1291 = vector.shape_cast %swap3A_1290 : vector<16xi32> to vector<16xi32>
      %swap3A_1292 = vector.shape_cast %mul3A_1288 : vector<16xi32> to vector<16xi32>
      tpu.vector_store %arg9[%swap3A_1289], %swap3A_1292 {strides = array<i32>} : memref<128xi32, #tpu.memory_space<vmem>>, vector<16xi32>,
      %add3A_1293 = arith.constant 1 : i32
      %add3A_1294 = vector.broadcast %add3A_1293 : i32 to vector<16xi32>
      %add3A_1295 = arith.addi %mul3A_1288, %add3A_1294 : vector<16xi32>
      %swap3A_1296 = arith.constant 64 : index
      %swap3A_1297 = tpu.vector_load %arg9[%swap3A_1296] {strides = array<i32>} : memref<128xi32, #tpu.memory_space<vmem>>, vector<16xi32>,
      %swap3A_1298 = vector.shape_cast %swap3A_1297 : vector<16xi32> to vector<16xi32>
      %swap3A_1299 = vector.shape_cast %add3A_1295 : vector<16xi32> to vector<16xi32>
      tpu.vector_store %arg9[%swap3A_1296], %swap3A_1299 {strides = array<i32>} : memref<128xi32, #tpu.memory_space<vmem>>, vector<16xi32>,
      %get3A_1300 = arith.constant 6 : i32
      %get3A_1301 = arith.index_cast %get3A_1300 : i32 to index
      %get3A_1302 = arith.constant 16 : index
      %get3A_1303 = tpu.vector_load %arg6[%get3A_1301, %get3A_1302] {strides = array<i32>} : memref<16x64xi32, #tpu.memory_space<vmem>>, vector<1x16xi32>,
      %get3A_1304 = vector.shape_cast %get3A_1303 : vector<1x16xi32> to vector<16xi32>
      %mul3A_1305 = arith.constant 2 : i32
      %mul3A_1306 = vector.broadcast %mul3A_1305 : i32 to vector<16xi32>
      %mul3A_1307 = arith.muli %get3A_1304, %mul3A_1306 : vector<16xi32>
      %swap3A_1308 = arith.constant 16 : index
      %swap3A_1309 = tpu.vector_load %arg8[%swap3A_1308] {strides = array<i32>} : memref<128xi32, #tpu.memory_space<vmem>>, vector<16xi32>,
      %swap3A_1310 = vector.shape_cast %swap3A_1309 : vector<16xi32> to vector<16xi32>
      %swap3A_1311 = vector.shape_cast %mul3A_1307 : vector<16xi32> to vector<16xi32>
      tpu.vector_store %arg8[%swap3A_1308], %swap3A_1311 {strides = array<i32>} : memref<128xi32, #tpu.memory_space<vmem>>, vector<16xi32>,
      %add3A_1312 = arith.constant 1 : i32
      %add3A_1313 = vector.broadcast %add3A_1312 : i32 to vector<16xi32>
      %add3A_1314 = arith.addi %mul3A_1307, %add3A_1313 : vector<16xi32>
      %swap3A_1315 = arith.constant 80 : index
      %swap3A_1316 = tpu.vector_load %arg8[%swap3A_1315] {strides = array<i32>} : memref<128xi32, #tpu.memory_space<vmem>>, vector<16xi32>,
      %swap3A_1317 = vector.shape_cast %swap3A_1316 : vector<16xi32> to vector<16xi32>
      %swap3A_1318 = vector.shape_cast %add3A_1314 : vector<16xi32> to vector<16xi32>
      tpu.vector_store %arg8[%swap3A_1315], %swap3A_1318 {strides = array<i32>} : memref<128xi32, #tpu.memory_space<vmem>>, vector<16xi32>,
      %get3A_1319 = arith.constant 6 : i32
      %get3A_1320 = arith.index_cast %get3A_1319 : i32 to index
      %get3A_1321 = arith.constant 16 : index
      %get3A_1322 = tpu.vector_load %arg7[%get3A_1320, %get3A_1321] {strides = array<i32>} : memref<16x64xi32, #tpu.memory_space<vmem>>, vector<1x16xi32>,
      %get3A_1323 = vector.shape_cast %get3A_1322 : vector<1x16xi32> to vector<16xi32>
      %sub3A_1324 = vector.broadcast %mul3A_0 : i32 to vector<16xi32>
      %sub3A_1325 = arith.subi %get3A_1323, %sub3A_1324 : vector<16xi32>
      %ge3A_1326 = arith.constant 0 : i32
      %ge3A_1327 = vector.broadcast %ge3A_1326 : i32 to vector<16xi32>
      %ge3A_1328 = arith.cmpi sge, %sub3A_1325, %ge3A_1327 : vector<16xi32>
      %lt3A_1329 = arith.constant 5000 : i32
      %lt3A_1330 = vector.broadcast %lt3A_1329 : i32 to vector<16xi32>
      %lt3A_1331 = arith.cmpi slt, %sub3A_1325, %lt3A_1330 : vector<16xi32>
      %and3A_1332 = arith.andi %ge3A_1328, %lt3A_1331 : vector<16xi1>
      %jit3A_1333 = arith.constant 5000 : i32
      %broadcast_in_dim3A_1334 = vector.broadcast %jit3A_1333 : i32 to vector<16xi32>
      %select_n3A_1335 = arith.select %and3A_1332, %sub3A_1325, %broadcast_in_dim3A_1334 : vector<16xi1>, vector<16xi32>
      %mul3A_1336 = arith.constant 2 : i32
      %mul3A_1337 = vector.broadcast %mul3A_1336 : i32 to vector<16xi32>
      %mul3A_1338 = arith.muli %select_n3A_1335, %mul3A_1337 : vector<16xi32>
      %swap3A_1339 = arith.constant 16 : index
      %swap3A_1340 = tpu.vector_load %arg9[%swap3A_1339] {strides = array<i32>} : memref<128xi32, #tpu.memory_space<vmem>>, vector<16xi32>,
      %swap3A_1341 = vector.shape_cast %swap3A_1340 : vector<16xi32> to vector<16xi32>
      %swap3A_1342 = vector.shape_cast %mul3A_1338 : vector<16xi32> to vector<16xi32>
      tpu.vector_store %arg9[%swap3A_1339], %swap3A_1342 {strides = array<i32>} : memref<128xi32, #tpu.memory_space<vmem>>, vector<16xi32>,
      %add3A_1343 = arith.constant 1 : i32
      %add3A_1344 = vector.broadcast %add3A_1343 : i32 to vector<16xi32>
      %add3A_1345 = arith.addi %mul3A_1338, %add3A_1344 : vector<16xi32>
      %swap3A_1346 = arith.constant 80 : index
      %swap3A_1347 = tpu.vector_load %arg9[%swap3A_1346] {strides = array<i32>} : memref<128xi32, #tpu.memory_space<vmem>>, vector<16xi32>,
      %swap3A_1348 = vector.shape_cast %swap3A_1347 : vector<16xi32> to vector<16xi32>
      %swap3A_1349 = vector.shape_cast %add3A_1345 : vector<16xi32> to vector<16xi32>
      tpu.vector_store %arg9[%swap3A_1346], %swap3A_1349 {strides = array<i32>} : memref<128xi32, #tpu.memory_space<vmem>>, vector<16xi32>,
      %get3A_1350 = arith.constant 6 : i32
      %get3A_1351 = arith.index_cast %get3A_1350 : i32 to index
      %get3A_1352 = arith.constant 32 : index
      %get3A_1353 = tpu.vector_load %arg6[%get3A_1351, %get3A_1352] {strides = array<i32>} : memref<16x64xi32, #tpu.memory_space<vmem>>, vector<1x16xi32>,
      %get3A_1354 = vector.shape_cast %get3A_1353 : vector<1x16xi32> to vector<16xi32>
      %mul3A_1355 = arith.constant 2 : i32
      %mul3A_1356 = vector.broadcast %mul3A_1355 : i32 to vector<16xi32>
      %mul3A_1357 = arith.muli %get3A_1354, %mul3A_1356 : vector<16xi32>
      %swap3A_1358 = arith.constant 32 : index
      %swap3A_1359 = tpu.vector_load %arg8[%swap3A_1358] {strides = array<i32>} : memref<128xi32, #tpu.memory_space<vmem>>, vector<16xi32>,
      %swap3A_1360 = vector.shape_cast %swap3A_1359 : vector<16xi32> to vector<16xi32>
      %swap3A_1361 = vector.shape_cast %mul3A_1357 : vector<16xi32> to vector<16xi32>
      tpu.vector_store %arg8[%swap3A_1358], %swap3A_1361 {strides = array<i32>} : memref<128xi32, #tpu.memory_space<vmem>>, vector<16xi32>,
      %add3A_1362 = arith.constant 1 : i32
      %add3A_1363 = vector.broadcast %add3A_1362 : i32 to vector<16xi32>
      %add3A_1364 = arith.addi %mul3A_1357, %add3A_1363 : vector<16xi32>
      %swap3A_1365 = arith.constant 96 : index
      %swap3A_1366 = tpu.vector_load %arg8[%swap3A_1365] {strides = array<i32>} : memref<128xi32, #tpu.memory_space<vmem>>, vector<16xi32>,
      %swap3A_1367 = vector.shape_cast %swap3A_1366 : vector<16xi32> to vector<16xi32>
      %swap3A_1368 = vector.shape_cast %add3A_1364 : vector<16xi32> to vector<16xi32>
      tpu.vector_store %arg8[%swap3A_1365], %swap3A_1368 {strides = array<i32>} : memref<128xi32, #tpu.memory_space<vmem>>, vector<16xi32>,
      %get3A_1369 = arith.constant 6 : i32
      %get3A_1370 = arith.index_cast %get3A_1369 : i32 to index
      %get3A_1371 = arith.constant 32 : index
      %get3A_1372 = tpu.vector_load %arg7[%get3A_1370, %get3A_1371] {strides = array<i32>} : memref<16x64xi32, #tpu.memory_space<vmem>>, vector<1x16xi32>,
      %get3A_1373 = vector.shape_cast %get3A_1372 : vector<1x16xi32> to vector<16xi32>
      %sub3A_1374 = vector.broadcast %mul3A_0 : i32 to vector<16xi32>
      %sub3A_1375 = arith.subi %get3A_1373, %sub3A_1374 : vector<16xi32>
      %ge3A_1376 = arith.constant 0 : i32
      %ge3A_1377 = vector.broadcast %ge3A_1376 : i32 to vector<16xi32>
      %ge3A_1378 = arith.cmpi sge, %sub3A_1375, %ge3A_1377 : vector<16xi32>
      %lt3A_1379 = arith.constant 5000 : i32
      %lt3A_1380 = vector.broadcast %lt3A_1379 : i32 to vector<16xi32>
      %lt3A_1381 = arith.cmpi slt, %sub3A_1375, %lt3A_1380 : vector<16xi32>
      %and3A_1382 = arith.andi %ge3A_1378, %lt3A_1381 : vector<16xi1>
      %jit3A_1383 = arith.constant 5000 : i32
      %broadcast_in_dim3A_1384 = vector.broadcast %jit3A_1383 : i32 to vector<16xi32>
      %select_n3A_1385 = arith.select %and3A_1382, %sub3A_1375, %broadcast_in_dim3A_1384 : vector<16xi1>, vector<16xi32>
      %mul3A_1386 = arith.constant 2 : i32
      %mul3A_1387 = vector.broadcast %mul3A_1386 : i32 to vector<16xi32>
      %mul3A_1388 = arith.muli %select_n3A_1385, %mul3A_1387 : vector<16xi32>
      %swap3A_1389 = arith.constant 32 : index
      %swap3A_1390 = tpu.vector_load %arg9[%swap3A_1389] {strides = array<i32>} : memref<128xi32, #tpu.memory_space<vmem>>, vector<16xi32>,
      %swap3A_1391 = vector.shape_cast %swap3A_1390 : vector<16xi32> to vector<16xi32>
      %swap3A_1392 = vector.shape_cast %mul3A_1388 : vector<16xi32> to vector<16xi32>
      tpu.vector_store %arg9[%swap3A_1389], %swap3A_1392 {strides = array<i32>} : memref<128xi32, #tpu.memory_space<vmem>>, vector<16xi32>,
      %add3A_1393 = arith.constant 1 : i32
      %add3A_1394 = vector.broadcast %add3A_1393 : i32 to vector<16xi32>
      %add3A_1395 = arith.addi %mul3A_1388, %add3A_1394 : vector<16xi32>
      %swap3A_1396 = arith.constant 96 : index
      %swap3A_1397 = tpu.vector_load %arg9[%swap3A_1396] {strides = array<i32>} : memref<128xi32, #tpu.memory_space<vmem>>, vector<16xi32>,
      %swap3A_1398 = vector.shape_cast %swap3A_1397 : vector<16xi32> to vector<16xi32>
      %swap3A_1399 = vector.shape_cast %add3A_1395 : vector<16xi32> to vector<16xi32>
      tpu.vector_store %arg9[%swap3A_1396], %swap3A_1399 {strides = array<i32>} : memref<128xi32, #tpu.memory_space<vmem>>, vector<16xi32>,
      %get3A_1400 = arith.constant 6 : i32
      %get3A_1401 = arith.index_cast %get3A_1400 : i32 to index
      %get3A_1402 = arith.constant 48 : index
      %get3A_1403 = tpu.vector_load %arg6[%get3A_1401, %get3A_1402] {strides = array<i32>} : memref<16x64xi32, #tpu.memory_space<vmem>>, vector<1x16xi32>,
      %get3A_1404 = vector.shape_cast %get3A_1403 : vector<1x16xi32> to vector<16xi32>
      %mul3A_1405 = arith.constant 2 : i32
      %mul3A_1406 = vector.broadcast %mul3A_1405 : i32 to vector<16xi32>
      %mul3A_1407 = arith.muli %get3A_1404, %mul3A_1406 : vector<16xi32>
      %swap3A_1408 = arith.constant 48 : index
      %swap3A_1409 = tpu.vector_load %arg8[%swap3A_1408] {strides = array<i32>} : memref<128xi32, #tpu.memory_space<vmem>>, vector<16xi32>,
      %swap3A_1410 = vector.shape_cast %swap3A_1409 : vector<16xi32> to vector<16xi32>
      %swap3A_1411 = vector.shape_cast %mul3A_1407 : vector<16xi32> to vector<16xi32>
      tpu.vector_store %arg8[%swap3A_1408], %swap3A_1411 {strides = array<i32>} : memref<128xi32, #tpu.memory_space<vmem>>, vector<16xi32>,
      %add3A_1412 = arith.constant 1 : i32
      %add3A_1413 = vector.broadcast %add3A_1412 : i32 to vector<16xi32>
      %add3A_1414 = arith.addi %mul3A_1407, %add3A_1413 : vector<16xi32>
      %swap3A_1415 = arith.constant 112 : index
      %swap3A_1416 = tpu.vector_load %arg8[%swap3A_1415] {strides = array<i32>} : memref<128xi32, #tpu.memory_space<vmem>>, vector<16xi32>,
      %swap3A_1417 = vector.shape_cast %swap3A_1416 : vector<16xi32> to vector<16xi32>
      %swap3A_1418 = vector.shape_cast %add3A_1414 : vector<16xi32> to vector<16xi32>
      tpu.vector_store %arg8[%swap3A_1415], %swap3A_1418 {strides = array<i32>} : memref<128xi32, #tpu.memory_space<vmem>>, vector<16xi32>,
      %get3A_1419 = arith.constant 6 : i32
      %get3A_1420 = arith.index_cast %get3A_1419 : i32 to index
      %get3A_1421 = arith.constant 48 : index
      %get3A_1422 = tpu.vector_load %arg7[%get3A_1420, %get3A_1421] {strides = array<i32>} : memref<16x64xi32, #tpu.memory_space<vmem>>, vector<1x16xi32>,
      %get3A_1423 = vector.shape_cast %get3A_1422 : vector<1x16xi32> to vector<16xi32>
      %sub3A_1424 = vector.broadcast %mul3A_0 : i32 to vector<16xi32>
      %sub3A_1425 = arith.subi %get3A_1423, %sub3A_1424 : vector<16xi32>
      %ge3A_1426 = arith.constant 0 : i32
      %ge3A_1427 = vector.broadcast %ge3A_1426 : i32 to vector<16xi32>
      %ge3A_1428 = arith.cmpi sge, %sub3A_1425, %ge3A_1427 : vector<16xi32>
      %lt3A_1429 = arith.constant 5000 : i32
      %lt3A_1430 = vector.broadcast %lt3A_1429 : i32 to vector<16xi32>
      %lt3A_1431 = arith.cmpi slt, %sub3A_1425, %lt3A_1430 : vector<16xi32>
      %and3A_1432 = arith.andi %ge3A_1428, %lt3A_1431 : vector<16xi1>
      %jit3A_1433 = arith.constant 5000 : i32
      %broadcast_in_dim3A_1434 = vector.broadcast %jit3A_1433 : i32 to vector<16xi32>
      %select_n3A_1435 = arith.select %and3A_1432, %sub3A_1425, %broadcast_in_dim3A_1434 : vector<16xi1>, vector<16xi32>
      %mul3A_1436 = arith.constant 2 : i32
      %mul3A_1437 = vector.broadcast %mul3A_1436 : i32 to vector<16xi32>
      %mul3A_1438 = arith.muli %select_n3A_1435, %mul3A_1437 : vector<16xi32>
      %swap3A_1439 = arith.constant 48 : index
      %swap3A_1440 = tpu.vector_load %arg9[%swap3A_1439] {strides = array<i32>} : memref<128xi32, #tpu.memory_space<vmem>>, vector<16xi32>,
      %swap3A_1441 = vector.shape_cast %swap3A_1440 : vector<16xi32> to vector<16xi32>
      %swap3A_1442 = vector.shape_cast %mul3A_1438 : vector<16xi32> to vector<16xi32>
      tpu.vector_store %arg9[%swap3A_1439], %swap3A_1442 {strides = array<i32>} : memref<128xi32, #tpu.memory_space<vmem>>, vector<16xi32>,
      %add3A_1443 = arith.constant 1 : i32
      %add3A_1444 = vector.broadcast %add3A_1443 : i32 to vector<16xi32>
      %add3A_1445 = arith.addi %mul3A_1438, %add3A_1444 : vector<16xi32>
      %swap3A_1446 = arith.constant 112 : index
      %swap3A_1447 = tpu.vector_load %arg9[%swap3A_1446] {strides = array<i32>} : memref<128xi32, #tpu.memory_space<vmem>>, vector<16xi32>,
      %swap3A_1448 = vector.shape_cast %swap3A_1447 : vector<16xi32> to vector<16xi32>
      %swap3A_1449 = vector.shape_cast %add3A_1445 : vector<16xi32> to vector<16xi32>
      tpu.vector_store %arg9[%swap3A_1446], %swap3A_1449 {strides = array<i32>} : memref<128xi32, #tpu.memory_space<vmem>>, vector<16xi32>,
      %dma_start3A_1450 = arith.constant 0 : i32
      %dma_start3A_1451 = arith.constant 0 : i32
      %dma_start3A_1452 = tpu.memref_slice %arg2[%dma_start3A_1450, %dma_start3A_1451] : memref<20480x128xf32, #tpu.memory_space<hbm>> -> memref<20480x128xf32, #tpu.memory_space<hbm>>
      tpu.enqueue_indirect_dma source(%dma_start3A_1452 : memref<20480x128xf32, #tpu.memory_space<hbm>>) target(%arg12 : memref<128x128xf32, #tpu.memory_space<vmem>>) offsets(%arg8 : memref<128xi32, #tpu.memory_space<vmem>>) semaphore(%arg14 : memref<!tpu.dma_semaphore, #tpu.memory_space<semaphore_mem>>)
      %dma_wait3A_1453 = arith.constant 0 : i32
      %dma_wait3A_1454 = arith.constant 0 : i32
      %dma_wait3A_1455 = tpu.memref_slice %arg2[%dma_wait3A_1453, %dma_wait3A_1454] : memref<20480x128xf32, #tpu.memory_space<hbm>> -> memref<20480x128xf32, #tpu.memory_space<hbm>>
      tpu.wait_indirect_dma semaphore(%arg15 : memref<!tpu.dma_semaphore, #tpu.memory_space<semaphore_mem>>) src(%dma_wait3A_1455 : memref<20480x128xf32, #tpu.memory_space<hbm>>) dst(%arg13 : memref<128x128xf32, #tpu.memory_space<vmem>>)
      "tpu.region"() ({
        %run_scoped3A = tpu.sem_alloc : memref<!tpu.dma_semaphore, #tpu.memory_space<semaphore_mem>>
        %dma_start3A_3313 = arith.constant 0 : i32
        %dma_start3A_3314 = arith.constant 0 : i32
        %dma_start3A_3315 = tpu.memref_slice %arg18[%dma_start3A_3313, %dma_start3A_3314] : memref<10240x128xf32, #tpu.memory_space<vmem_shared>> -> memref<10240x128xf32, #tpu.memory_space<vmem_shared>>
        tpu.enqueue_indirect_dma source(%arg13 : memref<128x128xf32, #tpu.memory_space<vmem>>) target(%dma_start3A_3315 : memref<10240x128xf32, #tpu.memory_space<vmem_shared>>) offsets(%arg11 : memref<128xi32, #tpu.memory_space<vmem>>) semaphore(%run_scoped3A : memref<!tpu.dma_semaphore, #tpu.memory_space<semaphore_mem>>) {add = true}
        %dma_wait3A_3316 = arith.constant 0 : i32
        %dma_wait3A_3317 = arith.constant 0 : i32
        %dma_wait3A_3318 = tpu.memref_slice %arg18[%dma_wait3A_3316, %dma_wait3A_3317] : memref<10240x128xf32, #tpu.memory_space<vmem_shared>> -> memref<10240x128xf32, #tpu.memory_space<vmem_shared>>
        tpu.wait_indirect_dma semaphore(%run_scoped3A : memref<!tpu.dma_semaphore, #tpu.memory_space<semaphore_mem>>) src(%arg13 : memref<128x128xf32, #tpu.memory_space<vmem>>) dst(%dma_wait3A_3318 : memref<10240x128xf32, #tpu.memory_space<vmem_shared>>)
        tpu.yield
      }) : () -> ()
      %get3A_1456 = arith.constant 7 : i32
      %get3A_1457 = arith.index_cast %get3A_1456 : i32 to index
      %get3A_1458 = arith.constant 0 : index
      %get3A_1459 = tpu.vector_load %arg6[%get3A_1457, %get3A_1458] {strides = array<i32>} : memref<16x64xi32, #tpu.memory_space<vmem>>, vector<1x16xi32>,
      %get3A_1460 = vector.shape_cast %get3A_1459 : vector<1x16xi32> to vector<16xi32>
      %mul3A_1461 = arith.constant 2 : i32
      %mul3A_1462 = vector.broadcast %mul3A_1461 : i32 to vector<16xi32>
      %mul3A_1463 = arith.muli %get3A_1460, %mul3A_1462 : vector<16xi32>
      %swap3A_1464 = arith.constant 0 : index
      %swap3A_1465 = tpu.vector_load %arg10[%swap3A_1464] {strides = array<i32>} : memref<128xi32, #tpu.memory_space<vmem>>, vector<16xi32>,
      %swap3A_1466 = vector.shape_cast %swap3A_1465 : vector<16xi32> to vector<16xi32>
      %swap3A_1467 = vector.shape_cast %mul3A_1463 : vector<16xi32> to vector<16xi32>
      tpu.vector_store %arg10[%swap3A_1464], %swap3A_1467 {strides = array<i32>} : memref<128xi32, #tpu.memory_space<vmem>>, vector<16xi32>,
      %add3A_1468 = arith.constant 1 : i32
      %add3A_1469 = vector.broadcast %add3A_1468 : i32 to vector<16xi32>
      %add3A_1470 = arith.addi %mul3A_1463, %add3A_1469 : vector<16xi32>
      %swap3A_1471 = arith.constant 64 : index
      %swap3A_1472 = tpu.vector_load %arg10[%swap3A_1471] {strides = array<i32>} : memref<128xi32, #tpu.memory_space<vmem>>, vector<16xi32>,
      %swap3A_1473 = vector.shape_cast %swap3A_1472 : vector<16xi32> to vector<16xi32>
      %swap3A_1474 = vector.shape_cast %add3A_1470 : vector<16xi32> to vector<16xi32>
      tpu.vector_store %arg10[%swap3A_1471], %swap3A_1474 {strides = array<i32>} : memref<128xi32, #tpu.memory_space<vmem>>, vector<16xi32>,
      %get3A_1475 = arith.constant 7 : i32
      %get3A_1476 = arith.index_cast %get3A_1475 : i32 to index
      %get3A_1477 = arith.constant 0 : index
      %get3A_1478 = tpu.vector_load %arg7[%get3A_1476, %get3A_1477] {strides = array<i32>} : memref<16x64xi32, #tpu.memory_space<vmem>>, vector<1x16xi32>,
      %get3A_1479 = vector.shape_cast %get3A_1478 : vector<1x16xi32> to vector<16xi32>
      %sub3A_1480 = vector.broadcast %mul3A_0 : i32 to vector<16xi32>
      %sub3A_1481 = arith.subi %get3A_1479, %sub3A_1480 : vector<16xi32>
      %ge3A_1482 = arith.constant 0 : i32
      %ge3A_1483 = vector.broadcast %ge3A_1482 : i32 to vector<16xi32>
      %ge3A_1484 = arith.cmpi sge, %sub3A_1481, %ge3A_1483 : vector<16xi32>
      %lt3A_1485 = arith.constant 5000 : i32
      %lt3A_1486 = vector.broadcast %lt3A_1485 : i32 to vector<16xi32>
      %lt3A_1487 = arith.cmpi slt, %sub3A_1481, %lt3A_1486 : vector<16xi32>
      %and3A_1488 = arith.andi %ge3A_1484, %lt3A_1487 : vector<16xi1>
      %jit3A_1489 = arith.constant 5000 : i32
      %broadcast_in_dim3A_1490 = vector.broadcast %jit3A_1489 : i32 to vector<16xi32>
      %select_n3A_1491 = arith.select %and3A_1488, %sub3A_1481, %broadcast_in_dim3A_1490 : vector<16xi1>, vector<16xi32>
      %mul3A_1492 = arith.constant 2 : i32
      %mul3A_1493 = vector.broadcast %mul3A_1492 : i32 to vector<16xi32>
      %mul3A_1494 = arith.muli %select_n3A_1491, %mul3A_1493 : vector<16xi32>
      %swap3A_1495 = arith.constant 0 : index
      %swap3A_1496 = tpu.vector_load %arg11[%swap3A_1495] {strides = array<i32>} : memref<128xi32, #tpu.memory_space<vmem>>, vector<16xi32>,
      %swap3A_1497 = vector.shape_cast %swap3A_1496 : vector<16xi32> to vector<16xi32>
      %swap3A_1498 = vector.shape_cast %mul3A_1494 : vector<16xi32> to vector<16xi32>
      tpu.vector_store %arg11[%swap3A_1495], %swap3A_1498 {strides = array<i32>} : memref<128xi32, #tpu.memory_space<vmem>>, vector<16xi32>,
      %add3A_1499 = arith.constant 1 : i32
      %add3A_1500 = vector.broadcast %add3A_1499 : i32 to vector<16xi32>
      %add3A_1501 = arith.addi %mul3A_1494, %add3A_1500 : vector<16xi32>
      %swap3A_1502 = arith.constant 64 : index
      %swap3A_1503 = tpu.vector_load %arg11[%swap3A_1502] {strides = array<i32>} : memref<128xi32, #tpu.memory_space<vmem>>, vector<16xi32>,
      %swap3A_1504 = vector.shape_cast %swap3A_1503 : vector<16xi32> to vector<16xi32>
      %swap3A_1505 = vector.shape_cast %add3A_1501 : vector<16xi32> to vector<16xi32>
      tpu.vector_store %arg11[%swap3A_1502], %swap3A_1505 {strides = array<i32>} : memref<128xi32, #tpu.memory_space<vmem>>, vector<16xi32>,
      %get3A_1506 = arith.constant 7 : i32
      %get3A_1507 = arith.index_cast %get3A_1506 : i32 to index
      %get3A_1508 = arith.constant 16 : index
      %get3A_1509 = tpu.vector_load %arg6[%get3A_1507, %get3A_1508] {strides = array<i32>} : memref<16x64xi32, #tpu.memory_space<vmem>>, vector<1x16xi32>,
      %get3A_1510 = vector.shape_cast %get3A_1509 : vector<1x16xi32> to vector<16xi32>
      %mul3A_1511 = arith.constant 2 : i32
      %mul3A_1512 = vector.broadcast %mul3A_1511 : i32 to vector<16xi32>
      %mul3A_1513 = arith.muli %get3A_1510, %mul3A_1512 : vector<16xi32>
      %swap3A_1514 = arith.constant 16 : index
      %swap3A_1515 = tpu.vector_load %arg10[%swap3A_1514] {strides = array<i32>} : memref<128xi32, #tpu.memory_space<vmem>>, vector<16xi32>,
      %swap3A_1516 = vector.shape_cast %swap3A_1515 : vector<16xi32> to vector<16xi32>
      %swap3A_1517 = vector.shape_cast %mul3A_1513 : vector<16xi32> to vector<16xi32>
      tpu.vector_store %arg10[%swap3A_1514], %swap3A_1517 {strides = array<i32>} : memref<128xi32, #tpu.memory_space<vmem>>, vector<16xi32>,
      %add3A_1518 = arith.constant 1 : i32
      %add3A_1519 = vector.broadcast %add3A_1518 : i32 to vector<16xi32>
      %add3A_1520 = arith.addi %mul3A_1513, %add3A_1519 : vector<16xi32>
      %swap3A_1521 = arith.constant 80 : index
      %swap3A_1522 = tpu.vector_load %arg10[%swap3A_1521] {strides = array<i32>} : memref<128xi32, #tpu.memory_space<vmem>>, vector<16xi32>,
      %swap3A_1523 = vector.shape_cast %swap3A_1522 : vector<16xi32> to vector<16xi32>
      %swap3A_1524 = vector.shape_cast %add3A_1520 : vector<16xi32> to vector<16xi32>
      tpu.vector_store %arg10[%swap3A_1521], %swap3A_1524 {strides = array<i32>} : memref<128xi32, #tpu.memory_space<vmem>>, vector<16xi32>,
      %get3A_1525 = arith.constant 7 : i32
      %get3A_1526 = arith.index_cast %get3A_1525 : i32 to index
      %get3A_1527 = arith.constant 16 : index
      %get3A_1528 = tpu.vector_load %arg7[%get3A_1526, %get3A_1527] {strides = array<i32>} : memref<16x64xi32, #tpu.memory_space<vmem>>, vector<1x16xi32>,
      %get3A_1529 = vector.shape_cast %get3A_1528 : vector<1x16xi32> to vector<16xi32>
      %sub3A_1530 = vector.broadcast %mul3A_0 : i32 to vector<16xi32>
      %sub3A_1531 = arith.subi %get3A_1529, %sub3A_1530 : vector<16xi32>
      %ge3A_1532 = arith.constant 0 : i32
      %ge3A_1533 = vector.broadcast %ge3A_1532 : i32 to vector<16xi32>
      %ge3A_1534 = arith.cmpi sge, %sub3A_1531, %ge3A_1533 : vector<16xi32>
      %lt3A_1535 = arith.constant 5000 : i32
      %lt3A_1536 = vector.broadcast %lt3A_1535 : i32 to vector<16xi32>
      %lt3A_1537 = arith.cmpi slt, %sub3A_1531, %lt3A_1536 : vector<16xi32>
      %and3A_1538 = arith.andi %ge3A_1534, %lt3A_1537 : vector<16xi1>
      %jit3A_1539 = arith.constant 5000 : i32
      %broadcast_in_dim3A_1540 = vector.broadcast %jit3A_1539 : i32 to vector<16xi32>
      %select_n3A_1541 = arith.select %and3A_1538, %sub3A_1531, %broadcast_in_dim3A_1540 : vector<16xi1>, vector<16xi32>
      %mul3A_1542 = arith.constant 2 : i32
      %mul3A_1543 = vector.broadcast %mul3A_1542 : i32 to vector<16xi32>
      %mul3A_1544 = arith.muli %select_n3A_1541, %mul3A_1543 : vector<16xi32>
      %swap3A_1545 = arith.constant 16 : index
      %swap3A_1546 = tpu.vector_load %arg11[%swap3A_1545] {strides = array<i32>} : memref<128xi32, #tpu.memory_space<vmem>>, vector<16xi32>,
      %swap3A_1547 = vector.shape_cast %swap3A_1546 : vector<16xi32> to vector<16xi32>
      %swap3A_1548 = vector.shape_cast %mul3A_1544 : vector<16xi32> to vector<16xi32>
      tpu.vector_store %arg11[%swap3A_1545], %swap3A_1548 {strides = array<i32>} : memref<128xi32, #tpu.memory_space<vmem>>, vector<16xi32>,
      %add3A_1549 = arith.constant 1 : i32
      %add3A_1550 = vector.broadcast %add3A_1549 : i32 to vector<16xi32>
      %add3A_1551 = arith.addi %mul3A_1544, %add3A_1550 : vector<16xi32>
      %swap3A_1552 = arith.constant 80 : index
      %swap3A_1553 = tpu.vector_load %arg11[%swap3A_1552] {strides = array<i32>} : memref<128xi32, #tpu.memory_space<vmem>>, vector<16xi32>,
      %swap3A_1554 = vector.shape_cast %swap3A_1553 : vector<16xi32> to vector<16xi32>
      %swap3A_1555 = vector.shape_cast %add3A_1551 : vector<16xi32> to vector<16xi32>
      tpu.vector_store %arg11[%swap3A_1552], %swap3A_1555 {strides = array<i32>} : memref<128xi32, #tpu.memory_space<vmem>>, vector<16xi32>,
      %get3A_1556 = arith.constant 7 : i32
      %get3A_1557 = arith.index_cast %get3A_1556 : i32 to index
      %get3A_1558 = arith.constant 32 : index
      %get3A_1559 = tpu.vector_load %arg6[%get3A_1557, %get3A_1558] {strides = array<i32>} : memref<16x64xi32, #tpu.memory_space<vmem>>, vector<1x16xi32>,
      %get3A_1560 = vector.shape_cast %get3A_1559 : vector<1x16xi32> to vector<16xi32>
      %mul3A_1561 = arith.constant 2 : i32
      %mul3A_1562 = vector.broadcast %mul3A_1561 : i32 to vector<16xi32>
      %mul3A_1563 = arith.muli %get3A_1560, %mul3A_1562 : vector<16xi32>
      %swap3A_1564 = arith.constant 32 : index
      %swap3A_1565 = tpu.vector_load %arg10[%swap3A_1564] {strides = array<i32>} : memref<128xi32, #tpu.memory_space<vmem>>, vector<16xi32>,
      %swap3A_1566 = vector.shape_cast %swap3A_1565 : vector<16xi32> to vector<16xi32>
      %swap3A_1567 = vector.shape_cast %mul3A_1563 : vector<16xi32> to vector<16xi32>
      tpu.vector_store %arg10[%swap3A_1564], %swap3A_1567 {strides = array<i32>} : memref<128xi32, #tpu.memory_space<vmem>>, vector<16xi32>,
      %add3A_1568 = arith.constant 1 : i32
      %add3A_1569 = vector.broadcast %add3A_1568 : i32 to vector<16xi32>
      %add3A_1570 = arith.addi %mul3A_1563, %add3A_1569 : vector<16xi32>
      %swap3A_1571 = arith.constant 96 : index
      %swap3A_1572 = tpu.vector_load %arg10[%swap3A_1571] {strides = array<i32>} : memref<128xi32, #tpu.memory_space<vmem>>, vector<16xi32>,
      %swap3A_1573 = vector.shape_cast %swap3A_1572 : vector<16xi32> to vector<16xi32>
      %swap3A_1574 = vector.shape_cast %add3A_1570 : vector<16xi32> to vector<16xi32>
      tpu.vector_store %arg10[%swap3A_1571], %swap3A_1574 {strides = array<i32>} : memref<128xi32, #tpu.memory_space<vmem>>, vector<16xi32>,
      %get3A_1575 = arith.constant 7 : i32
      %get3A_1576 = arith.index_cast %get3A_1575 : i32 to index
      %get3A_1577 = arith.constant 32 : index
      %get3A_1578 = tpu.vector_load %arg7[%get3A_1576, %get3A_1577] {strides = array<i32>} : memref<16x64xi32, #tpu.memory_space<vmem>>, vector<1x16xi32>,
      %get3A_1579 = vector.shape_cast %get3A_1578 : vector<1x16xi32> to vector<16xi32>
      %sub3A_1580 = vector.broadcast %mul3A_0 : i32 to vector<16xi32>
      %sub3A_1581 = arith.subi %get3A_1579, %sub3A_1580 : vector<16xi32>
      %ge3A_1582 = arith.constant 0 : i32
      %ge3A_1583 = vector.broadcast %ge3A_1582 : i32 to vector<16xi32>
      %ge3A_1584 = arith.cmpi sge, %sub3A_1581, %ge3A_1583 : vector<16xi32>
      %lt3A_1585 = arith.constant 5000 : i32
      %lt3A_1586 = vector.broadcast %lt3A_1585 : i32 to vector<16xi32>
      %lt3A_1587 = arith.cmpi slt, %sub3A_1581, %lt3A_1586 : vector<16xi32>
      %and3A_1588 = arith.andi %ge3A_1584, %lt3A_1587 : vector<16xi1>
      %jit3A_1589 = arith.constant 5000 : i32
      %broadcast_in_dim3A_1590 = vector.broadcast %jit3A_1589 : i32 to vector<16xi32>
      %select_n3A_1591 = arith.select %and3A_1588, %sub3A_1581, %broadcast_in_dim3A_1590 : vector<16xi1>, vector<16xi32>
      %mul3A_1592 = arith.constant 2 : i32
      %mul3A_1593 = vector.broadcast %mul3A_1592 : i32 to vector<16xi32>
      %mul3A_1594 = arith.muli %select_n3A_1591, %mul3A_1593 : vector<16xi32>
      %swap3A_1595 = arith.constant 32 : index
      %swap3A_1596 = tpu.vector_load %arg11[%swap3A_1595] {strides = array<i32>} : memref<128xi32, #tpu.memory_space<vmem>>, vector<16xi32>,
      %swap3A_1597 = vector.shape_cast %swap3A_1596 : vector<16xi32> to vector<16xi32>
      %swap3A_1598 = vector.shape_cast %mul3A_1594 : vector<16xi32> to vector<16xi32>
      tpu.vector_store %arg11[%swap3A_1595], %swap3A_1598 {strides = array<i32>} : memref<128xi32, #tpu.memory_space<vmem>>, vector<16xi32>,
      %add3A_1599 = arith.constant 1 : i32
      %add3A_1600 = vector.broadcast %add3A_1599 : i32 to vector<16xi32>
      %add3A_1601 = arith.addi %mul3A_1594, %add3A_1600 : vector<16xi32>
      %swap3A_1602 = arith.constant 96 : index
      %swap3A_1603 = tpu.vector_load %arg11[%swap3A_1602] {strides = array<i32>} : memref<128xi32, #tpu.memory_space<vmem>>, vector<16xi32>,
      %swap3A_1604 = vector.shape_cast %swap3A_1603 : vector<16xi32> to vector<16xi32>
      %swap3A_1605 = vector.shape_cast %add3A_1601 : vector<16xi32> to vector<16xi32>
      tpu.vector_store %arg11[%swap3A_1602], %swap3A_1605 {strides = array<i32>} : memref<128xi32, #tpu.memory_space<vmem>>, vector<16xi32>,
      %get3A_1606 = arith.constant 7 : i32
      %get3A_1607 = arith.index_cast %get3A_1606 : i32 to index
      %get3A_1608 = arith.constant 48 : index
      %get3A_1609 = tpu.vector_load %arg6[%get3A_1607, %get3A_1608] {strides = array<i32>} : memref<16x64xi32, #tpu.memory_space<vmem>>, vector<1x16xi32>,
      %get3A_1610 = vector.shape_cast %get3A_1609 : vector<1x16xi32> to vector<16xi32>
      %mul3A_1611 = arith.constant 2 : i32
      %mul3A_1612 = vector.broadcast %mul3A_1611 : i32 to vector<16xi32>
      %mul3A_1613 = arith.muli %get3A_1610, %mul3A_1612 : vector<16xi32>
      %swap3A_1614 = arith.constant 48 : index
      %swap3A_1615 = tpu.vector_load %arg10[%swap3A_1614] {strides = array<i32>} : memref<128xi32, #tpu.memory_space<vmem>>, vector<16xi32>,
      %swap3A_1616 = vector.shape_cast %swap3A_1615 : vector<16xi32> to vector<16xi32>
      %swap3A_1617 = vector.shape_cast %mul3A_1613 : vector<16xi32> to vector<16xi32>
      tpu.vector_store %arg10[%swap3A_1614], %swap3A_1617 {strides = array<i32>} : memref<128xi32, #tpu.memory_space<vmem>>, vector<16xi32>,
      %add3A_1618 = arith.constant 1 : i32
      %add3A_1619 = vector.broadcast %add3A_1618 : i32 to vector<16xi32>
      %add3A_1620 = arith.addi %mul3A_1613, %add3A_1619 : vector<16xi32>
      %swap3A_1621 = arith.constant 112 : index
      %swap3A_1622 = tpu.vector_load %arg10[%swap3A_1621] {strides = array<i32>} : memref<128xi32, #tpu.memory_space<vmem>>, vector<16xi32>,
      %swap3A_1623 = vector.shape_cast %swap3A_1622 : vector<16xi32> to vector<16xi32>
      %swap3A_1624 = vector.shape_cast %add3A_1620 : vector<16xi32> to vector<16xi32>
      tpu.vector_store %arg10[%swap3A_1621], %swap3A_1624 {strides = array<i32>} : memref<128xi32, #tpu.memory_space<vmem>>, vector<16xi32>,
      %get3A_1625 = arith.constant 7 : i32
      %get3A_1626 = arith.index_cast %get3A_1625 : i32 to index
      %get3A_1627 = arith.constant 48 : index
      %get3A_1628 = tpu.vector_load %arg7[%get3A_1626, %get3A_1627] {strides = array<i32>} : memref<16x64xi32, #tpu.memory_space<vmem>>, vector<1x16xi32>,
      %get3A_1629 = vector.shape_cast %get3A_1628 : vector<1x16xi32> to vector<16xi32>
      %sub3A_1630 = vector.broadcast %mul3A_0 : i32 to vector<16xi32>
      %sub3A_1631 = arith.subi %get3A_1629, %sub3A_1630 : vector<16xi32>
      %ge3A_1632 = arith.constant 0 : i32
      %ge3A_1633 = vector.broadcast %ge3A_1632 : i32 to vector<16xi32>
      %ge3A_1634 = arith.cmpi sge, %sub3A_1631, %ge3A_1633 : vector<16xi32>
      %lt3A_1635 = arith.constant 5000 : i32
      %lt3A_1636 = vector.broadcast %lt3A_1635 : i32 to vector<16xi32>
      %lt3A_1637 = arith.cmpi slt, %sub3A_1631, %lt3A_1636 : vector<16xi32>
      %and3A_1638 = arith.andi %ge3A_1634, %lt3A_1637 : vector<16xi1>
      %jit3A_1639 = arith.constant 5000 : i32
      %broadcast_in_dim3A_1640 = vector.broadcast %jit3A_1639 : i32 to vector<16xi32>
      %select_n3A_1641 = arith.select %and3A_1638, %sub3A_1631, %broadcast_in_dim3A_1640 : vector<16xi1>, vector<16xi32>
      %mul3A_1642 = arith.constant 2 : i32
      %mul3A_1643 = vector.broadcast %mul3A_1642 : i32 to vector<16xi32>
      %mul3A_1644 = arith.muli %select_n3A_1641, %mul3A_1643 : vector<16xi32>
      %swap3A_1645 = arith.constant 48 : index
      %swap3A_1646 = tpu.vector_load %arg11[%swap3A_1645] {strides = array<i32>} : memref<128xi32, #tpu.memory_space<vmem>>, vector<16xi32>,
      %swap3A_1647 = vector.shape_cast %swap3A_1646 : vector<16xi32> to vector<16xi32>
      %swap3A_1648 = vector.shape_cast %mul3A_1644 : vector<16xi32> to vector<16xi32>
      tpu.vector_store %arg11[%swap3A_1645], %swap3A_1648 {strides = array<i32>} : memref<128xi32, #tpu.memory_space<vmem>>, vector<16xi32>,
      %add3A_1649 = arith.constant 1 : i32
      %add3A_1650 = vector.broadcast %add3A_1649 : i32 to vector<16xi32>
      %add3A_1651 = arith.addi %mul3A_1644, %add3A_1650 : vector<16xi32>
      %swap3A_1652 = arith.constant 112 : index
      %swap3A_1653 = tpu.vector_load %arg11[%swap3A_1652] {strides = array<i32>} : memref<128xi32, #tpu.memory_space<vmem>>, vector<16xi32>,
      %swap3A_1654 = vector.shape_cast %swap3A_1653 : vector<16xi32> to vector<16xi32>
      %swap3A_1655 = vector.shape_cast %add3A_1651 : vector<16xi32> to vector<16xi32>
      tpu.vector_store %arg11[%swap3A_1652], %swap3A_1655 {strides = array<i32>} : memref<128xi32, #tpu.memory_space<vmem>>, vector<16xi32>,
      %dma_start3A_1656 = arith.constant 0 : i32
      %dma_start3A_1657 = arith.constant 0 : i32
      %dma_start3A_1658 = tpu.memref_slice %arg2[%dma_start3A_1656, %dma_start3A_1657] : memref<20480x128xf32, #tpu.memory_space<hbm>> -> memref<20480x128xf32, #tpu.memory_space<hbm>>
      tpu.enqueue_indirect_dma source(%dma_start3A_1658 : memref<20480x128xf32, #tpu.memory_space<hbm>>) target(%arg13 : memref<128x128xf32, #tpu.memory_space<vmem>>) offsets(%arg10 : memref<128xi32, #tpu.memory_space<vmem>>) semaphore(%arg15 : memref<!tpu.dma_semaphore, #tpu.memory_space<semaphore_mem>>)
      %dma_wait3A_1659 = arith.constant 0 : i32
      %dma_wait3A_1660 = arith.constant 0 : i32
      %dma_wait3A_1661 = tpu.memref_slice %arg2[%dma_wait3A_1659, %dma_wait3A_1660] : memref<20480x128xf32, #tpu.memory_space<hbm>> -> memref<20480x128xf32, #tpu.memory_space<hbm>>
      tpu.wait_indirect_dma semaphore(%arg14 : memref<!tpu.dma_semaphore, #tpu.memory_space<semaphore_mem>>) src(%dma_wait3A_1661 : memref<20480x128xf32, #tpu.memory_space<hbm>>) dst(%arg12 : memref<128x128xf32, #tpu.memory_space<vmem>>)
      "tpu.region"() ({
        %run_scoped3A = tpu.sem_alloc : memref<!tpu.dma_semaphore, #tpu.memory_space<semaphore_mem>>
        %dma_start3A_3313 = arith.constant 0 : i32
        %dma_start3A_3314 = arith.constant 0 : i32
        %dma_start3A_3315 = tpu.memref_slice %arg18[%dma_start3A_3313, %dma_start3A_3314] : memref<10240x128xf32, #tpu.memory_space<vmem_shared>> -> memref<10240x128xf32, #tpu.memory_space<vmem_shared>>
        tpu.enqueue_indirect_dma source(%arg12 : memref<128x128xf32, #tpu.memory_space<vmem>>) target(%dma_start3A_3315 : memref<10240x128xf32, #tpu.memory_space<vmem_shared>>) offsets(%arg9 : memref<128xi32, #tpu.memory_space<vmem>>) semaphore(%run_scoped3A : memref<!tpu.dma_semaphore, #tpu.memory_space<semaphore_mem>>) {add = true}
        %dma_wait3A_3316 = arith.constant 0 : i32
        %dma_wait3A_3317 = arith.constant 0 : i32
        %dma_wait3A_3318 = tpu.memref_slice %arg18[%dma_wait3A_3316, %dma_wait3A_3317] : memref<10240x128xf32, #tpu.memory_space<vmem_shared>> -> memref<10240x128xf32, #tpu.memory_space<vmem_shared>>
        tpu.wait_indirect_dma semaphore(%run_scoped3A : memref<!tpu.dma_semaphore, #tpu.memory_space<semaphore_mem>>) src(%arg12 : memref<128x128xf32, #tpu.memory_space<vmem>>) dst(%dma_wait3A_3318 : memref<10240x128xf32, #tpu.memory_space<vmem_shared>>)
        tpu.yield
      }) : () -> ()
      %get3A_1662 = arith.constant 8 : i32
      %get3A_1663 = arith.index_cast %get3A_1662 : i32 to index
      %get3A_1664 = arith.constant 0 : index
      %get3A_1665 = tpu.vector_load %arg6[%get3A_1663, %get3A_1664] {strides = array<i32>} : memref<16x64xi32, #tpu.memory_space<vmem>>, vector<1x16xi32>,
      %get3A_1666 = vector.shape_cast %get3A_1665 : vector<1x16xi32> to vector<16xi32>
      %mul3A_1667 = arith.constant 2 : i32
      %mul3A_1668 = vector.broadcast %mul3A_1667 : i32 to vector<16xi32>
      %mul3A_1669 = arith.muli %get3A_1666, %mul3A_1668 : vector<16xi32>
      %swap3A_1670 = arith.constant 0 : index
      %swap3A_1671 = tpu.vector_load %arg8[%swap3A_1670] {strides = array<i32>} : memref<128xi32, #tpu.memory_space<vmem>>, vector<16xi32>,
      %swap3A_1672 = vector.shape_cast %swap3A_1671 : vector<16xi32> to vector<16xi32>
      %swap3A_1673 = vector.shape_cast %mul3A_1669 : vector<16xi32> to vector<16xi32>
      tpu.vector_store %arg8[%swap3A_1670], %swap3A_1673 {strides = array<i32>} : memref<128xi32, #tpu.memory_space<vmem>>, vector<16xi32>,
      %add3A_1674 = arith.constant 1 : i32
      %add3A_1675 = vector.broadcast %add3A_1674 : i32 to vector<16xi32>
      %add3A_1676 = arith.addi %mul3A_1669, %add3A_1675 : vector<16xi32>
      %swap3A_1677 = arith.constant 64 : index
      %swap3A_1678 = tpu.vector_load %arg8[%swap3A_1677] {strides = array<i32>} : memref<128xi32, #tpu.memory_space<vmem>>, vector<16xi32>,
      %swap3A_1679 = vector.shape_cast %swap3A_1678 : vector<16xi32> to vector<16xi32>
      %swap3A_1680 = vector.shape_cast %add3A_1676 : vector<16xi32> to vector<16xi32>
      tpu.vector_store %arg8[%swap3A_1677], %swap3A_1680 {strides = array<i32>} : memref<128xi32, #tpu.memory_space<vmem>>, vector<16xi32>,
      %get3A_1681 = arith.constant 8 : i32
      %get3A_1682 = arith.index_cast %get3A_1681 : i32 to index
      %get3A_1683 = arith.constant 0 : index
      %get3A_1684 = tpu.vector_load %arg7[%get3A_1682, %get3A_1683] {strides = array<i32>} : memref<16x64xi32, #tpu.memory_space<vmem>>, vector<1x16xi32>,
      %get3A_1685 = vector.shape_cast %get3A_1684 : vector<1x16xi32> to vector<16xi32>
      %sub3A_1686 = vector.broadcast %mul3A_0 : i32 to vector<16xi32>
      %sub3A_1687 = arith.subi %get3A_1685, %sub3A_1686 : vector<16xi32>
      %ge3A_1688 = arith.constant 0 : i32
      %ge3A_1689 = vector.broadcast %ge3A_1688 : i32 to vector<16xi32>
      %ge3A_1690 = arith.cmpi sge, %sub3A_1687, %ge3A_1689 : vector<16xi32>
      %lt3A_1691 = arith.constant 5000 : i32
      %lt3A_1692 = vector.broadcast %lt3A_1691 : i32 to vector<16xi32>
      %lt3A_1693 = arith.cmpi slt, %sub3A_1687, %lt3A_1692 : vector<16xi32>
      %and3A_1694 = arith.andi %ge3A_1690, %lt3A_1693 : vector<16xi1>
      %jit3A_1695 = arith.constant 5000 : i32
      %broadcast_in_dim3A_1696 = vector.broadcast %jit3A_1695 : i32 to vector<16xi32>
      %select_n3A_1697 = arith.select %and3A_1694, %sub3A_1687, %broadcast_in_dim3A_1696 : vector<16xi1>, vector<16xi32>
      %mul3A_1698 = arith.constant 2 : i32
      %mul3A_1699 = vector.broadcast %mul3A_1698 : i32 to vector<16xi32>
      %mul3A_1700 = arith.muli %select_n3A_1697, %mul3A_1699 : vector<16xi32>
      %swap3A_1701 = arith.constant 0 : index
      %swap3A_1702 = tpu.vector_load %arg9[%swap3A_1701] {strides = array<i32>} : memref<128xi32, #tpu.memory_space<vmem>>, vector<16xi32>,
      %swap3A_1703 = vector.shape_cast %swap3A_1702 : vector<16xi32> to vector<16xi32>
      %swap3A_1704 = vector.shape_cast %mul3A_1700 : vector<16xi32> to vector<16xi32>
      tpu.vector_store %arg9[%swap3A_1701], %swap3A_1704 {strides = array<i32>} : memref<128xi32, #tpu.memory_space<vmem>>, vector<16xi32>,
      %add3A_1705 = arith.constant 1 : i32
      %add3A_1706 = vector.broadcast %add3A_1705 : i32 to vector<16xi32>
      %add3A_1707 = arith.addi %mul3A_1700, %add3A_1706 : vector<16xi32>
      %swap3A_1708 = arith.constant 64 : index
      %swap3A_1709 = tpu.vector_load %arg9[%swap3A_1708] {strides = array<i32>} : memref<128xi32, #tpu.memory_space<vmem>>, vector<16xi32>,
      %swap3A_1710 = vector.shape_cast %swap3A_1709 : vector<16xi32> to vector<16xi32>
      %swap3A_1711 = vector.shape_cast %add3A_1707 : vector<16xi32> to vector<16xi32>
      tpu.vector_store %arg9[%swap3A_1708], %swap3A_1711 {strides = array<i32>} : memref<128xi32, #tpu.memory_space<vmem>>, vector<16xi32>,
      %get3A_1712 = arith.constant 8 : i32
      %get3A_1713 = arith.index_cast %get3A_1712 : i32 to index
      %get3A_1714 = arith.constant 16 : index
      %get3A_1715 = tpu.vector_load %arg6[%get3A_1713, %get3A_1714] {strides = array<i32>} : memref<16x64xi32, #tpu.memory_space<vmem>>, vector<1x16xi32>,
      %get3A_1716 = vector.shape_cast %get3A_1715 : vector<1x16xi32> to vector<16xi32>
      %mul3A_1717 = arith.constant 2 : i32
      %mul3A_1718 = vector.broadcast %mul3A_1717 : i32 to vector<16xi32>
      %mul3A_1719 = arith.muli %get3A_1716, %mul3A_1718 : vector<16xi32>
      %swap3A_1720 = arith.constant 16 : index
      %swap3A_1721 = tpu.vector_load %arg8[%swap3A_1720] {strides = array<i32>} : memref<128xi32, #tpu.memory_space<vmem>>, vector<16xi32>,
      %swap3A_1722 = vector.shape_cast %swap3A_1721 : vector<16xi32> to vector<16xi32>
      %swap3A_1723 = vector.shape_cast %mul3A_1719 : vector<16xi32> to vector<16xi32>
      tpu.vector_store %arg8[%swap3A_1720], %swap3A_1723 {strides = array<i32>} : memref<128xi32, #tpu.memory_space<vmem>>, vector<16xi32>,
      %add3A_1724 = arith.constant 1 : i32
      %add3A_1725 = vector.broadcast %add3A_1724 : i32 to vector<16xi32>
      %add3A_1726 = arith.addi %mul3A_1719, %add3A_1725 : vector<16xi32>
      %swap3A_1727 = arith.constant 80 : index
      %swap3A_1728 = tpu.vector_load %arg8[%swap3A_1727] {strides = array<i32>} : memref<128xi32, #tpu.memory_space<vmem>>, vector<16xi32>,
      %swap3A_1729 = vector.shape_cast %swap3A_1728 : vector<16xi32> to vector<16xi32>
      %swap3A_1730 = vector.shape_cast %add3A_1726 : vector<16xi32> to vector<16xi32>
      tpu.vector_store %arg8[%swap3A_1727], %swap3A_1730 {strides = array<i32>} : memref<128xi32, #tpu.memory_space<vmem>>, vector<16xi32>,
      %get3A_1731 = arith.constant 8 : i32
      %get3A_1732 = arith.index_cast %get3A_1731 : i32 to index
      %get3A_1733 = arith.constant 16 : index
      %get3A_1734 = tpu.vector_load %arg7[%get3A_1732, %get3A_1733] {strides = array<i32>} : memref<16x64xi32, #tpu.memory_space<vmem>>, vector<1x16xi32>,
      %get3A_1735 = vector.shape_cast %get3A_1734 : vector<1x16xi32> to vector<16xi32>
      %sub3A_1736 = vector.broadcast %mul3A_0 : i32 to vector<16xi32>
      %sub3A_1737 = arith.subi %get3A_1735, %sub3A_1736 : vector<16xi32>
      %ge3A_1738 = arith.constant 0 : i32
      %ge3A_1739 = vector.broadcast %ge3A_1738 : i32 to vector<16xi32>
      %ge3A_1740 = arith.cmpi sge, %sub3A_1737, %ge3A_1739 : vector<16xi32>
      %lt3A_1741 = arith.constant 5000 : i32
      %lt3A_1742 = vector.broadcast %lt3A_1741 : i32 to vector<16xi32>
      %lt3A_1743 = arith.cmpi slt, %sub3A_1737, %lt3A_1742 : vector<16xi32>
      %and3A_1744 = arith.andi %ge3A_1740, %lt3A_1743 : vector<16xi1>
      %jit3A_1745 = arith.constant 5000 : i32
      %broadcast_in_dim3A_1746 = vector.broadcast %jit3A_1745 : i32 to vector<16xi32>
      %select_n3A_1747 = arith.select %and3A_1744, %sub3A_1737, %broadcast_in_dim3A_1746 : vector<16xi1>, vector<16xi32>
      %mul3A_1748 = arith.constant 2 : i32
      %mul3A_1749 = vector.broadcast %mul3A_1748 : i32 to vector<16xi32>
      %mul3A_1750 = arith.muli %select_n3A_1747, %mul3A_1749 : vector<16xi32>
      %swap3A_1751 = arith.constant 16 : index
      %swap3A_1752 = tpu.vector_load %arg9[%swap3A_1751] {strides = array<i32>} : memref<128xi32, #tpu.memory_space<vmem>>, vector<16xi32>,
      %swap3A_1753 = vector.shape_cast %swap3A_1752 : vector<16xi32> to vector<16xi32>
      %swap3A_1754 = vector.shape_cast %mul3A_1750 : vector<16xi32> to vector<16xi32>
      tpu.vector_store %arg9[%swap3A_1751], %swap3A_1754 {strides = array<i32>} : memref<128xi32, #tpu.memory_space<vmem>>, vector<16xi32>,
      %add3A_1755 = arith.constant 1 : i32
      %add3A_1756 = vector.broadcast %add3A_1755 : i32 to vector<16xi32>
      %add3A_1757 = arith.addi %mul3A_1750, %add3A_1756 : vector<16xi32>
      %swap3A_1758 = arith.constant 80 : index
      %swap3A_1759 = tpu.vector_load %arg9[%swap3A_1758] {strides = array<i32>} : memref<128xi32, #tpu.memory_space<vmem>>, vector<16xi32>,
      %swap3A_1760 = vector.shape_cast %swap3A_1759 : vector<16xi32> to vector<16xi32>
      %swap3A_1761 = vector.shape_cast %add3A_1757 : vector<16xi32> to vector<16xi32>
      tpu.vector_store %arg9[%swap3A_1758], %swap3A_1761 {strides = array<i32>} : memref<128xi32, #tpu.memory_space<vmem>>, vector<16xi32>,
      %get3A_1762 = arith.constant 8 : i32
      %get3A_1763 = arith.index_cast %get3A_1762 : i32 to index
      %get3A_1764 = arith.constant 32 : index
      %get3A_1765 = tpu.vector_load %arg6[%get3A_1763, %get3A_1764] {strides = array<i32>} : memref<16x64xi32, #tpu.memory_space<vmem>>, vector<1x16xi32>,
      %get3A_1766 = vector.shape_cast %get3A_1765 : vector<1x16xi32> to vector<16xi32>
      %mul3A_1767 = arith.constant 2 : i32
      %mul3A_1768 = vector.broadcast %mul3A_1767 : i32 to vector<16xi32>
      %mul3A_1769 = arith.muli %get3A_1766, %mul3A_1768 : vector<16xi32>
      %swap3A_1770 = arith.constant 32 : index
      %swap3A_1771 = tpu.vector_load %arg8[%swap3A_1770] {strides = array<i32>} : memref<128xi32, #tpu.memory_space<vmem>>, vector<16xi32>,
      %swap3A_1772 = vector.shape_cast %swap3A_1771 : vector<16xi32> to vector<16xi32>
      %swap3A_1773 = vector.shape_cast %mul3A_1769 : vector<16xi32> to vector<16xi32>
      tpu.vector_store %arg8[%swap3A_1770], %swap3A_1773 {strides = array<i32>} : memref<128xi32, #tpu.memory_space<vmem>>, vector<16xi32>,
      %add3A_1774 = arith.constant 1 : i32
      %add3A_1775 = vector.broadcast %add3A_1774 : i32 to vector<16xi32>
      %add3A_1776 = arith.addi %mul3A_1769, %add3A_1775 : vector<16xi32>
      %swap3A_1777 = arith.constant 96 : index
      %swap3A_1778 = tpu.vector_load %arg8[%swap3A_1777] {strides = array<i32>} : memref<128xi32, #tpu.memory_space<vmem>>, vector<16xi32>,
      %swap3A_1779 = vector.shape_cast %swap3A_1778 : vector<16xi32> to vector<16xi32>
      %swap3A_1780 = vector.shape_cast %add3A_1776 : vector<16xi32> to vector<16xi32>
      tpu.vector_store %arg8[%swap3A_1777], %swap3A_1780 {strides = array<i32>} : memref<128xi32, #tpu.memory_space<vmem>>, vector<16xi32>,
      %get3A_1781 = arith.constant 8 : i32
      %get3A_1782 = arith.index_cast %get3A_1781 : i32 to index
      %get3A_1783 = arith.constant 32 : index
      %get3A_1784 = tpu.vector_load %arg7[%get3A_1782, %get3A_1783] {strides = array<i32>} : memref<16x64xi32, #tpu.memory_space<vmem>>, vector<1x16xi32>,
      %get3A_1785 = vector.shape_cast %get3A_1784 : vector<1x16xi32> to vector<16xi32>
      %sub3A_1786 = vector.broadcast %mul3A_0 : i32 to vector<16xi32>
      %sub3A_1787 = arith.subi %get3A_1785, %sub3A_1786 : vector<16xi32>
      %ge3A_1788 = arith.constant 0 : i32
      %ge3A_1789 = vector.broadcast %ge3A_1788 : i32 to vector<16xi32>
      %ge3A_1790 = arith.cmpi sge, %sub3A_1787, %ge3A_1789 : vector<16xi32>
      %lt3A_1791 = arith.constant 5000 : i32
      %lt3A_1792 = vector.broadcast %lt3A_1791 : i32 to vector<16xi32>
      %lt3A_1793 = arith.cmpi slt, %sub3A_1787, %lt3A_1792 : vector<16xi32>
      %and3A_1794 = arith.andi %ge3A_1790, %lt3A_1793 : vector<16xi1>
      %jit3A_1795 = arith.constant 5000 : i32
      %broadcast_in_dim3A_1796 = vector.broadcast %jit3A_1795 : i32 to vector<16xi32>
      %select_n3A_1797 = arith.select %and3A_1794, %sub3A_1787, %broadcast_in_dim3A_1796 : vector<16xi1>, vector<16xi32>
      %mul3A_1798 = arith.constant 2 : i32
      %mul3A_1799 = vector.broadcast %mul3A_1798 : i32 to vector<16xi32>
      %mul3A_1800 = arith.muli %select_n3A_1797, %mul3A_1799 : vector<16xi32>
      %swap3A_1801 = arith.constant 32 : index
      %swap3A_1802 = tpu.vector_load %arg9[%swap3A_1801] {strides = array<i32>} : memref<128xi32, #tpu.memory_space<vmem>>, vector<16xi32>,
      %swap3A_1803 = vector.shape_cast %swap3A_1802 : vector<16xi32> to vector<16xi32>
      %swap3A_1804 = vector.shape_cast %mul3A_1800 : vector<16xi32> to vector<16xi32>
      tpu.vector_store %arg9[%swap3A_1801], %swap3A_1804 {strides = array<i32>} : memref<128xi32, #tpu.memory_space<vmem>>, vector<16xi32>,
      %add3A_1805 = arith.constant 1 : i32
      %add3A_1806 = vector.broadcast %add3A_1805 : i32 to vector<16xi32>
      %add3A_1807 = arith.addi %mul3A_1800, %add3A_1806 : vector<16xi32>
      %swap3A_1808 = arith.constant 96 : index
      %swap3A_1809 = tpu.vector_load %arg9[%swap3A_1808] {strides = array<i32>} : memref<128xi32, #tpu.memory_space<vmem>>, vector<16xi32>,
      %swap3A_1810 = vector.shape_cast %swap3A_1809 : vector<16xi32> to vector<16xi32>
      %swap3A_1811 = vector.shape_cast %add3A_1807 : vector<16xi32> to vector<16xi32>
      tpu.vector_store %arg9[%swap3A_1808], %swap3A_1811 {strides = array<i32>} : memref<128xi32, #tpu.memory_space<vmem>>, vector<16xi32>,
      %get3A_1812 = arith.constant 8 : i32
      %get3A_1813 = arith.index_cast %get3A_1812 : i32 to index
      %get3A_1814 = arith.constant 48 : index
      %get3A_1815 = tpu.vector_load %arg6[%get3A_1813, %get3A_1814] {strides = array<i32>} : memref<16x64xi32, #tpu.memory_space<vmem>>, vector<1x16xi32>,
      %get3A_1816 = vector.shape_cast %get3A_1815 : vector<1x16xi32> to vector<16xi32>
      %mul3A_1817 = arith.constant 2 : i32
      %mul3A_1818 = vector.broadcast %mul3A_1817 : i32 to vector<16xi32>
      %mul3A_1819 = arith.muli %get3A_1816, %mul3A_1818 : vector<16xi32>
      %swap3A_1820 = arith.constant 48 : index
      %swap3A_1821 = tpu.vector_load %arg8[%swap3A_1820] {strides = array<i32>} : memref<128xi32, #tpu.memory_space<vmem>>, vector<16xi32>,
      %swap3A_1822 = vector.shape_cast %swap3A_1821 : vector<16xi32> to vector<16xi32>
      %swap3A_1823 = vector.shape_cast %mul3A_1819 : vector<16xi32> to vector<16xi32>
      tpu.vector_store %arg8[%swap3A_1820], %swap3A_1823 {strides = array<i32>} : memref<128xi32, #tpu.memory_space<vmem>>, vector<16xi32>,
      %add3A_1824 = arith.constant 1 : i32
      %add3A_1825 = vector.broadcast %add3A_1824 : i32 to vector<16xi32>
      %add3A_1826 = arith.addi %mul3A_1819, %add3A_1825 : vector<16xi32>
      %swap3A_1827 = arith.constant 112 : index
      %swap3A_1828 = tpu.vector_load %arg8[%swap3A_1827] {strides = array<i32>} : memref<128xi32, #tpu.memory_space<vmem>>, vector<16xi32>,
      %swap3A_1829 = vector.shape_cast %swap3A_1828 : vector<16xi32> to vector<16xi32>
      %swap3A_1830 = vector.shape_cast %add3A_1826 : vector<16xi32> to vector<16xi32>
      tpu.vector_store %arg8[%swap3A_1827], %swap3A_1830 {strides = array<i32>} : memref<128xi32, #tpu.memory_space<vmem>>, vector<16xi32>,
      %get3A_1831 = arith.constant 8 : i32
      %get3A_1832 = arith.index_cast %get3A_1831 : i32 to index
      %get3A_1833 = arith.constant 48 : index
      %get3A_1834 = tpu.vector_load %arg7[%get3A_1832, %get3A_1833] {strides = array<i32>} : memref<16x64xi32, #tpu.memory_space<vmem>>, vector<1x16xi32>,
      %get3A_1835 = vector.shape_cast %get3A_1834 : vector<1x16xi32> to vector<16xi32>
      %sub3A_1836 = vector.broadcast %mul3A_0 : i32 to vector<16xi32>
      %sub3A_1837 = arith.subi %get3A_1835, %sub3A_1836 : vector<16xi32>
      %ge3A_1838 = arith.constant 0 : i32
      %ge3A_1839 = vector.broadcast %ge3A_1838 : i32 to vector<16xi32>
      %ge3A_1840 = arith.cmpi sge, %sub3A_1837, %ge3A_1839 : vector<16xi32>
      %lt3A_1841 = arith.constant 5000 : i32
      %lt3A_1842 = vector.broadcast %lt3A_1841 : i32 to vector<16xi32>
      %lt3A_1843 = arith.cmpi slt, %sub3A_1837, %lt3A_1842 : vector<16xi32>
      %and3A_1844 = arith.andi %ge3A_1840, %lt3A_1843 : vector<16xi1>
      %jit3A_1845 = arith.constant 5000 : i32
      %broadcast_in_dim3A_1846 = vector.broadcast %jit3A_1845 : i32 to vector<16xi32>
      %select_n3A_1847 = arith.select %and3A_1844, %sub3A_1837, %broadcast_in_dim3A_1846 : vector<16xi1>, vector<16xi32>
      %mul3A_1848 = arith.constant 2 : i32
      %mul3A_1849 = vector.broadcast %mul3A_1848 : i32 to vector<16xi32>
      %mul3A_1850 = arith.muli %select_n3A_1847, %mul3A_1849 : vector<16xi32>
      %swap3A_1851 = arith.constant 48 : index
      %swap3A_1852 = tpu.vector_load %arg9[%swap3A_1851] {strides = array<i32>} : memref<128xi32, #tpu.memory_space<vmem>>, vector<16xi32>,
      %swap3A_1853 = vector.shape_cast %swap3A_1852 : vector<16xi32> to vector<16xi32>
      %swap3A_1854 = vector.shape_cast %mul3A_1850 : vector<16xi32> to vector<16xi32>
      tpu.vector_store %arg9[%swap3A_1851], %swap3A_1854 {strides = array<i32>} : memref<128xi32, #tpu.memory_space<vmem>>, vector<16xi32>,
      %add3A_1855 = arith.constant 1 : i32
      %add3A_1856 = vector.broadcast %add3A_1855 : i32 to vector<16xi32>
      %add3A_1857 = arith.addi %mul3A_1850, %add3A_1856 : vector<16xi32>
      %swap3A_1858 = arith.constant 112 : index
      %swap3A_1859 = tpu.vector_load %arg9[%swap3A_1858] {strides = array<i32>} : memref<128xi32, #tpu.memory_space<vmem>>, vector<16xi32>,
      %swap3A_1860 = vector.shape_cast %swap3A_1859 : vector<16xi32> to vector<16xi32>
      %swap3A_1861 = vector.shape_cast %add3A_1857 : vector<16xi32> to vector<16xi32>
      tpu.vector_store %arg9[%swap3A_1858], %swap3A_1861 {strides = array<i32>} : memref<128xi32, #tpu.memory_space<vmem>>, vector<16xi32>,
      %dma_start3A_1862 = arith.constant 0 : i32
      %dma_start3A_1863 = arith.constant 0 : i32
      %dma_start3A_1864 = tpu.memref_slice %arg2[%dma_start3A_1862, %dma_start3A_1863] : memref<20480x128xf32, #tpu.memory_space<hbm>> -> memref<20480x128xf32, #tpu.memory_space<hbm>>
      tpu.enqueue_indirect_dma source(%dma_start3A_1864 : memref<20480x128xf32, #tpu.memory_space<hbm>>) target(%arg12 : memref<128x128xf32, #tpu.memory_space<vmem>>) offsets(%arg8 : memref<128xi32, #tpu.memory_space<vmem>>) semaphore(%arg14 : memref<!tpu.dma_semaphore, #tpu.memory_space<semaphore_mem>>)
      %dma_wait3A_1865 = arith.constant 0 : i32
      %dma_wait3A_1866 = arith.constant 0 : i32
      %dma_wait3A_1867 = tpu.memref_slice %arg2[%dma_wait3A_1865, %dma_wait3A_1866] : memref<20480x128xf32, #tpu.memory_space<hbm>> -> memref<20480x128xf32, #tpu.memory_space<hbm>>
      tpu.wait_indirect_dma semaphore(%arg15 : memref<!tpu.dma_semaphore, #tpu.memory_space<semaphore_mem>>) src(%dma_wait3A_1867 : memref<20480x128xf32, #tpu.memory_space<hbm>>) dst(%arg13 : memref<128x128xf32, #tpu.memory_space<vmem>>)
      "tpu.region"() ({
        %run_scoped3A = tpu.sem_alloc : memref<!tpu.dma_semaphore, #tpu.memory_space<semaphore_mem>>
        %dma_start3A_3313 = arith.constant 0 : i32
        %dma_start3A_3314 = arith.constant 0 : i32
        %dma_start3A_3315 = tpu.memref_slice %arg18[%dma_start3A_3313, %dma_start3A_3314] : memref<10240x128xf32, #tpu.memory_space<vmem_shared>> -> memref<10240x128xf32, #tpu.memory_space<vmem_shared>>
        tpu.enqueue_indirect_dma source(%arg13 : memref<128x128xf32, #tpu.memory_space<vmem>>) target(%dma_start3A_3315 : memref<10240x128xf32, #tpu.memory_space<vmem_shared>>) offsets(%arg11 : memref<128xi32, #tpu.memory_space<vmem>>) semaphore(%run_scoped3A : memref<!tpu.dma_semaphore, #tpu.memory_space<semaphore_mem>>) {add = true}
        %dma_wait3A_3316 = arith.constant 0 : i32
        %dma_wait3A_3317 = arith.constant 0 : i32
        %dma_wait3A_3318 = tpu.memref_slice %arg18[%dma_wait3A_3316, %dma_wait3A_3317] : memref<10240x128xf32, #tpu.memory_space<vmem_shared>> -> memref<10240x128xf32, #tpu.memory_space<vmem_shared>>
        tpu.wait_indirect_dma semaphore(%run_scoped3A : memref<!tpu.dma_semaphore, #tpu.memory_space<semaphore_mem>>) src(%arg13 : memref<128x128xf32, #tpu.memory_space<vmem>>) dst(%dma_wait3A_3318 : memref<10240x128xf32, #tpu.memory_space<vmem_shared>>)
        tpu.yield
      }) : () -> ()
      %get3A_1868 = arith.constant 9 : i32
      %get3A_1869 = arith.index_cast %get3A_1868 : i32 to index
      %get3A_1870 = arith.constant 0 : index
      %get3A_1871 = tpu.vector_load %arg6[%get3A_1869, %get3A_1870] {strides = array<i32>} : memref<16x64xi32, #tpu.memory_space<vmem>>, vector<1x16xi32>,
      %get3A_1872 = vector.shape_cast %get3A_1871 : vector<1x16xi32> to vector<16xi32>
      %mul3A_1873 = arith.constant 2 : i32
      %mul3A_1874 = vector.broadcast %mul3A_1873 : i32 to vector<16xi32>
      %mul3A_1875 = arith.muli %get3A_1872, %mul3A_1874 : vector<16xi32>
      %swap3A_1876 = arith.constant 0 : index
      %swap3A_1877 = tpu.vector_load %arg10[%swap3A_1876] {strides = array<i32>} : memref<128xi32, #tpu.memory_space<vmem>>, vector<16xi32>,
      %swap3A_1878 = vector.shape_cast %swap3A_1877 : vector<16xi32> to vector<16xi32>
      %swap3A_1879 = vector.shape_cast %mul3A_1875 : vector<16xi32> to vector<16xi32>
      tpu.vector_store %arg10[%swap3A_1876], %swap3A_1879 {strides = array<i32>} : memref<128xi32, #tpu.memory_space<vmem>>, vector<16xi32>,
      %add3A_1880 = arith.constant 1 : i32
      %add3A_1881 = vector.broadcast %add3A_1880 : i32 to vector<16xi32>
      %add3A_1882 = arith.addi %mul3A_1875, %add3A_1881 : vector<16xi32>
      %swap3A_1883 = arith.constant 64 : index
      %swap3A_1884 = tpu.vector_load %arg10[%swap3A_1883] {strides = array<i32>} : memref<128xi32, #tpu.memory_space<vmem>>, vector<16xi32>,
      %swap3A_1885 = vector.shape_cast %swap3A_1884 : vector<16xi32> to vector<16xi32>
      %swap3A_1886 = vector.shape_cast %add3A_1882 : vector<16xi32> to vector<16xi32>
      tpu.vector_store %arg10[%swap3A_1883], %swap3A_1886 {strides = array<i32>} : memref<128xi32, #tpu.memory_space<vmem>>, vector<16xi32>,
      %get3A_1887 = arith.constant 9 : i32
      %get3A_1888 = arith.index_cast %get3A_1887 : i32 to index
      %get3A_1889 = arith.constant 0 : index
      %get3A_1890 = tpu.vector_load %arg7[%get3A_1888, %get3A_1889] {strides = array<i32>} : memref<16x64xi32, #tpu.memory_space<vmem>>, vector<1x16xi32>,
      %get3A_1891 = vector.shape_cast %get3A_1890 : vector<1x16xi32> to vector<16xi32>
      %sub3A_1892 = vector.broadcast %mul3A_0 : i32 to vector<16xi32>
      %sub3A_1893 = arith.subi %get3A_1891, %sub3A_1892 : vector<16xi32>
      %ge3A_1894 = arith.constant 0 : i32
      %ge3A_1895 = vector.broadcast %ge3A_1894 : i32 to vector<16xi32>
      %ge3A_1896 = arith.cmpi sge, %sub3A_1893, %ge3A_1895 : vector<16xi32>
      %lt3A_1897 = arith.constant 5000 : i32
      %lt3A_1898 = vector.broadcast %lt3A_1897 : i32 to vector<16xi32>
      %lt3A_1899 = arith.cmpi slt, %sub3A_1893, %lt3A_1898 : vector<16xi32>
      %and3A_1900 = arith.andi %ge3A_1896, %lt3A_1899 : vector<16xi1>
      %jit3A_1901 = arith.constant 5000 : i32
      %broadcast_in_dim3A_1902 = vector.broadcast %jit3A_1901 : i32 to vector<16xi32>
      %select_n3A_1903 = arith.select %and3A_1900, %sub3A_1893, %broadcast_in_dim3A_1902 : vector<16xi1>, vector<16xi32>
      %mul3A_1904 = arith.constant 2 : i32
      %mul3A_1905 = vector.broadcast %mul3A_1904 : i32 to vector<16xi32>
      %mul3A_1906 = arith.muli %select_n3A_1903, %mul3A_1905 : vector<16xi32>
      %swap3A_1907 = arith.constant 0 : index
      %swap3A_1908 = tpu.vector_load %arg11[%swap3A_1907] {strides = array<i32>} : memref<128xi32, #tpu.memory_space<vmem>>, vector<16xi32>,
      %swap3A_1909 = vector.shape_cast %swap3A_1908 : vector<16xi32> to vector<16xi32>
      %swap3A_1910 = vector.shape_cast %mul3A_1906 : vector<16xi32> to vector<16xi32>
      tpu.vector_store %arg11[%swap3A_1907], %swap3A_1910 {strides = array<i32>} : memref<128xi32, #tpu.memory_space<vmem>>, vector<16xi32>,
      %add3A_1911 = arith.constant 1 : i32
      %add3A_1912 = vector.broadcast %add3A_1911 : i32 to vector<16xi32>
      %add3A_1913 = arith.addi %mul3A_1906, %add3A_1912 : vector<16xi32>
      %swap3A_1914 = arith.constant 64 : index
      %swap3A_1915 = tpu.vector_load %arg11[%swap3A_1914] {strides = array<i32>} : memref<128xi32, #tpu.memory_space<vmem>>, vector<16xi32>,
      %swap3A_1916 = vector.shape_cast %swap3A_1915 : vector<16xi32> to vector<16xi32>
      %swap3A_1917 = vector.shape_cast %add3A_1913 : vector<16xi32> to vector<16xi32>
      tpu.vector_store %arg11[%swap3A_1914], %swap3A_1917 {strides = array<i32>} : memref<128xi32, #tpu.memory_space<vmem>>, vector<16xi32>,
      %get3A_1918 = arith.constant 9 : i32
      %get3A_1919 = arith.index_cast %get3A_1918 : i32 to index
      %get3A_1920 = arith.constant 16 : index
      %get3A_1921 = tpu.vector_load %arg6[%get3A_1919, %get3A_1920] {strides = array<i32>} : memref<16x64xi32, #tpu.memory_space<vmem>>, vector<1x16xi32>,
      %get3A_1922 = vector.shape_cast %get3A_1921 : vector<1x16xi32> to vector<16xi32>
      %mul3A_1923 = arith.constant 2 : i32
      %mul3A_1924 = vector.broadcast %mul3A_1923 : i32 to vector<16xi32>
      %mul3A_1925 = arith.muli %get3A_1922, %mul3A_1924 : vector<16xi32>
      %swap3A_1926 = arith.constant 16 : index
      %swap3A_1927 = tpu.vector_load %arg10[%swap3A_1926] {strides = array<i32>} : memref<128xi32, #tpu.memory_space<vmem>>, vector<16xi32>,
      %swap3A_1928 = vector.shape_cast %swap3A_1927 : vector<16xi32> to vector<16xi32>
      %swap3A_1929 = vector.shape_cast %mul3A_1925 : vector<16xi32> to vector<16xi32>
      tpu.vector_store %arg10[%swap3A_1926], %swap3A_1929 {strides = array<i32>} : memref<128xi32, #tpu.memory_space<vmem>>, vector<16xi32>,
      %add3A_1930 = arith.constant 1 : i32
      %add3A_1931 = vector.broadcast %add3A_1930 : i32 to vector<16xi32>
      %add3A_1932 = arith.addi %mul3A_1925, %add3A_1931 : vector<16xi32>
      %swap3A_1933 = arith.constant 80 : index
      %swap3A_1934 = tpu.vector_load %arg10[%swap3A_1933] {strides = array<i32>} : memref<128xi32, #tpu.memory_space<vmem>>, vector<16xi32>,
      %swap3A_1935 = vector.shape_cast %swap3A_1934 : vector<16xi32> to vector<16xi32>
      %swap3A_1936 = vector.shape_cast %add3A_1932 : vector<16xi32> to vector<16xi32>
      tpu.vector_store %arg10[%swap3A_1933], %swap3A_1936 {strides = array<i32>} : memref<128xi32, #tpu.memory_space<vmem>>, vector<16xi32>,
      %get3A_1937 = arith.constant 9 : i32
      %get3A_1938 = arith.index_cast %get3A_1937 : i32 to index
      %get3A_1939 = arith.constant 16 : index
      %get3A_1940 = tpu.vector_load %arg7[%get3A_1938, %get3A_1939] {strides = array<i32>} : memref<16x64xi32, #tpu.memory_space<vmem>>, vector<1x16xi32>,
      %get3A_1941 = vector.shape_cast %get3A_1940 : vector<1x16xi32> to vector<16xi32>
      %sub3A_1942 = vector.broadcast %mul3A_0 : i32 to vector<16xi32>
      %sub3A_1943 = arith.subi %get3A_1941, %sub3A_1942 : vector<16xi32>
      %ge3A_1944 = arith.constant 0 : i32
      %ge3A_1945 = vector.broadcast %ge3A_1944 : i32 to vector<16xi32>
      %ge3A_1946 = arith.cmpi sge, %sub3A_1943, %ge3A_1945 : vector<16xi32>
      %lt3A_1947 = arith.constant 5000 : i32
      %lt3A_1948 = vector.broadcast %lt3A_1947 : i32 to vector<16xi32>
      %lt3A_1949 = arith.cmpi slt, %sub3A_1943, %lt3A_1948 : vector<16xi32>
      %and3A_1950 = arith.andi %ge3A_1946, %lt3A_1949 : vector<16xi1>
      %jit3A_1951 = arith.constant 5000 : i32
      %broadcast_in_dim3A_1952 = vector.broadcast %jit3A_1951 : i32 to vector<16xi32>
      %select_n3A_1953 = arith.select %and3A_1950, %sub3A_1943, %broadcast_in_dim3A_1952 : vector<16xi1>, vector<16xi32>
      %mul3A_1954 = arith.constant 2 : i32
      %mul3A_1955 = vector.broadcast %mul3A_1954 : i32 to vector<16xi32>
      %mul3A_1956 = arith.muli %select_n3A_1953, %mul3A_1955 : vector<16xi32>
      %swap3A_1957 = arith.constant 16 : index
      %swap3A_1958 = tpu.vector_load %arg11[%swap3A_1957] {strides = array<i32>} : memref<128xi32, #tpu.memory_space<vmem>>, vector<16xi32>,
      %swap3A_1959 = vector.shape_cast %swap3A_1958 : vector<16xi32> to vector<16xi32>
      %swap3A_1960 = vector.shape_cast %mul3A_1956 : vector<16xi32> to vector<16xi32>
      tpu.vector_store %arg11[%swap3A_1957], %swap3A_1960 {strides = array<i32>} : memref<128xi32, #tpu.memory_space<vmem>>, vector<16xi32>,
      %add3A_1961 = arith.constant 1 : i32
      %add3A_1962 = vector.broadcast %add3A_1961 : i32 to vector<16xi32>
      %add3A_1963 = arith.addi %mul3A_1956, %add3A_1962 : vector<16xi32>
      %swap3A_1964 = arith.constant 80 : index
      %swap3A_1965 = tpu.vector_load %arg11[%swap3A_1964] {strides = array<i32>} : memref<128xi32, #tpu.memory_space<vmem>>, vector<16xi32>,
      %swap3A_1966 = vector.shape_cast %swap3A_1965 : vector<16xi32> to vector<16xi32>
      %swap3A_1967 = vector.shape_cast %add3A_1963 : vector<16xi32> to vector<16xi32>
      tpu.vector_store %arg11[%swap3A_1964], %swap3A_1967 {strides = array<i32>} : memref<128xi32, #tpu.memory_space<vmem>>, vector<16xi32>,
      %get3A_1968 = arith.constant 9 : i32
      %get3A_1969 = arith.index_cast %get3A_1968 : i32 to index
      %get3A_1970 = arith.constant 32 : index
      %get3A_1971 = tpu.vector_load %arg6[%get3A_1969, %get3A_1970] {strides = array<i32>} : memref<16x64xi32, #tpu.memory_space<vmem>>, vector<1x16xi32>,
      %get3A_1972 = vector.shape_cast %get3A_1971 : vector<1x16xi32> to vector<16xi32>
      %mul3A_1973 = arith.constant 2 : i32
      %mul3A_1974 = vector.broadcast %mul3A_1973 : i32 to vector<16xi32>
      %mul3A_1975 = arith.muli %get3A_1972, %mul3A_1974 : vector<16xi32>
      %swap3A_1976 = arith.constant 32 : index
      %swap3A_1977 = tpu.vector_load %arg10[%swap3A_1976] {strides = array<i32>} : memref<128xi32, #tpu.memory_space<vmem>>, vector<16xi32>,
      %swap3A_1978 = vector.shape_cast %swap3A_1977 : vector<16xi32> to vector<16xi32>
      %swap3A_1979 = vector.shape_cast %mul3A_1975 : vector<16xi32> to vector<16xi32>
      tpu.vector_store %arg10[%swap3A_1976], %swap3A_1979 {strides = array<i32>} : memref<128xi32, #tpu.memory_space<vmem>>, vector<16xi32>,
      %add3A_1980 = arith.constant 1 : i32
      %add3A_1981 = vector.broadcast %add3A_1980 : i32 to vector<16xi32>
      %add3A_1982 = arith.addi %mul3A_1975, %add3A_1981 : vector<16xi32>
      %swap3A_1983 = arith.constant 96 : index
      %swap3A_1984 = tpu.vector_load %arg10[%swap3A_1983] {strides = array<i32>} : memref<128xi32, #tpu.memory_space<vmem>>, vector<16xi32>,
      %swap3A_1985 = vector.shape_cast %swap3A_1984 : vector<16xi32> to vector<16xi32>
      %swap3A_1986 = vector.shape_cast %add3A_1982 : vector<16xi32> to vector<16xi32>
      tpu.vector_store %arg10[%swap3A_1983], %swap3A_1986 {strides = array<i32>} : memref<128xi32, #tpu.memory_space<vmem>>, vector<16xi32>,
      %get3A_1987 = arith.constant 9 : i32
      %get3A_1988 = arith.index_cast %get3A_1987 : i32 to index
      %get3A_1989 = arith.constant 32 : index
      %get3A_1990 = tpu.vector_load %arg7[%get3A_1988, %get3A_1989] {strides = array<i32>} : memref<16x64xi32, #tpu.memory_space<vmem>>, vector<1x16xi32>,
      %get3A_1991 = vector.shape_cast %get3A_1990 : vector<1x16xi32> to vector<16xi32>
      %sub3A_1992 = vector.broadcast %mul3A_0 : i32 to vector<16xi32>
      %sub3A_1993 = arith.subi %get3A_1991, %sub3A_1992 : vector<16xi32>
      %ge3A_1994 = arith.constant 0 : i32
      %ge3A_1995 = vector.broadcast %ge3A_1994 : i32 to vector<16xi32>
      %ge3A_1996 = arith.cmpi sge, %sub3A_1993, %ge3A_1995 : vector<16xi32>
      %lt3A_1997 = arith.constant 5000 : i32
      %lt3A_1998 = vector.broadcast %lt3A_1997 : i32 to vector<16xi32>
      %lt3A_1999 = arith.cmpi slt, %sub3A_1993, %lt3A_1998 : vector<16xi32>
      %and3A_2000 = arith.andi %ge3A_1996, %lt3A_1999 : vector<16xi1>
      %jit3A_2001 = arith.constant 5000 : i32
      %broadcast_in_dim3A_2002 = vector.broadcast %jit3A_2001 : i32 to vector<16xi32>
      %select_n3A_2003 = arith.select %and3A_2000, %sub3A_1993, %broadcast_in_dim3A_2002 : vector<16xi1>, vector<16xi32>
      %mul3A_2004 = arith.constant 2 : i32
      %mul3A_2005 = vector.broadcast %mul3A_2004 : i32 to vector<16xi32>
      %mul3A_2006 = arith.muli %select_n3A_2003, %mul3A_2005 : vector<16xi32>
      %swap3A_2007 = arith.constant 32 : index
      %swap3A_2008 = tpu.vector_load %arg11[%swap3A_2007] {strides = array<i32>} : memref<128xi32, #tpu.memory_space<vmem>>, vector<16xi32>,
      %swap3A_2009 = vector.shape_cast %swap3A_2008 : vector<16xi32> to vector<16xi32>
      %swap3A_2010 = vector.shape_cast %mul3A_2006 : vector<16xi32> to vector<16xi32>
      tpu.vector_store %arg11[%swap3A_2007], %swap3A_2010 {strides = array<i32>} : memref<128xi32, #tpu.memory_space<vmem>>, vector<16xi32>,
      %add3A_2011 = arith.constant 1 : i32
      %add3A_2012 = vector.broadcast %add3A_2011 : i32 to vector<16xi32>
      %add3A_2013 = arith.addi %mul3A_2006, %add3A_2012 : vector<16xi32>
      %swap3A_2014 = arith.constant 96 : index
      %swap3A_2015 = tpu.vector_load %arg11[%swap3A_2014] {strides = array<i32>} : memref<128xi32, #tpu.memory_space<vmem>>, vector<16xi32>,
      %swap3A_2016 = vector.shape_cast %swap3A_2015 : vector<16xi32> to vector<16xi32>
      %swap3A_2017 = vector.shape_cast %add3A_2013 : vector<16xi32> to vector<16xi32>
      tpu.vector_store %arg11[%swap3A_2014], %swap3A_2017 {strides = array<i32>} : memref<128xi32, #tpu.memory_space<vmem>>, vector<16xi32>,
      %get3A_2018 = arith.constant 9 : i32
      %get3A_2019 = arith.index_cast %get3A_2018 : i32 to index
      %get3A_2020 = arith.constant 48 : index
      %get3A_2021 = tpu.vector_load %arg6[%get3A_2019, %get3A_2020] {strides = array<i32>} : memref<16x64xi32, #tpu.memory_space<vmem>>, vector<1x16xi32>,
      %get3A_2022 = vector.shape_cast %get3A_2021 : vector<1x16xi32> to vector<16xi32>
      %mul3A_2023 = arith.constant 2 : i32
      %mul3A_2024 = vector.broadcast %mul3A_2023 : i32 to vector<16xi32>
      %mul3A_2025 = arith.muli %get3A_2022, %mul3A_2024 : vector<16xi32>
      %swap3A_2026 = arith.constant 48 : index
      %swap3A_2027 = tpu.vector_load %arg10[%swap3A_2026] {strides = array<i32>} : memref<128xi32, #tpu.memory_space<vmem>>, vector<16xi32>,
      %swap3A_2028 = vector.shape_cast %swap3A_2027 : vector<16xi32> to vector<16xi32>
      %swap3A_2029 = vector.shape_cast %mul3A_2025 : vector<16xi32> to vector<16xi32>
      tpu.vector_store %arg10[%swap3A_2026], %swap3A_2029 {strides = array<i32>} : memref<128xi32, #tpu.memory_space<vmem>>, vector<16xi32>,
      %add3A_2030 = arith.constant 1 : i32
      %add3A_2031 = vector.broadcast %add3A_2030 : i32 to vector<16xi32>
      %add3A_2032 = arith.addi %mul3A_2025, %add3A_2031 : vector<16xi32>
      %swap3A_2033 = arith.constant 112 : index
      %swap3A_2034 = tpu.vector_load %arg10[%swap3A_2033] {strides = array<i32>} : memref<128xi32, #tpu.memory_space<vmem>>, vector<16xi32>,
      %swap3A_2035 = vector.shape_cast %swap3A_2034 : vector<16xi32> to vector<16xi32>
      %swap3A_2036 = vector.shape_cast %add3A_2032 : vector<16xi32> to vector<16xi32>
      tpu.vector_store %arg10[%swap3A_2033], %swap3A_2036 {strides = array<i32>} : memref<128xi32, #tpu.memory_space<vmem>>, vector<16xi32>,
      %get3A_2037 = arith.constant 9 : i32
      %get3A_2038 = arith.index_cast %get3A_2037 : i32 to index
      %get3A_2039 = arith.constant 48 : index
      %get3A_2040 = tpu.vector_load %arg7[%get3A_2038, %get3A_2039] {strides = array<i32>} : memref<16x64xi32, #tpu.memory_space<vmem>>, vector<1x16xi32>,
      %get3A_2041 = vector.shape_cast %get3A_2040 : vector<1x16xi32> to vector<16xi32>
      %sub3A_2042 = vector.broadcast %mul3A_0 : i32 to vector<16xi32>
      %sub3A_2043 = arith.subi %get3A_2041, %sub3A_2042 : vector<16xi32>
      %ge3A_2044 = arith.constant 0 : i32
      %ge3A_2045 = vector.broadcast %ge3A_2044 : i32 to vector<16xi32>
      %ge3A_2046 = arith.cmpi sge, %sub3A_2043, %ge3A_2045 : vector<16xi32>
      %lt3A_2047 = arith.constant 5000 : i32
      %lt3A_2048 = vector.broadcast %lt3A_2047 : i32 to vector<16xi32>
      %lt3A_2049 = arith.cmpi slt, %sub3A_2043, %lt3A_2048 : vector<16xi32>
      %and3A_2050 = arith.andi %ge3A_2046, %lt3A_2049 : vector<16xi1>
      %jit3A_2051 = arith.constant 5000 : i32
      %broadcast_in_dim3A_2052 = vector.broadcast %jit3A_2051 : i32 to vector<16xi32>
      %select_n3A_2053 = arith.select %and3A_2050, %sub3A_2043, %broadcast_in_dim3A_2052 : vector<16xi1>, vector<16xi32>
      %mul3A_2054 = arith.constant 2 : i32
      %mul3A_2055 = vector.broadcast %mul3A_2054 : i32 to vector<16xi32>
      %mul3A_2056 = arith.muli %select_n3A_2053, %mul3A_2055 : vector<16xi32>
      %swap3A_2057 = arith.constant 48 : index
      %swap3A_2058 = tpu.vector_load %arg11[%swap3A_2057] {strides = array<i32>} : memref<128xi32, #tpu.memory_space<vmem>>, vector<16xi32>,
      %swap3A_2059 = vector.shape_cast %swap3A_2058 : vector<16xi32> to vector<16xi32>
      %swap3A_2060 = vector.shape_cast %mul3A_2056 : vector<16xi32> to vector<16xi32>
      tpu.vector_store %arg11[%swap3A_2057], %swap3A_2060 {strides = array<i32>} : memref<128xi32, #tpu.memory_space<vmem>>, vector<16xi32>,
      %add3A_2061 = arith.constant 1 : i32
      %add3A_2062 = vector.broadcast %add3A_2061 : i32 to vector<16xi32>
      %add3A_2063 = arith.addi %mul3A_2056, %add3A_2062 : vector<16xi32>
      %swap3A_2064 = arith.constant 112 : index
      %swap3A_2065 = tpu.vector_load %arg11[%swap3A_2064] {strides = array<i32>} : memref<128xi32, #tpu.memory_space<vmem>>, vector<16xi32>,
      %swap3A_2066 = vector.shape_cast %swap3A_2065 : vector<16xi32> to vector<16xi32>
      %swap3A_2067 = vector.shape_cast %add3A_2063 : vector<16xi32> to vector<16xi32>
      tpu.vector_store %arg11[%swap3A_2064], %swap3A_2067 {strides = array<i32>} : memref<128xi32, #tpu.memory_space<vmem>>, vector<16xi32>,
      %dma_start3A_2068 = arith.constant 0 : i32
      %dma_start3A_2069 = arith.constant 0 : i32
      %dma_start3A_2070 = tpu.memref_slice %arg2[%dma_start3A_2068, %dma_start3A_2069] : memref<20480x128xf32, #tpu.memory_space<hbm>> -> memref<20480x128xf32, #tpu.memory_space<hbm>>
      tpu.enqueue_indirect_dma source(%dma_start3A_2070 : memref<20480x128xf32, #tpu.memory_space<hbm>>) target(%arg13 : memref<128x128xf32, #tpu.memory_space<vmem>>) offsets(%arg10 : memref<128xi32, #tpu.memory_space<vmem>>) semaphore(%arg15 : memref<!tpu.dma_semaphore, #tpu.memory_space<semaphore_mem>>)
      %dma_wait3A_2071 = arith.constant 0 : i32
      %dma_wait3A_2072 = arith.constant 0 : i32
      %dma_wait3A_2073 = tpu.memref_slice %arg2[%dma_wait3A_2071, %dma_wait3A_2072] : memref<20480x128xf32, #tpu.memory_space<hbm>> -> memref<20480x128xf32, #tpu.memory_space<hbm>>
      tpu.wait_indirect_dma semaphore(%arg14 : memref<!tpu.dma_semaphore, #tpu.memory_space<semaphore_mem>>) src(%dma_wait3A_2073 : memref<20480x128xf32, #tpu.memory_space<hbm>>) dst(%arg12 : memref<128x128xf32, #tpu.memory_space<vmem>>)
      "tpu.region"() ({
        %run_scoped3A = tpu.sem_alloc : memref<!tpu.dma_semaphore, #tpu.memory_space<semaphore_mem>>
        %dma_start3A_3313 = arith.constant 0 : i32
        %dma_start3A_3314 = arith.constant 0 : i32
        %dma_start3A_3315 = tpu.memref_slice %arg18[%dma_start3A_3313, %dma_start3A_3314] : memref<10240x128xf32, #tpu.memory_space<vmem_shared>> -> memref<10240x128xf32, #tpu.memory_space<vmem_shared>>
        tpu.enqueue_indirect_dma source(%arg12 : memref<128x128xf32, #tpu.memory_space<vmem>>) target(%dma_start3A_3315 : memref<10240x128xf32, #tpu.memory_space<vmem_shared>>) offsets(%arg9 : memref<128xi32, #tpu.memory_space<vmem>>) semaphore(%run_scoped3A : memref<!tpu.dma_semaphore, #tpu.memory_space<semaphore_mem>>) {add = true}
        %dma_wait3A_3316 = arith.constant 0 : i32
        %dma_wait3A_3317 = arith.constant 0 : i32
        %dma_wait3A_3318 = tpu.memref_slice %arg18[%dma_wait3A_3316, %dma_wait3A_3317] : memref<10240x128xf32, #tpu.memory_space<vmem_shared>> -> memref<10240x128xf32, #tpu.memory_space<vmem_shared>>
        tpu.wait_indirect_dma semaphore(%run_scoped3A : memref<!tpu.dma_semaphore, #tpu.memory_space<semaphore_mem>>) src(%arg12 : memref<128x128xf32, #tpu.memory_space<vmem>>) dst(%dma_wait3A_3318 : memref<10240x128xf32, #tpu.memory_space<vmem_shared>>)
        tpu.yield
      }) : () -> ()
      %get3A_2074 = arith.constant 10 : i32
      %get3A_2075 = arith.index_cast %get3A_2074 : i32 to index
      %get3A_2076 = arith.constant 0 : index
      %get3A_2077 = tpu.vector_load %arg6[%get3A_2075, %get3A_2076] {strides = array<i32>} : memref<16x64xi32, #tpu.memory_space<vmem>>, vector<1x16xi32>,
      %get3A_2078 = vector.shape_cast %get3A_2077 : vector<1x16xi32> to vector<16xi32>
      %mul3A_2079 = arith.constant 2 : i32
      %mul3A_2080 = vector.broadcast %mul3A_2079 : i32 to vector<16xi32>
      %mul3A_2081 = arith.muli %get3A_2078, %mul3A_2080 : vector<16xi32>
      %swap3A_2082 = arith.constant 0 : index
      %swap3A_2083 = tpu.vector_load %arg8[%swap3A_2082] {strides = array<i32>} : memref<128xi32, #tpu.memory_space<vmem>>, vector<16xi32>,
      %swap3A_2084 = vector.shape_cast %swap3A_2083 : vector<16xi32> to vector<16xi32>
      %swap3A_2085 = vector.shape_cast %mul3A_2081 : vector<16xi32> to vector<16xi32>
      tpu.vector_store %arg8[%swap3A_2082], %swap3A_2085 {strides = array<i32>} : memref<128xi32, #tpu.memory_space<vmem>>, vector<16xi32>,
      %add3A_2086 = arith.constant 1 : i32
      %add3A_2087 = vector.broadcast %add3A_2086 : i32 to vector<16xi32>
      %add3A_2088 = arith.addi %mul3A_2081, %add3A_2087 : vector<16xi32>
      %swap3A_2089 = arith.constant 64 : index
      %swap3A_2090 = tpu.vector_load %arg8[%swap3A_2089] {strides = array<i32>} : memref<128xi32, #tpu.memory_space<vmem>>, vector<16xi32>,
      %swap3A_2091 = vector.shape_cast %swap3A_2090 : vector<16xi32> to vector<16xi32>
      %swap3A_2092 = vector.shape_cast %add3A_2088 : vector<16xi32> to vector<16xi32>
      tpu.vector_store %arg8[%swap3A_2089], %swap3A_2092 {strides = array<i32>} : memref<128xi32, #tpu.memory_space<vmem>>, vector<16xi32>,
      %get3A_2093 = arith.constant 10 : i32
      %get3A_2094 = arith.index_cast %get3A_2093 : i32 to index
      %get3A_2095 = arith.constant 0 : index
      %get3A_2096 = tpu.vector_load %arg7[%get3A_2094, %get3A_2095] {strides = array<i32>} : memref<16x64xi32, #tpu.memory_space<vmem>>, vector<1x16xi32>,
      %get3A_2097 = vector.shape_cast %get3A_2096 : vector<1x16xi32> to vector<16xi32>
      %sub3A_2098 = vector.broadcast %mul3A_0 : i32 to vector<16xi32>
      %sub3A_2099 = arith.subi %get3A_2097, %sub3A_2098 : vector<16xi32>
      %ge3A_2100 = arith.constant 0 : i32
      %ge3A_2101 = vector.broadcast %ge3A_2100 : i32 to vector<16xi32>
      %ge3A_2102 = arith.cmpi sge, %sub3A_2099, %ge3A_2101 : vector<16xi32>
      %lt3A_2103 = arith.constant 5000 : i32
      %lt3A_2104 = vector.broadcast %lt3A_2103 : i32 to vector<16xi32>
      %lt3A_2105 = arith.cmpi slt, %sub3A_2099, %lt3A_2104 : vector<16xi32>
      %and3A_2106 = arith.andi %ge3A_2102, %lt3A_2105 : vector<16xi1>
      %jit3A_2107 = arith.constant 5000 : i32
      %broadcast_in_dim3A_2108 = vector.broadcast %jit3A_2107 : i32 to vector<16xi32>
      %select_n3A_2109 = arith.select %and3A_2106, %sub3A_2099, %broadcast_in_dim3A_2108 : vector<16xi1>, vector<16xi32>
      %mul3A_2110 = arith.constant 2 : i32
      %mul3A_2111 = vector.broadcast %mul3A_2110 : i32 to vector<16xi32>
      %mul3A_2112 = arith.muli %select_n3A_2109, %mul3A_2111 : vector<16xi32>
      %swap3A_2113 = arith.constant 0 : index
      %swap3A_2114 = tpu.vector_load %arg9[%swap3A_2113] {strides = array<i32>} : memref<128xi32, #tpu.memory_space<vmem>>, vector<16xi32>,
      %swap3A_2115 = vector.shape_cast %swap3A_2114 : vector<16xi32> to vector<16xi32>
      %swap3A_2116 = vector.shape_cast %mul3A_2112 : vector<16xi32> to vector<16xi32>
      tpu.vector_store %arg9[%swap3A_2113], %swap3A_2116 {strides = array<i32>} : memref<128xi32, #tpu.memory_space<vmem>>, vector<16xi32>,
      %add3A_2117 = arith.constant 1 : i32
      %add3A_2118 = vector.broadcast %add3A_2117 : i32 to vector<16xi32>
      %add3A_2119 = arith.addi %mul3A_2112, %add3A_2118 : vector<16xi32>
      %swap3A_2120 = arith.constant 64 : index
      %swap3A_2121 = tpu.vector_load %arg9[%swap3A_2120] {strides = array<i32>} : memref<128xi32, #tpu.memory_space<vmem>>, vector<16xi32>,
      %swap3A_2122 = vector.shape_cast %swap3A_2121 : vector<16xi32> to vector<16xi32>
      %swap3A_2123 = vector.shape_cast %add3A_2119 : vector<16xi32> to vector<16xi32>
      tpu.vector_store %arg9[%swap3A_2120], %swap3A_2123 {strides = array<i32>} : memref<128xi32, #tpu.memory_space<vmem>>, vector<16xi32>,
      %get3A_2124 = arith.constant 10 : i32
      %get3A_2125 = arith.index_cast %get3A_2124 : i32 to index
      %get3A_2126 = arith.constant 16 : index
      %get3A_2127 = tpu.vector_load %arg6[%get3A_2125, %get3A_2126] {strides = array<i32>} : memref<16x64xi32, #tpu.memory_space<vmem>>, vector<1x16xi32>,
      %get3A_2128 = vector.shape_cast %get3A_2127 : vector<1x16xi32> to vector<16xi32>
      %mul3A_2129 = arith.constant 2 : i32
      %mul3A_2130 = vector.broadcast %mul3A_2129 : i32 to vector<16xi32>
      %mul3A_2131 = arith.muli %get3A_2128, %mul3A_2130 : vector<16xi32>
      %swap3A_2132 = arith.constant 16 : index
      %swap3A_2133 = tpu.vector_load %arg8[%swap3A_2132] {strides = array<i32>} : memref<128xi32, #tpu.memory_space<vmem>>, vector<16xi32>,
      %swap3A_2134 = vector.shape_cast %swap3A_2133 : vector<16xi32> to vector<16xi32>
      %swap3A_2135 = vector.shape_cast %mul3A_2131 : vector<16xi32> to vector<16xi32>
      tpu.vector_store %arg8[%swap3A_2132], %swap3A_2135 {strides = array<i32>} : memref<128xi32, #tpu.memory_space<vmem>>, vector<16xi32>,
      %add3A_2136 = arith.constant 1 : i32
      %add3A_2137 = vector.broadcast %add3A_2136 : i32 to vector<16xi32>
      %add3A_2138 = arith.addi %mul3A_2131, %add3A_2137 : vector<16xi32>
      %swap3A_2139 = arith.constant 80 : index
      %swap3A_2140 = tpu.vector_load %arg8[%swap3A_2139] {strides = array<i32>} : memref<128xi32, #tpu.memory_space<vmem>>, vector<16xi32>,
      %swap3A_2141 = vector.shape_cast %swap3A_2140 : vector<16xi32> to vector<16xi32>
      %swap3A_2142 = vector.shape_cast %add3A_2138 : vector<16xi32> to vector<16xi32>
      tpu.vector_store %arg8[%swap3A_2139], %swap3A_2142 {strides = array<i32>} : memref<128xi32, #tpu.memory_space<vmem>>, vector<16xi32>,
      %get3A_2143 = arith.constant 10 : i32
      %get3A_2144 = arith.index_cast %get3A_2143 : i32 to index
      %get3A_2145 = arith.constant 16 : index
      %get3A_2146 = tpu.vector_load %arg7[%get3A_2144, %get3A_2145] {strides = array<i32>} : memref<16x64xi32, #tpu.memory_space<vmem>>, vector<1x16xi32>,
      %get3A_2147 = vector.shape_cast %get3A_2146 : vector<1x16xi32> to vector<16xi32>
      %sub3A_2148 = vector.broadcast %mul3A_0 : i32 to vector<16xi32>
      %sub3A_2149 = arith.subi %get3A_2147, %sub3A_2148 : vector<16xi32>
      %ge3A_2150 = arith.constant 0 : i32
      %ge3A_2151 = vector.broadcast %ge3A_2150 : i32 to vector<16xi32>
      %ge3A_2152 = arith.cmpi sge, %sub3A_2149, %ge3A_2151 : vector<16xi32>
      %lt3A_2153 = arith.constant 5000 : i32
      %lt3A_2154 = vector.broadcast %lt3A_2153 : i32 to vector<16xi32>
      %lt3A_2155 = arith.cmpi slt, %sub3A_2149, %lt3A_2154 : vector<16xi32>
      %and3A_2156 = arith.andi %ge3A_2152, %lt3A_2155 : vector<16xi1>
      %jit3A_2157 = arith.constant 5000 : i32
      %broadcast_in_dim3A_2158 = vector.broadcast %jit3A_2157 : i32 to vector<16xi32>
      %select_n3A_2159 = arith.select %and3A_2156, %sub3A_2149, %broadcast_in_dim3A_2158 : vector<16xi1>, vector<16xi32>
      %mul3A_2160 = arith.constant 2 : i32
      %mul3A_2161 = vector.broadcast %mul3A_2160 : i32 to vector<16xi32>
      %mul3A_2162 = arith.muli %select_n3A_2159, %mul3A_2161 : vector<16xi32>
      %swap3A_2163 = arith.constant 16 : index
      %swap3A_2164 = tpu.vector_load %arg9[%swap3A_2163] {strides = array<i32>} : memref<128xi32, #tpu.memory_space<vmem>>, vector<16xi32>,
      %swap3A_2165 = vector.shape_cast %swap3A_2164 : vector<16xi32> to vector<16xi32>
      %swap3A_2166 = vector.shape_cast %mul3A_2162 : vector<16xi32> to vector<16xi32>
      tpu.vector_store %arg9[%swap3A_2163], %swap3A_2166 {strides = array<i32>} : memref<128xi32, #tpu.memory_space<vmem>>, vector<16xi32>,
      %add3A_2167 = arith.constant 1 : i32
      %add3A_2168 = vector.broadcast %add3A_2167 : i32 to vector<16xi32>
      %add3A_2169 = arith.addi %mul3A_2162, %add3A_2168 : vector<16xi32>
      %swap3A_2170 = arith.constant 80 : index
      %swap3A_2171 = tpu.vector_load %arg9[%swap3A_2170] {strides = array<i32>} : memref<128xi32, #tpu.memory_space<vmem>>, vector<16xi32>,
      %swap3A_2172 = vector.shape_cast %swap3A_2171 : vector<16xi32> to vector<16xi32>
      %swap3A_2173 = vector.shape_cast %add3A_2169 : vector<16xi32> to vector<16xi32>
      tpu.vector_store %arg9[%swap3A_2170], %swap3A_2173 {strides = array<i32>} : memref<128xi32, #tpu.memory_space<vmem>>, vector<16xi32>,
      %get3A_2174 = arith.constant 10 : i32
      %get3A_2175 = arith.index_cast %get3A_2174 : i32 to index
      %get3A_2176 = arith.constant 32 : index
      %get3A_2177 = tpu.vector_load %arg6[%get3A_2175, %get3A_2176] {strides = array<i32>} : memref<16x64xi32, #tpu.memory_space<vmem>>, vector<1x16xi32>,
      %get3A_2178 = vector.shape_cast %get3A_2177 : vector<1x16xi32> to vector<16xi32>
      %mul3A_2179 = arith.constant 2 : i32
      %mul3A_2180 = vector.broadcast %mul3A_2179 : i32 to vector<16xi32>
      %mul3A_2181 = arith.muli %get3A_2178, %mul3A_2180 : vector<16xi32>
      %swap3A_2182 = arith.constant 32 : index
      %swap3A_2183 = tpu.vector_load %arg8[%swap3A_2182] {strides = array<i32>} : memref<128xi32, #tpu.memory_space<vmem>>, vector<16xi32>,
      %swap3A_2184 = vector.shape_cast %swap3A_2183 : vector<16xi32> to vector<16xi32>
      %swap3A_2185 = vector.shape_cast %mul3A_2181 : vector<16xi32> to vector<16xi32>
      tpu.vector_store %arg8[%swap3A_2182], %swap3A_2185 {strides = array<i32>} : memref<128xi32, #tpu.memory_space<vmem>>, vector<16xi32>,
      %add3A_2186 = arith.constant 1 : i32
      %add3A_2187 = vector.broadcast %add3A_2186 : i32 to vector<16xi32>
      %add3A_2188 = arith.addi %mul3A_2181, %add3A_2187 : vector<16xi32>
      %swap3A_2189 = arith.constant 96 : index
      %swap3A_2190 = tpu.vector_load %arg8[%swap3A_2189] {strides = array<i32>} : memref<128xi32, #tpu.memory_space<vmem>>, vector<16xi32>,
      %swap3A_2191 = vector.shape_cast %swap3A_2190 : vector<16xi32> to vector<16xi32>
      %swap3A_2192 = vector.shape_cast %add3A_2188 : vector<16xi32> to vector<16xi32>
      tpu.vector_store %arg8[%swap3A_2189], %swap3A_2192 {strides = array<i32>} : memref<128xi32, #tpu.memory_space<vmem>>, vector<16xi32>,
      %get3A_2193 = arith.constant 10 : i32
      %get3A_2194 = arith.index_cast %get3A_2193 : i32 to index
      %get3A_2195 = arith.constant 32 : index
      %get3A_2196 = tpu.vector_load %arg7[%get3A_2194, %get3A_2195] {strides = array<i32>} : memref<16x64xi32, #tpu.memory_space<vmem>>, vector<1x16xi32>,
      %get3A_2197 = vector.shape_cast %get3A_2196 : vector<1x16xi32> to vector<16xi32>
      %sub3A_2198 = vector.broadcast %mul3A_0 : i32 to vector<16xi32>
      %sub3A_2199 = arith.subi %get3A_2197, %sub3A_2198 : vector<16xi32>
      %ge3A_2200 = arith.constant 0 : i32
      %ge3A_2201 = vector.broadcast %ge3A_2200 : i32 to vector<16xi32>
      %ge3A_2202 = arith.cmpi sge, %sub3A_2199, %ge3A_2201 : vector<16xi32>
      %lt3A_2203 = arith.constant 5000 : i32
      %lt3A_2204 = vector.broadcast %lt3A_2203 : i32 to vector<16xi32>
      %lt3A_2205 = arith.cmpi slt, %sub3A_2199, %lt3A_2204 : vector<16xi32>
      %and3A_2206 = arith.andi %ge3A_2202, %lt3A_2205 : vector<16xi1>
      %jit3A_2207 = arith.constant 5000 : i32
      %broadcast_in_dim3A_2208 = vector.broadcast %jit3A_2207 : i32 to vector<16xi32>
      %select_n3A_2209 = arith.select %and3A_2206, %sub3A_2199, %broadcast_in_dim3A_2208 : vector<16xi1>, vector<16xi32>
      %mul3A_2210 = arith.constant 2 : i32
      %mul3A_2211 = vector.broadcast %mul3A_2210 : i32 to vector<16xi32>
      %mul3A_2212 = arith.muli %select_n3A_2209, %mul3A_2211 : vector<16xi32>
      %swap3A_2213 = arith.constant 32 : index
      %swap3A_2214 = tpu.vector_load %arg9[%swap3A_2213] {strides = array<i32>} : memref<128xi32, #tpu.memory_space<vmem>>, vector<16xi32>,
      %swap3A_2215 = vector.shape_cast %swap3A_2214 : vector<16xi32> to vector<16xi32>
      %swap3A_2216 = vector.shape_cast %mul3A_2212 : vector<16xi32> to vector<16xi32>
      tpu.vector_store %arg9[%swap3A_2213], %swap3A_2216 {strides = array<i32>} : memref<128xi32, #tpu.memory_space<vmem>>, vector<16xi32>,
      %add3A_2217 = arith.constant 1 : i32
      %add3A_2218 = vector.broadcast %add3A_2217 : i32 to vector<16xi32>
      %add3A_2219 = arith.addi %mul3A_2212, %add3A_2218 : vector<16xi32>
      %swap3A_2220 = arith.constant 96 : index
      %swap3A_2221 = tpu.vector_load %arg9[%swap3A_2220] {strides = array<i32>} : memref<128xi32, #tpu.memory_space<vmem>>, vector<16xi32>,
      %swap3A_2222 = vector.shape_cast %swap3A_2221 : vector<16xi32> to vector<16xi32>
      %swap3A_2223 = vector.shape_cast %add3A_2219 : vector<16xi32> to vector<16xi32>
      tpu.vector_store %arg9[%swap3A_2220], %swap3A_2223 {strides = array<i32>} : memref<128xi32, #tpu.memory_space<vmem>>, vector<16xi32>,
      %get3A_2224 = arith.constant 10 : i32
      %get3A_2225 = arith.index_cast %get3A_2224 : i32 to index
      %get3A_2226 = arith.constant 48 : index
      %get3A_2227 = tpu.vector_load %arg6[%get3A_2225, %get3A_2226] {strides = array<i32>} : memref<16x64xi32, #tpu.memory_space<vmem>>, vector<1x16xi32>,
      %get3A_2228 = vector.shape_cast %get3A_2227 : vector<1x16xi32> to vector<16xi32>
      %mul3A_2229 = arith.constant 2 : i32
      %mul3A_2230 = vector.broadcast %mul3A_2229 : i32 to vector<16xi32>
      %mul3A_2231 = arith.muli %get3A_2228, %mul3A_2230 : vector<16xi32>
      %swap3A_2232 = arith.constant 48 : index
      %swap3A_2233 = tpu.vector_load %arg8[%swap3A_2232] {strides = array<i32>} : memref<128xi32, #tpu.memory_space<vmem>>, vector<16xi32>,
      %swap3A_2234 = vector.shape_cast %swap3A_2233 : vector<16xi32> to vector<16xi32>
      %swap3A_2235 = vector.shape_cast %mul3A_2231 : vector<16xi32> to vector<16xi32>
      tpu.vector_store %arg8[%swap3A_2232], %swap3A_2235 {strides = array<i32>} : memref<128xi32, #tpu.memory_space<vmem>>, vector<16xi32>,
      %add3A_2236 = arith.constant 1 : i32
      %add3A_2237 = vector.broadcast %add3A_2236 : i32 to vector<16xi32>
      %add3A_2238 = arith.addi %mul3A_2231, %add3A_2237 : vector<16xi32>
      %swap3A_2239 = arith.constant 112 : index
      %swap3A_2240 = tpu.vector_load %arg8[%swap3A_2239] {strides = array<i32>} : memref<128xi32, #tpu.memory_space<vmem>>, vector<16xi32>,
      %swap3A_2241 = vector.shape_cast %swap3A_2240 : vector<16xi32> to vector<16xi32>
      %swap3A_2242 = vector.shape_cast %add3A_2238 : vector<16xi32> to vector<16xi32>
      tpu.vector_store %arg8[%swap3A_2239], %swap3A_2242 {strides = array<i32>} : memref<128xi32, #tpu.memory_space<vmem>>, vector<16xi32>,
      %get3A_2243 = arith.constant 10 : i32
      %get3A_2244 = arith.index_cast %get3A_2243 : i32 to index
      %get3A_2245 = arith.constant 48 : index
      %get3A_2246 = tpu.vector_load %arg7[%get3A_2244, %get3A_2245] {strides = array<i32>} : memref<16x64xi32, #tpu.memory_space<vmem>>, vector<1x16xi32>,
      %get3A_2247 = vector.shape_cast %get3A_2246 : vector<1x16xi32> to vector<16xi32>
      %sub3A_2248 = vector.broadcast %mul3A_0 : i32 to vector<16xi32>
      %sub3A_2249 = arith.subi %get3A_2247, %sub3A_2248 : vector<16xi32>
      %ge3A_2250 = arith.constant 0 : i32
      %ge3A_2251 = vector.broadcast %ge3A_2250 : i32 to vector<16xi32>
      %ge3A_2252 = arith.cmpi sge, %sub3A_2249, %ge3A_2251 : vector<16xi32>
      %lt3A_2253 = arith.constant 5000 : i32
      %lt3A_2254 = vector.broadcast %lt3A_2253 : i32 to vector<16xi32>
      %lt3A_2255 = arith.cmpi slt, %sub3A_2249, %lt3A_2254 : vector<16xi32>
      %and3A_2256 = arith.andi %ge3A_2252, %lt3A_2255 : vector<16xi1>
      %jit3A_2257 = arith.constant 5000 : i32
      %broadcast_in_dim3A_2258 = vector.broadcast %jit3A_2257 : i32 to vector<16xi32>
      %select_n3A_2259 = arith.select %and3A_2256, %sub3A_2249, %broadcast_in_dim3A_2258 : vector<16xi1>, vector<16xi32>
      %mul3A_2260 = arith.constant 2 : i32
      %mul3A_2261 = vector.broadcast %mul3A_2260 : i32 to vector<16xi32>
      %mul3A_2262 = arith.muli %select_n3A_2259, %mul3A_2261 : vector<16xi32>
      %swap3A_2263 = arith.constant 48 : index
      %swap3A_2264 = tpu.vector_load %arg9[%swap3A_2263] {strides = array<i32>} : memref<128xi32, #tpu.memory_space<vmem>>, vector<16xi32>,
      %swap3A_2265 = vector.shape_cast %swap3A_2264 : vector<16xi32> to vector<16xi32>
      %swap3A_2266 = vector.shape_cast %mul3A_2262 : vector<16xi32> to vector<16xi32>
      tpu.vector_store %arg9[%swap3A_2263], %swap3A_2266 {strides = array<i32>} : memref<128xi32, #tpu.memory_space<vmem>>, vector<16xi32>,
      %add3A_2267 = arith.constant 1 : i32
      %add3A_2268 = vector.broadcast %add3A_2267 : i32 to vector<16xi32>
      %add3A_2269 = arith.addi %mul3A_2262, %add3A_2268 : vector<16xi32>
      %swap3A_2270 = arith.constant 112 : index
      %swap3A_2271 = tpu.vector_load %arg9[%swap3A_2270] {strides = array<i32>} : memref<128xi32, #tpu.memory_space<vmem>>, vector<16xi32>,
      %swap3A_2272 = vector.shape_cast %swap3A_2271 : vector<16xi32> to vector<16xi32>
      %swap3A_2273 = vector.shape_cast %add3A_2269 : vector<16xi32> to vector<16xi32>
      tpu.vector_store %arg9[%swap3A_2270], %swap3A_2273 {strides = array<i32>} : memref<128xi32, #tpu.memory_space<vmem>>, vector<16xi32>,
      %dma_start3A_2274 = arith.constant 0 : i32
      %dma_start3A_2275 = arith.constant 0 : i32
      %dma_start3A_2276 = tpu.memref_slice %arg2[%dma_start3A_2274, %dma_start3A_2275] : memref<20480x128xf32, #tpu.memory_space<hbm>> -> memref<20480x128xf32, #tpu.memory_space<hbm>>
      tpu.enqueue_indirect_dma source(%dma_start3A_2276 : memref<20480x128xf32, #tpu.memory_space<hbm>>) target(%arg12 : memref<128x128xf32, #tpu.memory_space<vmem>>) offsets(%arg8 : memref<128xi32, #tpu.memory_space<vmem>>) semaphore(%arg14 : memref<!tpu.dma_semaphore, #tpu.memory_space<semaphore_mem>>)
      %dma_wait3A_2277 = arith.constant 0 : i32
      %dma_wait3A_2278 = arith.constant 0 : i32
      %dma_wait3A_2279 = tpu.memref_slice %arg2[%dma_wait3A_2277, %dma_wait3A_2278] : memref<20480x128xf32, #tpu.memory_space<hbm>> -> memref<20480x128xf32, #tpu.memory_space<hbm>>
      tpu.wait_indirect_dma semaphore(%arg15 : memref<!tpu.dma_semaphore, #tpu.memory_space<semaphore_mem>>) src(%dma_wait3A_2279 : memref<20480x128xf32, #tpu.memory_space<hbm>>) dst(%arg13 : memref<128x128xf32, #tpu.memory_space<vmem>>)
      "tpu.region"() ({
        %run_scoped3A = tpu.sem_alloc : memref<!tpu.dma_semaphore, #tpu.memory_space<semaphore_mem>>
        %dma_start3A_3313 = arith.constant 0 : i32
        %dma_start3A_3314 = arith.constant 0 : i32
        %dma_start3A_3315 = tpu.memref_slice %arg18[%dma_start3A_3313, %dma_start3A_3314] : memref<10240x128xf32, #tpu.memory_space<vmem_shared>> -> memref<10240x128xf32, #tpu.memory_space<vmem_shared>>
        tpu.enqueue_indirect_dma source(%arg13 : memref<128x128xf32, #tpu.memory_space<vmem>>) target(%dma_start3A_3315 : memref<10240x128xf32, #tpu.memory_space<vmem_shared>>) offsets(%arg11 : memref<128xi32, #tpu.memory_space<vmem>>) semaphore(%run_scoped3A : memref<!tpu.dma_semaphore, #tpu.memory_space<semaphore_mem>>) {add = true}
        %dma_wait3A_3316 = arith.constant 0 : i32
        %dma_wait3A_3317 = arith.constant 0 : i32
        %dma_wait3A_3318 = tpu.memref_slice %arg18[%dma_wait3A_3316, %dma_wait3A_3317] : memref<10240x128xf32, #tpu.memory_space<vmem_shared>> -> memref<10240x128xf32, #tpu.memory_space<vmem_shared>>
        tpu.wait_indirect_dma semaphore(%run_scoped3A : memref<!tpu.dma_semaphore, #tpu.memory_space<semaphore_mem>>) src(%arg13 : memref<128x128xf32, #tpu.memory_space<vmem>>) dst(%dma_wait3A_3318 : memref<10240x128xf32, #tpu.memory_space<vmem_shared>>)
        tpu.yield
      }) : () -> ()
      %get3A_2280 = arith.constant 11 : i32
      %get3A_2281 = arith.index_cast %get3A_2280 : i32 to index
      %get3A_2282 = arith.constant 0 : index
      %get3A_2283 = tpu.vector_load %arg6[%get3A_2281, %get3A_2282] {strides = array<i32>} : memref<16x64xi32, #tpu.memory_space<vmem>>, vector<1x16xi32>,
      %get3A_2284 = vector.shape_cast %get3A_2283 : vector<1x16xi32> to vector<16xi32>
      %mul3A_2285 = arith.constant 2 : i32
      %mul3A_2286 = vector.broadcast %mul3A_2285 : i32 to vector<16xi32>
      %mul3A_2287 = arith.muli %get3A_2284, %mul3A_2286 : vector<16xi32>
      %swap3A_2288 = arith.constant 0 : index
      %swap3A_2289 = tpu.vector_load %arg10[%swap3A_2288] {strides = array<i32>} : memref<128xi32, #tpu.memory_space<vmem>>, vector<16xi32>,
      %swap3A_2290 = vector.shape_cast %swap3A_2289 : vector<16xi32> to vector<16xi32>
      %swap3A_2291 = vector.shape_cast %mul3A_2287 : vector<16xi32> to vector<16xi32>
      tpu.vector_store %arg10[%swap3A_2288], %swap3A_2291 {strides = array<i32>} : memref<128xi32, #tpu.memory_space<vmem>>, vector<16xi32>,
      %add3A_2292 = arith.constant 1 : i32
      %add3A_2293 = vector.broadcast %add3A_2292 : i32 to vector<16xi32>
      %add3A_2294 = arith.addi %mul3A_2287, %add3A_2293 : vector<16xi32>
      %swap3A_2295 = arith.constant 64 : index
      %swap3A_2296 = tpu.vector_load %arg10[%swap3A_2295] {strides = array<i32>} : memref<128xi32, #tpu.memory_space<vmem>>, vector<16xi32>,
      %swap3A_2297 = vector.shape_cast %swap3A_2296 : vector<16xi32> to vector<16xi32>
      %swap3A_2298 = vector.shape_cast %add3A_2294 : vector<16xi32> to vector<16xi32>
      tpu.vector_store %arg10[%swap3A_2295], %swap3A_2298 {strides = array<i32>} : memref<128xi32, #tpu.memory_space<vmem>>, vector<16xi32>,
      %get3A_2299 = arith.constant 11 : i32
      %get3A_2300 = arith.index_cast %get3A_2299 : i32 to index
      %get3A_2301 = arith.constant 0 : index
      %get3A_2302 = tpu.vector_load %arg7[%get3A_2300, %get3A_2301] {strides = array<i32>} : memref<16x64xi32, #tpu.memory_space<vmem>>, vector<1x16xi32>,
      %get3A_2303 = vector.shape_cast %get3A_2302 : vector<1x16xi32> to vector<16xi32>
      %sub3A_2304 = vector.broadcast %mul3A_0 : i32 to vector<16xi32>
      %sub3A_2305 = arith.subi %get3A_2303, %sub3A_2304 : vector<16xi32>
      %ge3A_2306 = arith.constant 0 : i32
      %ge3A_2307 = vector.broadcast %ge3A_2306 : i32 to vector<16xi32>
      %ge3A_2308 = arith.cmpi sge, %sub3A_2305, %ge3A_2307 : vector<16xi32>
      %lt3A_2309 = arith.constant 5000 : i32
      %lt3A_2310 = vector.broadcast %lt3A_2309 : i32 to vector<16xi32>
      %lt3A_2311 = arith.cmpi slt, %sub3A_2305, %lt3A_2310 : vector<16xi32>
      %and3A_2312 = arith.andi %ge3A_2308, %lt3A_2311 : vector<16xi1>
      %jit3A_2313 = arith.constant 5000 : i32
      %broadcast_in_dim3A_2314 = vector.broadcast %jit3A_2313 : i32 to vector<16xi32>
      %select_n3A_2315 = arith.select %and3A_2312, %sub3A_2305, %broadcast_in_dim3A_2314 : vector<16xi1>, vector<16xi32>
      %mul3A_2316 = arith.constant 2 : i32
      %mul3A_2317 = vector.broadcast %mul3A_2316 : i32 to vector<16xi32>
      %mul3A_2318 = arith.muli %select_n3A_2315, %mul3A_2317 : vector<16xi32>
      %swap3A_2319 = arith.constant 0 : index
      %swap3A_2320 = tpu.vector_load %arg11[%swap3A_2319] {strides = array<i32>} : memref<128xi32, #tpu.memory_space<vmem>>, vector<16xi32>,
      %swap3A_2321 = vector.shape_cast %swap3A_2320 : vector<16xi32> to vector<16xi32>
      %swap3A_2322 = vector.shape_cast %mul3A_2318 : vector<16xi32> to vector<16xi32>
      tpu.vector_store %arg11[%swap3A_2319], %swap3A_2322 {strides = array<i32>} : memref<128xi32, #tpu.memory_space<vmem>>, vector<16xi32>,
      %add3A_2323 = arith.constant 1 : i32
      %add3A_2324 = vector.broadcast %add3A_2323 : i32 to vector<16xi32>
      %add3A_2325 = arith.addi %mul3A_2318, %add3A_2324 : vector<16xi32>
      %swap3A_2326 = arith.constant 64 : index
      %swap3A_2327 = tpu.vector_load %arg11[%swap3A_2326] {strides = array<i32>} : memref<128xi32, #tpu.memory_space<vmem>>, vector<16xi32>,
      %swap3A_2328 = vector.shape_cast %swap3A_2327 : vector<16xi32> to vector<16xi32>
      %swap3A_2329 = vector.shape_cast %add3A_2325 : vector<16xi32> to vector<16xi32>
      tpu.vector_store %arg11[%swap3A_2326], %swap3A_2329 {strides = array<i32>} : memref<128xi32, #tpu.memory_space<vmem>>, vector<16xi32>,
      %get3A_2330 = arith.constant 11 : i32
      %get3A_2331 = arith.index_cast %get3A_2330 : i32 to index
      %get3A_2332 = arith.constant 16 : index
      %get3A_2333 = tpu.vector_load %arg6[%get3A_2331, %get3A_2332] {strides = array<i32>} : memref<16x64xi32, #tpu.memory_space<vmem>>, vector<1x16xi32>,
      %get3A_2334 = vector.shape_cast %get3A_2333 : vector<1x16xi32> to vector<16xi32>
      %mul3A_2335 = arith.constant 2 : i32
      %mul3A_2336 = vector.broadcast %mul3A_2335 : i32 to vector<16xi32>
      %mul3A_2337 = arith.muli %get3A_2334, %mul3A_2336 : vector<16xi32>
      %swap3A_2338 = arith.constant 16 : index
      %swap3A_2339 = tpu.vector_load %arg10[%swap3A_2338] {strides = array<i32>} : memref<128xi32, #tpu.memory_space<vmem>>, vector<16xi32>,
      %swap3A_2340 = vector.shape_cast %swap3A_2339 : vector<16xi32> to vector<16xi32>
      %swap3A_2341 = vector.shape_cast %mul3A_2337 : vector<16xi32> to vector<16xi32>
      tpu.vector_store %arg10[%swap3A_2338], %swap3A_2341 {strides = array<i32>} : memref<128xi32, #tpu.memory_space<vmem>>, vector<16xi32>,
      %add3A_2342 = arith.constant 1 : i32
      %add3A_2343 = vector.broadcast %add3A_2342 : i32 to vector<16xi32>
      %add3A_2344 = arith.addi %mul3A_2337, %add3A_2343 : vector<16xi32>
      %swap3A_2345 = arith.constant 80 : index
      %swap3A_2346 = tpu.vector_load %arg10[%swap3A_2345] {strides = array<i32>} : memref<128xi32, #tpu.memory_space<vmem>>, vector<16xi32>,
      %swap3A_2347 = vector.shape_cast %swap3A_2346 : vector<16xi32> to vector<16xi32>
      %swap3A_2348 = vector.shape_cast %add3A_2344 : vector<16xi32> to vector<16xi32>
      tpu.vector_store %arg10[%swap3A_2345], %swap3A_2348 {strides = array<i32>} : memref<128xi32, #tpu.memory_space<vmem>>, vector<16xi32>,
      %get3A_2349 = arith.constant 11 : i32
      %get3A_2350 = arith.index_cast %get3A_2349 : i32 to index
      %get3A_2351 = arith.constant 16 : index
      %get3A_2352 = tpu.vector_load %arg7[%get3A_2350, %get3A_2351] {strides = array<i32>} : memref<16x64xi32, #tpu.memory_space<vmem>>, vector<1x16xi32>,
      %get3A_2353 = vector.shape_cast %get3A_2352 : vector<1x16xi32> to vector<16xi32>
      %sub3A_2354 = vector.broadcast %mul3A_0 : i32 to vector<16xi32>
      %sub3A_2355 = arith.subi %get3A_2353, %sub3A_2354 : vector<16xi32>
      %ge3A_2356 = arith.constant 0 : i32
      %ge3A_2357 = vector.broadcast %ge3A_2356 : i32 to vector<16xi32>
      %ge3A_2358 = arith.cmpi sge, %sub3A_2355, %ge3A_2357 : vector<16xi32>
      %lt3A_2359 = arith.constant 5000 : i32
      %lt3A_2360 = vector.broadcast %lt3A_2359 : i32 to vector<16xi32>
      %lt3A_2361 = arith.cmpi slt, %sub3A_2355, %lt3A_2360 : vector<16xi32>
      %and3A_2362 = arith.andi %ge3A_2358, %lt3A_2361 : vector<16xi1>
      %jit3A_2363 = arith.constant 5000 : i32
      %broadcast_in_dim3A_2364 = vector.broadcast %jit3A_2363 : i32 to vector<16xi32>
      %select_n3A_2365 = arith.select %and3A_2362, %sub3A_2355, %broadcast_in_dim3A_2364 : vector<16xi1>, vector<16xi32>
      %mul3A_2366 = arith.constant 2 : i32
      %mul3A_2367 = vector.broadcast %mul3A_2366 : i32 to vector<16xi32>
      %mul3A_2368 = arith.muli %select_n3A_2365, %mul3A_2367 : vector<16xi32>
      %swap3A_2369 = arith.constant 16 : index
      %swap3A_2370 = tpu.vector_load %arg11[%swap3A_2369] {strides = array<i32>} : memref<128xi32, #tpu.memory_space<vmem>>, vector<16xi32>,
      %swap3A_2371 = vector.shape_cast %swap3A_2370 : vector<16xi32> to vector<16xi32>
      %swap3A_2372 = vector.shape_cast %mul3A_2368 : vector<16xi32> to vector<16xi32>
      tpu.vector_store %arg11[%swap3A_2369], %swap3A_2372 {strides = array<i32>} : memref<128xi32, #tpu.memory_space<vmem>>, vector<16xi32>,
      %add3A_2373 = arith.constant 1 : i32
      %add3A_2374 = vector.broadcast %add3A_2373 : i32 to vector<16xi32>
      %add3A_2375 = arith.addi %mul3A_2368, %add3A_2374 : vector<16xi32>
      %swap3A_2376 = arith.constant 80 : index
      %swap3A_2377 = tpu.vector_load %arg11[%swap3A_2376] {strides = array<i32>} : memref<128xi32, #tpu.memory_space<vmem>>, vector<16xi32>,
      %swap3A_2378 = vector.shape_cast %swap3A_2377 : vector<16xi32> to vector<16xi32>
      %swap3A_2379 = vector.shape_cast %add3A_2375 : vector<16xi32> to vector<16xi32>
      tpu.vector_store %arg11[%swap3A_2376], %swap3A_2379 {strides = array<i32>} : memref<128xi32, #tpu.memory_space<vmem>>, vector<16xi32>,
      %get3A_2380 = arith.constant 11 : i32
      %get3A_2381 = arith.index_cast %get3A_2380 : i32 to index
      %get3A_2382 = arith.constant 32 : index
      %get3A_2383 = tpu.vector_load %arg6[%get3A_2381, %get3A_2382] {strides = array<i32>} : memref<16x64xi32, #tpu.memory_space<vmem>>, vector<1x16xi32>,
      %get3A_2384 = vector.shape_cast %get3A_2383 : vector<1x16xi32> to vector<16xi32>
      %mul3A_2385 = arith.constant 2 : i32
      %mul3A_2386 = vector.broadcast %mul3A_2385 : i32 to vector<16xi32>
      %mul3A_2387 = arith.muli %get3A_2384, %mul3A_2386 : vector<16xi32>
      %swap3A_2388 = arith.constant 32 : index
      %swap3A_2389 = tpu.vector_load %arg10[%swap3A_2388] {strides = array<i32>} : memref<128xi32, #tpu.memory_space<vmem>>, vector<16xi32>,
      %swap3A_2390 = vector.shape_cast %swap3A_2389 : vector<16xi32> to vector<16xi32>
      %swap3A_2391 = vector.shape_cast %mul3A_2387 : vector<16xi32> to vector<16xi32>
      tpu.vector_store %arg10[%swap3A_2388], %swap3A_2391 {strides = array<i32>} : memref<128xi32, #tpu.memory_space<vmem>>, vector<16xi32>,
      %add3A_2392 = arith.constant 1 : i32
      %add3A_2393 = vector.broadcast %add3A_2392 : i32 to vector<16xi32>
      %add3A_2394 = arith.addi %mul3A_2387, %add3A_2393 : vector<16xi32>
      %swap3A_2395 = arith.constant 96 : index
      %swap3A_2396 = tpu.vector_load %arg10[%swap3A_2395] {strides = array<i32>} : memref<128xi32, #tpu.memory_space<vmem>>, vector<16xi32>,
      %swap3A_2397 = vector.shape_cast %swap3A_2396 : vector<16xi32> to vector<16xi32>
      %swap3A_2398 = vector.shape_cast %add3A_2394 : vector<16xi32> to vector<16xi32>
      tpu.vector_store %arg10[%swap3A_2395], %swap3A_2398 {strides = array<i32>} : memref<128xi32, #tpu.memory_space<vmem>>, vector<16xi32>,
      %get3A_2399 = arith.constant 11 : i32
      %get3A_2400 = arith.index_cast %get3A_2399 : i32 to index
      %get3A_2401 = arith.constant 32 : index
      %get3A_2402 = tpu.vector_load %arg7[%get3A_2400, %get3A_2401] {strides = array<i32>} : memref<16x64xi32, #tpu.memory_space<vmem>>, vector<1x16xi32>,
      %get3A_2403 = vector.shape_cast %get3A_2402 : vector<1x16xi32> to vector<16xi32>
      %sub3A_2404 = vector.broadcast %mul3A_0 : i32 to vector<16xi32>
      %sub3A_2405 = arith.subi %get3A_2403, %sub3A_2404 : vector<16xi32>
      %ge3A_2406 = arith.constant 0 : i32
      %ge3A_2407 = vector.broadcast %ge3A_2406 : i32 to vector<16xi32>
      %ge3A_2408 = arith.cmpi sge, %sub3A_2405, %ge3A_2407 : vector<16xi32>
      %lt3A_2409 = arith.constant 5000 : i32
      %lt3A_2410 = vector.broadcast %lt3A_2409 : i32 to vector<16xi32>
      %lt3A_2411 = arith.cmpi slt, %sub3A_2405, %lt3A_2410 : vector<16xi32>
      %and3A_2412 = arith.andi %ge3A_2408, %lt3A_2411 : vector<16xi1>
      %jit3A_2413 = arith.constant 5000 : i32
      %broadcast_in_dim3A_2414 = vector.broadcast %jit3A_2413 : i32 to vector<16xi32>
      %select_n3A_2415 = arith.select %and3A_2412, %sub3A_2405, %broadcast_in_dim3A_2414 : vector<16xi1>, vector<16xi32>
      %mul3A_2416 = arith.constant 2 : i32
      %mul3A_2417 = vector.broadcast %mul3A_2416 : i32 to vector<16xi32>
      %mul3A_2418 = arith.muli %select_n3A_2415, %mul3A_2417 : vector<16xi32>
      %swap3A_2419 = arith.constant 32 : index
      %swap3A_2420 = tpu.vector_load %arg11[%swap3A_2419] {strides = array<i32>} : memref<128xi32, #tpu.memory_space<vmem>>, vector<16xi32>,
      %swap3A_2421 = vector.shape_cast %swap3A_2420 : vector<16xi32> to vector<16xi32>
      %swap3A_2422 = vector.shape_cast %mul3A_2418 : vector<16xi32> to vector<16xi32>
      tpu.vector_store %arg11[%swap3A_2419], %swap3A_2422 {strides = array<i32>} : memref<128xi32, #tpu.memory_space<vmem>>, vector<16xi32>,
      %add3A_2423 = arith.constant 1 : i32
      %add3A_2424 = vector.broadcast %add3A_2423 : i32 to vector<16xi32>
      %add3A_2425 = arith.addi %mul3A_2418, %add3A_2424 : vector<16xi32>
      %swap3A_2426 = arith.constant 96 : index
      %swap3A_2427 = tpu.vector_load %arg11[%swap3A_2426] {strides = array<i32>} : memref<128xi32, #tpu.memory_space<vmem>>, vector<16xi32>,
      %swap3A_2428 = vector.shape_cast %swap3A_2427 : vector<16xi32> to vector<16xi32>
      %swap3A_2429 = vector.shape_cast %add3A_2425 : vector<16xi32> to vector<16xi32>
      tpu.vector_store %arg11[%swap3A_2426], %swap3A_2429 {strides = array<i32>} : memref<128xi32, #tpu.memory_space<vmem>>, vector<16xi32>,
      %get3A_2430 = arith.constant 11 : i32
      %get3A_2431 = arith.index_cast %get3A_2430 : i32 to index
      %get3A_2432 = arith.constant 48 : index
      %get3A_2433 = tpu.vector_load %arg6[%get3A_2431, %get3A_2432] {strides = array<i32>} : memref<16x64xi32, #tpu.memory_space<vmem>>, vector<1x16xi32>,
      %get3A_2434 = vector.shape_cast %get3A_2433 : vector<1x16xi32> to vector<16xi32>
      %mul3A_2435 = arith.constant 2 : i32
      %mul3A_2436 = vector.broadcast %mul3A_2435 : i32 to vector<16xi32>
      %mul3A_2437 = arith.muli %get3A_2434, %mul3A_2436 : vector<16xi32>
      %swap3A_2438 = arith.constant 48 : index
      %swap3A_2439 = tpu.vector_load %arg10[%swap3A_2438] {strides = array<i32>} : memref<128xi32, #tpu.memory_space<vmem>>, vector<16xi32>,
      %swap3A_2440 = vector.shape_cast %swap3A_2439 : vector<16xi32> to vector<16xi32>
      %swap3A_2441 = vector.shape_cast %mul3A_2437 : vector<16xi32> to vector<16xi32>
      tpu.vector_store %arg10[%swap3A_2438], %swap3A_2441 {strides = array<i32>} : memref<128xi32, #tpu.memory_space<vmem>>, vector<16xi32>,
      %add3A_2442 = arith.constant 1 : i32
      %add3A_2443 = vector.broadcast %add3A_2442 : i32 to vector<16xi32>
      %add3A_2444 = arith.addi %mul3A_2437, %add3A_2443 : vector<16xi32>
      %swap3A_2445 = arith.constant 112 : index
      %swap3A_2446 = tpu.vector_load %arg10[%swap3A_2445] {strides = array<i32>} : memref<128xi32, #tpu.memory_space<vmem>>, vector<16xi32>,
      %swap3A_2447 = vector.shape_cast %swap3A_2446 : vector<16xi32> to vector<16xi32>
      %swap3A_2448 = vector.shape_cast %add3A_2444 : vector<16xi32> to vector<16xi32>
      tpu.vector_store %arg10[%swap3A_2445], %swap3A_2448 {strides = array<i32>} : memref<128xi32, #tpu.memory_space<vmem>>, vector<16xi32>,
      %get3A_2449 = arith.constant 11 : i32
      %get3A_2450 = arith.index_cast %get3A_2449 : i32 to index
      %get3A_2451 = arith.constant 48 : index
      %get3A_2452 = tpu.vector_load %arg7[%get3A_2450, %get3A_2451] {strides = array<i32>} : memref<16x64xi32, #tpu.memory_space<vmem>>, vector<1x16xi32>,
      %get3A_2453 = vector.shape_cast %get3A_2452 : vector<1x16xi32> to vector<16xi32>
      %sub3A_2454 = vector.broadcast %mul3A_0 : i32 to vector<16xi32>
      %sub3A_2455 = arith.subi %get3A_2453, %sub3A_2454 : vector<16xi32>
      %ge3A_2456 = arith.constant 0 : i32
      %ge3A_2457 = vector.broadcast %ge3A_2456 : i32 to vector<16xi32>
      %ge3A_2458 = arith.cmpi sge, %sub3A_2455, %ge3A_2457 : vector<16xi32>
      %lt3A_2459 = arith.constant 5000 : i32
      %lt3A_2460 = vector.broadcast %lt3A_2459 : i32 to vector<16xi32>
      %lt3A_2461 = arith.cmpi slt, %sub3A_2455, %lt3A_2460 : vector<16xi32>
      %and3A_2462 = arith.andi %ge3A_2458, %lt3A_2461 : vector<16xi1>
      %jit3A_2463 = arith.constant 5000 : i32
      %broadcast_in_dim3A_2464 = vector.broadcast %jit3A_2463 : i32 to vector<16xi32>
      %select_n3A_2465 = arith.select %and3A_2462, %sub3A_2455, %broadcast_in_dim3A_2464 : vector<16xi1>, vector<16xi32>
      %mul3A_2466 = arith.constant 2 : i32
      %mul3A_2467 = vector.broadcast %mul3A_2466 : i32 to vector<16xi32>
      %mul3A_2468 = arith.muli %select_n3A_2465, %mul3A_2467 : vector<16xi32>
      %swap3A_2469 = arith.constant 48 : index
      %swap3A_2470 = tpu.vector_load %arg11[%swap3A_2469] {strides = array<i32>} : memref<128xi32, #tpu.memory_space<vmem>>, vector<16xi32>,
      %swap3A_2471 = vector.shape_cast %swap3A_2470 : vector<16xi32> to vector<16xi32>
      %swap3A_2472 = vector.shape_cast %mul3A_2468 : vector<16xi32> to vector<16xi32>
      tpu.vector_store %arg11[%swap3A_2469], %swap3A_2472 {strides = array<i32>} : memref<128xi32, #tpu.memory_space<vmem>>, vector<16xi32>,
      %add3A_2473 = arith.constant 1 : i32
      %add3A_2474 = vector.broadcast %add3A_2473 : i32 to vector<16xi32>
      %add3A_2475 = arith.addi %mul3A_2468, %add3A_2474 : vector<16xi32>
      %swap3A_2476 = arith.constant 112 : index
      %swap3A_2477 = tpu.vector_load %arg11[%swap3A_2476] {strides = array<i32>} : memref<128xi32, #tpu.memory_space<vmem>>, vector<16xi32>,
      %swap3A_2478 = vector.shape_cast %swap3A_2477 : vector<16xi32> to vector<16xi32>
      %swap3A_2479 = vector.shape_cast %add3A_2475 : vector<16xi32> to vector<16xi32>
      tpu.vector_store %arg11[%swap3A_2476], %swap3A_2479 {strides = array<i32>} : memref<128xi32, #tpu.memory_space<vmem>>, vector<16xi32>,
      %dma_start3A_2480 = arith.constant 0 : i32
      %dma_start3A_2481 = arith.constant 0 : i32
      %dma_start3A_2482 = tpu.memref_slice %arg2[%dma_start3A_2480, %dma_start3A_2481] : memref<20480x128xf32, #tpu.memory_space<hbm>> -> memref<20480x128xf32, #tpu.memory_space<hbm>>
      tpu.enqueue_indirect_dma source(%dma_start3A_2482 : memref<20480x128xf32, #tpu.memory_space<hbm>>) target(%arg13 : memref<128x128xf32, #tpu.memory_space<vmem>>) offsets(%arg10 : memref<128xi32, #tpu.memory_space<vmem>>) semaphore(%arg15 : memref<!tpu.dma_semaphore, #tpu.memory_space<semaphore_mem>>)
      %dma_wait3A_2483 = arith.constant 0 : i32
      %dma_wait3A_2484 = arith.constant 0 : i32
      %dma_wait3A_2485 = tpu.memref_slice %arg2[%dma_wait3A_2483, %dma_wait3A_2484] : memref<20480x128xf32, #tpu.memory_space<hbm>> -> memref<20480x128xf32, #tpu.memory_space<hbm>>
      tpu.wait_indirect_dma semaphore(%arg14 : memref<!tpu.dma_semaphore, #tpu.memory_space<semaphore_mem>>) src(%dma_wait3A_2485 : memref<20480x128xf32, #tpu.memory_space<hbm>>) dst(%arg12 : memref<128x128xf32, #tpu.memory_space<vmem>>)
      "tpu.region"() ({
        %run_scoped3A = tpu.sem_alloc : memref<!tpu.dma_semaphore, #tpu.memory_space<semaphore_mem>>
        %dma_start3A_3313 = arith.constant 0 : i32
        %dma_start3A_3314 = arith.constant 0 : i32
        %dma_start3A_3315 = tpu.memref_slice %arg18[%dma_start3A_3313, %dma_start3A_3314] : memref<10240x128xf32, #tpu.memory_space<vmem_shared>> -> memref<10240x128xf32, #tpu.memory_space<vmem_shared>>
        tpu.enqueue_indirect_dma source(%arg12 : memref<128x128xf32, #tpu.memory_space<vmem>>) target(%dma_start3A_3315 : memref<10240x128xf32, #tpu.memory_space<vmem_shared>>) offsets(%arg9 : memref<128xi32, #tpu.memory_space<vmem>>) semaphore(%run_scoped3A : memref<!tpu.dma_semaphore, #tpu.memory_space<semaphore_mem>>) {add = true}
        %dma_wait3A_3316 = arith.constant 0 : i32
        %dma_wait3A_3317 = arith.constant 0 : i32
        %dma_wait3A_3318 = tpu.memref_slice %arg18[%dma_wait3A_3316, %dma_wait3A_3317] : memref<10240x128xf32, #tpu.memory_space<vmem_shared>> -> memref<10240x128xf32, #tpu.memory_space<vmem_shared>>
        tpu.wait_indirect_dma semaphore(%run_scoped3A : memref<!tpu.dma_semaphore, #tpu.memory_space<semaphore_mem>>) src(%arg12 : memref<128x128xf32, #tpu.memory_space<vmem>>) dst(%dma_wait3A_3318 : memref<10240x128xf32, #tpu.memory_space<vmem_shared>>)
        tpu.yield
      }) : () -> ()
      %get3A_2486 = arith.constant 12 : i32
      %get3A_2487 = arith.index_cast %get3A_2486 : i32 to index
      %get3A_2488 = arith.constant 0 : index
      %get3A_2489 = tpu.vector_load %arg6[%get3A_2487, %get3A_2488] {strides = array<i32>} : memref<16x64xi32, #tpu.memory_space<vmem>>, vector<1x16xi32>,
      %get3A_2490 = vector.shape_cast %get3A_2489 : vector<1x16xi32> to vector<16xi32>
      %mul3A_2491 = arith.constant 2 : i32
      %mul3A_2492 = vector.broadcast %mul3A_2491 : i32 to vector<16xi32>
      %mul3A_2493 = arith.muli %get3A_2490, %mul3A_2492 : vector<16xi32>
      %swap3A_2494 = arith.constant 0 : index
      %swap3A_2495 = tpu.vector_load %arg8[%swap3A_2494] {strides = array<i32>} : memref<128xi32, #tpu.memory_space<vmem>>, vector<16xi32>,
      %swap3A_2496 = vector.shape_cast %swap3A_2495 : vector<16xi32> to vector<16xi32>
      %swap3A_2497 = vector.shape_cast %mul3A_2493 : vector<16xi32> to vector<16xi32>
      tpu.vector_store %arg8[%swap3A_2494], %swap3A_2497 {strides = array<i32>} : memref<128xi32, #tpu.memory_space<vmem>>, vector<16xi32>,
      %add3A_2498 = arith.constant 1 : i32
      %add3A_2499 = vector.broadcast %add3A_2498 : i32 to vector<16xi32>
      %add3A_2500 = arith.addi %mul3A_2493, %add3A_2499 : vector<16xi32>
      %swap3A_2501 = arith.constant 64 : index
      %swap3A_2502 = tpu.vector_load %arg8[%swap3A_2501] {strides = array<i32>} : memref<128xi32, #tpu.memory_space<vmem>>, vector<16xi32>,
      %swap3A_2503 = vector.shape_cast %swap3A_2502 : vector<16xi32> to vector<16xi32>
      %swap3A_2504 = vector.shape_cast %add3A_2500 : vector<16xi32> to vector<16xi32>
      tpu.vector_store %arg8[%swap3A_2501], %swap3A_2504 {strides = array<i32>} : memref<128xi32, #tpu.memory_space<vmem>>, vector<16xi32>,
      %get3A_2505 = arith.constant 12 : i32
      %get3A_2506 = arith.index_cast %get3A_2505 : i32 to index
      %get3A_2507 = arith.constant 0 : index
      %get3A_2508 = tpu.vector_load %arg7[%get3A_2506, %get3A_2507] {strides = array<i32>} : memref<16x64xi32, #tpu.memory_space<vmem>>, vector<1x16xi32>,
      %get3A_2509 = vector.shape_cast %get3A_2508 : vector<1x16xi32> to vector<16xi32>
      %sub3A_2510 = vector.broadcast %mul3A_0 : i32 to vector<16xi32>
      %sub3A_2511 = arith.subi %get3A_2509, %sub3A_2510 : vector<16xi32>
      %ge3A_2512 = arith.constant 0 : i32
      %ge3A_2513 = vector.broadcast %ge3A_2512 : i32 to vector<16xi32>
      %ge3A_2514 = arith.cmpi sge, %sub3A_2511, %ge3A_2513 : vector<16xi32>
      %lt3A_2515 = arith.constant 5000 : i32
      %lt3A_2516 = vector.broadcast %lt3A_2515 : i32 to vector<16xi32>
      %lt3A_2517 = arith.cmpi slt, %sub3A_2511, %lt3A_2516 : vector<16xi32>
      %and3A_2518 = arith.andi %ge3A_2514, %lt3A_2517 : vector<16xi1>
      %jit3A_2519 = arith.constant 5000 : i32
      %broadcast_in_dim3A_2520 = vector.broadcast %jit3A_2519 : i32 to vector<16xi32>
      %select_n3A_2521 = arith.select %and3A_2518, %sub3A_2511, %broadcast_in_dim3A_2520 : vector<16xi1>, vector<16xi32>
      %mul3A_2522 = arith.constant 2 : i32
      %mul3A_2523 = vector.broadcast %mul3A_2522 : i32 to vector<16xi32>
      %mul3A_2524 = arith.muli %select_n3A_2521, %mul3A_2523 : vector<16xi32>
      %swap3A_2525 = arith.constant 0 : index
      %swap3A_2526 = tpu.vector_load %arg9[%swap3A_2525] {strides = array<i32>} : memref<128xi32, #tpu.memory_space<vmem>>, vector<16xi32>,
      %swap3A_2527 = vector.shape_cast %swap3A_2526 : vector<16xi32> to vector<16xi32>
      %swap3A_2528 = vector.shape_cast %mul3A_2524 : vector<16xi32> to vector<16xi32>
      tpu.vector_store %arg9[%swap3A_2525], %swap3A_2528 {strides = array<i32>} : memref<128xi32, #tpu.memory_space<vmem>>, vector<16xi32>,
      %add3A_2529 = arith.constant 1 : i32
      %add3A_2530 = vector.broadcast %add3A_2529 : i32 to vector<16xi32>
      %add3A_2531 = arith.addi %mul3A_2524, %add3A_2530 : vector<16xi32>
      %swap3A_2532 = arith.constant 64 : index
      %swap3A_2533 = tpu.vector_load %arg9[%swap3A_2532] {strides = array<i32>} : memref<128xi32, #tpu.memory_space<vmem>>, vector<16xi32>,
      %swap3A_2534 = vector.shape_cast %swap3A_2533 : vector<16xi32> to vector<16xi32>
      %swap3A_2535 = vector.shape_cast %add3A_2531 : vector<16xi32> to vector<16xi32>
      tpu.vector_store %arg9[%swap3A_2532], %swap3A_2535 {strides = array<i32>} : memref<128xi32, #tpu.memory_space<vmem>>, vector<16xi32>,
      %get3A_2536 = arith.constant 12 : i32
      %get3A_2537 = arith.index_cast %get3A_2536 : i32 to index
      %get3A_2538 = arith.constant 16 : index
      %get3A_2539 = tpu.vector_load %arg6[%get3A_2537, %get3A_2538] {strides = array<i32>} : memref<16x64xi32, #tpu.memory_space<vmem>>, vector<1x16xi32>,
      %get3A_2540 = vector.shape_cast %get3A_2539 : vector<1x16xi32> to vector<16xi32>
      %mul3A_2541 = arith.constant 2 : i32
      %mul3A_2542 = vector.broadcast %mul3A_2541 : i32 to vector<16xi32>
      %mul3A_2543 = arith.muli %get3A_2540, %mul3A_2542 : vector<16xi32>
      %swap3A_2544 = arith.constant 16 : index
      %swap3A_2545 = tpu.vector_load %arg8[%swap3A_2544] {strides = array<i32>} : memref<128xi32, #tpu.memory_space<vmem>>, vector<16xi32>,
      %swap3A_2546 = vector.shape_cast %swap3A_2545 : vector<16xi32> to vector<16xi32>
      %swap3A_2547 = vector.shape_cast %mul3A_2543 : vector<16xi32> to vector<16xi32>
      tpu.vector_store %arg8[%swap3A_2544], %swap3A_2547 {strides = array<i32>} : memref<128xi32, #tpu.memory_space<vmem>>, vector<16xi32>,
      %add3A_2548 = arith.constant 1 : i32
      %add3A_2549 = vector.broadcast %add3A_2548 : i32 to vector<16xi32>
      %add3A_2550 = arith.addi %mul3A_2543, %add3A_2549 : vector<16xi32>
      %swap3A_2551 = arith.constant 80 : index
      %swap3A_2552 = tpu.vector_load %arg8[%swap3A_2551] {strides = array<i32>} : memref<128xi32, #tpu.memory_space<vmem>>, vector<16xi32>,
      %swap3A_2553 = vector.shape_cast %swap3A_2552 : vector<16xi32> to vector<16xi32>
      %swap3A_2554 = vector.shape_cast %add3A_2550 : vector<16xi32> to vector<16xi32>
      tpu.vector_store %arg8[%swap3A_2551], %swap3A_2554 {strides = array<i32>} : memref<128xi32, #tpu.memory_space<vmem>>, vector<16xi32>,
      %get3A_2555 = arith.constant 12 : i32
      %get3A_2556 = arith.index_cast %get3A_2555 : i32 to index
      %get3A_2557 = arith.constant 16 : index
      %get3A_2558 = tpu.vector_load %arg7[%get3A_2556, %get3A_2557] {strides = array<i32>} : memref<16x64xi32, #tpu.memory_space<vmem>>, vector<1x16xi32>,
      %get3A_2559 = vector.shape_cast %get3A_2558 : vector<1x16xi32> to vector<16xi32>
      %sub3A_2560 = vector.broadcast %mul3A_0 : i32 to vector<16xi32>
      %sub3A_2561 = arith.subi %get3A_2559, %sub3A_2560 : vector<16xi32>
      %ge3A_2562 = arith.constant 0 : i32
      %ge3A_2563 = vector.broadcast %ge3A_2562 : i32 to vector<16xi32>
      %ge3A_2564 = arith.cmpi sge, %sub3A_2561, %ge3A_2563 : vector<16xi32>
      %lt3A_2565 = arith.constant 5000 : i32
      %lt3A_2566 = vector.broadcast %lt3A_2565 : i32 to vector<16xi32>
      %lt3A_2567 = arith.cmpi slt, %sub3A_2561, %lt3A_2566 : vector<16xi32>
      %and3A_2568 = arith.andi %ge3A_2564, %lt3A_2567 : vector<16xi1>
      %jit3A_2569 = arith.constant 5000 : i32
      %broadcast_in_dim3A_2570 = vector.broadcast %jit3A_2569 : i32 to vector<16xi32>
      %select_n3A_2571 = arith.select %and3A_2568, %sub3A_2561, %broadcast_in_dim3A_2570 : vector<16xi1>, vector<16xi32>
      %mul3A_2572 = arith.constant 2 : i32
      %mul3A_2573 = vector.broadcast %mul3A_2572 : i32 to vector<16xi32>
      %mul3A_2574 = arith.muli %select_n3A_2571, %mul3A_2573 : vector<16xi32>
      %swap3A_2575 = arith.constant 16 : index
      %swap3A_2576 = tpu.vector_load %arg9[%swap3A_2575] {strides = array<i32>} : memref<128xi32, #tpu.memory_space<vmem>>, vector<16xi32>,
      %swap3A_2577 = vector.shape_cast %swap3A_2576 : vector<16xi32> to vector<16xi32>
      %swap3A_2578 = vector.shape_cast %mul3A_2574 : vector<16xi32> to vector<16xi32>
      tpu.vector_store %arg9[%swap3A_2575], %swap3A_2578 {strides = array<i32>} : memref<128xi32, #tpu.memory_space<vmem>>, vector<16xi32>,
      %add3A_2579 = arith.constant 1 : i32
      %add3A_2580 = vector.broadcast %add3A_2579 : i32 to vector<16xi32>
      %add3A_2581 = arith.addi %mul3A_2574, %add3A_2580 : vector<16xi32>
      %swap3A_2582 = arith.constant 80 : index
      %swap3A_2583 = tpu.vector_load %arg9[%swap3A_2582] {strides = array<i32>} : memref<128xi32, #tpu.memory_space<vmem>>, vector<16xi32>,
      %swap3A_2584 = vector.shape_cast %swap3A_2583 : vector<16xi32> to vector<16xi32>
      %swap3A_2585 = vector.shape_cast %add3A_2581 : vector<16xi32> to vector<16xi32>
      tpu.vector_store %arg9[%swap3A_2582], %swap3A_2585 {strides = array<i32>} : memref<128xi32, #tpu.memory_space<vmem>>, vector<16xi32>,
      %get3A_2586 = arith.constant 12 : i32
      %get3A_2587 = arith.index_cast %get3A_2586 : i32 to index
      %get3A_2588 = arith.constant 32 : index
      %get3A_2589 = tpu.vector_load %arg6[%get3A_2587, %get3A_2588] {strides = array<i32>} : memref<16x64xi32, #tpu.memory_space<vmem>>, vector<1x16xi32>,
      %get3A_2590 = vector.shape_cast %get3A_2589 : vector<1x16xi32> to vector<16xi32>
      %mul3A_2591 = arith.constant 2 : i32
      %mul3A_2592 = vector.broadcast %mul3A_2591 : i32 to vector<16xi32>
      %mul3A_2593 = arith.muli %get3A_2590, %mul3A_2592 : vector<16xi32>
      %swap3A_2594 = arith.constant 32 : index
      %swap3A_2595 = tpu.vector_load %arg8[%swap3A_2594] {strides = array<i32>} : memref<128xi32, #tpu.memory_space<vmem>>, vector<16xi32>,
      %swap3A_2596 = vector.shape_cast %swap3A_2595 : vector<16xi32> to vector<16xi32>
      %swap3A_2597 = vector.shape_cast %mul3A_2593 : vector<16xi32> to vector<16xi32>
      tpu.vector_store %arg8[%swap3A_2594], %swap3A_2597 {strides = array<i32>} : memref<128xi32, #tpu.memory_space<vmem>>, vector<16xi32>,
      %add3A_2598 = arith.constant 1 : i32
      %add3A_2599 = vector.broadcast %add3A_2598 : i32 to vector<16xi32>
      %add3A_2600 = arith.addi %mul3A_2593, %add3A_2599 : vector<16xi32>
      %swap3A_2601 = arith.constant 96 : index
      %swap3A_2602 = tpu.vector_load %arg8[%swap3A_2601] {strides = array<i32>} : memref<128xi32, #tpu.memory_space<vmem>>, vector<16xi32>,
      %swap3A_2603 = vector.shape_cast %swap3A_2602 : vector<16xi32> to vector<16xi32>
      %swap3A_2604 = vector.shape_cast %add3A_2600 : vector<16xi32> to vector<16xi32>
      tpu.vector_store %arg8[%swap3A_2601], %swap3A_2604 {strides = array<i32>} : memref<128xi32, #tpu.memory_space<vmem>>, vector<16xi32>,
      %get3A_2605 = arith.constant 12 : i32
      %get3A_2606 = arith.index_cast %get3A_2605 : i32 to index
      %get3A_2607 = arith.constant 32 : index
      %get3A_2608 = tpu.vector_load %arg7[%get3A_2606, %get3A_2607] {strides = array<i32>} : memref<16x64xi32, #tpu.memory_space<vmem>>, vector<1x16xi32>,
      %get3A_2609 = vector.shape_cast %get3A_2608 : vector<1x16xi32> to vector<16xi32>
      %sub3A_2610 = vector.broadcast %mul3A_0 : i32 to vector<16xi32>
      %sub3A_2611 = arith.subi %get3A_2609, %sub3A_2610 : vector<16xi32>
      %ge3A_2612 = arith.constant 0 : i32
      %ge3A_2613 = vector.broadcast %ge3A_2612 : i32 to vector<16xi32>
      %ge3A_2614 = arith.cmpi sge, %sub3A_2611, %ge3A_2613 : vector<16xi32>
      %lt3A_2615 = arith.constant 5000 : i32
      %lt3A_2616 = vector.broadcast %lt3A_2615 : i32 to vector<16xi32>
      %lt3A_2617 = arith.cmpi slt, %sub3A_2611, %lt3A_2616 : vector<16xi32>
      %and3A_2618 = arith.andi %ge3A_2614, %lt3A_2617 : vector<16xi1>
      %jit3A_2619 = arith.constant 5000 : i32
      %broadcast_in_dim3A_2620 = vector.broadcast %jit3A_2619 : i32 to vector<16xi32>
      %select_n3A_2621 = arith.select %and3A_2618, %sub3A_2611, %broadcast_in_dim3A_2620 : vector<16xi1>, vector<16xi32>
      %mul3A_2622 = arith.constant 2 : i32
      %mul3A_2623 = vector.broadcast %mul3A_2622 : i32 to vector<16xi32>
      %mul3A_2624 = arith.muli %select_n3A_2621, %mul3A_2623 : vector<16xi32>
      %swap3A_2625 = arith.constant 32 : index
      %swap3A_2626 = tpu.vector_load %arg9[%swap3A_2625] {strides = array<i32>} : memref<128xi32, #tpu.memory_space<vmem>>, vector<16xi32>,
      %swap3A_2627 = vector.shape_cast %swap3A_2626 : vector<16xi32> to vector<16xi32>
      %swap3A_2628 = vector.shape_cast %mul3A_2624 : vector<16xi32> to vector<16xi32>
      tpu.vector_store %arg9[%swap3A_2625], %swap3A_2628 {strides = array<i32>} : memref<128xi32, #tpu.memory_space<vmem>>, vector<16xi32>,
      %add3A_2629 = arith.constant 1 : i32
      %add3A_2630 = vector.broadcast %add3A_2629 : i32 to vector<16xi32>
      %add3A_2631 = arith.addi %mul3A_2624, %add3A_2630 : vector<16xi32>
      %swap3A_2632 = arith.constant 96 : index
      %swap3A_2633 = tpu.vector_load %arg9[%swap3A_2632] {strides = array<i32>} : memref<128xi32, #tpu.memory_space<vmem>>, vector<16xi32>,
      %swap3A_2634 = vector.shape_cast %swap3A_2633 : vector<16xi32> to vector<16xi32>
      %swap3A_2635 = vector.shape_cast %add3A_2631 : vector<16xi32> to vector<16xi32>
      tpu.vector_store %arg9[%swap3A_2632], %swap3A_2635 {strides = array<i32>} : memref<128xi32, #tpu.memory_space<vmem>>, vector<16xi32>,
      %get3A_2636 = arith.constant 12 : i32
      %get3A_2637 = arith.index_cast %get3A_2636 : i32 to index
      %get3A_2638 = arith.constant 48 : index
      %get3A_2639 = tpu.vector_load %arg6[%get3A_2637, %get3A_2638] {strides = array<i32>} : memref<16x64xi32, #tpu.memory_space<vmem>>, vector<1x16xi32>,
      %get3A_2640 = vector.shape_cast %get3A_2639 : vector<1x16xi32> to vector<16xi32>
      %mul3A_2641 = arith.constant 2 : i32
      %mul3A_2642 = vector.broadcast %mul3A_2641 : i32 to vector<16xi32>
      %mul3A_2643 = arith.muli %get3A_2640, %mul3A_2642 : vector<16xi32>
      %swap3A_2644 = arith.constant 48 : index
      %swap3A_2645 = tpu.vector_load %arg8[%swap3A_2644] {strides = array<i32>} : memref<128xi32, #tpu.memory_space<vmem>>, vector<16xi32>,
      %swap3A_2646 = vector.shape_cast %swap3A_2645 : vector<16xi32> to vector<16xi32>
      %swap3A_2647 = vector.shape_cast %mul3A_2643 : vector<16xi32> to vector<16xi32>
      tpu.vector_store %arg8[%swap3A_2644], %swap3A_2647 {strides = array<i32>} : memref<128xi32, #tpu.memory_space<vmem>>, vector<16xi32>,
      %add3A_2648 = arith.constant 1 : i32
      %add3A_2649 = vector.broadcast %add3A_2648 : i32 to vector<16xi32>
      %add3A_2650 = arith.addi %mul3A_2643, %add3A_2649 : vector<16xi32>
      %swap3A_2651 = arith.constant 112 : index
      %swap3A_2652 = tpu.vector_load %arg8[%swap3A_2651] {strides = array<i32>} : memref<128xi32, #tpu.memory_space<vmem>>, vector<16xi32>,
      %swap3A_2653 = vector.shape_cast %swap3A_2652 : vector<16xi32> to vector<16xi32>
      %swap3A_2654 = vector.shape_cast %add3A_2650 : vector<16xi32> to vector<16xi32>
      tpu.vector_store %arg8[%swap3A_2651], %swap3A_2654 {strides = array<i32>} : memref<128xi32, #tpu.memory_space<vmem>>, vector<16xi32>,
      %get3A_2655 = arith.constant 12 : i32
      %get3A_2656 = arith.index_cast %get3A_2655 : i32 to index
      %get3A_2657 = arith.constant 48 : index
      %get3A_2658 = tpu.vector_load %arg7[%get3A_2656, %get3A_2657] {strides = array<i32>} : memref<16x64xi32, #tpu.memory_space<vmem>>, vector<1x16xi32>,
      %get3A_2659 = vector.shape_cast %get3A_2658 : vector<1x16xi32> to vector<16xi32>
      %sub3A_2660 = vector.broadcast %mul3A_0 : i32 to vector<16xi32>
      %sub3A_2661 = arith.subi %get3A_2659, %sub3A_2660 : vector<16xi32>
      %ge3A_2662 = arith.constant 0 : i32
      %ge3A_2663 = vector.broadcast %ge3A_2662 : i32 to vector<16xi32>
      %ge3A_2664 = arith.cmpi sge, %sub3A_2661, %ge3A_2663 : vector<16xi32>
      %lt3A_2665 = arith.constant 5000 : i32
      %lt3A_2666 = vector.broadcast %lt3A_2665 : i32 to vector<16xi32>
      %lt3A_2667 = arith.cmpi slt, %sub3A_2661, %lt3A_2666 : vector<16xi32>
      %and3A_2668 = arith.andi %ge3A_2664, %lt3A_2667 : vector<16xi1>
      %jit3A_2669 = arith.constant 5000 : i32
      %broadcast_in_dim3A_2670 = vector.broadcast %jit3A_2669 : i32 to vector<16xi32>
      %select_n3A_2671 = arith.select %and3A_2668, %sub3A_2661, %broadcast_in_dim3A_2670 : vector<16xi1>, vector<16xi32>
      %mul3A_2672 = arith.constant 2 : i32
      %mul3A_2673 = vector.broadcast %mul3A_2672 : i32 to vector<16xi32>
      %mul3A_2674 = arith.muli %select_n3A_2671, %mul3A_2673 : vector<16xi32>
      %swap3A_2675 = arith.constant 48 : index
      %swap3A_2676 = tpu.vector_load %arg9[%swap3A_2675] {strides = array<i32>} : memref<128xi32, #tpu.memory_space<vmem>>, vector<16xi32>,
      %swap3A_2677 = vector.shape_cast %swap3A_2676 : vector<16xi32> to vector<16xi32>
      %swap3A_2678 = vector.shape_cast %mul3A_2674 : vector<16xi32> to vector<16xi32>
      tpu.vector_store %arg9[%swap3A_2675], %swap3A_2678 {strides = array<i32>} : memref<128xi32, #tpu.memory_space<vmem>>, vector<16xi32>,
      %add3A_2679 = arith.constant 1 : i32
      %add3A_2680 = vector.broadcast %add3A_2679 : i32 to vector<16xi32>
      %add3A_2681 = arith.addi %mul3A_2674, %add3A_2680 : vector<16xi32>
      %swap3A_2682 = arith.constant 112 : index
      %swap3A_2683 = tpu.vector_load %arg9[%swap3A_2682] {strides = array<i32>} : memref<128xi32, #tpu.memory_space<vmem>>, vector<16xi32>,
      %swap3A_2684 = vector.shape_cast %swap3A_2683 : vector<16xi32> to vector<16xi32>
      %swap3A_2685 = vector.shape_cast %add3A_2681 : vector<16xi32> to vector<16xi32>
      tpu.vector_store %arg9[%swap3A_2682], %swap3A_2685 {strides = array<i32>} : memref<128xi32, #tpu.memory_space<vmem>>, vector<16xi32>,
      %dma_start3A_2686 = arith.constant 0 : i32
      %dma_start3A_2687 = arith.constant 0 : i32
      %dma_start3A_2688 = tpu.memref_slice %arg2[%dma_start3A_2686, %dma_start3A_2687] : memref<20480x128xf32, #tpu.memory_space<hbm>> -> memref<20480x128xf32, #tpu.memory_space<hbm>>
      tpu.enqueue_indirect_dma source(%dma_start3A_2688 : memref<20480x128xf32, #tpu.memory_space<hbm>>) target(%arg12 : memref<128x128xf32, #tpu.memory_space<vmem>>) offsets(%arg8 : memref<128xi32, #tpu.memory_space<vmem>>) semaphore(%arg14 : memref<!tpu.dma_semaphore, #tpu.memory_space<semaphore_mem>>)
      %dma_wait3A_2689 = arith.constant 0 : i32
      %dma_wait3A_2690 = arith.constant 0 : i32
      %dma_wait3A_2691 = tpu.memref_slice %arg2[%dma_wait3A_2689, %dma_wait3A_2690] : memref<20480x128xf32, #tpu.memory_space<hbm>> -> memref<20480x128xf32, #tpu.memory_space<hbm>>
      tpu.wait_indirect_dma semaphore(%arg15 : memref<!tpu.dma_semaphore, #tpu.memory_space<semaphore_mem>>) src(%dma_wait3A_2691 : memref<20480x128xf32, #tpu.memory_space<hbm>>) dst(%arg13 : memref<128x128xf32, #tpu.memory_space<vmem>>)
      "tpu.region"() ({
        %run_scoped3A = tpu.sem_alloc : memref<!tpu.dma_semaphore, #tpu.memory_space<semaphore_mem>>
        %dma_start3A_3313 = arith.constant 0 : i32
        %dma_start3A_3314 = arith.constant 0 : i32
        %dma_start3A_3315 = tpu.memref_slice %arg18[%dma_start3A_3313, %dma_start3A_3314] : memref<10240x128xf32, #tpu.memory_space<vmem_shared>> -> memref<10240x128xf32, #tpu.memory_space<vmem_shared>>
        tpu.enqueue_indirect_dma source(%arg13 : memref<128x128xf32, #tpu.memory_space<vmem>>) target(%dma_start3A_3315 : memref<10240x128xf32, #tpu.memory_space<vmem_shared>>) offsets(%arg11 : memref<128xi32, #tpu.memory_space<vmem>>) semaphore(%run_scoped3A : memref<!tpu.dma_semaphore, #tpu.memory_space<semaphore_mem>>) {add = true}
        %dma_wait3A_3316 = arith.constant 0 : i32
        %dma_wait3A_3317 = arith.constant 0 : i32
        %dma_wait3A_3318 = tpu.memref_slice %arg18[%dma_wait3A_3316, %dma_wait3A_3317] : memref<10240x128xf32, #tpu.memory_space<vmem_shared>> -> memref<10240x128xf32, #tpu.memory_space<vmem_shared>>
        tpu.wait_indirect_dma semaphore(%run_scoped3A : memref<!tpu.dma_semaphore, #tpu.memory_space<semaphore_mem>>) src(%arg13 : memref<128x128xf32, #tpu.memory_space<vmem>>) dst(%dma_wait3A_3318 : memref<10240x128xf32, #tpu.memory_space<vmem_shared>>)
        tpu.yield
      }) : () -> ()
      %get3A_2692 = arith.constant 13 : i32
      %get3A_2693 = arith.index_cast %get3A_2692 : i32 to index
      %get3A_2694 = arith.constant 0 : index
      %get3A_2695 = tpu.vector_load %arg6[%get3A_2693, %get3A_2694] {strides = array<i32>} : memref<16x64xi32, #tpu.memory_space<vmem>>, vector<1x16xi32>,
      %get3A_2696 = vector.shape_cast %get3A_2695 : vector<1x16xi32> to vector<16xi32>
      %mul3A_2697 = arith.constant 2 : i32
      %mul3A_2698 = vector.broadcast %mul3A_2697 : i32 to vector<16xi32>
      %mul3A_2699 = arith.muli %get3A_2696, %mul3A_2698 : vector<16xi32>
      %swap3A_2700 = arith.constant 0 : index
      %swap3A_2701 = tpu.vector_load %arg10[%swap3A_2700] {strides = array<i32>} : memref<128xi32, #tpu.memory_space<vmem>>, vector<16xi32>,
      %swap3A_2702 = vector.shape_cast %swap3A_2701 : vector<16xi32> to vector<16xi32>
      %swap3A_2703 = vector.shape_cast %mul3A_2699 : vector<16xi32> to vector<16xi32>
      tpu.vector_store %arg10[%swap3A_2700], %swap3A_2703 {strides = array<i32>} : memref<128xi32, #tpu.memory_space<vmem>>, vector<16xi32>,
      %add3A_2704 = arith.constant 1 : i32
      %add3A_2705 = vector.broadcast %add3A_2704 : i32 to vector<16xi32>
      %add3A_2706 = arith.addi %mul3A_2699, %add3A_2705 : vector<16xi32>
      %swap3A_2707 = arith.constant 64 : index
      %swap3A_2708 = tpu.vector_load %arg10[%swap3A_2707] {strides = array<i32>} : memref<128xi32, #tpu.memory_space<vmem>>, vector<16xi32>,
      %swap3A_2709 = vector.shape_cast %swap3A_2708 : vector<16xi32> to vector<16xi32>
      %swap3A_2710 = vector.shape_cast %add3A_2706 : vector<16xi32> to vector<16xi32>
      tpu.vector_store %arg10[%swap3A_2707], %swap3A_2710 {strides = array<i32>} : memref<128xi32, #tpu.memory_space<vmem>>, vector<16xi32>,
      %get3A_2711 = arith.constant 13 : i32
      %get3A_2712 = arith.index_cast %get3A_2711 : i32 to index
      %get3A_2713 = arith.constant 0 : index
      %get3A_2714 = tpu.vector_load %arg7[%get3A_2712, %get3A_2713] {strides = array<i32>} : memref<16x64xi32, #tpu.memory_space<vmem>>, vector<1x16xi32>,
      %get3A_2715 = vector.shape_cast %get3A_2714 : vector<1x16xi32> to vector<16xi32>
      %sub3A_2716 = vector.broadcast %mul3A_0 : i32 to vector<16xi32>
      %sub3A_2717 = arith.subi %get3A_2715, %sub3A_2716 : vector<16xi32>
      %ge3A_2718 = arith.constant 0 : i32
      %ge3A_2719 = vector.broadcast %ge3A_2718 : i32 to vector<16xi32>
      %ge3A_2720 = arith.cmpi sge, %sub3A_2717, %ge3A_2719 : vector<16xi32>
      %lt3A_2721 = arith.constant 5000 : i32
      %lt3A_2722 = vector.broadcast %lt3A_2721 : i32 to vector<16xi32>
      %lt3A_2723 = arith.cmpi slt, %sub3A_2717, %lt3A_2722 : vector<16xi32>
      %and3A_2724 = arith.andi %ge3A_2720, %lt3A_2723 : vector<16xi1>
      %jit3A_2725 = arith.constant 5000 : i32
      %broadcast_in_dim3A_2726 = vector.broadcast %jit3A_2725 : i32 to vector<16xi32>
      %select_n3A_2727 = arith.select %and3A_2724, %sub3A_2717, %broadcast_in_dim3A_2726 : vector<16xi1>, vector<16xi32>
      %mul3A_2728 = arith.constant 2 : i32
      %mul3A_2729 = vector.broadcast %mul3A_2728 : i32 to vector<16xi32>
      %mul3A_2730 = arith.muli %select_n3A_2727, %mul3A_2729 : vector<16xi32>
      %swap3A_2731 = arith.constant 0 : index
      %swap3A_2732 = tpu.vector_load %arg11[%swap3A_2731] {strides = array<i32>} : memref<128xi32, #tpu.memory_space<vmem>>, vector<16xi32>,
      %swap3A_2733 = vector.shape_cast %swap3A_2732 : vector<16xi32> to vector<16xi32>
      %swap3A_2734 = vector.shape_cast %mul3A_2730 : vector<16xi32> to vector<16xi32>
      tpu.vector_store %arg11[%swap3A_2731], %swap3A_2734 {strides = array<i32>} : memref<128xi32, #tpu.memory_space<vmem>>, vector<16xi32>,
      %add3A_2735 = arith.constant 1 : i32
      %add3A_2736 = vector.broadcast %add3A_2735 : i32 to vector<16xi32>
      %add3A_2737 = arith.addi %mul3A_2730, %add3A_2736 : vector<16xi32>
      %swap3A_2738 = arith.constant 64 : index
      %swap3A_2739 = tpu.vector_load %arg11[%swap3A_2738] {strides = array<i32>} : memref<128xi32, #tpu.memory_space<vmem>>, vector<16xi32>,
      %swap3A_2740 = vector.shape_cast %swap3A_2739 : vector<16xi32> to vector<16xi32>
      %swap3A_2741 = vector.shape_cast %add3A_2737 : vector<16xi32> to vector<16xi32>
      tpu.vector_store %arg11[%swap3A_2738], %swap3A_2741 {strides = array<i32>} : memref<128xi32, #tpu.memory_space<vmem>>, vector<16xi32>,
      %get3A_2742 = arith.constant 13 : i32
      %get3A_2743 = arith.index_cast %get3A_2742 : i32 to index
      %get3A_2744 = arith.constant 16 : index
      %get3A_2745 = tpu.vector_load %arg6[%get3A_2743, %get3A_2744] {strides = array<i32>} : memref<16x64xi32, #tpu.memory_space<vmem>>, vector<1x16xi32>,
      %get3A_2746 = vector.shape_cast %get3A_2745 : vector<1x16xi32> to vector<16xi32>
      %mul3A_2747 = arith.constant 2 : i32
      %mul3A_2748 = vector.broadcast %mul3A_2747 : i32 to vector<16xi32>
      %mul3A_2749 = arith.muli %get3A_2746, %mul3A_2748 : vector<16xi32>
      %swap3A_2750 = arith.constant 16 : index
      %swap3A_2751 = tpu.vector_load %arg10[%swap3A_2750] {strides = array<i32>} : memref<128xi32, #tpu.memory_space<vmem>>, vector<16xi32>,
      %swap3A_2752 = vector.shape_cast %swap3A_2751 : vector<16xi32> to vector<16xi32>
      %swap3A_2753 = vector.shape_cast %mul3A_2749 : vector<16xi32> to vector<16xi32>
      tpu.vector_store %arg10[%swap3A_2750], %swap3A_2753 {strides = array<i32>} : memref<128xi32, #tpu.memory_space<vmem>>, vector<16xi32>,
      %add3A_2754 = arith.constant 1 : i32
      %add3A_2755 = vector.broadcast %add3A_2754 : i32 to vector<16xi32>
      %add3A_2756 = arith.addi %mul3A_2749, %add3A_2755 : vector<16xi32>
      %swap3A_2757 = arith.constant 80 : index
      %swap3A_2758 = tpu.vector_load %arg10[%swap3A_2757] {strides = array<i32>} : memref<128xi32, #tpu.memory_space<vmem>>, vector<16xi32>,
      %swap3A_2759 = vector.shape_cast %swap3A_2758 : vector<16xi32> to vector<16xi32>
      %swap3A_2760 = vector.shape_cast %add3A_2756 : vector<16xi32> to vector<16xi32>
      tpu.vector_store %arg10[%swap3A_2757], %swap3A_2760 {strides = array<i32>} : memref<128xi32, #tpu.memory_space<vmem>>, vector<16xi32>,
      %get3A_2761 = arith.constant 13 : i32
      %get3A_2762 = arith.index_cast %get3A_2761 : i32 to index
      %get3A_2763 = arith.constant 16 : index
      %get3A_2764 = tpu.vector_load %arg7[%get3A_2762, %get3A_2763] {strides = array<i32>} : memref<16x64xi32, #tpu.memory_space<vmem>>, vector<1x16xi32>,
      %get3A_2765 = vector.shape_cast %get3A_2764 : vector<1x16xi32> to vector<16xi32>
      %sub3A_2766 = vector.broadcast %mul3A_0 : i32 to vector<16xi32>
      %sub3A_2767 = arith.subi %get3A_2765, %sub3A_2766 : vector<16xi32>
      %ge3A_2768 = arith.constant 0 : i32
      %ge3A_2769 = vector.broadcast %ge3A_2768 : i32 to vector<16xi32>
      %ge3A_2770 = arith.cmpi sge, %sub3A_2767, %ge3A_2769 : vector<16xi32>
      %lt3A_2771 = arith.constant 5000 : i32
      %lt3A_2772 = vector.broadcast %lt3A_2771 : i32 to vector<16xi32>
      %lt3A_2773 = arith.cmpi slt, %sub3A_2767, %lt3A_2772 : vector<16xi32>
      %and3A_2774 = arith.andi %ge3A_2770, %lt3A_2773 : vector<16xi1>
      %jit3A_2775 = arith.constant 5000 : i32
      %broadcast_in_dim3A_2776 = vector.broadcast %jit3A_2775 : i32 to vector<16xi32>
      %select_n3A_2777 = arith.select %and3A_2774, %sub3A_2767, %broadcast_in_dim3A_2776 : vector<16xi1>, vector<16xi32>
      %mul3A_2778 = arith.constant 2 : i32
      %mul3A_2779 = vector.broadcast %mul3A_2778 : i32 to vector<16xi32>
      %mul3A_2780 = arith.muli %select_n3A_2777, %mul3A_2779 : vector<16xi32>
      %swap3A_2781 = arith.constant 16 : index
      %swap3A_2782 = tpu.vector_load %arg11[%swap3A_2781] {strides = array<i32>} : memref<128xi32, #tpu.memory_space<vmem>>, vector<16xi32>,
      %swap3A_2783 = vector.shape_cast %swap3A_2782 : vector<16xi32> to vector<16xi32>
      %swap3A_2784 = vector.shape_cast %mul3A_2780 : vector<16xi32> to vector<16xi32>
      tpu.vector_store %arg11[%swap3A_2781], %swap3A_2784 {strides = array<i32>} : memref<128xi32, #tpu.memory_space<vmem>>, vector<16xi32>,
      %add3A_2785 = arith.constant 1 : i32
      %add3A_2786 = vector.broadcast %add3A_2785 : i32 to vector<16xi32>
      %add3A_2787 = arith.addi %mul3A_2780, %add3A_2786 : vector<16xi32>
      %swap3A_2788 = arith.constant 80 : index
      %swap3A_2789 = tpu.vector_load %arg11[%swap3A_2788] {strides = array<i32>} : memref<128xi32, #tpu.memory_space<vmem>>, vector<16xi32>,
      %swap3A_2790 = vector.shape_cast %swap3A_2789 : vector<16xi32> to vector<16xi32>
      %swap3A_2791 = vector.shape_cast %add3A_2787 : vector<16xi32> to vector<16xi32>
      tpu.vector_store %arg11[%swap3A_2788], %swap3A_2791 {strides = array<i32>} : memref<128xi32, #tpu.memory_space<vmem>>, vector<16xi32>,
      %get3A_2792 = arith.constant 13 : i32
      %get3A_2793 = arith.index_cast %get3A_2792 : i32 to index
      %get3A_2794 = arith.constant 32 : index
      %get3A_2795 = tpu.vector_load %arg6[%get3A_2793, %get3A_2794] {strides = array<i32>} : memref<16x64xi32, #tpu.memory_space<vmem>>, vector<1x16xi32>,
      %get3A_2796 = vector.shape_cast %get3A_2795 : vector<1x16xi32> to vector<16xi32>
      %mul3A_2797 = arith.constant 2 : i32
      %mul3A_2798 = vector.broadcast %mul3A_2797 : i32 to vector<16xi32>
      %mul3A_2799 = arith.muli %get3A_2796, %mul3A_2798 : vector<16xi32>
      %swap3A_2800 = arith.constant 32 : index
      %swap3A_2801 = tpu.vector_load %arg10[%swap3A_2800] {strides = array<i32>} : memref<128xi32, #tpu.memory_space<vmem>>, vector<16xi32>,
      %swap3A_2802 = vector.shape_cast %swap3A_2801 : vector<16xi32> to vector<16xi32>
      %swap3A_2803 = vector.shape_cast %mul3A_2799 : vector<16xi32> to vector<16xi32>
      tpu.vector_store %arg10[%swap3A_2800], %swap3A_2803 {strides = array<i32>} : memref<128xi32, #tpu.memory_space<vmem>>, vector<16xi32>,
      %add3A_2804 = arith.constant 1 : i32
      %add3A_2805 = vector.broadcast %add3A_2804 : i32 to vector<16xi32>
      %add3A_2806 = arith.addi %mul3A_2799, %add3A_2805 : vector<16xi32>
      %swap3A_2807 = arith.constant 96 : index
      %swap3A_2808 = tpu.vector_load %arg10[%swap3A_2807] {strides = array<i32>} : memref<128xi32, #tpu.memory_space<vmem>>, vector<16xi32>,
      %swap3A_2809 = vector.shape_cast %swap3A_2808 : vector<16xi32> to vector<16xi32>
      %swap3A_2810 = vector.shape_cast %add3A_2806 : vector<16xi32> to vector<16xi32>
      tpu.vector_store %arg10[%swap3A_2807], %swap3A_2810 {strides = array<i32>} : memref<128xi32, #tpu.memory_space<vmem>>, vector<16xi32>,
      %get3A_2811 = arith.constant 13 : i32
      %get3A_2812 = arith.index_cast %get3A_2811 : i32 to index
      %get3A_2813 = arith.constant 32 : index
      %get3A_2814 = tpu.vector_load %arg7[%get3A_2812, %get3A_2813] {strides = array<i32>} : memref<16x64xi32, #tpu.memory_space<vmem>>, vector<1x16xi32>,
      %get3A_2815 = vector.shape_cast %get3A_2814 : vector<1x16xi32> to vector<16xi32>
      %sub3A_2816 = vector.broadcast %mul3A_0 : i32 to vector<16xi32>
      %sub3A_2817 = arith.subi %get3A_2815, %sub3A_2816 : vector<16xi32>
      %ge3A_2818 = arith.constant 0 : i32
      %ge3A_2819 = vector.broadcast %ge3A_2818 : i32 to vector<16xi32>
      %ge3A_2820 = arith.cmpi sge, %sub3A_2817, %ge3A_2819 : vector<16xi32>
      %lt3A_2821 = arith.constant 5000 : i32
      %lt3A_2822 = vector.broadcast %lt3A_2821 : i32 to vector<16xi32>
      %lt3A_2823 = arith.cmpi slt, %sub3A_2817, %lt3A_2822 : vector<16xi32>
      %and3A_2824 = arith.andi %ge3A_2820, %lt3A_2823 : vector<16xi1>
      %jit3A_2825 = arith.constant 5000 : i32
      %broadcast_in_dim3A_2826 = vector.broadcast %jit3A_2825 : i32 to vector<16xi32>
      %select_n3A_2827 = arith.select %and3A_2824, %sub3A_2817, %broadcast_in_dim3A_2826 : vector<16xi1>, vector<16xi32>
      %mul3A_2828 = arith.constant 2 : i32
      %mul3A_2829 = vector.broadcast %mul3A_2828 : i32 to vector<16xi32>
      %mul3A_2830 = arith.muli %select_n3A_2827, %mul3A_2829 : vector<16xi32>
      %swap3A_2831 = arith.constant 32 : index
      %swap3A_2832 = tpu.vector_load %arg11[%swap3A_2831] {strides = array<i32>} : memref<128xi32, #tpu.memory_space<vmem>>, vector<16xi32>,
      %swap3A_2833 = vector.shape_cast %swap3A_2832 : vector<16xi32> to vector<16xi32>
      %swap3A_2834 = vector.shape_cast %mul3A_2830 : vector<16xi32> to vector<16xi32>
      tpu.vector_store %arg11[%swap3A_2831], %swap3A_2834 {strides = array<i32>} : memref<128xi32, #tpu.memory_space<vmem>>, vector<16xi32>,
      %add3A_2835 = arith.constant 1 : i32
      %add3A_2836 = vector.broadcast %add3A_2835 : i32 to vector<16xi32>
      %add3A_2837 = arith.addi %mul3A_2830, %add3A_2836 : vector<16xi32>
      %swap3A_2838 = arith.constant 96 : index
      %swap3A_2839 = tpu.vector_load %arg11[%swap3A_2838] {strides = array<i32>} : memref<128xi32, #tpu.memory_space<vmem>>, vector<16xi32>,
      %swap3A_2840 = vector.shape_cast %swap3A_2839 : vector<16xi32> to vector<16xi32>
      %swap3A_2841 = vector.shape_cast %add3A_2837 : vector<16xi32> to vector<16xi32>
      tpu.vector_store %arg11[%swap3A_2838], %swap3A_2841 {strides = array<i32>} : memref<128xi32, #tpu.memory_space<vmem>>, vector<16xi32>,
      %get3A_2842 = arith.constant 13 : i32
      %get3A_2843 = arith.index_cast %get3A_2842 : i32 to index
      %get3A_2844 = arith.constant 48 : index
      %get3A_2845 = tpu.vector_load %arg6[%get3A_2843, %get3A_2844] {strides = array<i32>} : memref<16x64xi32, #tpu.memory_space<vmem>>, vector<1x16xi32>,
      %get3A_2846 = vector.shape_cast %get3A_2845 : vector<1x16xi32> to vector<16xi32>
      %mul3A_2847 = arith.constant 2 : i32
      %mul3A_2848 = vector.broadcast %mul3A_2847 : i32 to vector<16xi32>
      %mul3A_2849 = arith.muli %get3A_2846, %mul3A_2848 : vector<16xi32>
      %swap3A_2850 = arith.constant 48 : index
      %swap3A_2851 = tpu.vector_load %arg10[%swap3A_2850] {strides = array<i32>} : memref<128xi32, #tpu.memory_space<vmem>>, vector<16xi32>,
      %swap3A_2852 = vector.shape_cast %swap3A_2851 : vector<16xi32> to vector<16xi32>
      %swap3A_2853 = vector.shape_cast %mul3A_2849 : vector<16xi32> to vector<16xi32>
      tpu.vector_store %arg10[%swap3A_2850], %swap3A_2853 {strides = array<i32>} : memref<128xi32, #tpu.memory_space<vmem>>, vector<16xi32>,
      %add3A_2854 = arith.constant 1 : i32
      %add3A_2855 = vector.broadcast %add3A_2854 : i32 to vector<16xi32>
      %add3A_2856 = arith.addi %mul3A_2849, %add3A_2855 : vector<16xi32>
      %swap3A_2857 = arith.constant 112 : index
      %swap3A_2858 = tpu.vector_load %arg10[%swap3A_2857] {strides = array<i32>} : memref<128xi32, #tpu.memory_space<vmem>>, vector<16xi32>,
      %swap3A_2859 = vector.shape_cast %swap3A_2858 : vector<16xi32> to vector<16xi32>
      %swap3A_2860 = vector.shape_cast %add3A_2856 : vector<16xi32> to vector<16xi32>
      tpu.vector_store %arg10[%swap3A_2857], %swap3A_2860 {strides = array<i32>} : memref<128xi32, #tpu.memory_space<vmem>>, vector<16xi32>,
      %get3A_2861 = arith.constant 13 : i32
      %get3A_2862 = arith.index_cast %get3A_2861 : i32 to index
      %get3A_2863 = arith.constant 48 : index
      %get3A_2864 = tpu.vector_load %arg7[%get3A_2862, %get3A_2863] {strides = array<i32>} : memref<16x64xi32, #tpu.memory_space<vmem>>, vector<1x16xi32>,
      %get3A_2865 = vector.shape_cast %get3A_2864 : vector<1x16xi32> to vector<16xi32>
      %sub3A_2866 = vector.broadcast %mul3A_0 : i32 to vector<16xi32>
      %sub3A_2867 = arith.subi %get3A_2865, %sub3A_2866 : vector<16xi32>
      %ge3A_2868 = arith.constant 0 : i32
      %ge3A_2869 = vector.broadcast %ge3A_2868 : i32 to vector<16xi32>
      %ge3A_2870 = arith.cmpi sge, %sub3A_2867, %ge3A_2869 : vector<16xi32>
      %lt3A_2871 = arith.constant 5000 : i32
      %lt3A_2872 = vector.broadcast %lt3A_2871 : i32 to vector<16xi32>
      %lt3A_2873 = arith.cmpi slt, %sub3A_2867, %lt3A_2872 : vector<16xi32>
      %and3A_2874 = arith.andi %ge3A_2870, %lt3A_2873 : vector<16xi1>
      %jit3A_2875 = arith.constant 5000 : i32
      %broadcast_in_dim3A_2876 = vector.broadcast %jit3A_2875 : i32 to vector<16xi32>
      %select_n3A_2877 = arith.select %and3A_2874, %sub3A_2867, %broadcast_in_dim3A_2876 : vector<16xi1>, vector<16xi32>
      %mul3A_2878 = arith.constant 2 : i32
      %mul3A_2879 = vector.broadcast %mul3A_2878 : i32 to vector<16xi32>
      %mul3A_2880 = arith.muli %select_n3A_2877, %mul3A_2879 : vector<16xi32>
      %swap3A_2881 = arith.constant 48 : index
      %swap3A_2882 = tpu.vector_load %arg11[%swap3A_2881] {strides = array<i32>} : memref<128xi32, #tpu.memory_space<vmem>>, vector<16xi32>,
      %swap3A_2883 = vector.shape_cast %swap3A_2882 : vector<16xi32> to vector<16xi32>
      %swap3A_2884 = vector.shape_cast %mul3A_2880 : vector<16xi32> to vector<16xi32>
      tpu.vector_store %arg11[%swap3A_2881], %swap3A_2884 {strides = array<i32>} : memref<128xi32, #tpu.memory_space<vmem>>, vector<16xi32>,
      %add3A_2885 = arith.constant 1 : i32
      %add3A_2886 = vector.broadcast %add3A_2885 : i32 to vector<16xi32>
      %add3A_2887 = arith.addi %mul3A_2880, %add3A_2886 : vector<16xi32>
      %swap3A_2888 = arith.constant 112 : index
      %swap3A_2889 = tpu.vector_load %arg11[%swap3A_2888] {strides = array<i32>} : memref<128xi32, #tpu.memory_space<vmem>>, vector<16xi32>,
      %swap3A_2890 = vector.shape_cast %swap3A_2889 : vector<16xi32> to vector<16xi32>
      %swap3A_2891 = vector.shape_cast %add3A_2887 : vector<16xi32> to vector<16xi32>
      tpu.vector_store %arg11[%swap3A_2888], %swap3A_2891 {strides = array<i32>} : memref<128xi32, #tpu.memory_space<vmem>>, vector<16xi32>,
      %dma_start3A_2892 = arith.constant 0 : i32
      %dma_start3A_2893 = arith.constant 0 : i32
      %dma_start3A_2894 = tpu.memref_slice %arg2[%dma_start3A_2892, %dma_start3A_2893] : memref<20480x128xf32, #tpu.memory_space<hbm>> -> memref<20480x128xf32, #tpu.memory_space<hbm>>
      tpu.enqueue_indirect_dma source(%dma_start3A_2894 : memref<20480x128xf32, #tpu.memory_space<hbm>>) target(%arg13 : memref<128x128xf32, #tpu.memory_space<vmem>>) offsets(%arg10 : memref<128xi32, #tpu.memory_space<vmem>>) semaphore(%arg15 : memref<!tpu.dma_semaphore, #tpu.memory_space<semaphore_mem>>)
      %dma_wait3A_2895 = arith.constant 0 : i32
      %dma_wait3A_2896 = arith.constant 0 : i32
      %dma_wait3A_2897 = tpu.memref_slice %arg2[%dma_wait3A_2895, %dma_wait3A_2896] : memref<20480x128xf32, #tpu.memory_space<hbm>> -> memref<20480x128xf32, #tpu.memory_space<hbm>>
      tpu.wait_indirect_dma semaphore(%arg14 : memref<!tpu.dma_semaphore, #tpu.memory_space<semaphore_mem>>) src(%dma_wait3A_2897 : memref<20480x128xf32, #tpu.memory_space<hbm>>) dst(%arg12 : memref<128x128xf32, #tpu.memory_space<vmem>>)
      "tpu.region"() ({
        %run_scoped3A = tpu.sem_alloc : memref<!tpu.dma_semaphore, #tpu.memory_space<semaphore_mem>>
        %dma_start3A_3313 = arith.constant 0 : i32
        %dma_start3A_3314 = arith.constant 0 : i32
        %dma_start3A_3315 = tpu.memref_slice %arg18[%dma_start3A_3313, %dma_start3A_3314] : memref<10240x128xf32, #tpu.memory_space<vmem_shared>> -> memref<10240x128xf32, #tpu.memory_space<vmem_shared>>
        tpu.enqueue_indirect_dma source(%arg12 : memref<128x128xf32, #tpu.memory_space<vmem>>) target(%dma_start3A_3315 : memref<10240x128xf32, #tpu.memory_space<vmem_shared>>) offsets(%arg9 : memref<128xi32, #tpu.memory_space<vmem>>) semaphore(%run_scoped3A : memref<!tpu.dma_semaphore, #tpu.memory_space<semaphore_mem>>) {add = true}
        %dma_wait3A_3316 = arith.constant 0 : i32
        %dma_wait3A_3317 = arith.constant 0 : i32
        %dma_wait3A_3318 = tpu.memref_slice %arg18[%dma_wait3A_3316, %dma_wait3A_3317] : memref<10240x128xf32, #tpu.memory_space<vmem_shared>> -> memref<10240x128xf32, #tpu.memory_space<vmem_shared>>
        tpu.wait_indirect_dma semaphore(%run_scoped3A : memref<!tpu.dma_semaphore, #tpu.memory_space<semaphore_mem>>) src(%arg12 : memref<128x128xf32, #tpu.memory_space<vmem>>) dst(%dma_wait3A_3318 : memref<10240x128xf32, #tpu.memory_space<vmem_shared>>)
        tpu.yield
      }) : () -> ()
      %get3A_2898 = arith.constant 14 : i32
      %get3A_2899 = arith.index_cast %get3A_2898 : i32 to index
      %get3A_2900 = arith.constant 0 : index
      %get3A_2901 = tpu.vector_load %arg6[%get3A_2899, %get3A_2900] {strides = array<i32>} : memref<16x64xi32, #tpu.memory_space<vmem>>, vector<1x16xi32>,
      %get3A_2902 = vector.shape_cast %get3A_2901 : vector<1x16xi32> to vector<16xi32>
      %mul3A_2903 = arith.constant 2 : i32
      %mul3A_2904 = vector.broadcast %mul3A_2903 : i32 to vector<16xi32>
      %mul3A_2905 = arith.muli %get3A_2902, %mul3A_2904 : vector<16xi32>
      %swap3A_2906 = arith.constant 0 : index
      %swap3A_2907 = tpu.vector_load %arg8[%swap3A_2906] {strides = array<i32>} : memref<128xi32, #tpu.memory_space<vmem>>, vector<16xi32>,
      %swap3A_2908 = vector.shape_cast %swap3A_2907 : vector<16xi32> to vector<16xi32>
      %swap3A_2909 = vector.shape_cast %mul3A_2905 : vector<16xi32> to vector<16xi32>
      tpu.vector_store %arg8[%swap3A_2906], %swap3A_2909 {strides = array<i32>} : memref<128xi32, #tpu.memory_space<vmem>>, vector<16xi32>,
      %add3A_2910 = arith.constant 1 : i32
      %add3A_2911 = vector.broadcast %add3A_2910 : i32 to vector<16xi32>
      %add3A_2912 = arith.addi %mul3A_2905, %add3A_2911 : vector<16xi32>
      %swap3A_2913 = arith.constant 64 : index
      %swap3A_2914 = tpu.vector_load %arg8[%swap3A_2913] {strides = array<i32>} : memref<128xi32, #tpu.memory_space<vmem>>, vector<16xi32>,
      %swap3A_2915 = vector.shape_cast %swap3A_2914 : vector<16xi32> to vector<16xi32>
      %swap3A_2916 = vector.shape_cast %add3A_2912 : vector<16xi32> to vector<16xi32>
      tpu.vector_store %arg8[%swap3A_2913], %swap3A_2916 {strides = array<i32>} : memref<128xi32, #tpu.memory_space<vmem>>, vector<16xi32>,
      %get3A_2917 = arith.constant 14 : i32
      %get3A_2918 = arith.index_cast %get3A_2917 : i32 to index
      %get3A_2919 = arith.constant 0 : index
      %get3A_2920 = tpu.vector_load %arg7[%get3A_2918, %get3A_2919] {strides = array<i32>} : memref<16x64xi32, #tpu.memory_space<vmem>>, vector<1x16xi32>,
      %get3A_2921 = vector.shape_cast %get3A_2920 : vector<1x16xi32> to vector<16xi32>
      %sub3A_2922 = vector.broadcast %mul3A_0 : i32 to vector<16xi32>
      %sub3A_2923 = arith.subi %get3A_2921, %sub3A_2922 : vector<16xi32>
      %ge3A_2924 = arith.constant 0 : i32
      %ge3A_2925 = vector.broadcast %ge3A_2924 : i32 to vector<16xi32>
      %ge3A_2926 = arith.cmpi sge, %sub3A_2923, %ge3A_2925 : vector<16xi32>
      %lt3A_2927 = arith.constant 5000 : i32
      %lt3A_2928 = vector.broadcast %lt3A_2927 : i32 to vector<16xi32>
      %lt3A_2929 = arith.cmpi slt, %sub3A_2923, %lt3A_2928 : vector<16xi32>
      %and3A_2930 = arith.andi %ge3A_2926, %lt3A_2929 : vector<16xi1>
      %jit3A_2931 = arith.constant 5000 : i32
      %broadcast_in_dim3A_2932 = vector.broadcast %jit3A_2931 : i32 to vector<16xi32>
      %select_n3A_2933 = arith.select %and3A_2930, %sub3A_2923, %broadcast_in_dim3A_2932 : vector<16xi1>, vector<16xi32>
      %mul3A_2934 = arith.constant 2 : i32
      %mul3A_2935 = vector.broadcast %mul3A_2934 : i32 to vector<16xi32>
      %mul3A_2936 = arith.muli %select_n3A_2933, %mul3A_2935 : vector<16xi32>
      %swap3A_2937 = arith.constant 0 : index
      %swap3A_2938 = tpu.vector_load %arg9[%swap3A_2937] {strides = array<i32>} : memref<128xi32, #tpu.memory_space<vmem>>, vector<16xi32>,
      %swap3A_2939 = vector.shape_cast %swap3A_2938 : vector<16xi32> to vector<16xi32>
      %swap3A_2940 = vector.shape_cast %mul3A_2936 : vector<16xi32> to vector<16xi32>
      tpu.vector_store %arg9[%swap3A_2937], %swap3A_2940 {strides = array<i32>} : memref<128xi32, #tpu.memory_space<vmem>>, vector<16xi32>,
      %add3A_2941 = arith.constant 1 : i32
      %add3A_2942 = vector.broadcast %add3A_2941 : i32 to vector<16xi32>
      %add3A_2943 = arith.addi %mul3A_2936, %add3A_2942 : vector<16xi32>
      %swap3A_2944 = arith.constant 64 : index
      %swap3A_2945 = tpu.vector_load %arg9[%swap3A_2944] {strides = array<i32>} : memref<128xi32, #tpu.memory_space<vmem>>, vector<16xi32>,
      %swap3A_2946 = vector.shape_cast %swap3A_2945 : vector<16xi32> to vector<16xi32>
      %swap3A_2947 = vector.shape_cast %add3A_2943 : vector<16xi32> to vector<16xi32>
      tpu.vector_store %arg9[%swap3A_2944], %swap3A_2947 {strides = array<i32>} : memref<128xi32, #tpu.memory_space<vmem>>, vector<16xi32>,
      %get3A_2948 = arith.constant 14 : i32
      %get3A_2949 = arith.index_cast %get3A_2948 : i32 to index
      %get3A_2950 = arith.constant 16 : index
      %get3A_2951 = tpu.vector_load %arg6[%get3A_2949, %get3A_2950] {strides = array<i32>} : memref<16x64xi32, #tpu.memory_space<vmem>>, vector<1x16xi32>,
      %get3A_2952 = vector.shape_cast %get3A_2951 : vector<1x16xi32> to vector<16xi32>
      %mul3A_2953 = arith.constant 2 : i32
      %mul3A_2954 = vector.broadcast %mul3A_2953 : i32 to vector<16xi32>
      %mul3A_2955 = arith.muli %get3A_2952, %mul3A_2954 : vector<16xi32>
      %swap3A_2956 = arith.constant 16 : index
      %swap3A_2957 = tpu.vector_load %arg8[%swap3A_2956] {strides = array<i32>} : memref<128xi32, #tpu.memory_space<vmem>>, vector<16xi32>,
      %swap3A_2958 = vector.shape_cast %swap3A_2957 : vector<16xi32> to vector<16xi32>
      %swap3A_2959 = vector.shape_cast %mul3A_2955 : vector<16xi32> to vector<16xi32>
      tpu.vector_store %arg8[%swap3A_2956], %swap3A_2959 {strides = array<i32>} : memref<128xi32, #tpu.memory_space<vmem>>, vector<16xi32>,
      %add3A_2960 = arith.constant 1 : i32
      %add3A_2961 = vector.broadcast %add3A_2960 : i32 to vector<16xi32>
      %add3A_2962 = arith.addi %mul3A_2955, %add3A_2961 : vector<16xi32>
      %swap3A_2963 = arith.constant 80 : index
      %swap3A_2964 = tpu.vector_load %arg8[%swap3A_2963] {strides = array<i32>} : memref<128xi32, #tpu.memory_space<vmem>>, vector<16xi32>,
      %swap3A_2965 = vector.shape_cast %swap3A_2964 : vector<16xi32> to vector<16xi32>
      %swap3A_2966 = vector.shape_cast %add3A_2962 : vector<16xi32> to vector<16xi32>
      tpu.vector_store %arg8[%swap3A_2963], %swap3A_2966 {strides = array<i32>} : memref<128xi32, #tpu.memory_space<vmem>>, vector<16xi32>,
      %get3A_2967 = arith.constant 14 : i32
      %get3A_2968 = arith.index_cast %get3A_2967 : i32 to index
      %get3A_2969 = arith.constant 16 : index
      %get3A_2970 = tpu.vector_load %arg7[%get3A_2968, %get3A_2969] {strides = array<i32>} : memref<16x64xi32, #tpu.memory_space<vmem>>, vector<1x16xi32>,
      %get3A_2971 = vector.shape_cast %get3A_2970 : vector<1x16xi32> to vector<16xi32>
      %sub3A_2972 = vector.broadcast %mul3A_0 : i32 to vector<16xi32>
      %sub3A_2973 = arith.subi %get3A_2971, %sub3A_2972 : vector<16xi32>
      %ge3A_2974 = arith.constant 0 : i32
      %ge3A_2975 = vector.broadcast %ge3A_2974 : i32 to vector<16xi32>
      %ge3A_2976 = arith.cmpi sge, %sub3A_2973, %ge3A_2975 : vector<16xi32>
      %lt3A_2977 = arith.constant 5000 : i32
      %lt3A_2978 = vector.broadcast %lt3A_2977 : i32 to vector<16xi32>
      %lt3A_2979 = arith.cmpi slt, %sub3A_2973, %lt3A_2978 : vector<16xi32>
      %and3A_2980 = arith.andi %ge3A_2976, %lt3A_2979 : vector<16xi1>
      %jit3A_2981 = arith.constant 5000 : i32
      %broadcast_in_dim3A_2982 = vector.broadcast %jit3A_2981 : i32 to vector<16xi32>
      %select_n3A_2983 = arith.select %and3A_2980, %sub3A_2973, %broadcast_in_dim3A_2982 : vector<16xi1>, vector<16xi32>
      %mul3A_2984 = arith.constant 2 : i32
      %mul3A_2985 = vector.broadcast %mul3A_2984 : i32 to vector<16xi32>
      %mul3A_2986 = arith.muli %select_n3A_2983, %mul3A_2985 : vector<16xi32>
      %swap3A_2987 = arith.constant 16 : index
      %swap3A_2988 = tpu.vector_load %arg9[%swap3A_2987] {strides = array<i32>} : memref<128xi32, #tpu.memory_space<vmem>>, vector<16xi32>,
      %swap3A_2989 = vector.shape_cast %swap3A_2988 : vector<16xi32> to vector<16xi32>
      %swap3A_2990 = vector.shape_cast %mul3A_2986 : vector<16xi32> to vector<16xi32>
      tpu.vector_store %arg9[%swap3A_2987], %swap3A_2990 {strides = array<i32>} : memref<128xi32, #tpu.memory_space<vmem>>, vector<16xi32>,
      %add3A_2991 = arith.constant 1 : i32
      %add3A_2992 = vector.broadcast %add3A_2991 : i32 to vector<16xi32>
      %add3A_2993 = arith.addi %mul3A_2986, %add3A_2992 : vector<16xi32>
      %swap3A_2994 = arith.constant 80 : index
      %swap3A_2995 = tpu.vector_load %arg9[%swap3A_2994] {strides = array<i32>} : memref<128xi32, #tpu.memory_space<vmem>>, vector<16xi32>,
      %swap3A_2996 = vector.shape_cast %swap3A_2995 : vector<16xi32> to vector<16xi32>
      %swap3A_2997 = vector.shape_cast %add3A_2993 : vector<16xi32> to vector<16xi32>
      tpu.vector_store %arg9[%swap3A_2994], %swap3A_2997 {strides = array<i32>} : memref<128xi32, #tpu.memory_space<vmem>>, vector<16xi32>,
      %get3A_2998 = arith.constant 14 : i32
      %get3A_2999 = arith.index_cast %get3A_2998 : i32 to index
      %get3A_3000 = arith.constant 32 : index
      %get3A_3001 = tpu.vector_load %arg6[%get3A_2999, %get3A_3000] {strides = array<i32>} : memref<16x64xi32, #tpu.memory_space<vmem>>, vector<1x16xi32>,
      %get3A_3002 = vector.shape_cast %get3A_3001 : vector<1x16xi32> to vector<16xi32>
      %mul3A_3003 = arith.constant 2 : i32
      %mul3A_3004 = vector.broadcast %mul3A_3003 : i32 to vector<16xi32>
      %mul3A_3005 = arith.muli %get3A_3002, %mul3A_3004 : vector<16xi32>
      %swap3A_3006 = arith.constant 32 : index
      %swap3A_3007 = tpu.vector_load %arg8[%swap3A_3006] {strides = array<i32>} : memref<128xi32, #tpu.memory_space<vmem>>, vector<16xi32>,
      %swap3A_3008 = vector.shape_cast %swap3A_3007 : vector<16xi32> to vector<16xi32>
      %swap3A_3009 = vector.shape_cast %mul3A_3005 : vector<16xi32> to vector<16xi32>
      tpu.vector_store %arg8[%swap3A_3006], %swap3A_3009 {strides = array<i32>} : memref<128xi32, #tpu.memory_space<vmem>>, vector<16xi32>,
      %add3A_3010 = arith.constant 1 : i32
      %add3A_3011 = vector.broadcast %add3A_3010 : i32 to vector<16xi32>
      %add3A_3012 = arith.addi %mul3A_3005, %add3A_3011 : vector<16xi32>
      %swap3A_3013 = arith.constant 96 : index
      %swap3A_3014 = tpu.vector_load %arg8[%swap3A_3013] {strides = array<i32>} : memref<128xi32, #tpu.memory_space<vmem>>, vector<16xi32>,
      %swap3A_3015 = vector.shape_cast %swap3A_3014 : vector<16xi32> to vector<16xi32>
      %swap3A_3016 = vector.shape_cast %add3A_3012 : vector<16xi32> to vector<16xi32>
      tpu.vector_store %arg8[%swap3A_3013], %swap3A_3016 {strides = array<i32>} : memref<128xi32, #tpu.memory_space<vmem>>, vector<16xi32>,
      %get3A_3017 = arith.constant 14 : i32
      %get3A_3018 = arith.index_cast %get3A_3017 : i32 to index
      %get3A_3019 = arith.constant 32 : index
      %get3A_3020 = tpu.vector_load %arg7[%get3A_3018, %get3A_3019] {strides = array<i32>} : memref<16x64xi32, #tpu.memory_space<vmem>>, vector<1x16xi32>,
      %get3A_3021 = vector.shape_cast %get3A_3020 : vector<1x16xi32> to vector<16xi32>
      %sub3A_3022 = vector.broadcast %mul3A_0 : i32 to vector<16xi32>
      %sub3A_3023 = arith.subi %get3A_3021, %sub3A_3022 : vector<16xi32>
      %ge3A_3024 = arith.constant 0 : i32
      %ge3A_3025 = vector.broadcast %ge3A_3024 : i32 to vector<16xi32>
      %ge3A_3026 = arith.cmpi sge, %sub3A_3023, %ge3A_3025 : vector<16xi32>
      %lt3A_3027 = arith.constant 5000 : i32
      %lt3A_3028 = vector.broadcast %lt3A_3027 : i32 to vector<16xi32>
      %lt3A_3029 = arith.cmpi slt, %sub3A_3023, %lt3A_3028 : vector<16xi32>
      %and3A_3030 = arith.andi %ge3A_3026, %lt3A_3029 : vector<16xi1>
      %jit3A_3031 = arith.constant 5000 : i32
      %broadcast_in_dim3A_3032 = vector.broadcast %jit3A_3031 : i32 to vector<16xi32>
      %select_n3A_3033 = arith.select %and3A_3030, %sub3A_3023, %broadcast_in_dim3A_3032 : vector<16xi1>, vector<16xi32>
      %mul3A_3034 = arith.constant 2 : i32
      %mul3A_3035 = vector.broadcast %mul3A_3034 : i32 to vector<16xi32>
      %mul3A_3036 = arith.muli %select_n3A_3033, %mul3A_3035 : vector<16xi32>
      %swap3A_3037 = arith.constant 32 : index
      %swap3A_3038 = tpu.vector_load %arg9[%swap3A_3037] {strides = array<i32>} : memref<128xi32, #tpu.memory_space<vmem>>, vector<16xi32>,
      %swap3A_3039 = vector.shape_cast %swap3A_3038 : vector<16xi32> to vector<16xi32>
      %swap3A_3040 = vector.shape_cast %mul3A_3036 : vector<16xi32> to vector<16xi32>
      tpu.vector_store %arg9[%swap3A_3037], %swap3A_3040 {strides = array<i32>} : memref<128xi32, #tpu.memory_space<vmem>>, vector<16xi32>,
      %add3A_3041 = arith.constant 1 : i32
      %add3A_3042 = vector.broadcast %add3A_3041 : i32 to vector<16xi32>
      %add3A_3043 = arith.addi %mul3A_3036, %add3A_3042 : vector<16xi32>
      %swap3A_3044 = arith.constant 96 : index
      %swap3A_3045 = tpu.vector_load %arg9[%swap3A_3044] {strides = array<i32>} : memref<128xi32, #tpu.memory_space<vmem>>, vector<16xi32>,
      %swap3A_3046 = vector.shape_cast %swap3A_3045 : vector<16xi32> to vector<16xi32>
      %swap3A_3047 = vector.shape_cast %add3A_3043 : vector<16xi32> to vector<16xi32>
      tpu.vector_store %arg9[%swap3A_3044], %swap3A_3047 {strides = array<i32>} : memref<128xi32, #tpu.memory_space<vmem>>, vector<16xi32>,
      %get3A_3048 = arith.constant 14 : i32
      %get3A_3049 = arith.index_cast %get3A_3048 : i32 to index
      %get3A_3050 = arith.constant 48 : index
      %get3A_3051 = tpu.vector_load %arg6[%get3A_3049, %get3A_3050] {strides = array<i32>} : memref<16x64xi32, #tpu.memory_space<vmem>>, vector<1x16xi32>,
      %get3A_3052 = vector.shape_cast %get3A_3051 : vector<1x16xi32> to vector<16xi32>
      %mul3A_3053 = arith.constant 2 : i32
      %mul3A_3054 = vector.broadcast %mul3A_3053 : i32 to vector<16xi32>
      %mul3A_3055 = arith.muli %get3A_3052, %mul3A_3054 : vector<16xi32>
      %swap3A_3056 = arith.constant 48 : index
      %swap3A_3057 = tpu.vector_load %arg8[%swap3A_3056] {strides = array<i32>} : memref<128xi32, #tpu.memory_space<vmem>>, vector<16xi32>,
      %swap3A_3058 = vector.shape_cast %swap3A_3057 : vector<16xi32> to vector<16xi32>
      %swap3A_3059 = vector.shape_cast %mul3A_3055 : vector<16xi32> to vector<16xi32>
      tpu.vector_store %arg8[%swap3A_3056], %swap3A_3059 {strides = array<i32>} : memref<128xi32, #tpu.memory_space<vmem>>, vector<16xi32>,
      %add3A_3060 = arith.constant 1 : i32
      %add3A_3061 = vector.broadcast %add3A_3060 : i32 to vector<16xi32>
      %add3A_3062 = arith.addi %mul3A_3055, %add3A_3061 : vector<16xi32>
      %swap3A_3063 = arith.constant 112 : index
      %swap3A_3064 = tpu.vector_load %arg8[%swap3A_3063] {strides = array<i32>} : memref<128xi32, #tpu.memory_space<vmem>>, vector<16xi32>,
      %swap3A_3065 = vector.shape_cast %swap3A_3064 : vector<16xi32> to vector<16xi32>
      %swap3A_3066 = vector.shape_cast %add3A_3062 : vector<16xi32> to vector<16xi32>
      tpu.vector_store %arg8[%swap3A_3063], %swap3A_3066 {strides = array<i32>} : memref<128xi32, #tpu.memory_space<vmem>>, vector<16xi32>,
      %get3A_3067 = arith.constant 14 : i32
      %get3A_3068 = arith.index_cast %get3A_3067 : i32 to index
      %get3A_3069 = arith.constant 48 : index
      %get3A_3070 = tpu.vector_load %arg7[%get3A_3068, %get3A_3069] {strides = array<i32>} : memref<16x64xi32, #tpu.memory_space<vmem>>, vector<1x16xi32>,
      %get3A_3071 = vector.shape_cast %get3A_3070 : vector<1x16xi32> to vector<16xi32>
      %sub3A_3072 = vector.broadcast %mul3A_0 : i32 to vector<16xi32>
      %sub3A_3073 = arith.subi %get3A_3071, %sub3A_3072 : vector<16xi32>
      %ge3A_3074 = arith.constant 0 : i32
      %ge3A_3075 = vector.broadcast %ge3A_3074 : i32 to vector<16xi32>
      %ge3A_3076 = arith.cmpi sge, %sub3A_3073, %ge3A_3075 : vector<16xi32>
      %lt3A_3077 = arith.constant 5000 : i32
      %lt3A_3078 = vector.broadcast %lt3A_3077 : i32 to vector<16xi32>
      %lt3A_3079 = arith.cmpi slt, %sub3A_3073, %lt3A_3078 : vector<16xi32>
      %and3A_3080 = arith.andi %ge3A_3076, %lt3A_3079 : vector<16xi1>
      %jit3A_3081 = arith.constant 5000 : i32
      %broadcast_in_dim3A_3082 = vector.broadcast %jit3A_3081 : i32 to vector<16xi32>
      %select_n3A_3083 = arith.select %and3A_3080, %sub3A_3073, %broadcast_in_dim3A_3082 : vector<16xi1>, vector<16xi32>
      %mul3A_3084 = arith.constant 2 : i32
      %mul3A_3085 = vector.broadcast %mul3A_3084 : i32 to vector<16xi32>
      %mul3A_3086 = arith.muli %select_n3A_3083, %mul3A_3085 : vector<16xi32>
      %swap3A_3087 = arith.constant 48 : index
      %swap3A_3088 = tpu.vector_load %arg9[%swap3A_3087] {strides = array<i32>} : memref<128xi32, #tpu.memory_space<vmem>>, vector<16xi32>,
      %swap3A_3089 = vector.shape_cast %swap3A_3088 : vector<16xi32> to vector<16xi32>
      %swap3A_3090 = vector.shape_cast %mul3A_3086 : vector<16xi32> to vector<16xi32>
      tpu.vector_store %arg9[%swap3A_3087], %swap3A_3090 {strides = array<i32>} : memref<128xi32, #tpu.memory_space<vmem>>, vector<16xi32>,
      %add3A_3091 = arith.constant 1 : i32
      %add3A_3092 = vector.broadcast %add3A_3091 : i32 to vector<16xi32>
      %add3A_3093 = arith.addi %mul3A_3086, %add3A_3092 : vector<16xi32>
      %swap3A_3094 = arith.constant 112 : index
      %swap3A_3095 = tpu.vector_load %arg9[%swap3A_3094] {strides = array<i32>} : memref<128xi32, #tpu.memory_space<vmem>>, vector<16xi32>,
      %swap3A_3096 = vector.shape_cast %swap3A_3095 : vector<16xi32> to vector<16xi32>
      %swap3A_3097 = vector.shape_cast %add3A_3093 : vector<16xi32> to vector<16xi32>
      tpu.vector_store %arg9[%swap3A_3094], %swap3A_3097 {strides = array<i32>} : memref<128xi32, #tpu.memory_space<vmem>>, vector<16xi32>,
      %dma_start3A_3098 = arith.constant 0 : i32
      %dma_start3A_3099 = arith.constant 0 : i32
      %dma_start3A_3100 = tpu.memref_slice %arg2[%dma_start3A_3098, %dma_start3A_3099] : memref<20480x128xf32, #tpu.memory_space<hbm>> -> memref<20480x128xf32, #tpu.memory_space<hbm>>
      tpu.enqueue_indirect_dma source(%dma_start3A_3100 : memref<20480x128xf32, #tpu.memory_space<hbm>>) target(%arg12 : memref<128x128xf32, #tpu.memory_space<vmem>>) offsets(%arg8 : memref<128xi32, #tpu.memory_space<vmem>>) semaphore(%arg14 : memref<!tpu.dma_semaphore, #tpu.memory_space<semaphore_mem>>)
      %dma_wait3A_3101 = arith.constant 0 : i32
      %dma_wait3A_3102 = arith.constant 0 : i32
      %dma_wait3A_3103 = tpu.memref_slice %arg2[%dma_wait3A_3101, %dma_wait3A_3102] : memref<20480x128xf32, #tpu.memory_space<hbm>> -> memref<20480x128xf32, #tpu.memory_space<hbm>>
      tpu.wait_indirect_dma semaphore(%arg15 : memref<!tpu.dma_semaphore, #tpu.memory_space<semaphore_mem>>) src(%dma_wait3A_3103 : memref<20480x128xf32, #tpu.memory_space<hbm>>) dst(%arg13 : memref<128x128xf32, #tpu.memory_space<vmem>>)
      "tpu.region"() ({
        %run_scoped3A = tpu.sem_alloc : memref<!tpu.dma_semaphore, #tpu.memory_space<semaphore_mem>>
        %dma_start3A_3313 = arith.constant 0 : i32
        %dma_start3A_3314 = arith.constant 0 : i32
        %dma_start3A_3315 = tpu.memref_slice %arg18[%dma_start3A_3313, %dma_start3A_3314] : memref<10240x128xf32, #tpu.memory_space<vmem_shared>> -> memref<10240x128xf32, #tpu.memory_space<vmem_shared>>
        tpu.enqueue_indirect_dma source(%arg13 : memref<128x128xf32, #tpu.memory_space<vmem>>) target(%dma_start3A_3315 : memref<10240x128xf32, #tpu.memory_space<vmem_shared>>) offsets(%arg11 : memref<128xi32, #tpu.memory_space<vmem>>) semaphore(%run_scoped3A : memref<!tpu.dma_semaphore, #tpu.memory_space<semaphore_mem>>) {add = true}
        %dma_wait3A_3316 = arith.constant 0 : i32
        %dma_wait3A_3317 = arith.constant 0 : i32
        %dma_wait3A_3318 = tpu.memref_slice %arg18[%dma_wait3A_3316, %dma_wait3A_3317] : memref<10240x128xf32, #tpu.memory_space<vmem_shared>> -> memref<10240x128xf32, #tpu.memory_space<vmem_shared>>
        tpu.wait_indirect_dma semaphore(%run_scoped3A : memref<!tpu.dma_semaphore, #tpu.memory_space<semaphore_mem>>) src(%arg13 : memref<128x128xf32, #tpu.memory_space<vmem>>) dst(%dma_wait3A_3318 : memref<10240x128xf32, #tpu.memory_space<vmem_shared>>)
        tpu.yield
      }) : () -> ()
      %get3A_3104 = arith.constant 15 : i32
      %get3A_3105 = arith.index_cast %get3A_3104 : i32 to index
      %get3A_3106 = arith.constant 0 : index
      %get3A_3107 = tpu.vector_load %arg6[%get3A_3105, %get3A_3106] {strides = array<i32>} : memref<16x64xi32, #tpu.memory_space<vmem>>, vector<1x16xi32>,
      %get3A_3108 = vector.shape_cast %get3A_3107 : vector<1x16xi32> to vector<16xi32>
      %mul3A_3109 = arith.constant 2 : i32
      %mul3A_3110 = vector.broadcast %mul3A_3109 : i32 to vector<16xi32>
      %mul3A_3111 = arith.muli %get3A_3108, %mul3A_3110 : vector<16xi32>
      %swap3A_3112 = arith.constant 0 : index
      %swap3A_3113 = tpu.vector_load %arg10[%swap3A_3112] {strides = array<i32>} : memref<128xi32, #tpu.memory_space<vmem>>, vector<16xi32>,
      %swap3A_3114 = vector.shape_cast %swap3A_3113 : vector<16xi32> to vector<16xi32>
      %swap3A_3115 = vector.shape_cast %mul3A_3111 : vector<16xi32> to vector<16xi32>
      tpu.vector_store %arg10[%swap3A_3112], %swap3A_3115 {strides = array<i32>} : memref<128xi32, #tpu.memory_space<vmem>>, vector<16xi32>,
      %add3A_3116 = arith.constant 1 : i32
      %add3A_3117 = vector.broadcast %add3A_3116 : i32 to vector<16xi32>
      %add3A_3118 = arith.addi %mul3A_3111, %add3A_3117 : vector<16xi32>
      %swap3A_3119 = arith.constant 64 : index
      %swap3A_3120 = tpu.vector_load %arg10[%swap3A_3119] {strides = array<i32>} : memref<128xi32, #tpu.memory_space<vmem>>, vector<16xi32>,
      %swap3A_3121 = vector.shape_cast %swap3A_3120 : vector<16xi32> to vector<16xi32>
      %swap3A_3122 = vector.shape_cast %add3A_3118 : vector<16xi32> to vector<16xi32>
      tpu.vector_store %arg10[%swap3A_3119], %swap3A_3122 {strides = array<i32>} : memref<128xi32, #tpu.memory_space<vmem>>, vector<16xi32>,
      %get3A_3123 = arith.constant 15 : i32
      %get3A_3124 = arith.index_cast %get3A_3123 : i32 to index
      %get3A_3125 = arith.constant 0 : index
      %get3A_3126 = tpu.vector_load %arg7[%get3A_3124, %get3A_3125] {strides = array<i32>} : memref<16x64xi32, #tpu.memory_space<vmem>>, vector<1x16xi32>,
      %get3A_3127 = vector.shape_cast %get3A_3126 : vector<1x16xi32> to vector<16xi32>
      %sub3A_3128 = vector.broadcast %mul3A_0 : i32 to vector<16xi32>
      %sub3A_3129 = arith.subi %get3A_3127, %sub3A_3128 : vector<16xi32>
      %ge3A_3130 = arith.constant 0 : i32
      %ge3A_3131 = vector.broadcast %ge3A_3130 : i32 to vector<16xi32>
      %ge3A_3132 = arith.cmpi sge, %sub3A_3129, %ge3A_3131 : vector<16xi32>
      %lt3A_3133 = arith.constant 5000 : i32
      %lt3A_3134 = vector.broadcast %lt3A_3133 : i32 to vector<16xi32>
      %lt3A_3135 = arith.cmpi slt, %sub3A_3129, %lt3A_3134 : vector<16xi32>
      %and3A_3136 = arith.andi %ge3A_3132, %lt3A_3135 : vector<16xi1>
      %jit3A_3137 = arith.constant 5000 : i32
      %broadcast_in_dim3A_3138 = vector.broadcast %jit3A_3137 : i32 to vector<16xi32>
      %select_n3A_3139 = arith.select %and3A_3136, %sub3A_3129, %broadcast_in_dim3A_3138 : vector<16xi1>, vector<16xi32>
      %mul3A_3140 = arith.constant 2 : i32
      %mul3A_3141 = vector.broadcast %mul3A_3140 : i32 to vector<16xi32>
      %mul3A_3142 = arith.muli %select_n3A_3139, %mul3A_3141 : vector<16xi32>
      %swap3A_3143 = arith.constant 0 : index
      %swap3A_3144 = tpu.vector_load %arg11[%swap3A_3143] {strides = array<i32>} : memref<128xi32, #tpu.memory_space<vmem>>, vector<16xi32>,
      %swap3A_3145 = vector.shape_cast %swap3A_3144 : vector<16xi32> to vector<16xi32>
      %swap3A_3146 = vector.shape_cast %mul3A_3142 : vector<16xi32> to vector<16xi32>
      tpu.vector_store %arg11[%swap3A_3143], %swap3A_3146 {strides = array<i32>} : memref<128xi32, #tpu.memory_space<vmem>>, vector<16xi32>,
      %add3A_3147 = arith.constant 1 : i32
      %add3A_3148 = vector.broadcast %add3A_3147 : i32 to vector<16xi32>
      %add3A_3149 = arith.addi %mul3A_3142, %add3A_3148 : vector<16xi32>
      %swap3A_3150 = arith.constant 64 : index
      %swap3A_3151 = tpu.vector_load %arg11[%swap3A_3150] {strides = array<i32>} : memref<128xi32, #tpu.memory_space<vmem>>, vector<16xi32>,
      %swap3A_3152 = vector.shape_cast %swap3A_3151 : vector<16xi32> to vector<16xi32>
      %swap3A_3153 = vector.shape_cast %add3A_3149 : vector<16xi32> to vector<16xi32>
      tpu.vector_store %arg11[%swap3A_3150], %swap3A_3153 {strides = array<i32>} : memref<128xi32, #tpu.memory_space<vmem>>, vector<16xi32>,
      %get3A_3154 = arith.constant 15 : i32
      %get3A_3155 = arith.index_cast %get3A_3154 : i32 to index
      %get3A_3156 = arith.constant 16 : index
      %get3A_3157 = tpu.vector_load %arg6[%get3A_3155, %get3A_3156] {strides = array<i32>} : memref<16x64xi32, #tpu.memory_space<vmem>>, vector<1x16xi32>,
      %get3A_3158 = vector.shape_cast %get3A_3157 : vector<1x16xi32> to vector<16xi32>
      %mul3A_3159 = arith.constant 2 : i32
      %mul3A_3160 = vector.broadcast %mul3A_3159 : i32 to vector<16xi32>
      %mul3A_3161 = arith.muli %get3A_3158, %mul3A_3160 : vector<16xi32>
      %swap3A_3162 = arith.constant 16 : index
      %swap3A_3163 = tpu.vector_load %arg10[%swap3A_3162] {strides = array<i32>} : memref<128xi32, #tpu.memory_space<vmem>>, vector<16xi32>,
      %swap3A_3164 = vector.shape_cast %swap3A_3163 : vector<16xi32> to vector<16xi32>
      %swap3A_3165 = vector.shape_cast %mul3A_3161 : vector<16xi32> to vector<16xi32>
      tpu.vector_store %arg10[%swap3A_3162], %swap3A_3165 {strides = array<i32>} : memref<128xi32, #tpu.memory_space<vmem>>, vector<16xi32>,
      %add3A_3166 = arith.constant 1 : i32
      %add3A_3167 = vector.broadcast %add3A_3166 : i32 to vector<16xi32>
      %add3A_3168 = arith.addi %mul3A_3161, %add3A_3167 : vector<16xi32>
      %swap3A_3169 = arith.constant 80 : index
      %swap3A_3170 = tpu.vector_load %arg10[%swap3A_3169] {strides = array<i32>} : memref<128xi32, #tpu.memory_space<vmem>>, vector<16xi32>,
      %swap3A_3171 = vector.shape_cast %swap3A_3170 : vector<16xi32> to vector<16xi32>
      %swap3A_3172 = vector.shape_cast %add3A_3168 : vector<16xi32> to vector<16xi32>
      tpu.vector_store %arg10[%swap3A_3169], %swap3A_3172 {strides = array<i32>} : memref<128xi32, #tpu.memory_space<vmem>>, vector<16xi32>,
      %get3A_3173 = arith.constant 15 : i32
      %get3A_3174 = arith.index_cast %get3A_3173 : i32 to index
      %get3A_3175 = arith.constant 16 : index
      %get3A_3176 = tpu.vector_load %arg7[%get3A_3174, %get3A_3175] {strides = array<i32>} : memref<16x64xi32, #tpu.memory_space<vmem>>, vector<1x16xi32>,
      %get3A_3177 = vector.shape_cast %get3A_3176 : vector<1x16xi32> to vector<16xi32>
      %sub3A_3178 = vector.broadcast %mul3A_0 : i32 to vector<16xi32>
      %sub3A_3179 = arith.subi %get3A_3177, %sub3A_3178 : vector<16xi32>
      %ge3A_3180 = arith.constant 0 : i32
      %ge3A_3181 = vector.broadcast %ge3A_3180 : i32 to vector<16xi32>
      %ge3A_3182 = arith.cmpi sge, %sub3A_3179, %ge3A_3181 : vector<16xi32>
      %lt3A_3183 = arith.constant 5000 : i32
      %lt3A_3184 = vector.broadcast %lt3A_3183 : i32 to vector<16xi32>
      %lt3A_3185 = arith.cmpi slt, %sub3A_3179, %lt3A_3184 : vector<16xi32>
      %and3A_3186 = arith.andi %ge3A_3182, %lt3A_3185 : vector<16xi1>
      %jit3A_3187 = arith.constant 5000 : i32
      %broadcast_in_dim3A_3188 = vector.broadcast %jit3A_3187 : i32 to vector<16xi32>
      %select_n3A_3189 = arith.select %and3A_3186, %sub3A_3179, %broadcast_in_dim3A_3188 : vector<16xi1>, vector<16xi32>
      %mul3A_3190 = arith.constant 2 : i32
      %mul3A_3191 = vector.broadcast %mul3A_3190 : i32 to vector<16xi32>
      %mul3A_3192 = arith.muli %select_n3A_3189, %mul3A_3191 : vector<16xi32>
      %swap3A_3193 = arith.constant 16 : index
      %swap3A_3194 = tpu.vector_load %arg11[%swap3A_3193] {strides = array<i32>} : memref<128xi32, #tpu.memory_space<vmem>>, vector<16xi32>,
      %swap3A_3195 = vector.shape_cast %swap3A_3194 : vector<16xi32> to vector<16xi32>
      %swap3A_3196 = vector.shape_cast %mul3A_3192 : vector<16xi32> to vector<16xi32>
      tpu.vector_store %arg11[%swap3A_3193], %swap3A_3196 {strides = array<i32>} : memref<128xi32, #tpu.memory_space<vmem>>, vector<16xi32>,
      %add3A_3197 = arith.constant 1 : i32
      %add3A_3198 = vector.broadcast %add3A_3197 : i32 to vector<16xi32>
      %add3A_3199 = arith.addi %mul3A_3192, %add3A_3198 : vector<16xi32>
      %swap3A_3200 = arith.constant 80 : index
      %swap3A_3201 = tpu.vector_load %arg11[%swap3A_3200] {strides = array<i32>} : memref<128xi32, #tpu.memory_space<vmem>>, vector<16xi32>,
      %swap3A_3202 = vector.shape_cast %swap3A_3201 : vector<16xi32> to vector<16xi32>
      %swap3A_3203 = vector.shape_cast %add3A_3199 : vector<16xi32> to vector<16xi32>
      tpu.vector_store %arg11[%swap3A_3200], %swap3A_3203 {strides = array<i32>} : memref<128xi32, #tpu.memory_space<vmem>>, vector<16xi32>,
      %get3A_3204 = arith.constant 15 : i32
      %get3A_3205 = arith.index_cast %get3A_3204 : i32 to index
      %get3A_3206 = arith.constant 32 : index
      %get3A_3207 = tpu.vector_load %arg6[%get3A_3205, %get3A_3206] {strides = array<i32>} : memref<16x64xi32, #tpu.memory_space<vmem>>, vector<1x16xi32>,
      %get3A_3208 = vector.shape_cast %get3A_3207 : vector<1x16xi32> to vector<16xi32>
      %mul3A_3209 = arith.constant 2 : i32
      %mul3A_3210 = vector.broadcast %mul3A_3209 : i32 to vector<16xi32>
      %mul3A_3211 = arith.muli %get3A_3208, %mul3A_3210 : vector<16xi32>
      %swap3A_3212 = arith.constant 32 : index
      %swap3A_3213 = tpu.vector_load %arg10[%swap3A_3212] {strides = array<i32>} : memref<128xi32, #tpu.memory_space<vmem>>, vector<16xi32>,
      %swap3A_3214 = vector.shape_cast %swap3A_3213 : vector<16xi32> to vector<16xi32>
      %swap3A_3215 = vector.shape_cast %mul3A_3211 : vector<16xi32> to vector<16xi32>
      tpu.vector_store %arg10[%swap3A_3212], %swap3A_3215 {strides = array<i32>} : memref<128xi32, #tpu.memory_space<vmem>>, vector<16xi32>,
      %add3A_3216 = arith.constant 1 : i32
      %add3A_3217 = vector.broadcast %add3A_3216 : i32 to vector<16xi32>
      %add3A_3218 = arith.addi %mul3A_3211, %add3A_3217 : vector<16xi32>
      %swap3A_3219 = arith.constant 96 : index
      %swap3A_3220 = tpu.vector_load %arg10[%swap3A_3219] {strides = array<i32>} : memref<128xi32, #tpu.memory_space<vmem>>, vector<16xi32>,
      %swap3A_3221 = vector.shape_cast %swap3A_3220 : vector<16xi32> to vector<16xi32>
      %swap3A_3222 = vector.shape_cast %add3A_3218 : vector<16xi32> to vector<16xi32>
      tpu.vector_store %arg10[%swap3A_3219], %swap3A_3222 {strides = array<i32>} : memref<128xi32, #tpu.memory_space<vmem>>, vector<16xi32>,
      %get3A_3223 = arith.constant 15 : i32
      %get3A_3224 = arith.index_cast %get3A_3223 : i32 to index
      %get3A_3225 = arith.constant 32 : index
      %get3A_3226 = tpu.vector_load %arg7[%get3A_3224, %get3A_3225] {strides = array<i32>} : memref<16x64xi32, #tpu.memory_space<vmem>>, vector<1x16xi32>,
      %get3A_3227 = vector.shape_cast %get3A_3226 : vector<1x16xi32> to vector<16xi32>
      %sub3A_3228 = vector.broadcast %mul3A_0 : i32 to vector<16xi32>
      %sub3A_3229 = arith.subi %get3A_3227, %sub3A_3228 : vector<16xi32>
      %ge3A_3230 = arith.constant 0 : i32
      %ge3A_3231 = vector.broadcast %ge3A_3230 : i32 to vector<16xi32>
      %ge3A_3232 = arith.cmpi sge, %sub3A_3229, %ge3A_3231 : vector<16xi32>
      %lt3A_3233 = arith.constant 5000 : i32
      %lt3A_3234 = vector.broadcast %lt3A_3233 : i32 to vector<16xi32>
      %lt3A_3235 = arith.cmpi slt, %sub3A_3229, %lt3A_3234 : vector<16xi32>
      %and3A_3236 = arith.andi %ge3A_3232, %lt3A_3235 : vector<16xi1>
      %jit3A_3237 = arith.constant 5000 : i32
      %broadcast_in_dim3A_3238 = vector.broadcast %jit3A_3237 : i32 to vector<16xi32>
      %select_n3A_3239 = arith.select %and3A_3236, %sub3A_3229, %broadcast_in_dim3A_3238 : vector<16xi1>, vector<16xi32>
      %mul3A_3240 = arith.constant 2 : i32
      %mul3A_3241 = vector.broadcast %mul3A_3240 : i32 to vector<16xi32>
      %mul3A_3242 = arith.muli %select_n3A_3239, %mul3A_3241 : vector<16xi32>
      %swap3A_3243 = arith.constant 32 : index
      %swap3A_3244 = tpu.vector_load %arg11[%swap3A_3243] {strides = array<i32>} : memref<128xi32, #tpu.memory_space<vmem>>, vector<16xi32>,
      %swap3A_3245 = vector.shape_cast %swap3A_3244 : vector<16xi32> to vector<16xi32>
      %swap3A_3246 = vector.shape_cast %mul3A_3242 : vector<16xi32> to vector<16xi32>
      tpu.vector_store %arg11[%swap3A_3243], %swap3A_3246 {strides = array<i32>} : memref<128xi32, #tpu.memory_space<vmem>>, vector<16xi32>,
      %add3A_3247 = arith.constant 1 : i32
      %add3A_3248 = vector.broadcast %add3A_3247 : i32 to vector<16xi32>
      %add3A_3249 = arith.addi %mul3A_3242, %add3A_3248 : vector<16xi32>
      %swap3A_3250 = arith.constant 96 : index
      %swap3A_3251 = tpu.vector_load %arg11[%swap3A_3250] {strides = array<i32>} : memref<128xi32, #tpu.memory_space<vmem>>, vector<16xi32>,
      %swap3A_3252 = vector.shape_cast %swap3A_3251 : vector<16xi32> to vector<16xi32>
      %swap3A_3253 = vector.shape_cast %add3A_3249 : vector<16xi32> to vector<16xi32>
      tpu.vector_store %arg11[%swap3A_3250], %swap3A_3253 {strides = array<i32>} : memref<128xi32, #tpu.memory_space<vmem>>, vector<16xi32>,
      %get3A_3254 = arith.constant 15 : i32
      %get3A_3255 = arith.index_cast %get3A_3254 : i32 to index
      %get3A_3256 = arith.constant 48 : index
      %get3A_3257 = tpu.vector_load %arg6[%get3A_3255, %get3A_3256] {strides = array<i32>} : memref<16x64xi32, #tpu.memory_space<vmem>>, vector<1x16xi32>,
      %get3A_3258 = vector.shape_cast %get3A_3257 : vector<1x16xi32> to vector<16xi32>
      %mul3A_3259 = arith.constant 2 : i32
      %mul3A_3260 = vector.broadcast %mul3A_3259 : i32 to vector<16xi32>
      %mul3A_3261 = arith.muli %get3A_3258, %mul3A_3260 : vector<16xi32>
      %swap3A_3262 = arith.constant 48 : index
      %swap3A_3263 = tpu.vector_load %arg10[%swap3A_3262] {strides = array<i32>} : memref<128xi32, #tpu.memory_space<vmem>>, vector<16xi32>,
      %swap3A_3264 = vector.shape_cast %swap3A_3263 : vector<16xi32> to vector<16xi32>
      %swap3A_3265 = vector.shape_cast %mul3A_3261 : vector<16xi32> to vector<16xi32>
      tpu.vector_store %arg10[%swap3A_3262], %swap3A_3265 {strides = array<i32>} : memref<128xi32, #tpu.memory_space<vmem>>, vector<16xi32>,
      %add3A_3266 = arith.constant 1 : i32
      %add3A_3267 = vector.broadcast %add3A_3266 : i32 to vector<16xi32>
      %add3A_3268 = arith.addi %mul3A_3261, %add3A_3267 : vector<16xi32>
      %swap3A_3269 = arith.constant 112 : index
      %swap3A_3270 = tpu.vector_load %arg10[%swap3A_3269] {strides = array<i32>} : memref<128xi32, #tpu.memory_space<vmem>>, vector<16xi32>,
      %swap3A_3271 = vector.shape_cast %swap3A_3270 : vector<16xi32> to vector<16xi32>
      %swap3A_3272 = vector.shape_cast %add3A_3268 : vector<16xi32> to vector<16xi32>
      tpu.vector_store %arg10[%swap3A_3269], %swap3A_3272 {strides = array<i32>} : memref<128xi32, #tpu.memory_space<vmem>>, vector<16xi32>,
      %get3A_3273 = arith.constant 15 : i32
      %get3A_3274 = arith.index_cast %get3A_3273 : i32 to index
      %get3A_3275 = arith.constant 48 : index
      %get3A_3276 = tpu.vector_load %arg7[%get3A_3274, %get3A_3275] {strides = array<i32>} : memref<16x64xi32, #tpu.memory_space<vmem>>, vector<1x16xi32>,
      %get3A_3277 = vector.shape_cast %get3A_3276 : vector<1x16xi32> to vector<16xi32>
      %sub3A_3278 = vector.broadcast %mul3A_0 : i32 to vector<16xi32>
      %sub3A_3279 = arith.subi %get3A_3277, %sub3A_3278 : vector<16xi32>
      %ge3A_3280 = arith.constant 0 : i32
      %ge3A_3281 = vector.broadcast %ge3A_3280 : i32 to vector<16xi32>
      %ge3A_3282 = arith.cmpi sge, %sub3A_3279, %ge3A_3281 : vector<16xi32>
      %lt3A_3283 = arith.constant 5000 : i32
      %lt3A_3284 = vector.broadcast %lt3A_3283 : i32 to vector<16xi32>
      %lt3A_3285 = arith.cmpi slt, %sub3A_3279, %lt3A_3284 : vector<16xi32>
      %and3A_3286 = arith.andi %ge3A_3282, %lt3A_3285 : vector<16xi1>
      %jit3A_3287 = arith.constant 5000 : i32
      %broadcast_in_dim3A_3288 = vector.broadcast %jit3A_3287 : i32 to vector<16xi32>
      %select_n3A_3289 = arith.select %and3A_3286, %sub3A_3279, %broadcast_in_dim3A_3288 : vector<16xi1>, vector<16xi32>
      %mul3A_3290 = arith.constant 2 : i32
      %mul3A_3291 = vector.broadcast %mul3A_3290 : i32 to vector<16xi32>
      %mul3A_3292 = arith.muli %select_n3A_3289, %mul3A_3291 : vector<16xi32>
      %swap3A_3293 = arith.constant 48 : index
      %swap3A_3294 = tpu.vector_load %arg11[%swap3A_3293] {strides = array<i32>} : memref<128xi32, #tpu.memory_space<vmem>>, vector<16xi32>,
      %swap3A_3295 = vector.shape_cast %swap3A_3294 : vector<16xi32> to vector<16xi32>
      %swap3A_3296 = vector.shape_cast %mul3A_3292 : vector<16xi32> to vector<16xi32>
      tpu.vector_store %arg11[%swap3A_3293], %swap3A_3296 {strides = array<i32>} : memref<128xi32, #tpu.memory_space<vmem>>, vector<16xi32>,
      %add3A_3297 = arith.constant 1 : i32
      %add3A_3298 = vector.broadcast %add3A_3297 : i32 to vector<16xi32>
      %add3A_3299 = arith.addi %mul3A_3292, %add3A_3298 : vector<16xi32>
      %swap3A_3300 = arith.constant 112 : index
      %swap3A_3301 = tpu.vector_load %arg11[%swap3A_3300] {strides = array<i32>} : memref<128xi32, #tpu.memory_space<vmem>>, vector<16xi32>,
      %swap3A_3302 = vector.shape_cast %swap3A_3301 : vector<16xi32> to vector<16xi32>
      %swap3A_3303 = vector.shape_cast %add3A_3299 : vector<16xi32> to vector<16xi32>
      tpu.vector_store %arg11[%swap3A_3300], %swap3A_3303 {strides = array<i32>} : memref<128xi32, #tpu.memory_space<vmem>>, vector<16xi32>,
      %dma_start3A_3304 = arith.constant 0 : i32
      %dma_start3A_3305 = arith.constant 0 : i32
      %dma_start3A_3306 = tpu.memref_slice %arg2[%dma_start3A_3304, %dma_start3A_3305] : memref<20480x128xf32, #tpu.memory_space<hbm>> -> memref<20480x128xf32, #tpu.memory_space<hbm>>
      tpu.enqueue_indirect_dma source(%dma_start3A_3306 : memref<20480x128xf32, #tpu.memory_space<hbm>>) target(%arg13 : memref<128x128xf32, #tpu.memory_space<vmem>>) offsets(%arg10 : memref<128xi32, #tpu.memory_space<vmem>>) semaphore(%arg15 : memref<!tpu.dma_semaphore, #tpu.memory_space<semaphore_mem>>)
      %dma_wait3A_3307 = arith.constant 0 : i32
      %dma_wait3A_3308 = arith.constant 0 : i32
      %dma_wait3A_3309 = tpu.memref_slice %arg2[%dma_wait3A_3307, %dma_wait3A_3308] : memref<20480x128xf32, #tpu.memory_space<hbm>> -> memref<20480x128xf32, #tpu.memory_space<hbm>>
      tpu.wait_indirect_dma semaphore(%arg14 : memref<!tpu.dma_semaphore, #tpu.memory_space<semaphore_mem>>) src(%dma_wait3A_3309 : memref<20480x128xf32, #tpu.memory_space<hbm>>) dst(%arg12 : memref<128x128xf32, #tpu.memory_space<vmem>>)
      "tpu.region"() ({
        %run_scoped3A = tpu.sem_alloc : memref<!tpu.dma_semaphore, #tpu.memory_space<semaphore_mem>>
        %dma_start3A_3313 = arith.constant 0 : i32
        %dma_start3A_3314 = arith.constant 0 : i32
        %dma_start3A_3315 = tpu.memref_slice %arg18[%dma_start3A_3313, %dma_start3A_3314] : memref<10240x128xf32, #tpu.memory_space<vmem_shared>> -> memref<10240x128xf32, #tpu.memory_space<vmem_shared>>
        tpu.enqueue_indirect_dma source(%arg12 : memref<128x128xf32, #tpu.memory_space<vmem>>) target(%dma_start3A_3315 : memref<10240x128xf32, #tpu.memory_space<vmem_shared>>) offsets(%arg9 : memref<128xi32, #tpu.memory_space<vmem>>) semaphore(%run_scoped3A : memref<!tpu.dma_semaphore, #tpu.memory_space<semaphore_mem>>) {add = true}
        %dma_wait3A_3316 = arith.constant 0 : i32
        %dma_wait3A_3317 = arith.constant 0 : i32
        %dma_wait3A_3318 = tpu.memref_slice %arg18[%dma_wait3A_3316, %dma_wait3A_3317] : memref<10240x128xf32, #tpu.memory_space<vmem_shared>> -> memref<10240x128xf32, #tpu.memory_space<vmem_shared>>
        tpu.wait_indirect_dma semaphore(%run_scoped3A : memref<!tpu.dma_semaphore, #tpu.memory_space<semaphore_mem>>) src(%arg12 : memref<128x128xf32, #tpu.memory_space<vmem>>) dst(%dma_wait3A_3318 : memref<10240x128xf32, #tpu.memory_space<vmem_shared>>)
        tpu.yield
      }) : () -> ()
      %dma_wait3A_3310 = arith.constant 0 : i32
      %dma_wait3A_3311 = arith.constant 0 : i32
      %dma_wait3A_3312 = tpu.memref_slice %arg2[%dma_wait3A_3310, %dma_wait3A_3311] : memref<20480x128xf32, #tpu.memory_space<hbm>> -> memref<20480x128xf32, #tpu.memory_space<hbm>>
      tpu.wait_indirect_dma semaphore(%arg15 : memref<!tpu.dma_semaphore, #tpu.memory_space<semaphore_mem>>) src(%dma_wait3A_3312 : memref<20480x128xf32, #tpu.memory_space<hbm>>) dst(%arg13 : memref<128x128xf32, #tpu.memory_space<vmem>>)
      "tpu.region"() ({
        %run_scoped3A = tpu.sem_alloc : memref<!tpu.dma_semaphore, #tpu.memory_space<semaphore_mem>>
        %dma_start3A_3313 = arith.constant 0 : i32
        %dma_start3A_3314 = arith.constant 0 : i32
        %dma_start3A_3315 = tpu.memref_slice %arg18[%dma_start3A_3313, %dma_start3A_3314] : memref<10240x128xf32, #tpu.memory_space<vmem_shared>> -> memref<10240x128xf32, #tpu.memory_space<vmem_shared>>
        tpu.enqueue_indirect_dma source(%arg13 : memref<128x128xf32, #tpu.memory_space<vmem>>) target(%dma_start3A_3315 : memref<10240x128xf32, #tpu.memory_space<vmem_shared>>) offsets(%arg11 : memref<128xi32, #tpu.memory_space<vmem>>) semaphore(%run_scoped3A : memref<!tpu.dma_semaphore, #tpu.memory_space<semaphore_mem>>) {add = true}
        %dma_wait3A_3316 = arith.constant 0 : i32
        %dma_wait3A_3317 = arith.constant 0 : i32
        %dma_wait3A_3318 = tpu.memref_slice %arg18[%dma_wait3A_3316, %dma_wait3A_3317] : memref<10240x128xf32, #tpu.memory_space<vmem_shared>> -> memref<10240x128xf32, #tpu.memory_space<vmem_shared>>
        tpu.wait_indirect_dma semaphore(%run_scoped3A : memref<!tpu.dma_semaphore, #tpu.memory_space<semaphore_mem>>) src(%arg13 : memref<128x128xf32, #tpu.memory_space<vmem>>) dst(%dma_wait3A_3318 : memref<10240x128xf32, #tpu.memory_space<vmem_shared>>)
        tpu.yield
      }) : () -> ()
    }
    %scan3A_13 = arith.constant 10 : i32
    %barrier3A_14 = arith.constant 0 : index
    tpu.barrier barrier_id(%barrier3A_14)
    %mul3A_15 = arith.constant 320 : i32
    %mul3A_16 = arith.muli %arg1, %mul3A_15 : i32
    %mul3A_17 = arith.constant 2 : i32
    %mul3A_18 = arith.muli %mul3A_16, %mul3A_17 : i32
    %mul3A_19 = arith.constant 320 : i32
    %mul3A_20 = arith.muli %arg1, %mul3A_19 : i32
    %mul3A_21 = arith.constant 2 : i32
    %mul3A_22 = arith.muli %mul3A_20, %mul3A_21 : i32
    "tpu.region"() ({
      %run_scoped3A = tpu.sem_alloc : memref<!tpu.dma_semaphore, #tpu.memory_space<semaphore_mem>>
      %dma_start3A = arith.constant 0 : i32
      %dma_start3A_23 = tpu.memref_slice %arg5[%arg0, %mul3A_22, %dma_start3A] : memref<2x10240x128xf32, #tpu.memory_space<hbm>> -> memref<1x640x128xf32, #tpu.memory_space<hbm>>
      %dma_start3A_24 = tpu.memref_squeeze %dma_start3A_23 : memref<1x640x128xf32, #tpu.memory_space<hbm>> -> memref<640x128xf32, #tpu.memory_space<hbm>>
      %dma_start3A_25 = arith.constant 0 : i32
      %dma_start3A_26 = tpu.memref_slice %arg18[%mul3A_18, %dma_start3A_25] : memref<10240x128xf32, #tpu.memory_space<vmem_shared>> -> memref<640x128xf32, #tpu.memory_space<vmem_shared>>
      tpu.enqueue_dma source(%dma_start3A_26 : memref<640x128xf32, #tpu.memory_space<vmem_shared>>) target(%dma_start3A_24 : memref<640x128xf32, #tpu.memory_space<hbm>>) target_semaphore(%run_scoped3A : memref<!tpu.dma_semaphore, #tpu.memory_space<semaphore_mem>>)
      %dma_wait3A = arith.constant 0 : i32
      %dma_wait3A_27 = tpu.memref_slice %arg5[%arg0, %mul3A_22, %dma_wait3A] : memref<2x10240x128xf32, #tpu.memory_space<hbm>> -> memref<1x640x128xf32, #tpu.memory_space<hbm>>
      %dma_wait3A_28 = tpu.memref_squeeze %dma_wait3A_27 : memref<1x640x128xf32, #tpu.memory_space<hbm>> -> memref<640x128xf32, #tpu.memory_space<hbm>>
      %dma_wait3A_29 = arith.constant 0 : i32
      %dma_wait3A_30 = tpu.memref_slice %arg18[%mul3A_18, %dma_wait3A_29] : memref<10240x128xf32, #tpu.memory_space<vmem_shared>> -> memref<640x128xf32, #tpu.memory_space<vmem_shared>>
      tpu.wait_dma2 semaphore(%run_scoped3A : memref<!tpu.dma_semaphore, #tpu.memory_space<semaphore_mem>>) src(%dma_wait3A_30 : memref<640x128xf32, #tpu.memory_space<vmem_shared>>) dst(%dma_wait3A_28 : memref<640x128xf32, #tpu.memory_space<hbm>>)
      tpu.yield
    }) : () -> ()
    return
  }
}

module attributes {stable_mosaic.version = 14 : i64} {
  func.func @_ac_body(%arg0: i32, %arg1: memref<1024x256xf32, #tpu.memory_space<vmem>>, %arg2: memref<256x256xf32, #tpu.memory_space<vmem>>, %arg3: memref<1024x1xf32, #tpu.memory_space<vmem>>, %arg4: memref<1024x256xf32, #tpu.memory_space<vmem>>, %arg5: memref<1024x1xf32, #tpu.memory_space<vmem>>) attributes {dimension_semantics = [#tpu.dimension_semantics<arbitrary>], iteration_bounds = array<i64: 10>, scalar_prefetch = 0 : i64, scratch_operands = 0 : i64, tpu.core_type = #tpu.core_type<tc>, window_params = [{transform_indices = @transform_0, window_bounds = array<i64: 1024, 256>}, {pipeline_mode = #tpu.pipeline_mode<synchronous>, transform_indices = @transform_1, window_bounds = array<i64: 256, 256>}, {transform_indices = @transform_2, window_bounds = array<i64: 1024, 1>}, {transform_indices = @transform_3, window_bounds = array<i64: 1024, 256>}, {transform_indices = @transform_4, window_bounds = array<i64: 1024, 1>}]} {
    %get3A = arith.constant 0 : index
    %get3A_0 = arith.constant 0 : index
    %get3A_1 = vector.load %arg1[%get3A, %get3A_0] : memref<1024x256xf32, #tpu.memory_space<vmem>>, vector<1024x256xf32>
    %get3A_2 = arith.constant 0 : index
    %get3A_3 = arith.constant 0 : index
    %get3A_4 = vector.load %arg2[%get3A_2, %get3A_3] : memref<256x256xf32, #tpu.memory_space<vmem>>, vector<256x256xf32>
    %dot_general3A = arith.constant dense<0.000000e+00> : vector<1024x256xf32>
    %dot_general3A_5 = tpu.matmul %get3A_1, %get3A_4, %dot_general3A {dimension_numbers = #tpu.dot_dimension_numbers<[1], [0], [0], [1], [0, 0, 1, 1], [], []>, transpose_lhs_hint = false} : vector<1024x256xf32>, vector<256x256xf32>, vector<1024x256xf32> -> vector<1024x256xf32>
    %get3A_6 = arith.constant 0 : index
    %get3A_7 = arith.constant 0 : index
    %get3A_8 = vector.load %arg3[%get3A_6, %get3A_7] : memref<1024x1xf32, #tpu.memory_space<vmem>>, vector<1024x1xf32>
    %add3A = arith.constant 1.000000e+00 : f32
    %add3A_9 = vector.broadcast %add3A : f32 to vector<1024x1xf32>
    %add3A_10 = arith.addf %add3A_9, %get3A_8 : vector<1024x1xf32>
    %rsqrt3A = math.rsqrt %add3A_10 : vector<1024x1xf32>
    %mul3A = vector.broadcast %rsqrt3A : vector<1024x1xf32> to vector<1024x256xf32>
    %mul3A_11 = arith.mulf %dot_general3A_5, %mul3A : vector<1024x256xf32>
    %swap3A = arith.constant 0 : index
    %swap3A_12 = arith.constant 0 : index
    %swap3A_13 = vector.load %arg4[%swap3A, %swap3A_12] : memref<1024x256xf32, #tpu.memory_space<vmem>>, vector<1024x256xf32>
    tpu.vector_store %arg4[%swap3A, %swap3A_12], %mul3A_11 {strides = array<i32>} : memref<1024x256xf32, #tpu.memory_space<vmem>>, vector<1024x256xf32>,
    %swap3A_14 = arith.constant 0 : index
    %swap3A_15 = arith.constant 0 : index
    %swap3A_16 = vector.load %arg5[%swap3A_14, %swap3A_15] : memref<1024x1xf32, #tpu.memory_space<vmem>>, vector<1024x1xf32>
    tpu.vector_store %arg5[%swap3A_14, %swap3A_15], %rsqrt3A {strides = array<i32>} : memref<1024x1xf32, #tpu.memory_space<vmem>>, vector<1024x1xf32>,
    return
  }
  func.func @transform_0(%arg0: i32) -> (i32, i32) {
    %c0_i32 = arith.constant 0 : i32
    %c0_i32_0 = arith.constant 0 : i32
    return %arg0, %c0_i32 : i32, i32
  }
  func.func @transform_1(%arg0: i32) -> (i32, i32) {
    %c0_i32 = arith.constant 0 : i32
    %c0_i32_0 = arith.constant 0 : i32
    %c0_i32_1 = arith.constant 0 : i32
    return %c0_i32, %c0_i32_0 : i32, i32
  }
  func.func @transform_2(%arg0: i32) -> (i32, i32) {
    %c0_i32 = arith.constant 0 : i32
    %c0_i32_0 = arith.constant 0 : i32
    return %arg0, %c0_i32 : i32, i32
  }
  func.func @transform_3(%arg0: i32) -> (i32, i32) {
    %c0_i32 = arith.constant 0 : i32
    %c0_i32_0 = arith.constant 0 : i32
    return %arg0, %c0_i32 : i32, i32
  }
  func.func @transform_4(%arg0: i32) -> (i32, i32) {
    %c0_i32 = arith.constant 0 : i32
    %c0_i32_0 = arith.constant 0 : i32
    return %arg0, %c0_i32 : i32, i32
  }
}

module attributes {stable_mosaic.version = 14 : i64} {
  func.func @_fin_body(%arg0: i32, %arg1: memref<1000x256xf32, #tpu.memory_space<vmem>>, %arg2: memref<1000x1xf32, #tpu.memory_space<vmem>>, %arg3: memref<1x256xf32, #tpu.memory_space<vmem>>, %arg4: memref<1000x256xf32, #tpu.memory_space<vmem>>) attributes {dimension_semantics = [#tpu.dimension_semantics<arbitrary>], iteration_bounds = array<i64: 10>, scalar_prefetch = 0 : i64, scratch_operands = 0 : i64, tpu.core_type = #tpu.core_type<tc>, window_params = [{transform_indices = @transform_0, window_bounds = array<i64: 1000, 256>}, {transform_indices = @transform_1, window_bounds = array<i64: 1000, 1>}, {pipeline_mode = #tpu.pipeline_mode<synchronous>, transform_indices = @transform_2, window_bounds = array<i64: 1, 256>}, {transform_indices = @transform_3, window_bounds = array<i64: 1000, 256>}]} {
    %get3A = arith.constant 0 : index
    %get3A_0 = arith.constant 0 : index
    %get3A_1 = vector.load %arg1[%get3A, %get3A_0] : memref<1000x256xf32, #tpu.memory_space<vmem>>, vector<1000x256xf32>
    %get3A_2 = arith.constant 0 : index
    %get3A_3 = arith.constant 0 : index
    %get3A_4 = vector.load %arg2[%get3A_2, %get3A_3] : memref<1000x1xf32, #tpu.memory_space<vmem>>, vector<1000x1xf32>
    %mul3A = vector.broadcast %get3A_4 : vector<1000x1xf32> to vector<1000x256xf32>
    %mul3A_5 = arith.mulf %get3A_1, %mul3A : vector<1000x256xf32>
    %get3A_6 = arith.constant 0 : index
    %get3A_7 = arith.constant 0 : index
    %get3A_8 = vector.load %arg3[%get3A_6, %get3A_7] : memref<1x256xf32, #tpu.memory_space<vmem>>, vector<1x256xf32>
    %add3A = vector.broadcast %get3A_8 : vector<1x256xf32> to vector<1000x256xf32>
    %add3A_9 = arith.addf %mul3A_5, %add3A : vector<1000x256xf32>
    %max3A = arith.constant 0.000000e+00 : f32
    %max3A_10 = vector.broadcast %max3A : f32 to vector<1000x256xf32>
    %max3A_11 = arith.maximumf %add3A_9, %max3A_10 : vector<1000x256xf32>
    %swap3A = arith.constant 0 : index
    %swap3A_12 = arith.constant 0 : index
    %swap3A_13 = vector.load %arg4[%swap3A, %swap3A_12] : memref<1000x256xf32, #tpu.memory_space<vmem>>, vector<1000x256xf32>
    tpu.vector_store %arg4[%swap3A, %swap3A_12], %max3A_11 {strides = array<i32>} : memref<1000x256xf32, #tpu.memory_space<vmem>>, vector<1000x256xf32>,
    return
  }
  func.func @transform_0(%arg0: i32) -> (i32, i32) {
    %c0_i32 = arith.constant 0 : i32
    %c0_i32_0 = arith.constant 0 : i32
    return %arg0, %c0_i32 : i32, i32
  }
  func.func @transform_1(%arg0: i32) -> (i32, i32) {
    %c0_i32 = arith.constant 0 : i32
    %c0_i32_0 = arith.constant 0 : i32
    return %arg0, %c0_i32 : i32, i32
  }
  func.func @transform_2(%arg0: i32) -> (i32, i32) {
    %c0_i32 = arith.constant 0 : i32
    %c0_i32_0 = arith.constant 0 : i32
    %c0_i32_1 = arith.constant 0 : i32
    return %c0_i32, %c0_i32_0 : i32, i32
  }
  func.func @transform_3(%arg0: i32) -> (i32, i32) {
    %c0_i32 = arith.constant 0 : i32
    %c0_i32_0 = arith.constant 0 : i32
    return %arg0, %c0_i32 : i32, i32
  }
}

</mosaic_0001>

<sc_bundles>
// kernel: kernel.6.cloned.1.call-start
scs
__scs_entry_jumppad:
0x0: {  	(pc) =	sbr.rel $0x88, $3  }
0x1: {  	(tag) =	ssettag $0x0;
	lr =	simm.s32 $0x1  }
0x2: {  	[smem:$0x3F9D] =	sst lr;
	_ =	strace $0xD0000000  }
0x3: {  	_ = 	snop  }
0x4: {  	_ = 	snop  }
0x5: {  	_ = 	snop  }
0x6: {  	_ = 	snop  }
0x7: {  	_ = 	snop  }
__scs_overlays_trampoline_lowered:
0x8: {  	[smem:$0x3FAC] =	sst s0  }
0x9: {  	[smem:$0x3FAD] =	sst s1  }
0xa: {  	[smem:$0x3FAE] =	sst s2  }
0xb: {  	[smem:$0x3FAF] =	sst s3  }
0xc: {  	[smem:$0x3FB0] =	sst s4  }
0xd: {  	[smem:$0x3FB1] =	sst s5  }
0xe: {  	[smem:$0x3FB2] =	sst s6  }
0xf: {  	[smem:$0x3FB3] =	sst s7  }
0x10: {  	[smem:$0x3FB4] =	sst s8  }
0x11: {  	[smem:$0x3FB5] =	sst s9;
	s0 =	simm.s32 @!p0 $0x0  }
0x12: {  	s1 =	sld [smem:$0x3F9B];
	s0 =	simm.s32 @p0 $0x1  }
0x13: {  	[smem:$0x3FB6] =	sst s0;
	s0 =	simm.s32 @!p1 $0x0  }
0x14: {  	s2 =	sld [smem:$0x3F9A];
	s0 =	simm.s32 @p1 $0x1  }
0x15: {  	[smem:$0x3FB7] =	sst s0;
	s0 =	simm.s32 @!p2 $0x0  }
0x16: {  	s3 =	sld [smem:$0x3FDB];
	s0 =	simm.s32 @p2 $0x1  }
0x17: {  	s4 =	simm.s32 $0x1BF5;
	[smem:$0x3FB9] =	sst s0  }
0x18: {  	s0 =	sld [smem:$0x3F9C];
	_ =	swait.ge [sflag:s4], $0x0  }
0x19: {  	s7 =	sld [smem:$0x3F9D]  }
0x1a: {  	s8 =	sadd.s32 $0xFFFFE003, lr  }
0x1b: {  	s9 =	sadd.s32 $0xFFFFFEF7, lr;
	s5 =	simm.s32 $0xFFFFFFFF;
	p2 =	slt.u32 s8, $0xFFFFF086  }
0x1c: {  	p1 =	slt.u32 s9, $0xF7A;
	s5 =	simm.s32 @!p2 $0x0  }
0x1d: {  	s5 =	simm.s32 @p1 $0x1;
	p0 =	seq.s32 s7, s2  }
0x1e: {  	s7 =	smul.u32 @!p0 $0xF7A, s2;
	p2 =	seq.s32 @!p0 s5, $0x0  }
0x1f: {  	s9 =	smul.u32 $0xF7A, s1;
	s8 =	simm.s32 @!p0 $0x1BF5;
	p2 =	por !p2, p0  }
0x20: {  	[sflag:s8] =	ssyncset.s32 @!p0 $0xFFFFF086;
	s6 =	sadd.s32 @!p0 s3, s7;
	s7 =	simm.s32 @!p0 $0x108  }
0x21: {  	s3 =	sadd.s32 s3, s9;
	s6 =	sadd.s32 @!p0 $0x88, s6;
	s7 =	simm.s32 @p2 $0x1082  }
0x22: {  	[simem:s7], [sflag:s8] =	dma.local @!p0 [hbm:s6], $0xF7A  }
0x23: {  	s9 =	sor.u32 $0xD0000000, s2;
	s6 =	simm.s32 $0x108;
	_ =	swait.ge @!p0 [sflag:s8], $0x0  }
0x24: {  	s3 =	sadd.s32 $0x88, s3;
	s6 =	simm.s32 @!p1 $0x1082;
	[sflag:s4] =	ssyncset.s32 $0xFFFFF086  }
0x25: {  	[simem:s6], [sflag:s4] =	dma.local [hbm:s3], $0xF7A  }
0x26: {  	[smem:$0x3F9D] =	sst s1;
	(tag) =	ssettag s2;
	_ =	strace s9  }
0x27: {  	s1 =	sld [smem:$0x3FAD]  }
0x28: {  	s2 =	sld [smem:$0x3FAE]  }
0x29: {  	s4 =	sld [smem:$0x3FB0]  }
0x2a: {  	p0 =	seq.s32 s5, $0x0;
	s5 =	sld [smem:$0x3FB1]  }
0x2b: {  	s6 =	sld [smem:$0x3FB2]  }
0x2c: {  	s7 =	sld [smem:$0x3FB3]  }
0x2d: {  	s3 =	simm.s32 $0x108;
	s8 =	sld [smem:$0x3FB4]  }
0x2e: {  	s3 =	simm.s32 @!p0 $0x1082;
	s9 =	sld [smem:$0x3FB5]  }
0x2f: {  	lr =	sadd.s32 s0, s3;
	s0 =	sld [smem:$0x3FAC]  }
0x30: {  	s3 =	sld [smem:$0x3FAF]  }
0x31: {  	[smem:$0x3FB8] =	sst s10  }
0x32: {  	s10 =	sld [smem:$0x3FB6];
	_ =	sdelay $0x3  }
0x33: {  	p0 =	seq.s32 s10, $0x1;
	s10 =	sld [smem:$0x3FB8];
	_ =	sdelay $0x3  }
0x34: {  	[smem:$0x3FB8] =	sst s10  }
0x35: {  	s10 =	sld [smem:$0x3FB7];
	_ =	sdelay $0x3  }
0x36: {  	p1 =	seq.s32 s10, $0x1;
	s10 =	sld [smem:$0x3FB8];
	_ =	sdelay $0x3  }
0x37: {  	[smem:$0x3FB8] =	sst s10  }
0x38: {  	s10 =	sld [smem:$0x3FB9]  }
0x39: {  	_ = 	snop;
	(pc) =	sbr.ind lr, $3  }
0x3a: {  	_ = 	snop  }
0x3b: {  	_ = 	snop  }
0x3c: {  	p2 =	seq.s32 s10, $0x1;
	s10 =	sld [smem:$0x3FB8]  }
0x3d: {  	_ =	shalt  }
0x3e: {  	_ =	shalt  }
0x3f: {  	_ =	shalt  }
0x40: {  	_ =	shalt  }
0x41: {  	_ =	shalt  }
0x42: {  	_ =	shalt  }
0x43: {  	_ =	shalt  }
0x44: {  	_ =	shalt  }
0x45: {  	_ =	shalt  }
0x46: {  	_ =	shalt  }
0x47: {  	_ =	shalt  }
0x48: {  	_ =	shalt  }
0x49: {  	_ =	shalt  }
0x4a: {  	_ =	shalt  }
0x4b: {  	_ =	shalt  }
0x4c: {  	_ =	shalt  }
0x4d: {  	_ =	shalt  }
0x4e: {  	_ =	shalt  }
0x4f: {  	_ =	shalt  }
0x50: {  	_ =	shalt  }
0x51: {  	_ =	shalt  }
0x52: {  	_ =	shalt  }
0x53: {  	_ =	shalt  }
0x54: {  	_ =	shalt  }
0x55: {  	_ =	shalt  }
0x56: {  	_ =	shalt  }
0x57: {  	_ =	shalt  }
0x58: {  	_ =	shalt  }
0x59: {  	_ =	shalt  }
0x5a: {  	_ =	shalt  }
0x5b: {  	_ =	shalt  }
0x5c: {  	_ =	shalt  }
0x5d: {  	_ =	shalt  }
0x5e: {  	_ =	shalt  }
0x5f: {  	_ =	shalt  }
0x60: {  	_ =	shalt  }
0x61: {  	_ =	shalt  }
0x62: {  	_ =	shalt  }
0x63: {  	_ =	shalt  }
0x64: {  	_ =	shalt  }
0x65: {  	_ =	shalt  }
0x66: {  	_ =	shalt  }
0x67: {  	_ =	shalt  }
0x68: {  	_ =	shalt  }
0x69: {  	_ =	shalt  }
0x6a: {  	_ =	shalt  }
0x6b: {  	_ =	shalt  }
0x6c: {  	_ =	shalt  }
0x6d: {  	_ =	shalt  }
0x6e: {  	_ =	shalt  }
0x6f: {  	_ =	shalt  }
0x70: {  	_ =	shalt  }
0x71: {  	_ =	shalt  }
0x72: {  	_ =	shalt  }
0x73: {  	_ =	shalt  }
0x74: {  	_ =	shalt  }
0x75: {  	_ =	shalt  }
0x76: {  	_ =	shalt  }
0x77: {  	_ =	shalt  }
0x78: {  	_ =	shalt  }
0x79: {  	_ =	shalt  }
0x7a: {  	_ =	shalt  }
0x7b: {  	_ =	shalt  }
0x7c: {  	_ =	shalt  }
0x7d: {  	_ =	shalt  }
0x7e: {  	_ =	shalt  }
0x7f: {  	_ =	shalt  }
0x80: {  	_ =	shalt  }
0x81: {  	_ =	shalt  }
0x82: {  	_ =	shalt  }
0x83: {  	_ =	shalt  }
0x84: {  	_ =	shalt  }
0x85: {  	_ =	shalt  }
0x86: {  	_ =	shalt  }
0x87: {  	_ =	shalt  }
.Lfunc_end0:
.L_simem_size_0:
called_computation_lowered:
.L_overlay_start_0:
0x88: {  	s2 =	sld [smem:$0x3FD9]  }
0x89: {  	s3 =	sld [smem:$0x3FFE];
	_ =	sdelay $0x1  }
0x8a: {  	s1 =	srdreg.scid  }
0x8b: {  	s0 =	sand.u32 $0x1, s1  }
0x8c: {  	s17 =	sshll.u32 s0, $0xA;
	s2 =	sadd.s32 s3, s2  }
0x8d: {  	s2 =	sadd.s32 s2, s17  }
0x8e: {  	[smem:$0x3FC4] =	sst s2  }
0x8f: {  	_ = 	snop  }
0x90: {  	s2 =	sld [smem:$0x3FD0];
	(tm) =	ssettm $0x1  }
0x91: {  	s18 =	sld [smem:$0x3FFB];
	_ =	sdelay $0x3  }
0x92: {  	_ =	strace s18  }
0x93: {  	s3 =	sld [smem:$0x3FFC];
	_ =	sdelay $0x3  }
0x94: {  	_ =	strace s3  }
0x95: {  	s3 =	sld [smem:$0x3FFD];
	_ =	sdelay $0x3  }
0x96: {  	_ =	strace s3  }
0x97: {  	_ =	strace $0x8FFFFFFF  }
0x98: {  	s19 =	sld [smem:$0x3FDB];
	_ =	sdelay $0x1  }
0x99: {  	s4 =	simm.s32 $_scs_section_size  }
0x9a: {  	s5 =	simm.s32 $_size__tile_overlayer_lowered;
	s6 =	simm.s32 $_tile_overlayer_lowered  }
0x9b: {  	s22 =	simm.s32 $0x1BFF;
	s21 =	sshll.u32 s6, $0x1;
	s3 =	sadd.s32 s4, s19  }
0x9c: {  	s7 =	simm.s32 $0x0;
	s20 =	sshll.u32 s5, $0x1;
	s5 =	sadd.s32 s21, s3  }
0x9d: {  	[timem:s7], [sflag:s22] =	dma.local [hbm:s5], s20  }
0x9e: {  	_ =	swait.ge [sflag:s22], s20  }
0x9f: {  	s4 =	ssub.s32 $0x0, s20;
	[sflag:s22] =	ssyncset.done $0x0  }
0xa0: {  	[sflag:s22] =	ssyncadd.s32 s4;
	_ =	sdelay $0x1  }
0xa1: {  	s23 =	simm.s32 $0x1B8B  }
0xa2: {  	_ =	swait.ge [sflag:s23], $0x1  }
0xa3: {  	[sflag:s23] =	ssyncset.done $0x0  }
0xa4: {  	s25 =	simm.s32 $0x1B8E;
	s24 =	sld [smem:$0x3FFE];
	[sflag:s23] =	ssyncadd.s32 $0xFFFFFFFF  }
0xa5: {  	s26 =	simm.s32 $execute0_lowered;
	[smem:$0x3FD2] =	sst s25  }
0xa6: {  	s5 =	sshll.u32 s26, $0x1;
	_ =	strace $0x80000046;
	[dreg:$0x1] =	wrdreg $0xFFFFFFFF  }
0xa7: {  	s28 =	simm.s32 $_size_execute0_lowered;
	s3 =	sadd.s32 s3, s5;
	[dreg:$0x0] =	wrdreg $0x0  }
0xa8: {  	s5 =	sshll.u32 s28, $0x1;
	[dreg:$0x2] =	wrdreg s3  }
0xa9: {  	[dreg:$0x3] =	wrdreg s5  }
0xaa: {  	[dreg:$0x4] =	wrdreg $0xC0  }
0xab: {  	_ =	task [dreg:s7], $0x5FFFF  }
0xac: {  	[dreg:$0x1] =	wrdreg $0xFFFFFFFF  }
0xad: {  	[dreg:$0x0] =	wrdreg $0x60  }
0xae: {  	[dreg:$0x2] =	wrdreg s24  }
0xaf: {  	[dreg:$0x3] =	wrdreg s2  }
0xb0: {  	[dreg:$0x4] =	wrdreg $0xE4800  }
0xb1: {  	[dreg:$0x5] =	wrdreg $0x9  }
0xb2: {  	_ =	task.clear_ibuf [dreg:s7], $0x6FFFF;
	_ =	strace $0x90000046  }
0xb3: {  	s29 =	simm.s32 $0x9;
	_ =	strace $0x80000048  }
0xb4: {  	_ =	swait.ge [sflag:s29], $0x1  }
0xb5: {  	[sflag:s29] =	ssyncadd.s32 $0xFFFFFFFF  }
0xb6: {  	_ =	strace $0x90000048  }
0xb7: {  	_ =	sfence  }
0xb8: {  	s30 =	sld [smem:$0x0];
	_ =	sdelay $0x2  }
0xb9: {  	s31 =	sshll.u32 s1, $0xD;
	s1 =	sshrl.u32 s1, $0x2  }
0xba: {  	s3 =	sand.u32 $0x4000, s31;
	s1 =	sadd.s32 s1, s30  }
0xbb: {  	s0 =	sor.u32 s3, s0;
	s1 =	sshll.u32 s1, $0x11  }
0xbc: {  	s0 =	sor.u32 s1, s0  }
0xbd: {  	s0 =	sadd.s32 $0x8F2B, s0  }
0xbe: {  	[sflag:s0] =	ssyncadd.remote.s32 $0x1  }
0xbf: {  	_ =	sfence.sel $0xFFFF  }
0xc0: {  	[dreg:$0x0] =	wrdreg $0xFFFFFFFF;
	(pc) =	sbr.abs _section_cstart, $3  }
0xc1: {  	[dreg:$0x1] =	wrdreg $0xFFFFFFFF  }
0xc2: {  	_ =	task.clear_ibuf [dreg:s7], $0x2FFFF;
	_ =	strace $0x9FFFFFFF  }
0xc3: {  	(tm) =	ssettm $0x7FFFFFFF  }
tec
execute0_lowered:
.L_overlay_start_1:
0x0: {  	(tag) =	ssettag $0x1  }
0x1: {  	s4 =	rddreg [dreg:$0x0]  }
0x2: {  	s5 =	rddreg [dreg:$0x1];
	s0 =	stileid.u32  }
0x3: {  	s1 =	srdreg.scid;
	s2 =	rddreg [dreg:$0x2]  }
0x4: {  	s3 =	simm.s32 $0x0;
	s15 =	simm.s32 $0x0;
	s6 =	smul.u32 $0x500, s0  }
0x5: {  	s7 =	sand.u32 $0x1, s1;
	s8 =	smul.u32 $0x28000, s0;
	s1 =	rddreg [dreg:$0x3]  }
0x6: {  	[smem:$0x7FF] =	sst s3;
	s11 =	smul.u32 $0xA000, s0;
	s14 =	sshll.u32 s0, $0x6  }
0x7: {  	s9 =	smul.u32 $0xA0000, s7;
	s10 =	ssub.s32 $0x2, s7;
	_ =	strace $0x80000047  }
0x8: {  	s13 =	smul.u32 $0x1388, s7;
	s12 =	sadd.s32 s6, s4;
	s26 =	sshrl.u32 s10, $0x1  }
0x9: {  	s29 =	sshrl.u32 s8, $0x2;
	s8 =	simm.s32 $0x4480;
	s28 =	ssub.s32 s10, s26  }
0xa: {  	s30 =	sadd.s32 s11, s9;
	s4 =	sadd.s32 s29, s2;
	s7 =	sadd.s32 $0xC00, s12  }
0xb: {  	s9 =	simm.s32 $0x1;
	s10 =	simm.s32 $0x80;
	s11 =	simm.s32 $0x400  }
0xc: {  	v0 =	vimm.f32 $0.0e+00;
	vm0 =	vcmask $0x300;
	s12 =	simm.s32 $0x480;
	v1 =	vmov s13;
	s13 =	sor.u32 $0x1C01, s14;
	s31 =	sshrl.u32 s30, $0x3  }
0xd: {  	v2 =	vsel vm0, $0x3F800000, v0;
	s6 =	smax.u32 s28, $0x1;
	s14 =	sshrl.u32 s4, $0x3;
	s5 =	sadd.s32 s5, s31  }
.LBB2_1:
0xe: {  	s16 =	simm.s32 $0x200;
	s17 =	simm.s32 $0x0  }
.LBB2_2:
0xf: {  	p0 =	sne.s32 s16, $0x27E00;
	[tilespmem:s17+$0x4480] =	vst v0;
	s17 =	smov.u32 s16;
	s16 =	sadd.s32 $0x200, s16  }
.Ltmp0:
0x10: {  	(pc) =	sbr.rel @p0 .LBB2_2-.Ltmp0, $2  }
0x11: {  	_ =	sdelay $0x2  }
0x12: {  	s17 =	sshra.s32 s17, $0x2  }
0x13: {  	[tilespmem:s17+$0x4480] =	vst v0  }
0x14: {  	[spmem:s4] =	stream.linear.scatter [tilespmem:s8], [sflag:$0x1], $0xA000, $0x38;
	[tilespmem:$0xF880] =	vst v63  }
0x15: {  	_ =	swait.ge [sflag:s9], $0xA000  }
0x16: {  	[sflag:s9] =	ssyncset.done $0x0  }
0x17: {  	s16 =	simm.s32 $0x200;
	s17 =	simm.s32 $0x0;
	[sflag:s9] =	ssyncadd.s32 $0xFFFF6000  }
.LBB2_4:
0x18: {  	p0 =	sne.s32 s16, $0xFE00;
	[tilespmem:s17+$0x480] =	vst v2;
	s17 =	smov.u32 s16;
	s16 =	sadd.s32 $0x200, s16  }
.Ltmp1:
0x19: {  	(pc) =	sbr.rel @p0 .LBB2_4-.Ltmp1, $2  }
0x1a: {  	_ =	sdelay $0x2  }
0x1b: {  	s17 =	sshra.s32 s17, $0x2  }
0x1c: {  	[tilespmem:s17+$0x480] =	vst v2  }
0x1d: {  	s16 =	simm.s32 $0x0;
	[bflag:$0x0] =	sbarrier.arrive $0xFFFF  }
.LBB2_6:
0x1e: {  	s17 =	sadd.s32 s16, s7  }
0x1f: {  	[tilespmem:s3], [sflag:$0x1] =	stream.linear.gather [hbm4b:s17+s3], $0x400, $0x38;
	[tilespmem:$0xF880] =	vst v63  }
0x20: {  	_ =	swait.ge [sflag:s9], $0x400  }
0x21: {  	[sflag:s9] =	ssyncset.done $0x0  }
0x22: {  	[sflag:s9] =	ssyncadd.s32 $0xFFFFFC00  }
0x23: {  	v3 =	vld [tilespmem:$0x0]  }
0x24: {  	v4 =	vld [tilespmem:$0x10]  }
0x25: {  	v5 =	vld [tilespmem:$0x20]  }
0x26: {  	v6 =	vld [tilespmem:$0x30]  }
0x27: {  	v7 =	vld [tilespmem:$0x40]  }
0x28: {  	v8 =	vld [tilespmem:$0x50];
	v3 =	vsub.s32 v3, v1  }
0x29: {  	v9 =	vld [tilespmem:$0x60];
	v4 =	vsub.s32 v4, v1;
	v3 =	vmin.u32 v3, $0x1388  }
0x2a: {  	v22 =	vld [tilespmem:$0x70];
	v21 =	vsub.s32 v5, v1;
	[tilespmem:$0x400] =	vst v3;
	v3 =	vmin.u32 v4, $0x1388  }
0x2b: {  	v23 =	vsub.s32 v6, v1;
	[tilespmem:$0x410] =	vst v3;
	v3 =	vmin.u32 v21, $0x1388  }
0x2c: {  	v24 =	vsub.s32 v7, v1;
	[tilespmem:$0x420] =	vst v3;
	v3 =	vmin.u32 v23, $0x1388  }
0x2d: {  	v25 =	vsub.s32 v8, v1;
	[tilespmem:$0x430] =	vst v3;
	v3 =	vmin.u32 v24, $0x1388  }
0x2e: {  	v26 =	vsub.s32 v9, v1;
	[tilespmem:$0x440] =	vst v3;
	v3 =	vmin.u32 v25, $0x1388  }
0x2f: {  	v27 =	vsub.s32 v22, v1;
	[tilespmem:$0x450] =	vst v3;
	v3 =	vmin.u32 v26, $0x1388  }
0x30: {  	[tilespmem:$0x460] =	vst v3;
	v3 =	vmin.u32 v27, $0x1388  }
0x31: {  	[tilespmem:$0x470] =	vst v3  }
0x32: {  	[spmem:s2] =	stream.indirect.scatter.add.f32 [tilespmem:s12], [sflag:$0x1], $0x10, s11, s10, $0xb8;
	[tilespmem:$0xF880] =	vst v63  }
0x33: {  	_ =	swait.ge [sflag:s9], $0x800  }
0x34: {  	[sflag:s9] =	ssyncset.done $0x0  }
0x35: {  	[sflag:s9] =	ssyncadd.s32 $0xFFFFF800  }
0x36: {  	v3 =	vld [tilespmem:$0x80]  }
0x37: {  	v28 =	vld [tilespmem:$0x90]  }
0x38: {  	v29 =	vld [tilespmem:$0xA0]  }
0x39: {  	v30 =	vld [tilespmem:$0xB0]  }
0x3a: {  	v31 =	vld [tilespmem:$0xC0]  }
0x3b: {  	v32 =	vld [tilespmem:$0xD0];
	v3 =	vsub.s32 v3, v1  }
0x3c: {  	v33 =	vld [tilespmem:$0xE0];
	v4 =	vsub.s32 v28, v1;
	v3 =	vmin.u32 v3, $0x1388  }
0x3d: {  	v35 =	vld [tilespmem:$0xF0];
	v34 =	vsub.s32 v29, v1;
	[tilespmem:$0x400] =	vst v3;
	v3 =	vmin.u32 v4, $0x1388  }
0x3e: {  	v36 =	vsub.s32 v30, v1;
	[tilespmem:$0x410] =	vst v3;
	v3 =	vmin.u32 v34, $0x1388  }
0x3f: {  	v37 =	vsub.s32 v31, v1;
	[tilespmem:$0x420] =	vst v3;
	v3 =	vmin.u32 v36, $0x1388  }
0x40: {  	v38 =	vsub.s32 v32, v1;
	[tilespmem:$0x430] =	vst v3;
	v3 =	vmin.u32 v37, $0x1388  }
0x41: {  	v39 =	vsub.s32 v33, v1;
	[tilespmem:$0x440] =	vst v3;
	v3 =	vmin.u32 v38, $0x1388  }
0x42: {  	v40 =	vsub.s32 v35, v1;
	[tilespmem:$0x450] =	vst v3;
	v3 =	vmin.u32 v39, $0x1388  }
0x43: {  	[tilespmem:$0x460] =	vst v3;
	v3 =	vmin.u32 v40, $0x1388  }
0x44: {  	[tilespmem:$0x470] =	vst v3  }
0x45: {  	[spmem:s2] =	stream.indirect.scatter.add.f32 [tilespmem:s12], [sflag:$0x1], $0x10, s11, s10, $0xb8;
	[tilespmem:$0xF880] =	vst v63  }
0x46: {  	_ =	swait.ge [sflag:s9], $0x800  }
0x47: {  	[sflag:s9] =	ssyncset.done $0x0  }
0x48: {  	[sflag:s9] =	ssyncadd.s32 $0xFFFFF800  }
0x49: {  	v3 =	vld [tilespmem:$0x100]  }
0x4a: {  	v41 =	vld [tilespmem:$0x110]  }
0x4b: {  	v42 =	vld [tilespmem:$0x120]  }
0x4c: {  	v43 =	vld [tilespmem:$0x130]  }
0x4d: {  	v44 =	vld [tilespmem:$0x140]  }
0x4e: {  	v45 =	vld [tilespmem:$0x150];
	v3 =	vsub.s32 v3, v1  }
0x4f: {  	v46 =	vld [tilespmem:$0x160];
	v4 =	vsub.s32 v41, v1;
	v3 =	vmin.u32 v3, $0x1388  }
0x50: {  	v48 =	vld [tilespmem:$0x170];
	v47 =	vsub.s32 v42, v1;
	[tilespmem:$0x400] =	vst v3;
	v3 =	vmin.u32 v4, $0x1388  }
0x51: {  	v49 =	vsub.s32 v43, v1;
	[tilespmem:$0x410] =	vst v3;
	v3 =	vmin.u32 v47, $0x1388  }
0x52: {  	v50 =	vsub.s32 v44, v1;
	[tilespmem:$0x420] =	vst v3;
	v3 =	vmin.u32 v49, $0x1388  }
0x53: {  	v51 =	vsub.s32 v45, v1;
	[tilespmem:$0x430] =	vst v3;
	v3 =	vmin.u32 v50, $0x1388  }
0x54: {  	v52 =	vsub.s32 v46, v1;
	[tilespmem:$0x440] =	vst v3;
	v3 =	vmin.u32 v51, $0x1388  }
0x55: {  	v53 =	vsub.s32 v48, v1;
	[tilespmem:$0x450] =	vst v3;
	v3 =	vmin.u32 v52, $0x1388  }
0x56: {  	[tilespmem:$0x460] =	vst v3;
	v3 =	vmin.u32 v53, $0x1388  }
0x57: {  	[tilespmem:$0x470] =	vst v3  }
0x58: {  	[spmem:s2] =	stream.indirect.scatter.add.f32 [tilespmem:s12], [sflag:$0x1], $0x10, s11, s10, $0xb8;
	[tilespmem:$0xF880] =	vst v63  }
0x59: {  	_ =	swait.ge [sflag:s9], $0x800  }
0x5a: {  	[sflag:s9] =	ssyncset.done $0x0  }
0x5b: {  	[sflag:s9] =	ssyncadd.s32 $0xFFFFF800  }
0x5c: {  	v3 =	vld [tilespmem:$0x180]  }
0x5d: {  	v54 =	vld [tilespmem:$0x190]  }
0x5e: {  	v55 =	vld [tilespmem:$0x1A0]  }
0x5f: {  	v56 =	vld [tilespmem:$0x1B0]  }
0x60: {  	v57 =	vld [tilespmem:$0x1C0]  }
0x61: {  	v58 =	vld [tilespmem:$0x1D0];
	v3 =	vsub.s32 v3, v1  }
0x62: {  	v59 =	vld [tilespmem:$0x1E0];
	v4 =	vsub.s32 v54, v1;
	v3 =	vmin.u32 v3, $0x1388  }
0x63: {  	v61 =	vld [tilespmem:$0x1F0];
	v60 =	vsub.s32 v55, v1;
	[tilespmem:$0x400] =	vst v3;
	v3 =	vmin.u32 v4, $0x1388  }
0x64: {  	v62 =	vsub.s32 v56, v1;
	[tilespmem:$0x410] =	vst v3;
	v3 =	vmin.u32 v60, $0x1388  }
0x65: {  	v63 =	vsub.s32 v57, v1;
	[tilespmem:$0x420] =	vst v3;
	v3 =	vmin.u32 v62, $0x1388  }
0x66: {  	v8 =	vsub.s32 v58, v1;
	[tilespmem:$0x430] =	vst v3;
	v3 =	vmin.u32 v63, $0x1388  }
0x67: {  	v10 =	vsub.s32 v59, v1;
	[tilespmem:$0x440] =	vst v3;
	v3 =	vmin.u32 v8, $0x1388  }
0x68: {  	v11 =	vsub.s32 v61, v1;
	[tilespmem:$0x450] =	vst v3;
	v3 =	vmin.u32 v10, $0x1388  }
0x69: {  	[tilespmem:$0x460] =	vst v3;
	v3 =	vmin.u32 v11, $0x1388  }
0x6a: {  	[tilespmem:$0x470] =	vst v3  }
0x6b: {  	[spmem:s2] =	stream.indirect.scatter.add.f32 [tilespmem:s12], [sflag:$0x1], $0x10, s11, s10, $0xb8;
	[tilespmem:$0xF880] =	vst v63  }
0x6c: {  	_ =	swait.ge [sflag:s9], $0x800  }
0x6d: {  	[sflag:s9] =	ssyncset.done $0x0  }
0x6e: {  	[sflag:s9] =	ssyncadd.s32 $0xFFFFF800  }
0x6f: {  	v3 =	vld [tilespmem:$0x200]  }
0x70: {  	v12 =	vld [tilespmem:$0x210]  }
0x71: {  	v13 =	vld [tilespmem:$0x220]  }
0x72: {  	v14 =	vld [tilespmem:$0x230]  }
0x73: {  	v15 =	vld [tilespmem:$0x240]  }
0x74: {  	v16 =	vld [tilespmem:$0x250];
	v3 =	vsub.s32 v3, v1  }
0x75: {  	v17 =	vld [tilespmem:$0x260];
	v4 =	vsub.s32 v12, v1;
	v3 =	vmin.u32 v3, $0x1388  }
0x76: {  	v19 =	vld [tilespmem:$0x270];
	v18 =	vsub.s32 v13, v1;
	[tilespmem:$0x400] =	vst v3;
	v3 =	vmin.u32 v4, $0x1388  }
0x77: {  	v20 =	vsub.s32 v14, v1;
	[tilespmem:$0x410] =	vst v3;
	v3 =	vmin.u32 v18, $0x1388  }
0x78: {  	v21 =	vsub.s32 v15, v1;
	[tilespmem:$0x420] =	vst v3;
	v3 =	vmin.u32 v20, $0x1388  }
0x79: {  	v22 =	vsub.s32 v16, v1;
	[tilespmem:$0x430] =	vst v3;
	v3 =	vmin.u32 v21, $0x1388  }
0x7a: {  	v23 =	vsub.s32 v17, v1;
	[tilespmem:$0x440] =	vst v3;
	v3 =	vmin.u32 v22, $0x1388  }
0x7b: {  	v24 =	vsub.s32 v19, v1;
	[tilespmem:$0x450] =	vst v3;
	v3 =	vmin.u32 v23, $0x1388  }
0x7c: {  	[tilespmem:$0x460] =	vst v3;
	v3 =	vmin.u32 v24, $0x1388  }
0x7d: {  	[tilespmem:$0x470] =	vst v3  }
0x7e: {  	[spmem:s2] =	stream.indirect.scatter.add.f32 [tilespmem:s12], [sflag:$0x1], $0x10, s11, s10, $0xb8;
	[tilespmem:$0xF880] =	vst v63  }
0x7f: {  	_ =	swait.ge [sflag:s9], $0x800  }
0x80: {  	[sflag:s9] =	ssyncset.done $0x0  }
0x81: {  	[sflag:s9] =	ssyncadd.s32 $0xFFFFF800  }
0x82: {  	v3 =	vld [tilespmem:$0x280]  }
0x83: {  	v25 =	vld [tilespmem:$0x290]  }
0x84: {  	v26 =	vld [tilespmem:$0x2A0]  }
0x85: {  	v27 =	vld [tilespmem:$0x2B0]  }
0x86: {  	v28 =	vld [tilespmem:$0x2C0]  }
0x87: {  	v29 =	vld [tilespmem:$0x2D0];
	v3 =	vsub.s32 v3, v1  }
0x88: {  	v30 =	vld [tilespmem:$0x2E0];
	v4 =	vsub.s32 v25, v1;
	v3 =	vmin.u32 v3, $0x1388  }
0x89: {  	v32 =	vld [tilespmem:$0x2F0];
	v31 =	vsub.s32 v26, v1;
	[tilespmem:$0x400] =	vst v3;
	v3 =	vmin.u32 v4, $0x1388  }
0x8a: {  	v33 =	vsub.s32 v27, v1;
	[tilespmem:$0x410] =	vst v3;
	v3 =	vmin.u32 v31, $0x1388  }
0x8b: {  	v34 =	vsub.s32 v28, v1;
	[tilespmem:$0x420] =	vst v3;
	v3 =	vmin.u32 v33, $0x1388  }
0x8c: {  	v35 =	vsub.s32 v29, v1;
	[tilespmem:$0x430] =	vst v3;
	v3 =	vmin.u32 v34, $0x1388  }
0x8d: {  	v36 =	vsub.s32 v30, v1;
	[tilespmem:$0x440] =	vst v3;
	v3 =	vmin.u32 v35, $0x1388  }
0x8e: {  	v37 =	vsub.s32 v32, v1;
	[tilespmem:$0x450] =	vst v3;
	v3 =	vmin.u32 v36, $0x1388  }
0x8f: {  	[tilespmem:$0x460] =	vst v3;
	v3 =	vmin.u32 v37, $0x1388  }
0x90: {  	[tilespmem:$0x470] =	vst v3  }
0x91: {  	[spmem:s2] =	stream.indirect.scatter.add.f32 [tilespmem:s12], [sflag:$0x1], $0x10, s11, s10, $0xb8;
	[tilespmem:$0xF880] =	vst v63  }
0x92: {  	_ =	swait.ge [sflag:s9], $0x800  }
0x93: {  	[sflag:s9] =	ssyncset.done $0x0  }
0x94: {  	[sflag:s9] =	ssyncadd.s32 $0xFFFFF800  }
0x95: {  	v3 =	vld [tilespmem:$0x300]  }
0x96: {  	v38 =	vld [tilespmem:$0x310]  }
0x97: {  	v39 =	vld [tilespmem:$0x320]  }
0x98: {  	v40 =	vld [tilespmem:$0x330]  }
0x99: {  	v41 =	vld [tilespmem:$0x340]  }
0x9a: {  	v42 =	vld [tilespmem:$0x350];
	v3 =	vsub.s32 v3, v1  }
0x9b: {  	v43 =	vld [tilespmem:$0x360];
	v4 =	vsub.s32 v38, v1;
	v3 =	vmin.u32 v3, $0x1388  }
0x9c: {  	v45 =	vld [tilespmem:$0x370];
	v44 =	vsub.s32 v39, v1;
	[tilespmem:$0x400] =	vst v3;
	v3 =	vmin.u32 v4, $0x1388  }
0x9d: {  	v46 =	vsub.s32 v40, v1;
	[tilespmem:$0x410] =	vst v3;
	v3 =	vmin.u32 v44, $0x1388  }
0x9e: {  	v47 =	vsub.s32 v41, v1;
	[tilespmem:$0x420] =	vst v3;
	v3 =	vmin.u32 v46, $0x1388  }
0x9f: {  	v48 =	vsub.s32 v42, v1;
	[tilespmem:$0x430] =	vst v3;
	v3 =	vmin.u32 v47, $0x1388  }
0xa0: {  	v49 =	vsub.s32 v43, v1;
	[tilespmem:$0x440] =	vst v3;
	v3 =	vmin.u32 v48, $0x1388  }
0xa1: {  	v50 =	vsub.s32 v45, v1;
	[tilespmem:$0x450] =	vst v3;
	v3 =	vmin.u32 v49, $0x1388  }
0xa2: {  	[tilespmem:$0x460] =	vst v3;
	v3 =	vmin.u32 v50, $0x1388  }
0xa3: {  	[tilespmem:$0x470] =	vst v3  }
0xa4: {  	[spmem:s2] =	stream.indirect.scatter.add.f32 [tilespmem:s12], [sflag:$0x1], $0x10, s11, s10, $0xb8;
	[tilespmem:$0xF880] =	vst v63  }
0xa5: {  	_ =	swait.ge [sflag:s9], $0x800  }
0xa6: {  	[sflag:s9] =	ssyncset.done $0x0  }
0xa7: {  	[sflag:s9] =	ssyncadd.s32 $0xFFFFF800  }
0xa8: {  	v3 =	vld [tilespmem:$0x380]  }
0xa9: {  	v51 =	vld [tilespmem:$0x390]  }
0xaa: {  	v52 =	vld [tilespmem:$0x3A0]  }
0xab: {  	v53 =	vld [tilespmem:$0x3B0]  }
0xac: {  	v54 =	vld [tilespmem:$0x3C0]  }
0xad: {  	v55 =	vld [tilespmem:$0x3D0];
	v3 =	vsub.s32 v3, v1  }
0xae: {  	v56 =	vld [tilespmem:$0x3E0];
	v4 =	vsub.s32 v51, v1;
	v3 =	vmin.u32 v3, $0x1388  }
0xaf: {  	v58 =	vld [tilespmem:$0x3F0];
	v57 =	vsub.s32 v52, v1;
	[tilespmem:$0x400] =	vst v3;
	v3 =	vmin.u32 v4, $0x1388  }
0xb0: {  	v59 =	vsub.s32 v53, v1;
	[tilespmem:$0x410] =	vst v3;
	v3 =	vmin.u32 v57, $0x1388  }
0xb1: {  	v60 =	vsub.s32 v54, v1;
	[tilespmem:$0x420] =	vst v3;
	v3 =	vmin.u32 v59, $0x1388  }
0xb2: {  	v61 =	vsub.s32 v55, v1;
	[tilespmem:$0x430] =	vst v3;
	v3 =	vmin.u32 v60, $0x1388  }
0xb3: {  	v62 =	vsub.s32 v56, v1;
	[tilespmem:$0x440] =	vst v3;
	v3 =	vmin.u32 v61, $0x1388  }
0xb4: {  	v63 =	vsub.s32 v58, v1;
	[tilespmem:$0x450] =	vst v3;
	v3 =	vmin.u32 v62, $0x1388  }
0xb5: {  	p0 =	sne.s32 s16, $0x480;
	[tilespmem:$0x460] =	vst v3;
	v3 =	vmin.u32 v63, $0x1388  }
.Ltmp2:
0xb6: {  	[tilespmem:$0x470] =	vst v3;
	(pc) =	sbr.rel @p0 .LBB2_6-.Ltmp2, $4  }
0xb7: {  	[spmem:s2] =	stream.indirect.scatter.add.f32 [tilespmem:s12], [sflag:$0x1], $0x10, s11, s10, $0xb8;
	[tilespmem:$0xF880] =	vst v63  }
0xb8: {  	_ =	swait.ge [sflag:s9], $0x800  }
0xb9: {  	[sflag:s9] =	ssyncset.done $0x0  }
0xba: {  	s16 =	sadd.s32 $0x80, s16;
	[sflag:s9] =	ssyncadd.s32 $0xFFFFF800  }
0xbb: {  	s15 =	sadd.s32 $0x1, s15  }
0xbc: {  	p0 =	sne.s32 s15, s6  }
.Ltmp3:
0xbd: {  	[bflag:$0x0] =	sbarrier.arrive $0xFFFF;
	(pc) =	sbr.rel @p0 .LBB2_1-.Ltmp3, $4  }
0xbe: {  	[hbm:s5], [sflag:s13] =	dma.local [spmem:s14], $0x1400  }
0xbf: {  	_ =	swait.ge [sflag:s9], $0x1400  }
0xc0: {  	[sflag:s9] =	ssyncset.done $0x0  }
0xc1: {  	[sflag:s9] =	ssyncadd.s32 $0xFFFFEC00  }
0xc2: {  	_ =	sfence.sel $0x180000  }
0xc3: {  	[bflag:$0x0] =	sbarrier.arrive $0xFFFF  }
0xc4: {  	p0 =	sne.s32 s0, $0x0;
	_ =	strace $0x90000047  }
0xc5: {  	s0 =	sadd.s32 @!p0 $0x100000, s1;
	[bflag:$0x2] =	sbarrier.arrive $0xFFFF  }
0xc6: {  	[sflag:s0] =	ssyncadd.tile.s32 @!p0 $0x1;
	_ =	shalt  }
.Lfunc_end2:
_tile_overlayer_lowered:
.L_overlay_start_2:
0xc7: {  	(tag) =	ssettag $0x2  }
0xc8: {  	s0 =	rddreg [dreg:$0x0];
	s2 =	stileid.u32  }
0xc9: {  	s1 =	rddreg [dreg:$0x1];
	p0 =	sne.s32 s2, $0x0  }
0xca: {  	s3 =	rddreg [dreg:$0x2];
	[bflag:$0x3] =	sbarrier.arrive $0xFFFF;
	s2 =	simm.s32 @!p0 $0x1C01  }
0xcb: {  	[timem:s3], [sflag:s2] =	dma.local @!p0 [hbm:s0], s1  }
0xcc: {  	s0 =	simm.s32 @!p0 $0x1  }
0xcd: {  	_ =	swait.ge @!p0 [sflag:s0], s1  }
0xce: {  	s1 =	ssub.s32 @!p0 $0x0, s1;
	[sflag:s0] =	ssyncset.done @!p0 $0x0  }
0xcf: {  	[sflag:s0] =	ssyncadd.s32 @!p0 s1  }
0xd0: {  	[bflag:$0x3] =	sbarrier.arrive $0xFFFF  }
0xd1: {  	_ =	shalt  }

// kernel: kernel.9.cloned.1.call-start
scs
__scs_entry_jumppad:
0x0: {  	(pc) =	sbr.rel $0x88, $3  }
0x1: {  	(tag) =	ssettag $0x0;
	lr =	simm.s32 $0x1  }
0x2: {  	[smem:$0x3F9D] =	sst lr;
	_ =	strace $0xD0000000  }
0x3: {  	_ = 	snop  }
0x4: {  	_ = 	snop  }
0x5: {  	_ = 	snop  }
0x6: {  	_ = 	snop  }
0x7: {  	_ = 	snop  }
__scs_overlays_trampoline_lowered:
0x8: {  	[smem:$0x3FAC] =	sst s0  }
0x9: {  	[smem:$0x3FAD] =	sst s1  }
0xa: {  	[smem:$0x3FAE] =	sst s2  }
0xb: {  	[smem:$0x3FAF] =	sst s3  }
0xc: {  	[smem:$0x3FB0] =	sst s4  }
0xd: {  	[smem:$0x3FB1] =	sst s5  }
0xe: {  	[smem:$0x3FB2] =	sst s6  }
0xf: {  	[smem:$0x3FB3] =	sst s7  }
0x10: {  	[smem:$0x3FB4] =	sst s8  }
0x11: {  	[smem:$0x3FB5] =	sst s9;
	s0 =	simm.s32 @!p0 $0x0  }
0x12: {  	s1 =	sld [smem:$0x3F9B];
	s0 =	simm.s32 @p0 $0x1  }
0x13: {  	[smem:$0x3FB6] =	sst s0;
	s0 =	simm.s32 @!p1 $0x0  }
0x14: {  	s2 =	sld [smem:$0x3F9A];
	s0 =	simm.s32 @p1 $0x1  }
0x15: {  	[smem:$0x3FB7] =	sst s0;
	s0 =	simm.s32 @!p2 $0x0  }
0x16: {  	s3 =	sld [smem:$0x3FDB];
	s0 =	simm.s32 @p2 $0x1  }
0x17: {  	s4 =	simm.s32 $0x1BF5;
	[smem:$0x3FB9] =	sst s0  }
0x18: {  	s0 =	sld [smem:$0x3F9C];
	_ =	swait.ge [sflag:s4], $0x0  }
0x19: {  	s7 =	sld [smem:$0x3F9D]  }
0x1a: {  	s8 =	sadd.s32 $0xFFFFE003, lr  }
0x1b: {  	s9 =	sadd.s32 $0xFFFFFEF7, lr;
	s5 =	simm.s32 $0xFFFFFFFF;
	p2 =	slt.u32 s8, $0xFFFFF086  }
0x1c: {  	p1 =	slt.u32 s9, $0xF7A;
	s5 =	simm.s32 @!p2 $0x0  }
0x1d: {  	s5 =	simm.s32 @p1 $0x1;
	p0 =	seq.s32 s7, s2  }
0x1e: {  	s7 =	smul.u32 @!p0 $0xF7A, s2;
	p2 =	seq.s32 @!p0 s5, $0x0  }
0x1f: {  	s9 =	smul.u32 $0xF7A, s1;
	s8 =	simm.s32 @!p0 $0x1BF5;
	p2 =	por !p2, p0  }
0x20: {  	[sflag:s8] =	ssyncset.s32 @!p0 $0xFFFFF086;
	s6 =	sadd.s32 @!p0 s3, s7;
	s7 =	simm.s32 @!p0 $0x108  }
0x21: {  	s3 =	sadd.s32 s3, s9;
	s6 =	sadd.s32 @!p0 $0x88, s6;
	s7 =	simm.s32 @p2 $0x1082  }
0x22: {  	[simem:s7], [sflag:s8] =	dma.local @!p0 [hbm:s6], $0xF7A  }
0x23: {  	s9 =	sor.u32 $0xD0000000, s2;
	s6 =	simm.s32 $0x108;
	_ =	swait.ge @!p0 [sflag:s8], $0x0  }
0x24: {  	s3 =	sadd.s32 $0x88, s3;
	s6 =	simm.s32 @!p1 $0x1082;
	[sflag:s4] =	ssyncset.s32 $0xFFFFF086  }
0x25: {  	[simem:s6], [sflag:s4] =	dma.local [hbm:s3], $0xF7A  }
0x26: {  	[smem:$0x3F9D] =	sst s1;
	(tag) =	ssettag s2;
	_ =	strace s9  }
0x27: {  	s1 =	sld [smem:$0x3FAD]  }
0x28: {  	s2 =	sld [smem:$0x3FAE]  }
0x29: {  	s4 =	sld [smem:$0x3FB0]  }
0x2a: {  	p0 =	seq.s32 s5, $0x0;
	s5 =	sld [smem:$0x3FB1]  }
0x2b: {  	s6 =	sld [smem:$0x3FB2]  }
0x2c: {  	s7 =	sld [smem:$0x3FB3]  }
0x2d: {  	s3 =	simm.s32 $0x108;
	s8 =	sld [smem:$0x3FB4]  }
0x2e: {  	s3 =	simm.s32 @!p0 $0x1082;
	s9 =	sld [smem:$0x3FB5]  }
0x2f: {  	lr =	sadd.s32 s0, s3;
	s0 =	sld [smem:$0x3FAC]  }
0x30: {  	s3 =	sld [smem:$0x3FAF]  }
0x31: {  	[smem:$0x3FB8] =	sst s10  }
0x32: {  	s10 =	sld [smem:$0x3FB6];
	_ =	sdelay $0x3  }
0x33: {  	p0 =	seq.s32 s10, $0x1;
	s10 =	sld [smem:$0x3FB8];
	_ =	sdelay $0x3  }
0x34: {  	[smem:$0x3FB8] =	sst s10  }
0x35: {  	s10 =	sld [smem:$0x3FB7];
	_ =	sdelay $0x3  }
0x36: {  	p1 =	seq.s32 s10, $0x1;
	s10 =	sld [smem:$0x3FB8];
	_ =	sdelay $0x3  }
0x37: {  	[smem:$0x3FB8] =	sst s10  }
0x38: {  	s10 =	sld [smem:$0x3FB9]  }
0x39: {  	_ = 	snop;
	(pc) =	sbr.ind lr, $3  }
0x3a: {  	_ = 	snop  }
0x3b: {  	_ = 	snop  }
0x3c: {  	p2 =	seq.s32 s10, $0x1;
	s10 =	sld [smem:$0x3FB8]  }
0x3d: {  	_ =	shalt  }
0x3e: {  	_ =	shalt  }
0x3f: {  	_ =	shalt  }
0x40: {  	_ =	shalt  }
0x41: {  	_ =	shalt  }
0x42: {  	_ =	shalt  }
0x43: {  	_ =	shalt  }
0x44: {  	_ =	shalt  }
0x45: {  	_ =	shalt  }
0x46: {  	_ =	shalt  }
0x47: {  	_ =	shalt  }
0x48: {  	_ =	shalt  }
0x49: {  	_ =	shalt  }
0x4a: {  	_ =	shalt  }
0x4b: {  	_ =	shalt  }
0x4c: {  	_ =	shalt  }
0x4d: {  	_ =	shalt  }
0x4e: {  	_ =	shalt  }
0x4f: {  	_ =	shalt  }
0x50: {  	_ =	shalt  }
0x51: {  	_ =	shalt  }
0x52: {  	_ =	shalt  }
0x53: {  	_ =	shalt  }
0x54: {  	_ =	shalt  }
0x55: {  	_ =	shalt  }
0x56: {  	_ =	shalt  }
0x57: {  	_ =	shalt  }
0x58: {  	_ =	shalt  }
0x59: {  	_ =	shalt  }
0x5a: {  	_ =	shalt  }
0x5b: {  	_ =	shalt  }
0x5c: {  	_ =	shalt  }
0x5d: {  	_ =	shalt  }
0x5e: {  	_ =	shalt  }
0x5f: {  	_ =	shalt  }
0x60: {  	_ =	shalt  }
0x61: {  	_ =	shalt  }
0x62: {  	_ =	shalt  }
0x63: {  	_ =	shalt  }
0x64: {  	_ =	shalt  }
0x65: {  	_ =	shalt  }
0x66: {  	_ =	shalt  }
0x67: {  	_ =	shalt  }
0x68: {  	_ =	shalt  }
0x69: {  	_ =	shalt  }
0x6a: {  	_ =	shalt  }
0x6b: {  	_ =	shalt  }
0x6c: {  	_ =	shalt  }
0x6d: {  	_ =	shalt  }
0x6e: {  	_ =	shalt  }
0x6f: {  	_ =	shalt  }
0x70: {  	_ =	shalt  }
0x71: {  	_ =	shalt  }
0x72: {  	_ =	shalt  }
0x73: {  	_ =	shalt  }
0x74: {  	_ =	shalt  }
0x75: {  	_ =	shalt  }
0x76: {  	_ =	shalt  }
0x77: {  	_ =	shalt  }
0x78: {  	_ =	shalt  }
0x79: {  	_ =	shalt  }
0x7a: {  	_ =	shalt  }
0x7b: {  	_ =	shalt  }
0x7c: {  	_ =	shalt  }
0x7d: {  	_ =	shalt  }
0x7e: {  	_ =	shalt  }
0x7f: {  	_ =	shalt  }
0x80: {  	_ =	shalt  }
0x81: {  	_ =	shalt  }
0x82: {  	_ =	shalt  }
0x83: {  	_ =	shalt  }
0x84: {  	_ =	shalt  }
0x85: {  	_ =	shalt  }
0x86: {  	_ =	shalt  }
0x87: {  	_ =	shalt  }
.Lfunc_end0:
.L_simem_size_0:
called_computation.1_lowered:
.L_overlay_start_0:
0x88: {  	s2 =	sld [smem:$0x3FD9]  }
0x89: {  	s3 =	sld [smem:$0x3FFE];
	_ =	sdelay $0x1  }
0x8a: {  	s1 =	srdreg.scid  }
0x8b: {  	s0 =	sand.u32 $0x1, s1  }
0x8c: {  	s16 =	sshll.u32 s0, $0xA;
	s2 =	sadd.s32 s3, s2  }
0x8d: {  	s2 =	sadd.s32 s2, s16  }
0x8e: {  	[smem:$0x3FC4] =	sst s2  }
0x8f: {  	_ = 	snop  }
0x90: {  	(tm) =	ssettm $0x1  }
0x91: {  	s17 =	sld [smem:$0x3FFB];
	_ =	sdelay $0x3  }
0x92: {  	_ =	strace s17  }
0x93: {  	s2 =	sld [smem:$0x3FFC];
	_ =	sdelay $0x3  }
0x94: {  	_ =	strace s2  }
0x95: {  	s2 =	sld [smem:$0x3FFD];
	_ =	sdelay $0x3  }
0x96: {  	_ =	strace s2  }
0x97: {  	_ =	strace $0x8FFFFFFF  }
0x98: {  	s18 =	sld [smem:$0x3FDB];
	_ =	sdelay $0x1  }
0x99: {  	s19 =	simm.s32 $_scs_section_size  }
0x9a: {  	s4 =	simm.s32 $_size__tile_overlayer_lowered;
	s5 =	simm.s32 $_tile_overlayer_lowered  }
0x9b: {  	s22 =	simm.s32 $0x1BFF;
	s21 =	sshll.u32 s5, $0x1;
	s2 =	sadd.s32 s19, s18  }
0x9c: {  	s6 =	simm.s32 $0x0;
	s20 =	sshll.u32 s4, $0x1;
	s4 =	sadd.s32 s21, s2  }
0x9d: {  	[timem:s6], [sflag:s22] =	dma.local [hbm:s4], s20  }
0x9e: {  	_ =	swait.ge [sflag:s22], s20  }
0x9f: {  	s3 =	ssub.s32 $0x0, s20;
	[sflag:s22] =	ssyncset.done $0x0  }
0xa0: {  	[sflag:s22] =	ssyncadd.s32 s3;
	_ =	sdelay $0x1  }
0xa1: {  	s23 =	simm.s32 $0x1B8B  }
0xa2: {  	_ =	swait.ge [sflag:s23], $0x1  }
0xa3: {  	[sflag:s23] =	ssyncset.done $0x0  }
0xa4: {  	s25 =	simm.s32 $0x1B8E;
	s24 =	sld [smem:$0x3FFE];
	[sflag:s23] =	ssyncadd.s32 $0xFFFFFFFF  }
0xa5: {  	s26 =	simm.s32 $execute0_lowered;
	[smem:$0x3FD2] =	sst s25  }
0xa6: {  	s4 =	sshll.u32 s26, $0x1;
	_ =	strace $0x80000049;
	[dreg:$0x1] =	wrdreg $0xFFFFFFFF  }
0xa7: {  	s28 =	simm.s32 $_size_execute0_lowered;
	s2 =	sadd.s32 s2, s4;
	[dreg:$0x0] =	wrdreg $0x0  }
0xa8: {  	s4 =	sshll.u32 s28, $0x1;
	[dreg:$0x2] =	wrdreg s2  }
0xa9: {  	[dreg:$0x3] =	wrdreg s4  }
0xaa: {  	[dreg:$0x4] =	wrdreg $0xC0  }
0xab: {  	_ =	task [dreg:s6], $0x5FFFF  }
0xac: {  	[dreg:$0x1] =	wrdreg $0xFFFFFFFF  }
0xad: {  	[dreg:$0x0] =	wrdreg $0x60  }
0xae: {  	[dreg:$0x2] =	wrdreg s24  }
0xaf: {  	[dreg:$0x3] =	wrdreg $0x92000  }
0xb0: {  	[dreg:$0x4] =	wrdreg $0x9  }
0xb1: {  	_ =	task.clear_ibuf [dreg:s6], $0x5FFFF;
	_ =	strace $0x90000049  }
0xb2: {  	s29 =	simm.s32 $0x9;
	_ =	strace $0x8000004B  }
0xb3: {  	_ =	swait.ge [sflag:s29], $0x1  }
0xb4: {  	[sflag:s29] =	ssyncadd.s32 $0xFFFFFFFF  }
0xb5: {  	_ =	strace $0x9000004B  }
0xb6: {  	_ =	sfence  }
0xb7: {  	s30 =	sld [smem:$0x0];
	_ =	sdelay $0x2  }
0xb8: {  	s31 =	sshll.u32 s1, $0xD;
	s1 =	sshrl.u32 s1, $0x2  }
0xb9: {  	s3 =	sand.u32 $0x4000, s31;
	s1 =	sadd.s32 s1, s30  }
0xba: {  	s0 =	sor.u32 s3, s0;
	s1 =	sshll.u32 s1, $0x11  }
0xbb: {  	s0 =	sor.u32 s1, s0  }
0xbc: {  	s0 =	sadd.s32 $0x8F2B, s0  }
0xbd: {  	[sflag:s0] =	ssyncadd.remote.s32 $0x1  }
0xbe: {  	_ =	sfence.sel $0xFFFF  }
0xbf: {  	[dreg:$0x0] =	wrdreg $0xFFFFFFFF;
	(pc) =	sbr.abs _section_cstart, $3  }
0xc0: {  	[dreg:$0x1] =	wrdreg $0xFFFFFFFF  }
0xc1: {  	_ =	task.clear_ibuf [dreg:s6], $0x2FFFF;
	_ =	strace $0x9FFFFFFF  }
0xc2: {  	(tm) =	ssettm $0x7FFFFFFF  }
0xc3: {  	_ =	shalt  }
tec
execute0_lowered:
.L_overlay_start_1:
0x0: {  	(tag) =	ssettag $0x1  }
0x1: {  	s5 =	rddreg [dreg:$0x0];
	s0 =	stileid.u32  }
0x2: {  	s1 =	srdreg.scid;
	s2 =	rddreg [dreg:$0x1];
	s3 =	simm.s32 $0x0  }
0x3: {  	s13 =	simm.s32 $0x800;
	s14 =	simm.s32 $0x80;
	s15 =	simm.s32 $0x1000  }
0x4: {  	s16 =	simm.s32 $0x1200;
	s17 =	simm.s32 $0x1100;
	s6 =	smul.u32 $0xA00, s0  }
0x5: {  	s18 =	simm.s32 $0x5200;
	s19 =	simm.s32 $0x1;
	s9 =	smul.u32 $0x14000, s0  }
0x6: {  	s20 =	simm.s32 $0x1080;
	s22 =	simm.s32 $0x1180;
	s24 =	smul.u32 $0x140, s0  }
0x7: {  	s7 =	sand.u32 $0x1, s1;
	s1 =	rddreg [dreg:$0x2];
	s25 =	smul.u32 $0x50000, s0  }
0x8: {  	[smem:$0x7FF] =	sst s3;
	s4 =	sadd.s32 $0x19C00, s5;
	s8 =	smul.u32 $0x140000, s7  }
0x9: {  	s31 =	sshll.u32 s0, $0x6;
	s21 =	smul.u32 $0x1388, s7;
	s7 =	ssub.s32 $0x2, s7  }
0xa: {  	_ =	strace $0x8000004A;
	s10 =	sadd.s32 s6, s5;
	s26 =	sshrl.u32 s7, $0x1  }
0xb: {  	s30 =	sshrl.u32 s25, $0x2;
	s23 =	sadd.s32 s9, s8;
	s28 =	sadd.s32 s24, s21  }
0xc: {  	s29 =	ssub.s32 s7, s26;
	s12 =	sadd.s32 s30, s2;
	s9 =	sadd.s32 $0x5C00, s10  }
0xd: {  	s10 =	sadd.s32 $0xFC00, s10;
	v0 =	vmov s21;
	s21 =	simm.s32 $0x2;
	s6 =	sshrl.u32 s23, $0x3  }
0xe: {  	s8 =	smax.u32 s29, $0x1;
	s11 =	sadd.s32 s6, s5;
	s6 =	sshll.u32 s28, $0x5  }
0xf: {  	s23 =	simm.s32 $0x0;
	s5 =	sadd.s32 s4, s6;
	s6 =	sor.u32 $0x1C03, s31  }
0x10: {  	s7 =	sadd.s32 $0x69C00, s11;
	s11 =	sshrl.u32 s12, $0x3;
	s12 =	simm.s32 $0x3  }
.LBB2_1:
0x11: {  	[spmem:s11], [sflag:s6] =	dma.local [hbm:s5], $0x2800  }
0x12: {  	_ =	swait.ge [sflag:s12], $0x2800  }
0x13: {  	[sflag:s12] =	ssyncset.done $0x0  }
0x14: {  	[sflag:s12] =	ssyncadd.s32 $0xFFFFD800  }
0x15: {  	s24 =	simm.s32 $0x0;
	[bflag:$0x0] =	sbarrier.arrive $0xFFFF  }
.LBB2_2:
0x16: {  	s25 =	sadd.s32 s24, s10  }
0x17: {  	[tilespmem:s3], [sflag:$0x3] =	stream.linear.gather [hbm4b:s25+s3], $0x800, $0x38;
	[tilespmem:$0x1D200] =	vst v63  }
0x18: {  	_ =	swait.ge [sflag:s12], $0x800  }
0x19: {  	[sflag:s12] =	ssyncset.done $0x0  }
0x1a: {  	s31 =	sadd.s32 s24, s9;
	[sflag:s12] =	ssyncadd.s32 $0xFFFFF800  }
0x1b: {  	[tilespmem:s13], [sflag:$0x3] =	stream.linear.gather [hbm4b:s31+s3], $0x800, $0x38;
	[tilespmem:$0x1D200] =	vst v63  }
0x1c: {  	_ =	swait.ge [sflag:s12], $0x800  }
0x1d: {  	[sflag:s12] =	ssyncset.done $0x0  }
0x1e: {  	[sflag:s12] =	ssyncadd.s32 $0xFFFFF800  }
0x1f: {  	v1 =	vld [tilespmem:$0x0]  }
0x20: {  	v2 =	vld [tilespmem:$0x800];
	_ =	sdelay $0x2  }
0x21: {  	v3 =	vld [tilespmem:$0x10]  }
0x22: {  	v4 =	vld [tilespmem:$0x810]  }
0x23: {  	v1 =	vshll.u32 v1, $0x1;
	v2 =	vsub.s32 v2, v0  }
0x24: {  	[tilespmem:$0x1000] =	vst v1;
	v1 =	vor.u32 $0x1, v1;
	v2 =	vmin.u32 v2, $0x1388  }
0x25: {  	v5 =	vld [tilespmem:$0x820];
	[tilespmem:$0x1040] =	vst v1;
	v1 =	vshll.u32 v2, $0x1  }
0x26: {  	v2 =	vld [tilespmem:$0x20];
	[tilespmem:$0x1080] =	vst v1;
	v1 =	vor.u32 $0x1, v1  }
0x27: {  	[tilespmem:$0x10C0] =	vst v1;
	v1 =	vshll.u32 v3, $0x1;
	v3 =	vsub.s32 v4, v0  }
0x28: {  	[tilespmem:$0x1010] =	vst v1;
	v1 =	vor.u32 $0x1, v1;
	v3 =	vmin.u32 v3, $0x1388  }
0x29: {  	v18 =	vld [tilespmem:$0x830];
	[tilespmem:$0x1050] =	vst v1;
	v1 =	vshll.u32 v3, $0x1  }
0x2a: {  	v3 =	vld [tilespmem:$0x30];
	[tilespmem:$0x1090] =	vst v1;
	v1 =	vor.u32 $0x1, v1  }
0x2b: {  	[tilespmem:$0x10D0] =	vst v1;
	v1 =	vshll.u32 v2, $0x1;
	v2 =	vsub.s32 v5, v0  }
0x2c: {  	[tilespmem:$0x1020] =	vst v1;
	v1 =	vor.u32 $0x1, v1;
	v2 =	vmin.u32 v2, $0x1388  }
0x2d: {  	[tilespmem:$0x1060] =	vst v1;
	v1 =	vshll.u32 v2, $0x1  }
0x2e: {  	[tilespmem:$0x10A0] =	vst v1;
	v1 =	vor.u32 $0x1, v1  }
0x2f: {  	v2 =	vsub.s32 v18, v0;
	[tilespmem:$0x10E0] =	vst v1;
	v1 =	vshll.u32 v3, $0x1  }
0x30: {  	v2 =	vmin.u32 v2, $0x1388;
	[tilespmem:$0x1030] =	vst v1;
	v1 =	vor.u32 $0x1, v1  }
0x31: {  	[tilespmem:$0x1070] =	vst v1;
	v1 =	vshll.u32 v2, $0x1  }
0x32: {  	[tilespmem:$0x10B0] =	vst v1;
	v1 =	vor.u32 $0x1, v1  }
0x33: {  	[tilespmem:$0x10F0] =	vst v1  }
0x34: {  	[tilespmem:s16], [sflag:$0x1] =	stream.indirect.gather [hbm4b:s4+s14], $0x80, s15, s14, $0xb8;
	[tilespmem:$0x1D200] =	vst v63  }
0x35: {  	v1 =	vld [tilespmem:$0x80]  }
0x36: {  	v2 =	vld [tilespmem:$0x880];
	_ =	sdelay $0x2  }
0x37: {  	v3 =	vld [tilespmem:$0x90]  }
0x38: {  	v19 =	vld [tilespmem:$0x890]  }
0x39: {  	v1 =	vshll.u32 v1, $0x1;
	v2 =	vsub.s32 v2, v0  }
0x3a: {  	[tilespmem:$0x1100] =	vst v1;
	v1 =	vor.u32 $0x1, v1;
	v2 =	vmin.u32 v2, $0x1388  }
0x3b: {  	v20 =	vld [tilespmem:$0x8A0];
	[tilespmem:$0x1140] =	vst v1;
	v1 =	vshll.u32 v2, $0x1  }
0x3c: {  	v2 =	vld [tilespmem:$0xA0];
	[tilespmem:$0x1180] =	vst v1;
	v1 =	vor.u32 $0x1, v1  }
0x3d: {  	[tilespmem:$0x11C0] =	vst v1;
	v1 =	vshll.u32 v3, $0x1;
	v3 =	vsub.s32 v19, v0  }
0x3e: {  	[tilespmem:$0x1110] =	vst v1;
	v1 =	vor.u32 $0x1, v1;
	v3 =	vmin.u32 v3, $0x1388  }
0x3f: {  	v21 =	vld [tilespmem:$0x8B0];
	[tilespmem:$0x1150] =	vst v1;
	v1 =	vshll.u32 v3, $0x1  }
0x40: {  	v3 =	vld [tilespmem:$0xB0];
	[tilespmem:$0x1190] =	vst v1;
	v1 =	vor.u32 $0x1, v1  }
0x41: {  	[tilespmem:$0x11D0] =	vst v1;
	v1 =	vshll.u32 v2, $0x1;
	v2 =	vsub.s32 v20, v0  }
0x42: {  	[tilespmem:$0x1120] =	vst v1;
	v1 =	vor.u32 $0x1, v1;
	v2 =	vmin.u32 v2, $0x1388  }
0x43: {  	[tilespmem:$0x1160] =	vst v1;
	v1 =	vshll.u32 v2, $0x1  }
0x44: {  	[tilespmem:$0x11A0] =	vst v1;
	v1 =	vor.u32 $0x1, v1  }
0x45: {  	v2 =	vsub.s32 v21, v0;
	[tilespmem:$0x11E0] =	vst v1;
	v1 =	vshll.u32 v3, $0x1  }
0x46: {  	v2 =	vmin.u32 v2, $0x1388;
	[tilespmem:$0x1130] =	vst v1;
	v1 =	vor.u32 $0x1, v1  }
0x47: {  	[tilespmem:$0x1170] =	vst v1;
	v1 =	vshll.u32 v2, $0x1  }
0x48: {  	[tilespmem:$0x11B0] =	vst v1;
	v1 =	vor.u32 $0x1, v1  }
0x49: {  	[tilespmem:$0x11F0] =	vst v1  }
0x4a: {  	[tilespmem:s18], [sflag:$0x2] =	stream.indirect.gather [hbm4b:s4+s14], $0x80, s17, s14, $0xb8;
	[tilespmem:$0x1D200] =	vst v63  }
0x4b: {  	_ =	swait.ge [sflag:s19], $0x4000  }
0x4c: {  	[sflag:s19] =	ssyncset.done $0x0  }
0x4d: {  	[sflag:s19] =	ssyncadd.s32 $0xFFFFC000  }
0x4e: {  	[spmem:s2] =	stream.indirect.scatter.add.f32 [tilespmem:s16], [sflag:$0x3], $0x80, s20, s14, $0xb8;
	[tilespmem:$0x1D200] =	vst v63  }
0x4f: {  	_ =	swait.ge [sflag:s12], $0x4000  }
0x50: {  	[sflag:s12] =	ssyncset.done $0x0  }
0x51: {  	[sflag:s12] =	ssyncadd.s32 $0xFFFFC000  }
0x52: {  	v1 =	vld [tilespmem:$0x100]  }
0x53: {  	v2 =	vld [tilespmem:$0x900];
	_ =	sdelay $0x2  }
0x54: {  	v3 =	vld [tilespmem:$0x110]  }
0x55: {  	v22 =	vld [tilespmem:$0x910]  }
0x56: {  	v1 =	vshll.u32 v1, $0x1;
	v2 =	vsub.s32 v2, v0  }
0x57: {  	[tilespmem:$0x1000] =	vst v1;
	v1 =	vor.u32 $0x1, v1;
	v2 =	vmin.u32 v2, $0x1388  }
0x58: {  	v23 =	vld [tilespmem:$0x920];
	[tilespmem:$0x1040] =	vst v1;
	v1 =	vshll.u32 v2, $0x1  }
0x59: {  	v2 =	vld [tilespmem:$0x120];
	[tilespmem:$0x1080] =	vst v1;
	v1 =	vor.u32 $0x1, v1  }
0x5a: {  	[tilespmem:$0x10C0] =	vst v1;
	v1 =	vshll.u32 v3, $0x1;
	v3 =	vsub.s32 v22, v0  }
0x5b: {  	[tilespmem:$0x1010] =	vst v1;
	v1 =	vor.u32 $0x1, v1;
	v3 =	vmin.u32 v3, $0x1388  }
0x5c: {  	v24 =	vld [tilespmem:$0x930];
	[tilespmem:$0x1050] =	vst v1;
	v1 =	vshll.u32 v3, $0x1  }
0x5d: {  	v3 =	vld [tilespmem:$0x130];
	[tilespmem:$0x1090] =	vst v1;
	v1 =	vor.u32 $0x1, v1  }
0x5e: {  	[tilespmem:$0x10D0] =	vst v1;
	v1 =	vshll.u32 v2, $0x1;
	v2 =	vsub.s32 v23, v0  }
0x5f: {  	[tilespmem:$0x1020] =	vst v1;
	v1 =	vor.u32 $0x1, v1;
	v2 =	vmin.u32 v2, $0x1388  }
0x60: {  	[tilespmem:$0x1060] =	vst v1;
	v1 =	vshll.u32 v2, $0x1  }
0x61: {  	[tilespmem:$0x10A0] =	vst v1;
	v1 =	vor.u32 $0x1, v1  }
0x62: {  	v2 =	vsub.s32 v24, v0;
	[tilespmem:$0x10E0] =	vst v1;
	v1 =	vshll.u32 v3, $0x1  }
0x63: {  	v2 =	vmin.u32 v2, $0x1388;
	[tilespmem:$0x1030] =	vst v1;
	v1 =	vor.u32 $0x1, v1  }
0x64: {  	[tilespmem:$0x1070] =	vst v1;
	v1 =	vshll.u32 v2, $0x1  }
0x65: {  	[tilespmem:$0x10B0] =	vst v1;
	v1 =	vor.u32 $0x1, v1  }
0x66: {  	[tilespmem:$0x10F0] =	vst v1  }
0x67: {  	[tilespmem:s16], [sflag:$0x1] =	stream.indirect.gather [hbm4b:s4+s14], $0x80, s15, s14, $0xb8;
	[tilespmem:$0x1D200] =	vst v63  }
0x68: {  	_ =	swait.ge [sflag:s21], $0x4000  }
0x69: {  	[sflag:s21] =	ssyncset.done $0x0  }
0x6a: {  	[sflag:s21] =	ssyncadd.s32 $0xFFFFC000  }
0x6b: {  	[spmem:s2] =	stream.indirect.scatter.add.f32 [tilespmem:s18], [sflag:$0x3], $0x80, s22, s14, $0xb8;
	[tilespmem:$0x1D200] =	vst v63  }
0x6c: {  	_ =	swait.ge [sflag:s12], $0x4000  }
0x6d: {  	[sflag:s12] =	ssyncset.done $0x0  }
0x6e: {  	[sflag:s12] =	ssyncadd.s32 $0xFFFFC000  }
0x6f: {  	v1 =	vld [tilespmem:$0x180]  }
0x70: {  	v2 =	vld [tilespmem:$0x980];
	_ =	sdelay $0x2  }
0x71: {  	v3 =	vld [tilespmem:$0x190]  }
0x72: {  	v25 =	vld [tilespmem:$0x990]  }
0x73: {  	v1 =	vshll.u32 v1, $0x1;
	v2 =	vsub.s32 v2, v0  }
0x74: {  	[tilespmem:$0x1100] =	vst v1;
	v1 =	vor.u32 $0x1, v1;
	v2 =	vmin.u32 v2, $0x1388  }
0x75: {  	v26 =	vld [tilespmem:$0x9A0];
	[tilespmem:$0x1140] =	vst v1;
	v1 =	vshll.u32 v2, $0x1  }
0x76: {  	v2 =	vld [tilespmem:$0x1A0];
	[tilespmem:$0x1180] =	vst v1;
	v1 =	vor.u32 $0x1, v1  }
0x77: {  	[tilespmem:$0x11C0] =	vst v1;
	v1 =	vshll.u32 v3, $0x1;
	v3 =	vsub.s32 v25, v0  }
0x78: {  	[tilespmem:$0x1110] =	vst v1;
	v1 =	vor.u32 $0x1, v1;
	v3 =	vmin.u32 v3, $0x1388  }
0x79: {  	v27 =	vld [tilespmem:$0x9B0];
	[tilespmem:$0x1150] =	vst v1;
	v1 =	vshll.u32 v3, $0x1  }
0x7a: {  	v3 =	vld [tilespmem:$0x1B0];
	[tilespmem:$0x1190] =	vst v1;
	v1 =	vor.u32 $0x1, v1  }
0x7b: {  	[tilespmem:$0x11D0] =	vst v1;
	v1 =	vshll.u32 v2, $0x1;
	v2 =	vsub.s32 v26, v0  }
0x7c: {  	[tilespmem:$0x1120] =	vst v1;
	v1 =	vor.u32 $0x1, v1;
	v2 =	vmin.u32 v2, $0x1388  }
0x7d: {  	[tilespmem:$0x1160] =	vst v1;
	v1 =	vshll.u32 v2, $0x1  }
0x7e: {  	[tilespmem:$0x11A0] =	vst v1;
	v1 =	vor.u32 $0x1, v1  }
0x7f: {  	v2 =	vsub.s32 v27, v0;
	[tilespmem:$0x11E0] =	vst v1;
	v1 =	vshll.u32 v3, $0x1  }
0x80: {  	v2 =	vmin.u32 v2, $0x1388;
	[tilespmem:$0x1130] =	vst v1;
	v1 =	vor.u32 $0x1, v1  }
0x81: {  	[tilespmem:$0x1170] =	vst v1;
	v1 =	vshll.u32 v2, $0x1  }
0x82: {  	[tilespmem:$0x11B0] =	vst v1;
	v1 =	vor.u32 $0x1, v1  }
0x83: {  	[tilespmem:$0x11F0] =	vst v1  }
0x84: {  	[tilespmem:s18], [sflag:$0x2] =	stream.indirect.gather [hbm4b:s4+s14], $0x80, s17, s14, $0xb8;
	[tilespmem:$0x1D200] =	vst v63  }
0x85: {  	_ =	swait.ge [sflag:s19], $0x4000  }
0x86: {  	[sflag:s19] =	ssyncset.done $0x0  }
0x87: {  	[sflag:s19] =	ssyncadd.s32 $0xFFFFC000  }
0x88: {  	[spmem:s2] =	stream.indirect.scatter.add.f32 [tilespmem:s16], [sflag:$0x3], $0x80, s20, s14, $0xb8;
	[tilespmem:$0x1D200] =	vst v63  }
0x89: {  	_ =	swait.ge [sflag:s12], $0x4000  }
0x8a: {  	[sflag:s12] =	ssyncset.done $0x0  }
0x8b: {  	[sflag:s12] =	ssyncadd.s32 $0xFFFFC000  }
0x8c: {  	v1 =	vld [tilespmem:$0x200]  }
0x8d: {  	v2 =	vld [tilespmem:$0xA00];
	_ =	sdelay $0x2  }
0x8e: {  	v3 =	vld [tilespmem:$0x210]  }
0x8f: {  	v28 =	vld [tilespmem:$0xA10]  }
0x90: {  	v1 =	vshll.u32 v1, $0x1;
	v2 =	vsub.s32 v2, v0  }
0x91: {  	[tilespmem:$0x1000] =	vst v1;
	v1 =	vor.u32 $0x1, v1;
	v2 =	vmin.u32 v2, $0x1388  }
0x92: {  	v29 =	vld [tilespmem:$0xA20];
	[tilespmem:$0x1040] =	vst v1;
	v1 =	vshll.u32 v2, $0x1  }
0x93: {  	v2 =	vld [tilespmem:$0x220];
	[tilespmem:$0x1080] =	vst v1;
	v1 =	vor.u32 $0x1, v1  }
0x94: {  	[tilespmem:$0x10C0] =	vst v1;
	v1 =	vshll.u32 v3, $0x1;
	v3 =	vsub.s32 v28, v0  }
0x95: {  	[tilespmem:$0x1010] =	vst v1;
	v1 =	vor.u32 $0x1, v1;
	v3 =	vmin.u32 v3, $0x1388  }
0x96: {  	v30 =	vld [tilespmem:$0xA30];
	[tilespmem:$0x1050] =	vst v1;
	v1 =	vshll.u32 v3, $0x1  }
0x97: {  	v3 =	vld [tilespmem:$0x230];
	[tilespmem:$0x1090] =	vst v1;
	v1 =	vor.u32 $0x1, v1  }
0x98: {  	[tilespmem:$0x10D0] =	vst v1;
	v1 =	vshll.u32 v2, $0x1;
	v2 =	vsub.s32 v29, v0  }
0x99: {  	[tilespmem:$0x1020] =	vst v1;
	v1 =	vor.u32 $0x1, v1;
	v2 =	vmin.u32 v2, $0x1388  }
0x9a: {  	[tilespmem:$0x1060] =	vst v1;
	v1 =	vshll.u32 v2, $0x1  }
0x9b: {  	[tilespmem:$0x10A0] =	vst v1;
	v1 =	vor.u32 $0x1, v1  }
0x9c: {  	v2 =	vsub.s32 v30, v0;
	[tilespmem:$0x10E0] =	vst v1;
	v1 =	vshll.u32 v3, $0x1  }
0x9d: {  	v2 =	vmin.u32 v2, $0x1388;
	[tilespmem:$0x1030] =	vst v1;
	v1 =	vor.u32 $0x1, v1  }
0x9e: {  	[tilespmem:$0x1070] =	vst v1;
	v1 =	vshll.u32 v2, $0x1  }
0x9f: {  	[tilespmem:$0x10B0] =	vst v1;
	v1 =	vor.u32 $0x1, v1  }
0xa0: {  	[tilespmem:$0x10F0] =	vst v1  }
0xa1: {  	[tilespmem:s16], [sflag:$0x1] =	stream.indirect.gather [hbm4b:s4+s14], $0x80, s15, s14, $0xb8;
	[tilespmem:$0x1D200] =	vst v63  }
0xa2: {  	_ =	swait.ge [sflag:s21], $0x4000  }
0xa3: {  	[sflag:s21] =	ssyncset.done $0x0  }
0xa4: {  	[sflag:s21] =	ssyncadd.s32 $0xFFFFC000  }
0xa5: {  	[spmem:s2] =	stream.indirect.scatter.add.f32 [tilespmem:s18], [sflag:$0x3], $0x80, s22, s14, $0xb8;
	[tilespmem:$0x1D200] =	vst v63  }
0xa6: {  	_ =	swait.ge [sflag:s12], $0x4000  }
0xa7: {  	[sflag:s12] =	ssyncset.done $0x0  }
0xa8: {  	[sflag:s12] =	ssyncadd.s32 $0xFFFFC000  }
0xa9: {  	v1 =	vld [tilespmem:$0x280]  }
0xaa: {  	v2 =	vld [tilespmem:$0xA80];
	_ =	sdelay $0x2  }
0xab: {  	v3 =	vld [tilespmem:$0x290]  }
0xac: {  	v31 =	vld [tilespmem:$0xA90]  }
0xad: {  	v1 =	vshll.u32 v1, $0x1;
	v2 =	vsub.s32 v2, v0  }
0xae: {  	[tilespmem:$0x1100] =	vst v1;
	v1 =	vor.u32 $0x1, v1;
	v2 =	vmin.u32 v2, $0x1388  }
0xaf: {  	v32 =	vld [tilespmem:$0xAA0];
	[tilespmem:$0x1140] =	vst v1;
	v1 =	vshll.u32 v2, $0x1  }
0xb0: {  	v2 =	vld [tilespmem:$0x2A0];
	[tilespmem:$0x1180] =	vst v1;
	v1 =	vor.u32 $0x1, v1  }
0xb1: {  	[tilespmem:$0x11C0] =	vst v1;
	v1 =	vshll.u32 v3, $0x1;
	v3 =	vsub.s32 v31, v0  }
0xb2: {  	[tilespmem:$0x1110] =	vst v1;
	v1 =	vor.u32 $0x1, v1;
	v3 =	vmin.u32 v3, $0x1388  }
0xb3: {  	v33 =	vld [tilespmem:$0xAB0];
	[tilespmem:$0x1150] =	vst v1;
	v1 =	vshll.u32 v3, $0x1  }
0xb4: {  	v3 =	vld [tilespmem:$0x2B0];
	[tilespmem:$0x1190] =	vst v1;
	v1 =	vor.u32 $0x1, v1  }
0xb5: {  	[tilespmem:$0x11D0] =	vst v1;
	v1 =	vshll.u32 v2, $0x1;
	v2 =	vsub.s32 v32, v0  }
0xb6: {  	[tilespmem:$0x1120] =	vst v1;
	v1 =	vor.u32 $0x1, v1;
	v2 =	vmin.u32 v2, $0x1388  }
0xb7: {  	[tilespmem:$0x1160] =	vst v1;
	v1 =	vshll.u32 v2, $0x1  }
0xb8: {  	[tilespmem:$0x11A0] =	vst v1;
	v1 =	vor.u32 $0x1, v1  }
0xb9: {  	v2 =	vsub.s32 v33, v0;
	[tilespmem:$0x11E0] =	vst v1;
	v1 =	vshll.u32 v3, $0x1  }
0xba: {  	v2 =	vmin.u32 v2, $0x1388;
	[tilespmem:$0x1130] =	vst v1;
	v1 =	vor.u32 $0x1, v1  }
0xbb: {  	[tilespmem:$0x1170] =	vst v1;
	v1 =	vshll.u32 v2, $0x1  }
0xbc: {  	[tilespmem:$0x11B0] =	vst v1;
	v1 =	vor.u32 $0x1, v1  }
0xbd: {  	[tilespmem:$0x11F0] =	vst v1  }
0xbe: {  	[tilespmem:s18], [sflag:$0x2] =	stream.indirect.gather [hbm4b:s4+s14], $0x80, s17, s14, $0xb8;
	[tilespmem:$0x1D200] =	vst v63  }
0xbf: {  	_ =	swait.ge [sflag:s19], $0x4000  }
0xc0: {  	[sflag:s19] =	ssyncset.done $0x0  }
0xc1: {  	[sflag:s19] =	ssyncadd.s32 $0xFFFFC000  }
0xc2: {  	[spmem:s2] =	stream.indirect.scatter.add.f32 [tilespmem:s16], [sflag:$0x3], $0x80, s20, s14, $0xb8;
	[tilespmem:$0x1D200] =	vst v63  }
0xc3: {  	_ =	swait.ge [sflag:s12], $0x4000  }
0xc4: {  	[sflag:s12] =	ssyncset.done $0x0  }
0xc5: {  	[sflag:s12] =	ssyncadd.s32 $0xFFFFC000  }
0xc6: {  	v1 =	vld [tilespmem:$0x300]  }
0xc7: {  	v2 =	vld [tilespmem:$0xB00];
	_ =	sdelay $0x2  }
0xc8: {  	v3 =	vld [tilespmem:$0x310]  }
0xc9: {  	v34 =	vld [tilespmem:$0xB10]  }
0xca: {  	v1 =	vshll.u32 v1, $0x1;
	v2 =	vsub.s32 v2, v0  }
0xcb: {  	[tilespmem:$0x1000] =	vst v1;
	v1 =	vor.u32 $0x1, v1;
	v2 =	vmin.u32 v2, $0x1388  }
0xcc: {  	v35 =	vld [tilespmem:$0xB20];
	[tilespmem:$0x1040] =	vst v1;
	v1 =	vshll.u32 v2, $0x1  }
0xcd: {  	v2 =	vld [tilespmem:$0x320];
	[tilespmem:$0x1080] =	vst v1;
	v1 =	vor.u32 $0x1, v1  }
0xce: {  	[tilespmem:$0x10C0] =	vst v1;
	v1 =	vshll.u32 v3, $0x1;
	v3 =	vsub.s32 v34, v0  }
0xcf: {  	[tilespmem:$0x1010] =	vst v1;
	v1 =	vor.u32 $0x1, v1;
	v3 =	vmin.u32 v3, $0x1388  }
0xd0: {  	v36 =	vld [tilespmem:$0xB30];
	[tilespmem:$0x1050] =	vst v1;
	v1 =	vshll.u32 v3, $0x1  }
0xd1: {  	v3 =	vld [tilespmem:$0x330];
	[tilespmem:$0x1090] =	vst v1;
	v1 =	vor.u32 $0x1, v1  }
0xd2: {  	[tilespmem:$0x10D0] =	vst v1;
	v1 =	vshll.u32 v2, $0x1;
	v2 =	vsub.s32 v35, v0  }
0xd3: {  	[tilespmem:$0x1020] =	vst v1;
	v1 =	vor.u32 $0x1, v1;
	v2 =	vmin.u32 v2, $0x1388  }
0xd4: {  	[tilespmem:$0x1060] =	vst v1;
	v1 =	vshll.u32 v2, $0x1  }
0xd5: {  	[tilespmem:$0x10A0] =	vst v1;
	v1 =	vor.u32 $0x1, v1  }
0xd6: {  	v2 =	vsub.s32 v36, v0;
	[tilespmem:$0x10E0] =	vst v1;
	v1 =	vshll.u32 v3, $0x1  }
0xd7: {  	v2 =	vmin.u32 v2, $0x1388;
	[tilespmem:$0x1030] =	vst v1;
	v1 =	vor.u32 $0x1, v1  }
0xd8: {  	[tilespmem:$0x1070] =	vst v1;
	v1 =	vshll.u32 v2, $0x1  }
0xd9: {  	[tilespmem:$0x10B0] =	vst v1;
	v1 =	vor.u32 $0x1, v1  }
0xda: {  	[tilespmem:$0x10F0] =	vst v1  }
0xdb: {  	[tilespmem:s16], [sflag:$0x1] =	stream.indirect.gather [hbm4b:s4+s14], $0x80, s15, s14, $0xb8;
	[tilespmem:$0x1D200] =	vst v63  }
0xdc: {  	_ =	swait.ge [sflag:s21], $0x4000  }
0xdd: {  	[sflag:s21] =	ssyncset.done $0x0  }
0xde: {  	[sflag:s21] =	ssyncadd.s32 $0xFFFFC000  }
0xdf: {  	[spmem:s2] =	stream.indirect.scatter.add.f32 [tilespmem:s18], [sflag:$0x3], $0x80, s22, s14, $0xb8;
	[tilespmem:$0x1D200] =	vst v63  }
0xe0: {  	_ =	swait.ge [sflag:s12], $0x4000  }
0xe1: {  	[sflag:s12] =	ssyncset.done $0x0  }
0xe2: {  	[sflag:s12] =	ssyncadd.s32 $0xFFFFC000  }
0xe3: {  	v1 =	vld [tilespmem:$0x380]  }
0xe4: {  	v2 =	vld [tilespmem:$0xB80];
	_ =	sdelay $0x2  }
0xe5: {  	v3 =	vld [tilespmem:$0x390]  }
0xe6: {  	v37 =	vld [tilespmem:$0xB90]  }
0xe7: {  	v1 =	vshll.u32 v1, $0x1;
	v2 =	vsub.s32 v2, v0  }
0xe8: {  	[tilespmem:$0x1100] =	vst v1;
	v1 =	vor.u32 $0x1, v1;
	v2 =	vmin.u32 v2, $0x1388  }
0xe9: {  	v38 =	vld [tilespmem:$0xBA0];
	[tilespmem:$0x1140] =	vst v1;
	v1 =	vshll.u32 v2, $0x1  }
0xea: {  	v2 =	vld [tilespmem:$0x3A0];
	[tilespmem:$0x1180] =	vst v1;
	v1 =	vor.u32 $0x1, v1  }
0xeb: {  	[tilespmem:$0x11C0] =	vst v1;
	v1 =	vshll.u32 v3, $0x1;
	v3 =	vsub.s32 v37, v0  }
0xec: {  	[tilespmem:$0x1110] =	vst v1;
	v1 =	vor.u32 $0x1, v1;
	v3 =	vmin.u32 v3, $0x1388  }
0xed: {  	v39 =	vld [tilespmem:$0xBB0];
	[tilespmem:$0x1150] =	vst v1;
	v1 =	vshll.u32 v3, $0x1  }
0xee: {  	v3 =	vld [tilespmem:$0x3B0];
	[tilespmem:$0x1190] =	vst v1;
	v1 =	vor.u32 $0x1, v1  }
0xef: {  	[tilespmem:$0x11D0] =	vst v1;
	v1 =	vshll.u32 v2, $0x1;
	v2 =	vsub.s32 v38, v0  }
0xf0: {  	[tilespmem:$0x1120] =	vst v1;
	v1 =	vor.u32 $0x1, v1;
	v2 =	vmin.u32 v2, $0x1388  }
0xf1: {  	[tilespmem:$0x1160] =	vst v1;
	v1 =	vshll.u32 v2, $0x1  }
0xf2: {  	[tilespmem:$0x11A0] =	vst v1;
	v1 =	vor.u32 $0x1, v1  }
0xf3: {  	v2 =	vsub.s32 v39, v0;
	[tilespmem:$0x11E0] =	vst v1;
	v1 =	vshll.u32 v3, $0x1  }
0xf4: {  	v2 =	vmin.u32 v2, $0x1388;
	[tilespmem:$0x1130] =	vst v1;
	v1 =	vor.u32 $0x1, v1  }
0xf5: {  	[tilespmem:$0x1170] =	vst v1;
	v1 =	vshll.u32 v2, $0x1  }
0xf6: {  	[tilespmem:$0x11B0] =	vst v1;
	v1 =	vor.u32 $0x1, v1  }
0xf7: {  	[tilespmem:$0x11F0] =	vst v1  }
0xf8: {  	[tilespmem:s18], [sflag:$0x2] =	stream.indirect.gather [hbm4b:s4+s14], $0x80, s17, s14, $0xb8;
	[tilespmem:$0x1D200] =	vst v63  }
0xf9: {  	_ =	swait.ge [sflag:s19], $0x4000  }
0xfa: {  	[sflag:s19] =	ssyncset.done $0x0  }
0xfb: {  	[sflag:s19] =	ssyncadd.s32 $0xFFFFC000  }
0xfc: {  	[spmem:s2] =	stream.indirect.scatter.add.f32 [tilespmem:s16], [sflag:$0x3], $0x80, s20, s14, $0xb8;
	[tilespmem:$0x1D200] =	vst v63  }
0xfd: {  	_ =	swait.ge [sflag:s12], $0x4000  }
0xfe: {  	[sflag:s12] =	ssyncset.done $0x0  }
0xff: {  	[sflag:s12] =	ssyncadd.s32 $0xFFFFC000  }
0x100: {  	v1 =	vld [tilespmem:$0x400]  }
0x101: {  	v2 =	vld [tilespmem:$0xC00];
	_ =	sdelay $0x2  }
0x102: {  	v3 =	vld [tilespmem:$0x410]  }
0x103: {  	v40 =	vld [tilespmem:$0xC10]  }
0x104: {  	v1 =	vshll.u32 v1, $0x1;
	v2 =	vsub.s32 v2, v0  }
0x105: {  	[tilespmem:$0x1000] =	vst v1;
	v1 =	vor.u32 $0x1, v1;
	v2 =	vmin.u32 v2, $0x1388  }
0x106: {  	v41 =	vld [tilespmem:$0xC20];
	[tilespmem:$0x1040] =	vst v1;
	v1 =	vshll.u32 v2, $0x1  }
0x107: {  	v2 =	vld [tilespmem:$0x420];
	[tilespmem:$0x1080] =	vst v1;
	v1 =	vor.u32 $0x1, v1  }
0x108: {  	[tilespmem:$0x10C0] =	vst v1;
	v1 =	vshll.u32 v3, $0x1;
	v3 =	vsub.s32 v40, v0  }
0x109: {  	[tilespmem:$0x1010] =	vst v1;
	v1 =	vor.u32 $0x1, v1;
	v3 =	vmin.u32 v3, $0x1388  }
0x10a: {  	v42 =	vld [tilespmem:$0xC30];
	[tilespmem:$0x1050] =	vst v1;
	v1 =	vshll.u32 v3, $0x1  }
0x10b: {  	v3 =	vld [tilespmem:$0x430];
	[tilespmem:$0x1090] =	vst v1;
	v1 =	vor.u32 $0x1, v1  }
0x10c: {  	[tilespmem:$0x10D0] =	vst v1;
	v1 =	vshll.u32 v2, $0x1;
	v2 =	vsub.s32 v41, v0  }
0x10d: {  	[tilespmem:$0x1020] =	vst v1;
	v1 =	vor.u32 $0x1, v1;
	v2 =	vmin.u32 v2, $0x1388  }
0x10e: {  	[tilespmem:$0x1060] =	vst v1;
	v1 =	vshll.u32 v2, $0x1  }
0x10f: {  	[tilespmem:$0x10A0] =	vst v1;
	v1 =	vor.u32 $0x1, v1  }
0x110: {  	v2 =	vsub.s32 v42, v0;
	[tilespmem:$0x10E0] =	vst v1;
	v1 =	vshll.u32 v3, $0x1  }
0x111: {  	v2 =	vmin.u32 v2, $0x1388;
	[tilespmem:$0x1030] =	vst v1;
	v1 =	vor.u32 $0x1, v1  }
0x112: {  	[tilespmem:$0x1070] =	vst v1;
	v1 =	vshll.u32 v2, $0x1  }
0x113: {  	[tilespmem:$0x10B0] =	vst v1;
	v1 =	vor.u32 $0x1, v1  }
0x114: {  	[tilespmem:$0x10F0] =	vst v1  }
0x115: {  	[tilespmem:s16], [sflag:$0x1] =	stream.indirect.gather [hbm4b:s4+s14], $0x80, s15, s14, $0xb8;
	[tilespmem:$0x1D200] =	vst v63  }
0x116: {  	_ =	swait.ge [sflag:s21], $0x4000  }
0x117: {  	[sflag:s21] =	ssyncset.done $0x0  }
0x118: {  	[sflag:s21] =	ssyncadd.s32 $0xFFFFC000  }
0x119: {  	[spmem:s2] =	stream.indirect.scatter.add.f32 [tilespmem:s18], [sflag:$0x3], $0x80, s22, s14, $0xb8;
	[tilespmem:$0x1D200] =	vst v63  }
0x11a: {  	_ =	swait.ge [sflag:s12], $0x4000  }
0x11b: {  	[sflag:s12] =	ssyncset.done $0x0  }
0x11c: {  	[sflag:s12] =	ssyncadd.s32 $0xFFFFC000  }
0x11d: {  	v1 =	vld [tilespmem:$0x480]  }
0x11e: {  	v2 =	vld [tilespmem:$0xC80];
	_ =	sdelay $0x2  }
0x11f: {  	v3 =	vld [tilespmem:$0x490]  }
0x120: {  	v43 =	vld [tilespmem:$0xC90]  }
0x121: {  	v1 =	vshll.u32 v1, $0x1;
	v2 =	vsub.s32 v2, v0  }
0x122: {  	[tilespmem:$0x1100] =	vst v1;
	v1 =	vor.u32 $0x1, v1;
	v2 =	vmin.u32 v2, $0x1388  }
0x123: {  	v44 =	vld [tilespmem:$0xCA0];
	[tilespmem:$0x1140] =	vst v1;
	v1 =	vshll.u32 v2, $0x1  }
0x124: {  	v2 =	vld [tilespmem:$0x4A0];
	[tilespmem:$0x1180] =	vst v1;
	v1 =	vor.u32 $0x1, v1  }
0x125: {  	[tilespmem:$0x11C0] =	vst v1;
	v1 =	vshll.u32 v3, $0x1;
	v3 =	vsub.s32 v43, v0  }
0x126: {  	[tilespmem:$0x1110] =	vst v1;
	v1 =	vor.u32 $0x1, v1;
	v3 =	vmin.u32 v3, $0x1388  }
0x127: {  	v45 =	vld [tilespmem:$0xCB0];
	[tilespmem:$0x1150] =	vst v1;
	v1 =	vshll.u32 v3, $0x1  }
0x128: {  	v3 =	vld [tilespmem:$0x4B0];
	[tilespmem:$0x1190] =	vst v1;
	v1 =	vor.u32 $0x1, v1  }
0x129: {  	[tilespmem:$0x11D0] =	vst v1;
	v1 =	vshll.u32 v2, $0x1;
	v2 =	vsub.s32 v44, v0  }
0x12a: {  	[tilespmem:$0x1120] =	vst v1;
	v1 =	vor.u32 $0x1, v1;
	v2 =	vmin.u32 v2, $0x1388  }
0x12b: {  	[tilespmem:$0x1160] =	vst v1;
	v1 =	vshll.u32 v2, $0x1  }
0x12c: {  	[tilespmem:$0x11A0] =	vst v1;
	v1 =	vor.u32 $0x1, v1  }
0x12d: {  	v2 =	vsub.s32 v45, v0;
	[tilespmem:$0x11E0] =	vst v1;
	v1 =	vshll.u32 v3, $0x1  }
0x12e: {  	v2 =	vmin.u32 v2, $0x1388;
	[tilespmem:$0x1130] =	vst v1;
	v1 =	vor.u32 $0x1, v1  }
0x12f: {  	[tilespmem:$0x1170] =	vst v1;
	v1 =	vshll.u32 v2, $0x1  }
0x130: {  	[tilespmem:$0x11B0] =	vst v1;
	v1 =	vor.u32 $0x1, v1  }
0x131: {  	[tilespmem:$0x11F0] =	vst v1  }
0x132: {  	[tilespmem:s18], [sflag:$0x2] =	stream.indirect.gather [hbm4b:s4+s14], $0x80, s17, s14, $0xb8;
	[tilespmem:$0x1D200] =	vst v63  }
0x133: {  	_ =	swait.ge [sflag:s19], $0x4000  }
0x134: {  	[sflag:s19] =	ssyncset.done $0x0  }
0x135: {  	[sflag:s19] =	ssyncadd.s32 $0xFFFFC000  }
0x136: {  	[spmem:s2] =	stream.indirect.scatter.add.f32 [tilespmem:s16], [sflag:$0x3], $0x80, s20, s14, $0xb8;
	[tilespmem:$0x1D200] =	vst v63  }
0x137: {  	_ =	swait.ge [sflag:s12], $0x4000  }
0x138: {  	[sflag:s12] =	ssyncset.done $0x0  }
0x139: {  	[sflag:s12] =	ssyncadd.s32 $0xFFFFC000  }
0x13a: {  	v1 =	vld [tilespmem:$0x500]  }
0x13b: {  	v2 =	vld [tilespmem:$0xD00];
	_ =	sdelay $0x2  }
0x13c: {  	v3 =	vld [tilespmem:$0x510]  }
0x13d: {  	v46 =	vld [tilespmem:$0xD10]  }
0x13e: {  	v1 =	vshll.u32 v1, $0x1;
	v2 =	vsub.s32 v2, v0  }
0x13f: {  	[tilespmem:$0x1000] =	vst v1;
	v1 =	vor.u32 $0x1, v1;
	v2 =	vmin.u32 v2, $0x1388  }
0x140: {  	v47 =	vld [tilespmem:$0xD20];
	[tilespmem:$0x1040] =	vst v1;
	v1 =	vshll.u32 v2, $0x1  }
0x141: {  	v2 =	vld [tilespmem:$0x520];
	[tilespmem:$0x1080] =	vst v1;
	v1 =	vor.u32 $0x1, v1  }
0x142: {  	[tilespmem:$0x10C0] =	vst v1;
	v1 =	vshll.u32 v3, $0x1;
	v3 =	vsub.s32 v46, v0  }
0x143: {  	[tilespmem:$0x1010] =	vst v1;
	v1 =	vor.u32 $0x1, v1;
	v3 =	vmin.u32 v3, $0x1388  }
0x144: {  	v48 =	vld [tilespmem:$0xD30];
	[tilespmem:$0x1050] =	vst v1;
	v1 =	vshll.u32 v3, $0x1  }
0x145: {  	v3 =	vld [tilespmem:$0x530];
	[tilespmem:$0x1090] =	vst v1;
	v1 =	vor.u32 $0x1, v1  }
0x146: {  	[tilespmem:$0x10D0] =	vst v1;
	v1 =	vshll.u32 v2, $0x1;
	v2 =	vsub.s32 v47, v0  }
0x147: {  	[tilespmem:$0x1020] =	vst v1;
	v1 =	vor.u32 $0x1, v1;
	v2 =	vmin.u32 v2, $0x1388  }
0x148: {  	[tilespmem:$0x1060] =	vst v1;
	v1 =	vshll.u32 v2, $0x1  }
0x149: {  	[tilespmem:$0x10A0] =	vst v1;
	v1 =	vor.u32 $0x1, v1  }
0x14a: {  	v2 =	vsub.s32 v48, v0;
	[tilespmem:$0x10E0] =	vst v1;
	v1 =	vshll.u32 v3, $0x1  }
0x14b: {  	v2 =	vmin.u32 v2, $0x1388;
	[tilespmem:$0x1030] =	vst v1;
	v1 =	vor.u32 $0x1, v1  }
0x14c: {  	[tilespmem:$0x1070] =	vst v1;
	v1 =	vshll.u32 v2, $0x1  }
0x14d: {  	[tilespmem:$0x10B0] =	vst v1;
	v1 =	vor.u32 $0x1, v1  }
0x14e: {  	[tilespmem:$0x10F0] =	vst v1  }
0x14f: {  	[tilespmem:s16], [sflag:$0x1] =	stream.indirect.gather [hbm4b:s4+s14], $0x80, s15, s14, $0xb8;
	[tilespmem:$0x1D200] =	vst v63  }
0x150: {  	_ =	swait.ge [sflag:s21], $0x4000  }
0x151: {  	[sflag:s21] =	ssyncset.done $0x0  }
0x152: {  	[sflag:s21] =	ssyncadd.s32 $0xFFFFC000  }
0x153: {  	[spmem:s2] =	stream.indirect.scatter.add.f32 [tilespmem:s18], [sflag:$0x3], $0x80, s22, s14, $0xb8;
	[tilespmem:$0x1D200] =	vst v63  }
0x154: {  	_ =	swait.ge [sflag:s12], $0x4000  }
0x155: {  	[sflag:s12] =	ssyncset.done $0x0  }
0x156: {  	[sflag:s12] =	ssyncadd.s32 $0xFFFFC000  }
0x157: {  	v1 =	vld [tilespmem:$0x580]  }
0x158: {  	v2 =	vld [tilespmem:$0xD80];
	_ =	sdelay $0x2  }
0x159: {  	v3 =	vld [tilespmem:$0x590]  }
0x15a: {  	v49 =	vld [tilespmem:$0xD90]  }
0x15b: {  	v1 =	vshll.u32 v1, $0x1;
	v2 =	vsub.s32 v2, v0  }
0x15c: {  	[tilespmem:$0x1100] =	vst v1;
	v1 =	vor.u32 $0x1, v1;
	v2 =	vmin.u32 v2, $0x1388  }
0x15d: {  	v50 =	vld [tilespmem:$0xDA0];
	[tilespmem:$0x1140] =	vst v1;
	v1 =	vshll.u32 v2, $0x1  }
0x15e: {  	v2 =	vld [tilespmem:$0x5A0];
	[tilespmem:$0x1180] =	vst v1;
	v1 =	vor.u32 $0x1, v1  }
0x15f: {  	[tilespmem:$0x11C0] =	vst v1;
	v1 =	vshll.u32 v3, $0x1;
	v3 =	vsub.s32 v49, v0  }
0x160: {  	[tilespmem:$0x1110] =	vst v1;
	v1 =	vor.u32 $0x1, v1;
	v3 =	vmin.u32 v3, $0x1388  }
0x161: {  	v51 =	vld [tilespmem:$0xDB0];
	[tilespmem:$0x1150] =	vst v1;
	v1 =	vshll.u32 v3, $0x1  }
0x162: {  	v3 =	vld [tilespmem:$0x5B0];
	[tilespmem:$0x1190] =	vst v1;
	v1 =	vor.u32 $0x1, v1  }
0x163: {  	[tilespmem:$0x11D0] =	vst v1;
	v1 =	vshll.u32 v2, $0x1;
	v2 =	vsub.s32 v50, v0  }
0x164: {  	[tilespmem:$0x1120] =	vst v1;
	v1 =	vor.u32 $0x1, v1;
	v2 =	vmin.u32 v2, $0x1388  }
0x165: {  	[tilespmem:$0x1160] =	vst v1;
	v1 =	vshll.u32 v2, $0x1  }
0x166: {  	[tilespmem:$0x11A0] =	vst v1;
	v1 =	vor.u32 $0x1, v1  }
0x167: {  	v2 =	vsub.s32 v51, v0;
	[tilespmem:$0x11E0] =	vst v1;
	v1 =	vshll.u32 v3, $0x1  }
0x168: {  	v2 =	vmin.u32 v2, $0x1388;
	[tilespmem:$0x1130] =	vst v1;
	v1 =	vor.u32 $0x1, v1  }
0x169: {  	[tilespmem:$0x1170] =	vst v1;
	v1 =	vshll.u32 v2, $0x1  }
0x16a: {  	[tilespmem:$0x11B0] =	vst v1;
	v1 =	vor.u32 $0x1, v1  }
0x16b: {  	[tilespmem:$0x11F0] =	vst v1  }
0x16c: {  	[tilespmem:s18], [sflag:$0x2] =	stream.indirect.gather [hbm4b:s4+s14], $0x80, s17, s14, $0xb8;
	[tilespmem:$0x1D200] =	vst v63  }
0x16d: {  	_ =	swait.ge [sflag:s19], $0x4000  }
0x16e: {  	[sflag:s19] =	ssyncset.done $0x0  }
0x16f: {  	[sflag:s19] =	ssyncadd.s32 $0xFFFFC000  }
0x170: {  	[spmem:s2] =	stream.indirect.scatter.add.f32 [tilespmem:s16], [sflag:$0x3], $0x80, s20, s14, $0xb8;
	[tilespmem:$0x1D200] =	vst v63  }
0x171: {  	_ =	swait.ge [sflag:s12], $0x4000  }
0x172: {  	[sflag:s12] =	ssyncset.done $0x0  }
0x173: {  	[sflag:s12] =	ssyncadd.s32 $0xFFFFC000  }
0x174: {  	v1 =	vld [tilespmem:$0x600]  }
0x175: {  	v2 =	vld [tilespmem:$0xE00];
	_ =	sdelay $0x2  }
0x176: {  	v3 =	vld [tilespmem:$0x610]  }
0x177: {  	v52 =	vld [tilespmem:$0xE10]  }
0x178: {  	v1 =	vshll.u32 v1, $0x1;
	v2 =	vsub.s32 v2, v0  }
0x179: {  	[tilespmem:$0x1000] =	vst v1;
	v1 =	vor.u32 $0x1, v1;
	v2 =	vmin.u32 v2, $0x1388  }
0x17a: {  	v53 =	vld [tilespmem:$0xE20];
	[tilespmem:$0x1040] =	vst v1;
	v1 =	vshll.u32 v2, $0x1  }
0x17b: {  	v2 =	vld [tilespmem:$0x620];
	[tilespmem:$0x1080] =	vst v1;
	v1 =	vor.u32 $0x1, v1  }
0x17c: {  	[tilespmem:$0x10C0] =	vst v1;
	v1 =	vshll.u32 v3, $0x1;
	v3 =	vsub.s32 v52, v0  }
0x17d: {  	[tilespmem:$0x1010] =	vst v1;
	v1 =	vor.u32 $0x1, v1;
	v3 =	vmin.u32 v3, $0x1388  }
0x17e: {  	v54 =	vld [tilespmem:$0xE30];
	[tilespmem:$0x1050] =	vst v1;
	v1 =	vshll.u32 v3, $0x1  }
0x17f: {  	v3 =	vld [tilespmem:$0x630];
	[tilespmem:$0x1090] =	vst v1;
	v1 =	vor.u32 $0x1, v1  }
0x180: {  	[tilespmem:$0x10D0] =	vst v1;
	v1 =	vshll.u32 v2, $0x1;
	v2 =	vsub.s32 v53, v0  }
0x181: {  	[tilespmem:$0x1020] =	vst v1;
	v1 =	vor.u32 $0x1, v1;
	v2 =	vmin.u32 v2, $0x1388  }
0x182: {  	[tilespmem:$0x1060] =	vst v1;
	v1 =	vshll.u32 v2, $0x1  }
0x183: {  	[tilespmem:$0x10A0] =	vst v1;
	v1 =	vor.u32 $0x1, v1  }
0x184: {  	v2 =	vsub.s32 v54, v0;
	[tilespmem:$0x10E0] =	vst v1;
	v1 =	vshll.u32 v3, $0x1  }
0x185: {  	v2 =	vmin.u32 v2, $0x1388;
	[tilespmem:$0x1030] =	vst v1;
	v1 =	vor.u32 $0x1, v1  }
0x186: {  	[tilespmem:$0x1070] =	vst v1;
	v1 =	vshll.u32 v2, $0x1  }
0x187: {  	[tilespmem:$0x10B0] =	vst v1;
	v1 =	vor.u32 $0x1, v1  }
0x188: {  	[tilespmem:$0x10F0] =	vst v1  }
0x189: {  	[tilespmem:s16], [sflag:$0x1] =	stream.indirect.gather [hbm4b:s4+s14], $0x80, s15, s14, $0xb8;
	[tilespmem:$0x1D200] =	vst v63  }
0x18a: {  	_ =	swait.ge [sflag:s21], $0x4000  }
0x18b: {  	[sflag:s21] =	ssyncset.done $0x0  }
0x18c: {  	[sflag:s21] =	ssyncadd.s32 $0xFFFFC000  }
0x18d: {  	[spmem:s2] =	stream.indirect.scatter.add.f32 [tilespmem:s18], [sflag:$0x3], $0x80, s22, s14, $0xb8;
	[tilespmem:$0x1D200] =	vst v63  }
0x18e: {  	_ =	swait.ge [sflag:s12], $0x4000  }
0x18f: {  	[sflag:s12] =	ssyncset.done $0x0  }
0x190: {  	[sflag:s12] =	ssyncadd.s32 $0xFFFFC000  }
0x191: {  	v1 =	vld [tilespmem:$0x680]  }
0x192: {  	v2 =	vld [tilespmem:$0xE80];
	_ =	sdelay $0x2  }
0x193: {  	v3 =	vld [tilespmem:$0x690]  }
0x194: {  	v55 =	vld [tilespmem:$0xE90]  }
0x195: {  	v1 =	vshll.u32 v1, $0x1;
	v2 =	vsub.s32 v2, v0  }
0x196: {  	[tilespmem:$0x1100] =	vst v1;
	v1 =	vor.u32 $0x1, v1;
	v2 =	vmin.u32 v2, $0x1388  }
0x197: {  	v56 =	vld [tilespmem:$0xEA0];
	[tilespmem:$0x1140] =	vst v1;
	v1 =	vshll.u32 v2, $0x1  }
0x198: {  	v2 =	vld [tilespmem:$0x6A0];
	[tilespmem:$0x1180] =	vst v1;
	v1 =	vor.u32 $0x1, v1  }
0x199: {  	[tilespmem:$0x11C0] =	vst v1;
	v1 =	vshll.u32 v3, $0x1;
	v3 =	vsub.s32 v55, v0  }
0x19a: {  	[tilespmem:$0x1110] =	vst v1;
	v1 =	vor.u32 $0x1, v1;
	v3 =	vmin.u32 v3, $0x1388  }
0x19b: {  	v57 =	vld [tilespmem:$0xEB0];
	[tilespmem:$0x1150] =	vst v1;
	v1 =	vshll.u32 v3, $0x1  }
0x19c: {  	v3 =	vld [tilespmem:$0x6B0];
	[tilespmem:$0x1190] =	vst v1;
	v1 =	vor.u32 $0x1, v1  }
0x19d: {  	[tilespmem:$0x11D0] =	vst v1;
	v1 =	vshll.u32 v2, $0x1;
	v2 =	vsub.s32 v56, v0  }
0x19e: {  	[tilespmem:$0x1120] =	vst v1;
	v1 =	vor.u32 $0x1, v1;
	v2 =	vmin.u32 v2, $0x1388  }
0x19f: {  	[tilespmem:$0x1160] =	vst v1;
	v1 =	vshll.u32 v2, $0x1  }
0x1a0: {  	[tilespmem:$0x11A0] =	vst v1;
	v1 =	vor.u32 $0x1, v1  }
0x1a1: {  	v2 =	vsub.s32 v57, v0;
	[tilespmem:$0x11E0] =	vst v1;
	v1 =	vshll.u32 v3, $0x1  }
0x1a2: {  	v2 =	vmin.u32 v2, $0x1388;
	[tilespmem:$0x1130] =	vst v1;
	v1 =	vor.u32 $0x1, v1  }
0x1a3: {  	[tilespmem:$0x1170] =	vst v1;
	v1 =	vshll.u32 v2, $0x1  }
0x1a4: {  	[tilespmem:$0x11B0] =	vst v1;
	v1 =	vor.u32 $0x1, v1  }
0x1a5: {  	[tilespmem:$0x11F0] =	vst v1  }
0x1a6: {  	[tilespmem:s18], [sflag:$0x2] =	stream.indirect.gather [hbm4b:s4+s14], $0x80, s17, s14, $0xb8;
	[tilespmem:$0x1D200] =	vst v63  }
0x1a7: {  	_ =	swait.ge [sflag:s19], $0x4000  }
0x1a8: {  	[sflag:s19] =	ssyncset.done $0x0  }
0x1a9: {  	[sflag:s19] =	ssyncadd.s32 $0xFFFFC000  }
0x1aa: {  	[spmem:s2] =	stream.indirect.scatter.add.f32 [tilespmem:s16], [sflag:$0x3], $0x80, s20, s14, $0xb8;
	[tilespmem:$0x1D200] =	vst v63  }
0x1ab: {  	_ =	swait.ge [sflag:s12], $0x4000  }
0x1ac: {  	[sflag:s12] =	ssyncset.done $0x0  }
0x1ad: {  	[sflag:s12] =	ssyncadd.s32 $0xFFFFC000  }
0x1ae: {  	v1 =	vld [tilespmem:$0x700]  }
0x1af: {  	v2 =	vld [tilespmem:$0xF00];
	_ =	sdelay $0x2  }
0x1b0: {  	v3 =	vld [tilespmem:$0x710]  }
0x1b1: {  	v58 =	vld [tilespmem:$0xF10]  }
0x1b2: {  	v1 =	vshll.u32 v1, $0x1;
	v2 =	vsub.s32 v2, v0  }
0x1b3: {  	[tilespmem:$0x1000] =	vst v1;
	v1 =	vor.u32 $0x1, v1;
	v2 =	vmin.u32 v2, $0x1388  }
0x1b4: {  	v59 =	vld [tilespmem:$0xF20];
	[tilespmem:$0x1040] =	vst v1;
	v1 =	vshll.u32 v2, $0x1  }
0x1b5: {  	v2 =	vld [tilespmem:$0x720];
	[tilespmem:$0x1080] =	vst v1;
	v1 =	vor.u32 $0x1, v1  }
0x1b6: {  	[tilespmem:$0x10C0] =	vst v1;
	v1 =	vshll.u32 v3, $0x1;
	v3 =	vsub.s32 v58, v0  }
0x1b7: {  	[tilespmem:$0x1010] =	vst v1;
	v1 =	vor.u32 $0x1, v1;
	v3 =	vmin.u32 v3, $0x1388  }
0x1b8: {  	v60 =	vld [tilespmem:$0xF30];
	[tilespmem:$0x1050] =	vst v1;
	v1 =	vshll.u32 v3, $0x1  }
0x1b9: {  	v3 =	vld [tilespmem:$0x730];
	[tilespmem:$0x1090] =	vst v1;
	v1 =	vor.u32 $0x1, v1  }
0x1ba: {  	[tilespmem:$0x10D0] =	vst v1;
	v1 =	vshll.u32 v2, $0x1;
	v2 =	vsub.s32 v59, v0  }
0x1bb: {  	[tilespmem:$0x1020] =	vst v1;
	v1 =	vor.u32 $0x1, v1;
	v2 =	vmin.u32 v2, $0x1388  }
0x1bc: {  	[tilespmem:$0x1060] =	vst v1;
	v1 =	vshll.u32 v2, $0x1  }
0x1bd: {  	[tilespmem:$0x10A0] =	vst v1;
	v1 =	vor.u32 $0x1, v1  }
0x1be: {  	v2 =	vsub.s32 v60, v0;
	[tilespmem:$0x10E0] =	vst v1;
	v1 =	vshll.u32 v3, $0x1  }
0x1bf: {  	v2 =	vmin.u32 v2, $0x1388;
	[tilespmem:$0x1030] =	vst v1;
	v1 =	vor.u32 $0x1, v1  }
0x1c0: {  	[tilespmem:$0x1070] =	vst v1;
	v1 =	vshll.u32 v2, $0x1  }
0x1c1: {  	[tilespmem:$0x10B0] =	vst v1;
	v1 =	vor.u32 $0x1, v1  }
0x1c2: {  	[tilespmem:$0x10F0] =	vst v1  }
0x1c3: {  	[tilespmem:s16], [sflag:$0x1] =	stream.indirect.gather [hbm4b:s4+s14], $0x80, s15, s14, $0xb8;
	[tilespmem:$0x1D200] =	vst v63  }
0x1c4: {  	_ =	swait.ge [sflag:s21], $0x4000  }
0x1c5: {  	[sflag:s21] =	ssyncset.done $0x0  }
0x1c6: {  	[sflag:s21] =	ssyncadd.s32 $0xFFFFC000  }
0x1c7: {  	[spmem:s2] =	stream.indirect.scatter.add.f32 [tilespmem:s18], [sflag:$0x3], $0x80, s22, s14, $0xb8;
	[tilespmem:$0x1D200] =	vst v63  }
0x1c8: {  	_ =	swait.ge [sflag:s12], $0x4000  }
0x1c9: {  	[sflag:s12] =	ssyncset.done $0x0  }
0x1ca: {  	[sflag:s12] =	ssyncadd.s32 $0xFFFFC000  }
0x1cb: {  	v1 =	vld [tilespmem:$0x780]  }
0x1cc: {  	v2 =	vld [tilespmem:$0xF80];
	_ =	sdelay $0x2  }
0x1cd: {  	v3 =	vld [tilespmem:$0x790]  }
0x1ce: {  	v61 =	vld [tilespmem:$0xF90]  }
0x1cf: {  	v1 =	vshll.u32 v1, $0x1;
	v2 =	vsub.s32 v2, v0  }
0x1d0: {  	[tilespmem:$0x1100] =	vst v1;
	v1 =	vor.u32 $0x1, v1;
	v2 =	vmin.u32 v2, $0x1388  }
0x1d1: {  	v62 =	vld [tilespmem:$0xFA0];
	[tilespmem:$0x1140] =	vst v1;
	v1 =	vshll.u32 v2, $0x1  }
0x1d2: {  	v2 =	vld [tilespmem:$0x7A0];
	[tilespmem:$0x1180] =	vst v1;
	v1 =	vor.u32 $0x1, v1  }
0x1d3: {  	[tilespmem:$0x11C0] =	vst v1;
	v1 =	vshll.u32 v3, $0x1;
	v3 =	vsub.s32 v61, v0  }
0x1d4: {  	[tilespmem:$0x1110] =	vst v1;
	v1 =	vor.u32 $0x1, v1;
	v3 =	vmin.u32 v3, $0x1388  }
0x1d5: {  	v63 =	vld [tilespmem:$0xFB0];
	[tilespmem:$0x1150] =	vst v1;
	v1 =	vshll.u32 v3, $0x1  }
0x1d6: {  	v3 =	vld [tilespmem:$0x7B0];
	[tilespmem:$0x1190] =	vst v1;
	v1 =	vor.u32 $0x1, v1  }
0x1d7: {  	[tilespmem:$0x11D0] =	vst v1;
	v1 =	vshll.u32 v2, $0x1;
	v2 =	vsub.s32 v62, v0  }
0x1d8: {  	[tilespmem:$0x1120] =	vst v1;
	v1 =	vor.u32 $0x1, v1;
	v2 =	vmin.u32 v2, $0x1388  }
0x1d9: {  	[tilespmem:$0x1160] =	vst v1;
	v1 =	vshll.u32 v2, $0x1  }
0x1da: {  	[tilespmem:$0x11A0] =	vst v1;
	v1 =	vor.u32 $0x1, v1  }
0x1db: {  	v2 =	vsub.s32 v63, v0;
	[tilespmem:$0x11E0] =	vst v1;
	v1 =	vshll.u32 v3, $0x1  }
0x1dc: {  	v2 =	vmin.u32 v2, $0x1388;
	[tilespmem:$0x1130] =	vst v1;
	v1 =	vor.u32 $0x1, v1  }
0x1dd: {  	[tilespmem:$0x1170] =	vst v1;
	v1 =	vshll.u32 v2, $0x1  }
0x1de: {  	[tilespmem:$0x11B0] =	vst v1;
	v1 =	vor.u32 $0x1, v1  }
0x1df: {  	[tilespmem:$0x11F0] =	vst v1  }
0x1e0: {  	[tilespmem:s18], [sflag:$0x2] =	stream.indirect.gather [hbm4b:s4+s14], $0x80, s17, s14, $0xb8;
	[tilespmem:$0x1D200] =	vst v63  }
0x1e1: {  	_ =	swait.ge [sflag:s19], $0x4000  }
0x1e2: {  	[sflag:s19] =	ssyncset.done $0x0  }
0x1e3: {  	[sflag:s19] =	ssyncadd.s32 $0xFFFFC000  }
0x1e4: {  	[spmem:s2] =	stream.indirect.scatter.add.f32 [tilespmem:s16], [sflag:$0x3], $0x80, s20, s14, $0xb8;
	[tilespmem:$0x1D200] =	vst v63  }
0x1e5: {  	_ =	swait.ge [sflag:s12], $0x4000  }
0x1e6: {  	[sflag:s12] =	ssyncset.done $0x0  }
0x1e7: {  	[sflag:s12] =	ssyncadd.s32 $0xFFFFC000  }
0x1e8: {  	_ =	swait.ge [sflag:s21], $0x4000  }
0x1e9: {  	p0 =	sne.s32 s24, $0x900;
	[sflag:s21] =	ssyncset.done $0x0  }
.Ltmp0:
0x1ea: {  	[sflag:s21] =	ssyncadd.s32 $0xFFFFC000;
	(pc) =	sbr.rel @p0 .LBB2_2-.Ltmp0, $4  }
0x1eb: {  	[spmem:s2] =	stream.indirect.scatter.add.f32 [tilespmem:s18], [sflag:$0x3], $0x80, s22, s14, $0xb8;
	[tilespmem:$0x1D200] =	vst v63  }
0x1ec: {  	_ =	swait.ge [sflag:s12], $0x4000  }
0x1ed: {  	[sflag:s12] =	ssyncset.done $0x0  }
0x1ee: {  	s24 =	sadd.s32 $0x100, s24;
	[sflag:s12] =	ssyncadd.s32 $0xFFFFC000  }
0x1ef: {  	s23 =	sadd.s32 $0x1, s23  }
0x1f0: {  	p0 =	sne.s32 s23, s8  }
.Ltmp1:
0x1f1: {  	[bflag:$0x0] =	sbarrier.arrive $0xFFFF;
	(pc) =	sbr.rel @p0 .LBB2_1-.Ltmp1, $4  }
0x1f2: {  	[hbm:s7], [sflag:s6] =	dma.local [spmem:s11], $0x2800  }
0x1f3: {  	_ =	swait.ge [sflag:s12], $0x2800  }
0x1f4: {  	[sflag:s12] =	ssyncset.done $0x0  }
0x1f5: {  	[sflag:s12] =	ssyncadd.s32 $0xFFFFD800  }
0x1f6: {  	_ =	sfence.sel $0x180000  }
0x1f7: {  	[bflag:$0x0] =	sbarrier.arrive $0xFFFF  }
0x1f8: {  	p0 =	sne.s32 s0, $0x0;
	_ =	strace $0x9000004A  }
0x1f9: {  	s0 =	sadd.s32 @!p0 $0x100000, s1;
	[bflag:$0x2] =	sbarrier.arrive $0xFFFF  }
0x1fa: {  	[sflag:s0] =	ssyncadd.tile.s32 @!p0 $0x1;
	_ =	shalt  }
.Lfunc_end2:
_tile_overlayer_lowered:
.L_overlay_start_2:
0x1fb: {  	(tag) =	ssettag $0x2  }
0x1fc: {  	s0 =	rddreg [dreg:$0x0];
	s2 =	stileid.u32  }
0x1fd: {  	s1 =	rddreg [dreg:$0x1];
	p0 =	sne.s32 s2, $0x0  }
0x1fe: {  	s3 =	rddreg [dreg:$0x2];
	[bflag:$0x3] =	sbarrier.arrive $0xFFFF;
	s2 =	simm.s32 @!p0 $0x1C03  }
0x1ff: {  	[timem:s3], [sflag:s2] =	dma.local @!p0 [hbm:s0], s1  }
0x200: {  	s0 =	simm.s32 @!p0 $0x3  }
0x201: {  	_ =	swait.ge @!p0 [sflag:s0], s1  }
0x202: {  	s1 =	ssub.s32 @!p0 $0x0, s1;
	[sflag:s0] =	ssyncset.done @!p0 $0x0  }
0x203: {  	[sflag:s0] =	ssyncadd.s32 @!p0 s1  }
0x204: {  	[bflag:$0x3] =	sbarrier.arrive $0xFFFF  }
0x205: {  	_ =	shalt  }

</sc_bundles>
